<compile_context>
chip_gen: v7x
topology: tpu7x:2x2x1
jax: 0.10.2.dev20260603
libtpu: 0.0.44.dev20260713+nightly
codegen_flags: <defaults>
</compile_context>

<pallas_src>
import functools

import jax
import jax.numpy as jnp
from jax import lax
from jax.experimental import pallas as pl
from jax.experimental.pallas import tpu as pltpu
from jax.experimental.pallas import tpu_sc as plsc

NUM_CORES = 2
NUM_SUBCORES = 16
NW = NUM_CORES * NUM_SUBCORES
_MESH = dict(core_axis_name="c", subcore_axis_name="s",
             num_cores=NUM_CORES, num_subcores=NUM_SUBCORES)


def _make_sc_gather(ni, nu, f, b, t, interpret=False):
    total = b * t
    rpw = total // NW
    ch = 128
    nch = rpw // ch
    nbuf = 3
    upw = b // NW
    uch = upw // 2
    mesh = plsc.VectorSubcoreMesh(**_MESH)

    @functools.partial(
        pl.kernel,
        out_type=(
            jax.ShapeDtypeStruct((total, f), jnp.float32),
            jax.ShapeDtypeStruct((b, f), jnp.float32),
        ),
        mesh=mesh,
        scratch_types=[
            pltpu.VMEM((nch, ch), jnp.int32),
            [pltpu.VMEM((ch, f), jnp.float32) for _ in range(3)],
            pltpu.VMEM((upw,), jnp.int32),
            pltpu.VMEM((upw // 2, f), jnp.float32),
            [pltpu.SemaphoreType.DMA for _ in range(3)],
            [pltpu.SemaphoreType.DMA for _ in range(3)],
            pltpu.SemaphoreType.DMA,
        ],
        interpret=interpret,
    )
    def gather(iw_hbm, uw_hbm, nidx_hbm, nodes_hbm, nout_hbm, uout_hbm,
               idx_v, bufs, uidx_v, urows_v, gsems, ssems, usem):
        wid = lax.axis_index("s") * NUM_CORES + lax.axis_index("c")
        base = wid * rpw
        pltpu.sync_copy(nidx_hbm.at[pl.ds(wid * nch, nch)], idx_v)
        ubase = wid * upw
        pltpu.sync_copy(nodes_hbm.at[pl.ds(ubase, upw)], uidx_v)
        g = [None] * nch
        s_ = [None] * nch

        def gat(k):
            return pltpu.async_copy(iw_hbm.at[idx_v.at[k]], bufs[k % nbuf],
                                    gsems[k % nbuf])

        def sto(k):
            return pltpu.async_copy(bufs[k % nbuf],
                                    nout_hbm.at[pl.ds(base + k * ch, ch)],
                                    ssems[k % nbuf])

        issued = 0
        for k in range(nch):
            while issued < min(k + nbuf, nch):
                if issued >= nbuf:
                    s_[issued - nbuf].wait()
                g[issued] = gat(issued)
                issued += 1
            g[k].wait()
            s_[k] = sto(k)
        for k in range(nch - nbuf, nch):
            s_[k].wait()
        for half in range(2):
            pltpu.async_copy(
                uw_hbm.at[uidx_v.at[pl.ds(half * uch, uch)]], urows_v,
                usem).wait()
            pltpu.sync_copy(urows_v,
                            uout_hbm.at[pl.ds(ubase + half * uch, uch)])

    return gather


def _make_wprep(f, e, interpret=False):
    def body(wi_ref, bi_ref, atop_ref, wia_ref, bia_ref):
        a = atop_ref[...]
        wia_ref[...] = jnp.dot(wi_ref[...], a,
                               preferred_element_type=jnp.float32)
        bia_ref[...] = jnp.dot(bi_ref[...], a,
                               preferred_element_type=jnp.float32)

    return pl.pallas_call(
        body,
        in_specs=[
            pl.BlockSpec((f, e), lambda: (0, 0)),
            pl.BlockSpec((1, e), lambda: (0, 0)),
            pl.BlockSpec((e, e), lambda: (0, 0)),
        ],
        out_specs=[
            pl.BlockSpec((f, e), lambda: (0, 0)),
            pl.BlockSpec((1, e), lambda: (0, 0)),
        ],
        out_shape=[
            jax.ShapeDtypeStruct((f, e), jnp.float32),
            jax.ShapeDtypeStruct((1, e), jnp.float32),
        ],
        interpret=interpret,
    )


def _make_winner(b, blk, interpret=False):
    def body(seg_ref, all_ref, o_ref):
        a = seg_ref[...]
        row = all_ref[...]
        j = lax.broadcasted_iota(jnp.int32, (blk, b), 1)
        cand = jnp.where(a == row, j, -1)
        o_ref[...] = jnp.max(cand, axis=1, keepdims=True)

    return pl.pallas_call(
        body,
        grid=(b // blk,),
        in_specs=[
            pl.BlockSpec((blk, 1), lambda i: (i, 0)),
            pl.BlockSpec((1, b), lambda i: (0, 0)),
        ],
        out_specs=pl.BlockSpec((blk, 1), lambda i: (i, 0)),
        out_shape=jax.ShapeDtypeStruct((b, 1), jnp.int32),
        interpret=interpret,
    )


def _make_attention(b, t, f, e, nb, interpret=False):
    def body(u_ref, n_ref, wu_ref, bu_ref, wi_ref, bia_ref, wia_ref,
             abot_ref, b1_ref, w2_ref, bi_ref, nf_ref, emb_ref):
        nf = (
            jnp.dot(u_ref[...], wu_ref[...], preferred_element_type=jnp.float32)
            + bu_ref[...]
        )
        nf_ref[...] = nf
        c = (
            jnp.dot(nf, abot_ref[...], preferred_element_type=jnp.float32)
            + b1_ref[...] + bia_ref[...]
        )
        nraw = n_ref[...]
        pre = jnp.dot(nraw.astype(jnp.bfloat16),
                      wia_ref[...].astype(jnp.bfloat16),
                      preferred_element_type=jnp.float32)
        crep = jnp.broadcast_to(c[:, None, :], (nb, t, e)).reshape(nb * t, e)
        h = jnp.maximum(pre + crep, 0.0)
        s = jnp.dot(h, w2_ref[...], preferred_element_type=jnp.float32)
        s3 = s.reshape(nb, t, 1)
        p3 = jnp.exp(s3)
        den = jnp.sum(p3, axis=1, keepdims=True)
        wraw = jnp.sum(p3 * nraw.reshape(nb, t, f), axis=1) / den.reshape(nb, 1)
        emb_ref[...] = (
            jnp.dot(wraw, wi_ref[...], preferred_element_type=jnp.float32)
            + bi_ref[...]
        )

    return pl.pallas_call(
        body,
        grid=(b // nb,),
        in_specs=[
            pl.BlockSpec((nb, f), lambda i: (i, 0)),
            pl.BlockSpec((nb * t, f), lambda i: (i, 0)),
            pl.BlockSpec((f, e), lambda i: (0, 0)),
            pl.BlockSpec((1, e), lambda i: (0, 0)),
            pl.BlockSpec((f, e), lambda i: (0, 0)),
            pl.BlockSpec((1, e), lambda i: (0, 0)),
            pl.BlockSpec((f, e), lambda i: (0, 0)),
            pl.BlockSpec((e, e), lambda i: (0, 0)),
            pl.BlockSpec((1, e), lambda i: (0, 0)),
            pl.BlockSpec((e, 1), lambda i: (0, 0)),
            pl.BlockSpec((1, e), lambda i: (0, 0)),
        ],
        out_specs=[
            pl.BlockSpec((nb, e), lambda i: (i, 0)),
            pl.BlockSpec((nb, e), lambda i: (i, 0)),
        ],
        out_shape=[
            jax.ShapeDtypeStruct((b, e), jnp.float32),
            jax.ShapeDtypeStruct((b, e), jnp.float32),
        ],
        interpret=interpret,
    )


def _make_sc_scatter(b, e, nu, interpret=False):
    upw = b // NW
    mesh = plsc.VectorSubcoreMesh(**_MESH)

    @functools.partial(
        pl.kernel,
        out_type=(),
        mesh=mesh,
        scratch_types=[
            pltpu.VMEM((upw,), jnp.int32),
            pltpu.VMEM((upw,), jnp.int32),
            pltpu.VMEM((upw, e), jnp.float32),
            pltpu.SemaphoreType.DMA,
        ],
        interpret=interpret,
    )
    def scatter(emb_hbm, w_hbm, nodes_hbm, out_hbm, widx_v, nidx_v, vals_v,
                sem):
        wid = lax.axis_index("s") * NUM_CORES + lax.axis_index("c")
        base = wid * upw
        pltpu.sync_copy(w_hbm.at[pl.ds(base, upw)], widx_v)
        pltpu.async_copy(emb_hbm.at[widx_v], vals_v, sem).wait()
        pltpu.sync_copy(nodes_hbm.at[pl.ds(base, upw)], nidx_v)
        pltpu.async_copy(vals_v, out_hbm.at[nidx_v], sem).wait()

    return scatter


def kernel(u_weight, i_weight, W_u, b_u, W_i, b_i, att_w1, att_b1, att_w2,
           att_b2, nodes, neigh_indices):
    nu, f = u_weight.shape
    ni = i_weight.shape[0]
    e = W_u.shape[1]
    b, t = neigh_indices.shape

    nidx2 = neigh_indices.reshape(-1, 128)
    neighs_raw, u_rows = _make_sc_gather(ni, nu, f, b, t)(
        i_weight, u_weight, nidx2, nodes)

    w_idx = _make_winner(b, blk=256)(nodes.reshape(b, 1), nodes.reshape(1, b))
    w_idx = w_idx.reshape(b)

    wia, bia = _make_wprep(f, e)(W_i, b_i.reshape(1, e), att_w1[:e])

    nodes_fea, emb = _make_attention(b, t, f, e, nb=512)(
        u_rows, neighs_raw, W_u, b_u.reshape(1, e), W_i, bia, wia,
        att_w1[e:], att_b1.reshape(1, e), att_w2, b_i.reshape(1, e))

    out_ref = jax.new_ref(jnp.zeros((nu, e), jnp.float32))
    _make_sc_scatter(b, e, nu)(emb, w_idx, nodes, out_ref)
    return nodes_fea, out_ref[...]

# --- scband reference (transcript-rebuilt; emitter-appended) ---
"""Pipeline reference for scband-aggregator-24386824306969 (READ-ONLY COPY).

The authoritative reference and input builder live on the scoring server;
editing this copy changes nothing except your own understanding.
"""

import jax, jax.numpy as jnp
import numpy as np

NUM_USERS = 100000
NUM_ITEMS = 100000
FEAT_DIM = 256
EMBED_DIM = 128
BATCH = 4096
THRESHOLD = 24


def setup_inputs(seed: int = 0) -> dict:
    key = jax.random.key(seed)
    ks = jax.random.split(key, 12)
    return {
        "u_weight": jax.random.normal(ks[0], (NUM_USERS, FEAT_DIM), jnp.float32) * 0.05,
        "i_weight": jax.random.normal(ks[1], (NUM_ITEMS, FEAT_DIM), jnp.float32) * 0.05,
        "W_u": jax.random.normal(ks[2], (FEAT_DIM, EMBED_DIM), jnp.float32) * (1.0 / np.sqrt(FEAT_DIM)),
        "b_u": jnp.zeros((EMBED_DIM,), jnp.float32),
        "W_i": jax.random.normal(ks[3], (FEAT_DIM, EMBED_DIM), jnp.float32) * (1.0 / np.sqrt(FEAT_DIM)),
        "b_i": jnp.zeros((EMBED_DIM,), jnp.float32),
        "att_w1": jax.random.normal(ks[4], (2 * EMBED_DIM, EMBED_DIM), jnp.float32) * (1.0 / np.sqrt(2 * EMBED_DIM)),
        "att_b1": jnp.zeros((EMBED_DIM,), jnp.float32),
        "att_w2": jax.random.normal(ks[5], (EMBED_DIM, 1), jnp.float32) * (1.0 / np.sqrt(EMBED_DIM)),
        "att_b2": jnp.zeros((1,), jnp.float32),
        "nodes": jax.random.randint(ks[6], (BATCH,), 0, NUM_USERS, dtype=jnp.int32),
        "neigh_indices": jax.random.randint(ks[7], (BATCH, THRESHOLD), 0, NUM_ITEMS, dtype=jnp.int32),
    }


def reference(u_weight, i_weight, W_u, b_u, W_i, b_i, att_w1, att_b1, att_w2, att_b2, nodes, neigh_indices):
    # L0Dense in eval mode acts as a (gated) linear layer: x @ W + b
    # nodes_fea = u_layer(ufeature.weight[nodes])
    nodes_fea = jnp.take(u_weight, nodes, axis=0) @ W_u + b_u  # [B, E]
    # neighs_feature = i_layer(ifeature.weight[interactions]) for each node, batched
    neighs = jnp.take(i_weight, neigh_indices, axis=0) @ W_i + b_i  # [B, T, E]
    # attention(neighs_feature, node_feature, times): MLP over concat -> softmax
    node_rep = jnp.broadcast_to(nodes_fea[:, None, :], neighs.shape)  # [B, T, E]
    att_in = jnp.concatenate([neighs, node_rep], axis=-1)  # [B, T, 2E]
    h = jax.nn.relu(att_in @ att_w1 + att_b1)  # [B, T, E]
    scores = jnp.squeeze(h @ att_w2 + att_b2, axis=-1)  # [B, T]
    att_w = jax.nn.softmax(scores, axis=-1)  # [B, T]
    # embedding = att_w^T @ neighs_feature per node
    embedding = jnp.einsum("bn,bnd->bd", att_w, neighs)  # [B, E]
    # embed_matrix[index] = embedding (scatter-overwrite into full user-sized matrix)
    embed_matrix = jnp.zeros((u_weight.shape[0], neighs.shape[-1]), jnp.float32).at[nodes].set(embedding)
    return (nodes_fea, embed_matrix)

if __name__ == "__main__":
    import jax
    _d = setup_inputs()
    print(jax.jit(kernel)(*tuple(_d.values())))

</pallas_src>

<mosaic_0001>
#map = affine_map<(d0, d1) -> (0, 0)>
#map1 = affine_map<(d0, d1) -> (0)>
module attributes {stable_mosaic.version = 14 : i64} {
  func.func @new_body(%arg0: i32, %arg1: i32, %arg2: memref<4096x128xf32, #tpu.memory_space<hbm>>, %arg3: memref<4096xi32, #tpu.memory_space<hbm>>, %arg4: memref<4096xi32, #tpu.memory_space<hbm>>, %arg5: memref<100000x128xf32, #tpu.memory_space<hbm>>, %arg6: memref<100000x128xf32, #tpu.memory_space<hbm>>, %arg7: memref<128xi32, #tpu.memory_space<vmem>>, %arg8: memref<128xi32, #tpu.memory_space<vmem>>, %arg9: memref<128x128xf32, #tpu.memory_space<vmem>>, %arg10: memref<!tpu.dma_semaphore, #tpu.memory_space<semaphore_mem>>) attributes {dimension_semantics = [#tpu.dimension_semantics<core_parallel>, #tpu.dimension_semantics<subcore_parallel>], iteration_bounds = array<i64: 2, 16>, scalar_prefetch = 0 : i64, scratch_operands = 4 : i64, tpu.core_type = #tpu.core_type<sc_vector_subcore>, window_params = [{transform_indices = #map}, {transform_indices = #map1}, {transform_indices = #map1}, {transform_indices = #map}, {transform_indices = #map}]} {
    %mul3A = arith.constant 2 : i32
    %mul3A_0 = arith.muli %arg1, %mul3A : i32
    %add3A = arith.addi %mul3A_0, %arg0 : i32
    %mul3A_1 = arith.constant 128 : i32
    %mul3A_2 = arith.muli %add3A, %mul3A_1 : i32
    "tpu.region"() ({
      %run_scoped3A = tpu.sem_alloc : memref<!tpu.dma_semaphore, #tpu.memory_space<semaphore_mem>>
      %dma_start3A_13 = tpu.memref_slice %arg3[%mul3A_2] : memref<4096xi32, #tpu.memory_space<hbm>> -> memref<128xi32, #tpu.memory_space<hbm>>
      %dma_start3A_14 = tpu.memref_slice %arg3[%mul3A_2] : memref<4096xi32, #tpu.memory_space<hbm>> -> memref<128xi32, #tpu.memory_space<hbm>>
      tpu.enqueue_dma source(%dma_start3A_14 : memref<128xi32, #tpu.memory_space<hbm>>) target(%arg7 : memref<128xi32, #tpu.memory_space<vmem>>) target_semaphore(%run_scoped3A : memref<!tpu.dma_semaphore, #tpu.memory_space<semaphore_mem>>)
      %dma_wait3A_15 = tpu.memref_slice %arg3[%mul3A_2] : memref<4096xi32, #tpu.memory_space<hbm>> -> memref<128xi32, #tpu.memory_space<hbm>>
      %dma_wait3A_16 = tpu.memref_slice %arg3[%mul3A_2] : memref<4096xi32, #tpu.memory_space<hbm>> -> memref<128xi32, #tpu.memory_space<hbm>>
      tpu.wait_dma2 semaphore(%run_scoped3A : memref<!tpu.dma_semaphore, #tpu.memory_space<semaphore_mem>>) src(%dma_wait3A_16 : memref<128xi32, #tpu.memory_space<hbm>>) dst(%arg7 : memref<128xi32, #tpu.memory_space<vmem>>)
      tpu.yield
    }) : () -> ()
    %dma_start3A = arith.constant 0 : i32
    %dma_start3A_3 = arith.constant 0 : i32
    %dma_start3A_4 = tpu.memref_slice %arg2[%dma_start3A, %dma_start3A_3] : memref<4096x128xf32, #tpu.memory_space<hbm>> -> memref<4096x128xf32, #tpu.memory_space<hbm>>
    tpu.enqueue_indirect_dma source(%dma_start3A_4 : memref<4096x128xf32, #tpu.memory_space<hbm>>) target(%arg9 : memref<128x128xf32, #tpu.memory_space<vmem>>) offsets(%arg7 : memref<128xi32, #tpu.memory_space<vmem>>) semaphore(%arg10 : memref<!tpu.dma_semaphore, #tpu.memory_space<semaphore_mem>>)
    %dma_wait3A = arith.constant 0 : i32
    %dma_wait3A_5 = arith.constant 0 : i32
    %dma_wait3A_6 = tpu.memref_slice %arg2[%dma_wait3A, %dma_wait3A_5] : memref<4096x128xf32, #tpu.memory_space<hbm>> -> memref<4096x128xf32, #tpu.memory_space<hbm>>
    tpu.wait_indirect_dma semaphore(%arg10 : memref<!tpu.dma_semaphore, #tpu.memory_space<semaphore_mem>>) src(%dma_wait3A_6 : memref<4096x128xf32, #tpu.memory_space<hbm>>) dst(%arg9 : memref<128x128xf32, #tpu.memory_space<vmem>>)
    "tpu.region"() ({
      %run_scoped3A = tpu.sem_alloc : memref<!tpu.dma_semaphore, #tpu.memory_space<semaphore_mem>>
      %dma_start3A_13 = tpu.memref_slice %arg4[%mul3A_2] : memref<4096xi32, #tpu.memory_space<hbm>> -> memref<128xi32, #tpu.memory_space<hbm>>
      %dma_start3A_14 = tpu.memref_slice %arg4[%mul3A_2] : memref<4096xi32, #tpu.memory_space<hbm>> -> memref<128xi32, #tpu.memory_space<hbm>>
      tpu.enqueue_dma source(%dma_start3A_14 : memref<128xi32, #tpu.memory_space<hbm>>) target(%arg8 : memref<128xi32, #tpu.memory_space<vmem>>) target_semaphore(%run_scoped3A : memref<!tpu.dma_semaphore, #tpu.memory_space<semaphore_mem>>)
      %dma_wait3A_15 = tpu.memref_slice %arg4[%mul3A_2] : memref<4096xi32, #tpu.memory_space<hbm>> -> memref<128xi32, #tpu.memory_space<hbm>>
      %dma_wait3A_16 = tpu.memref_slice %arg4[%mul3A_2] : memref<4096xi32, #tpu.memory_space<hbm>> -> memref<128xi32, #tpu.memory_space<hbm>>
      tpu.wait_dma2 semaphore(%run_scoped3A : memref<!tpu.dma_semaphore, #tpu.memory_space<semaphore_mem>>) src(%dma_wait3A_16 : memref<128xi32, #tpu.memory_space<hbm>>) dst(%arg8 : memref<128xi32, #tpu.memory_space<vmem>>)
      tpu.yield
    }) : () -> ()
    %dma_start3A_7 = arith.constant 0 : i32
    %dma_start3A_8 = arith.constant 0 : i32
    %dma_start3A_9 = tpu.memref_slice %arg5[%dma_start3A_7, %dma_start3A_8] : memref<100000x128xf32, #tpu.memory_space<hbm>> -> memref<100000x128xf32, #tpu.memory_space<hbm>>
    tpu.enqueue_indirect_dma source(%arg9 : memref<128x128xf32, #tpu.memory_space<vmem>>) target(%dma_start3A_9 : memref<100000x128xf32, #tpu.memory_space<hbm>>) offsets(%arg8 : memref<128xi32, #tpu.memory_space<vmem>>) semaphore(%arg10 : memref<!tpu.dma_semaphore, #tpu.memory_space<semaphore_mem>>)
    %dma_wait3A_10 = arith.constant 0 : i32
    %dma_wait3A_11 = arith.constant 0 : i32
    %dma_wait3A_12 = tpu.memref_slice %arg5[%dma_wait3A_10, %dma_wait3A_11] : memref<100000x128xf32, #tpu.memory_space<hbm>> -> memref<100000x128xf32, #tpu.memory_space<hbm>>
    tpu.wait_indirect_dma semaphore(%arg10 : memref<!tpu.dma_semaphore, #tpu.memory_space<semaphore_mem>>) src(%arg9 : memref<128x128xf32, #tpu.memory_space<vmem>>) dst(%dma_wait3A_12 : memref<100000x128xf32, #tpu.memory_space<hbm>>)
    return
  }
}

#map = affine_map<(d0, d1) -> (0, 0)>
#map1 = affine_map<(d0, d1) -> (0)>
module attributes {stable_mosaic.version = 14 : i64} {
  func.func @gather(%arg0: i32, %arg1: i32, %arg2: memref<100000x256xf32, #tpu.memory_space<hbm>>, %arg3: memref<100000x256xf32, #tpu.memory_space<hbm>>, %arg4: memref<768x128xi32, #tpu.memory_space<hbm>>, %arg5: memref<4096xi32, #tpu.memory_space<hbm>>, %arg6: memref<98304x256xf32, #tpu.memory_space<hbm>>, %arg7: memref<4096x256xf32, #tpu.memory_space<hbm>>, %arg8: memref<24x128xi32, #tpu.memory_space<vmem>>, %arg9: memref<128x256xf32, #tpu.memory_space<vmem>>, %arg10: memref<128x256xf32, #tpu.memory_space<vmem>>, %arg11: memref<128x256xf32, #tpu.memory_space<vmem>>, %arg12: memref<128xi32, #tpu.memory_space<vmem>>, %arg13: memref<64x256xf32, #tpu.memory_space<vmem>>, %arg14: memref<!tpu.dma_semaphore, #tpu.memory_space<semaphore_mem>>, %arg15: memref<!tpu.dma_semaphore, #tpu.memory_space<semaphore_mem>>, %arg16: memref<!tpu.dma_semaphore, #tpu.memory_space<semaphore_mem>>, %arg17: memref<!tpu.dma_semaphore, #tpu.memory_space<semaphore_mem>>, %arg18: memref<!tpu.dma_semaphore, #tpu.memory_space<semaphore_mem>>, %arg19: memref<!tpu.dma_semaphore, #tpu.memory_space<semaphore_mem>>, %arg20: memref<!tpu.dma_semaphore, #tpu.memory_space<semaphore_mem>>) attributes {dimension_semantics = [#tpu.dimension_semantics<core_parallel>, #tpu.dimension_semantics<subcore_parallel>], iteration_bounds = array<i64: 2, 16>, scalar_prefetch = 0 : i64, scratch_operands = 13 : i64, tpu.core_type = #tpu.core_type<sc_vector_subcore>, window_params = [{transform_indices = #map}, {transform_indices = #map}, {transform_indices = #map}, {transform_indices = #map1}, {transform_indices = #map}, {transform_indices = #map}]} {
    %mul3A = arith.constant 2 : i32
    %mul3A_0 = arith.muli %arg1, %mul3A : i32
    %add3A = arith.addi %mul3A_0, %arg0 : i32
    %mul3A_1 = arith.constant 3072 : i32
    %mul3A_2 = arith.muli %add3A, %mul3A_1 : i32
    %mul3A_3 = arith.constant 24 : i32
    %mul3A_4 = arith.muli %add3A, %mul3A_3 : i32
    "tpu.region"() ({
      %run_scoped3A = tpu.sem_alloc : memref<!tpu.dma_semaphore, #tpu.memory_space<semaphore_mem>>
      %dma_start3A_605 = arith.constant 0 : i32
      %dma_start3A_606 = tpu.memref_slice %arg4[%mul3A_4, %dma_start3A_605] : memref<768x128xi32, #tpu.memory_space<hbm>> -> memref<24x128xi32, #tpu.memory_space<hbm>>
      %dma_start3A_607 = arith.constant 0 : i32
      %dma_start3A_608 = tpu.memref_slice %arg4[%mul3A_4, %dma_start3A_607] : memref<768x128xi32, #tpu.memory_space<hbm>> -> memref<24x128xi32, #tpu.memory_space<hbm>>
      tpu.enqueue_dma source(%dma_start3A_608 : memref<24x128xi32, #tpu.memory_space<hbm>>) target(%arg8 : memref<24x128xi32, #tpu.memory_space<vmem>>) target_semaphore(%run_scoped3A : memref<!tpu.dma_semaphore, #tpu.memory_space<semaphore_mem>>)
      %dma_wait3A_609 = arith.constant 0 : i32
      %dma_wait3A_610 = tpu.memref_slice %arg4[%mul3A_4, %dma_wait3A_609] : memref<768x128xi32, #tpu.memory_space<hbm>> -> memref<24x128xi32, #tpu.memory_space<hbm>>
      %dma_wait3A_611 = arith.constant 0 : i32
      %dma_wait3A_612 = tpu.memref_slice %arg4[%mul3A_4, %dma_wait3A_611] : memref<768x128xi32, #tpu.memory_space<hbm>> -> memref<24x128xi32, #tpu.memory_space<hbm>>
      tpu.wait_dma2 semaphore(%run_scoped3A : memref<!tpu.dma_semaphore, #tpu.memory_space<semaphore_mem>>) src(%dma_wait3A_612 : memref<24x128xi32, #tpu.memory_space<hbm>>) dst(%arg8 : memref<24x128xi32, #tpu.memory_space<vmem>>)
      tpu.yield
    }) : () -> ()
    %mul3A_5 = arith.constant 128 : i32
    %mul3A_6 = arith.muli %add3A, %mul3A_5 : i32
    "tpu.region"() ({
      %run_scoped3A = tpu.sem_alloc : memref<!tpu.dma_semaphore, #tpu.memory_space<semaphore_mem>>
      %dma_start3A_605 = tpu.memref_slice %arg5[%mul3A_6] : memref<4096xi32, #tpu.memory_space<hbm>> -> memref<128xi32, #tpu.memory_space<hbm>>
      %dma_start3A_606 = tpu.memref_slice %arg5[%mul3A_6] : memref<4096xi32, #tpu.memory_space<hbm>> -> memref<128xi32, #tpu.memory_space<hbm>>
      tpu.enqueue_dma source(%dma_start3A_606 : memref<128xi32, #tpu.memory_space<hbm>>) target(%arg12 : memref<128xi32, #tpu.memory_space<vmem>>) target_semaphore(%run_scoped3A : memref<!tpu.dma_semaphore, #tpu.memory_space<semaphore_mem>>)
      %dma_wait3A_607 = tpu.memref_slice %arg5[%mul3A_6] : memref<4096xi32, #tpu.memory_space<hbm>> -> memref<128xi32, #tpu.memory_space<hbm>>
      %dma_wait3A_608 = tpu.memref_slice %arg5[%mul3A_6] : memref<4096xi32, #tpu.memory_space<hbm>> -> memref<128xi32, #tpu.memory_space<hbm>>
      tpu.wait_dma2 semaphore(%run_scoped3A : memref<!tpu.dma_semaphore, #tpu.memory_space<semaphore_mem>>) src(%dma_wait3A_608 : memref<128xi32, #tpu.memory_space<hbm>>) dst(%arg12 : memref<128xi32, #tpu.memory_space<vmem>>)
      tpu.yield
    }) : () -> ()
    %dma_start3A = arith.constant 0 : i32
    %dma_start3A_7 = arith.constant 0 : i32
    %dma_start3A_8 = tpu.memref_slice %arg8[%dma_start3A, %dma_start3A_7] : memref<24x128xi32, #tpu.memory_space<vmem>> -> memref<1x128xi32, #tpu.memory_space<vmem>>
    %dma_start3A_9 = tpu.memref_squeeze %dma_start3A_8 : memref<1x128xi32, #tpu.memory_space<vmem>> -> memref<128xi32, #tpu.memory_space<vmem>>
    %dma_start3A_10 = arith.constant 0 : i32
    %dma_start3A_11 = arith.constant 0 : i32
    %dma_start3A_12 = tpu.memref_slice %arg2[%dma_start3A_10, %dma_start3A_11] : memref<100000x256xf32, #tpu.memory_space<hbm>> -> memref<100000x256xf32, #tpu.memory_space<hbm>>
    tpu.enqueue_indirect_dma source(%dma_start3A_12 : memref<100000x256xf32, #tpu.memory_space<hbm>>) target(%arg9 : memref<128x256xf32, #tpu.memory_space<vmem>>) offsets(%dma_start3A_9 : memref<128xi32, #tpu.memory_space<vmem>>) semaphore(%arg14 : memref<!tpu.dma_semaphore, #tpu.memory_space<semaphore_mem>>)
    %dma_start3A_13 = arith.constant 1 : i32
    %dma_start3A_14 = arith.constant 0 : i32
    %dma_start3A_15 = tpu.memref_slice %arg8[%dma_start3A_13, %dma_start3A_14] : memref<24x128xi32, #tpu.memory_space<vmem>> -> memref<1x128xi32, #tpu.memory_space<vmem>>
    %dma_start3A_16 = tpu.memref_squeeze %dma_start3A_15 : memref<1x128xi32, #tpu.memory_space<vmem>> -> memref<128xi32, #tpu.memory_space<vmem>>
    %dma_start3A_17 = arith.constant 0 : i32
    %dma_start3A_18 = arith.constant 0 : i32
    %dma_start3A_19 = tpu.memref_slice %arg2[%dma_start3A_17, %dma_start3A_18] : memref<100000x256xf32, #tpu.memory_space<hbm>> -> memref<100000x256xf32, #tpu.memory_space<hbm>>
    tpu.enqueue_indirect_dma source(%dma_start3A_19 : memref<100000x256xf32, #tpu.memory_space<hbm>>) target(%arg10 : memref<128x256xf32, #tpu.memory_space<vmem>>) offsets(%dma_start3A_16 : memref<128xi32, #tpu.memory_space<vmem>>) semaphore(%arg15 : memref<!tpu.dma_semaphore, #tpu.memory_space<semaphore_mem>>)
    %dma_start3A_20 = arith.constant 2 : i32
    %dma_start3A_21 = arith.constant 0 : i32
    %dma_start3A_22 = tpu.memref_slice %arg8[%dma_start3A_20, %dma_start3A_21] : memref<24x128xi32, #tpu.memory_space<vmem>> -> memref<1x128xi32, #tpu.memory_space<vmem>>
    %dma_start3A_23 = tpu.memref_squeeze %dma_start3A_22 : memref<1x128xi32, #tpu.memory_space<vmem>> -> memref<128xi32, #tpu.memory_space<vmem>>
    %dma_start3A_24 = arith.constant 0 : i32
    %dma_start3A_25 = arith.constant 0 : i32
    %dma_start3A_26 = tpu.memref_slice %arg2[%dma_start3A_24, %dma_start3A_25] : memref<100000x256xf32, #tpu.memory_space<hbm>> -> memref<100000x256xf32, #tpu.memory_space<hbm>>
    tpu.enqueue_indirect_dma source(%dma_start3A_26 : memref<100000x256xf32, #tpu.memory_space<hbm>>) target(%arg11 : memref<128x256xf32, #tpu.memory_space<vmem>>) offsets(%dma_start3A_23 : memref<128xi32, #tpu.memory_space<vmem>>) semaphore(%arg16 : memref<!tpu.dma_semaphore, #tpu.memory_space<semaphore_mem>>)
    %dma_wait3A = arith.constant 0 : i32
    %dma_wait3A_27 = arith.constant 0 : i32
    %dma_wait3A_28 = tpu.memref_slice %arg8[%dma_wait3A, %dma_wait3A_27] : memref<24x128xi32, #tpu.memory_space<vmem>> -> memref<1x128xi32, #tpu.memory_space<vmem>>
    %dma_wait3A_29 = tpu.memref_squeeze %dma_wait3A_28 : memref<1x128xi32, #tpu.memory_space<vmem>> -> memref<128xi32, #tpu.memory_space<vmem>>
    %dma_wait3A_30 = arith.constant 0 : i32
    %dma_wait3A_31 = arith.constant 0 : i32
    %dma_wait3A_32 = tpu.memref_slice %arg2[%dma_wait3A_30, %dma_wait3A_31] : memref<100000x256xf32, #tpu.memory_space<hbm>> -> memref<100000x256xf32, #tpu.memory_space<hbm>>
    tpu.wait_indirect_dma semaphore(%arg14 : memref<!tpu.dma_semaphore, #tpu.memory_space<semaphore_mem>>) src(%dma_wait3A_32 : memref<100000x256xf32, #tpu.memory_space<hbm>>) dst(%arg9 : memref<128x256xf32, #tpu.memory_space<vmem>>)
    %add3A_33 = arith.constant 0 : i32
    %add3A_34 = arith.addi %mul3A_2, %add3A_33 : i32
    %dma_start3A_35 = arith.constant 0 : i32
    %dma_start3A_36 = tpu.memref_slice %arg6[%add3A_34, %dma_start3A_35] : memref<98304x256xf32, #tpu.memory_space<hbm>> -> memref<128x256xf32, #tpu.memory_space<hbm>>
    %dma_start3A_37 = arith.constant 0 : i32
    %dma_start3A_38 = tpu.memref_slice %arg6[%add3A_34, %dma_start3A_37] : memref<98304x256xf32, #tpu.memory_space<hbm>> -> memref<128x256xf32, #tpu.memory_space<hbm>>
    tpu.enqueue_dma source(%arg9 : memref<128x256xf32, #tpu.memory_space<vmem>>) target(%dma_start3A_38 : memref<128x256xf32, #tpu.memory_space<hbm>>) target_semaphore(%arg17 : memref<!tpu.dma_semaphore, #tpu.memory_space<semaphore_mem>>)
    %dma_wait3A_39 = arith.constant 0 : i32
    %dma_wait3A_40 = tpu.memref_slice %arg6[%add3A_34, %dma_wait3A_39] : memref<98304x256xf32, #tpu.memory_space<hbm>> -> memref<128x256xf32, #tpu.memory_space<hbm>>
    %dma_wait3A_41 = arith.constant 0 : i32
    %dma_wait3A_42 = tpu.memref_slice %arg6[%add3A_34, %dma_wait3A_41] : memref<98304x256xf32, #tpu.memory_space<hbm>> -> memref<128x256xf32, #tpu.memory_space<hbm>>
    tpu.wait_dma2 semaphore(%arg17 : memref<!tpu.dma_semaphore, #tpu.memory_space<semaphore_mem>>) src(%arg9 : memref<128x256xf32, #tpu.memory_space<vmem>>) dst(%dma_wait3A_42 : memref<128x256xf32, #tpu.memory_space<hbm>>)
    %dma_start3A_43 = arith.constant 3 : i32
    %dma_start3A_44 = arith.constant 0 : i32
    %dma_start3A_45 = tpu.memref_slice %arg8[%dma_start3A_43, %dma_start3A_44] : memref<24x128xi32, #tpu.memory_space<vmem>> -> memref<1x128xi32, #tpu.memory_space<vmem>>
    %dma_start3A_46 = tpu.memref_squeeze %dma_start3A_45 : memref<1x128xi32, #tpu.memory_space<vmem>> -> memref<128xi32, #tpu.memory_space<vmem>>
    %dma_start3A_47 = arith.constant 0 : i32
    %dma_start3A_48 = arith.constant 0 : i32
    %dma_start3A_49 = tpu.memref_slice %arg2[%dma_start3A_47, %dma_start3A_48] : memref<100000x256xf32, #tpu.memory_space<hbm>> -> memref<100000x256xf32, #tpu.memory_space<hbm>>
    tpu.enqueue_indirect_dma source(%dma_start3A_49 : memref<100000x256xf32, #tpu.memory_space<hbm>>) target(%arg9 : memref<128x256xf32, #tpu.memory_space<vmem>>) offsets(%dma_start3A_46 : memref<128xi32, #tpu.memory_space<vmem>>) semaphore(%arg14 : memref<!tpu.dma_semaphore, #tpu.memory_space<semaphore_mem>>)
    %dma_wait3A_50 = arith.constant 1 : i32
    %dma_wait3A_51 = arith.constant 0 : i32
    %dma_wait3A_52 = tpu.memref_slice %arg8[%dma_wait3A_50, %dma_wait3A_51] : memref<24x128xi32, #tpu.memory_space<vmem>> -> memref<1x128xi32, #tpu.memory_space<vmem>>
    %dma_wait3A_53 = tpu.memref_squeeze %dma_wait3A_52 : memref<1x128xi32, #tpu.memory_space<vmem>> -> memref<128xi32, #tpu.memory_space<vmem>>
    %dma_wait3A_54 = arith.constant 0 : i32
    %dma_wait3A_55 = arith.constant 0 : i32
    %dma_wait3A_56 = tpu.memref_slice %arg2[%dma_wait3A_54, %dma_wait3A_55] : memref<100000x256xf32, #tpu.memory_space<hbm>> -> memref<100000x256xf32, #tpu.memory_space<hbm>>
    tpu.wait_indirect_dma semaphore(%arg15 : memref<!tpu.dma_semaphore, #tpu.memory_space<semaphore_mem>>) src(%dma_wait3A_56 : memref<100000x256xf32, #tpu.memory_space<hbm>>) dst(%arg10 : memref<128x256xf32, #tpu.memory_space<vmem>>)
    %add3A_57 = arith.constant 128 : i32
    %add3A_58 = arith.addi %mul3A_2, %add3A_57 : i32
    %dma_start3A_59 = arith.constant 0 : i32
    %dma_start3A_60 = tpu.memref_slice %arg6[%add3A_58, %dma_start3A_59] : memref<98304x256xf32, #tpu.memory_space<hbm>> -> memref<128x256xf32, #tpu.memory_space<hbm>>
    %dma_start3A_61 = arith.constant 0 : i32
    %dma_start3A_62 = tpu.memref_slice %arg6[%add3A_58, %dma_start3A_61] : memref<98304x256xf32, #tpu.memory_space<hbm>> -> memref<128x256xf32, #tpu.memory_space<hbm>>
    tpu.enqueue_dma source(%arg10 : memref<128x256xf32, #tpu.memory_space<vmem>>) target(%dma_start3A_62 : memref<128x256xf32, #tpu.memory_space<hbm>>) target_semaphore(%arg18 : memref<!tpu.dma_semaphore, #tpu.memory_space<semaphore_mem>>)
    %dma_wait3A_63 = arith.constant 0 : i32
    %dma_wait3A_64 = tpu.memref_slice %arg6[%add3A_58, %dma_wait3A_63] : memref<98304x256xf32, #tpu.memory_space<hbm>> -> memref<128x256xf32, #tpu.memory_space<hbm>>
    %dma_wait3A_65 = arith.constant 0 : i32
    %dma_wait3A_66 = tpu.memref_slice %arg6[%add3A_58, %dma_wait3A_65] : memref<98304x256xf32, #tpu.memory_space<hbm>> -> memref<128x256xf32, #tpu.memory_space<hbm>>
    tpu.wait_dma2 semaphore(%arg18 : memref<!tpu.dma_semaphore, #tpu.memory_space<semaphore_mem>>) src(%arg10 : memref<128x256xf32, #tpu.memory_space<vmem>>) dst(%dma_wait3A_66 : memref<128x256xf32, #tpu.memory_space<hbm>>)
    %dma_start3A_67 = arith.constant 4 : i32
    %dma_start3A_68 = arith.constant 0 : i32
    %dma_start3A_69 = tpu.memref_slice %arg8[%dma_start3A_67, %dma_start3A_68] : memref<24x128xi32, #tpu.memory_space<vmem>> -> memref<1x128xi32, #tpu.memory_space<vmem>>
    %dma_start3A_70 = tpu.memref_squeeze %dma_start3A_69 : memref<1x128xi32, #tpu.memory_space<vmem>> -> memref<128xi32, #tpu.memory_space<vmem>>
    %dma_start3A_71 = arith.constant 0 : i32
    %dma_start3A_72 = arith.constant 0 : i32
    %dma_start3A_73 = tpu.memref_slice %arg2[%dma_start3A_71, %dma_start3A_72] : memref<100000x256xf32, #tpu.memory_space<hbm>> -> memref<100000x256xf32, #tpu.memory_space<hbm>>
    tpu.enqueue_indirect_dma source(%dma_start3A_73 : memref<100000x256xf32, #tpu.memory_space<hbm>>) target(%arg10 : memref<128x256xf32, #tpu.memory_space<vmem>>) offsets(%dma_start3A_70 : memref<128xi32, #tpu.memory_space<vmem>>) semaphore(%arg15 : memref<!tpu.dma_semaphore, #tpu.memory_space<semaphore_mem>>)
    %dma_wait3A_74 = arith.constant 2 : i32
    %dma_wait3A_75 = arith.constant 0 : i32
    %dma_wait3A_76 = tpu.memref_slice %arg8[%dma_wait3A_74, %dma_wait3A_75] : memref<24x128xi32, #tpu.memory_space<vmem>> -> memref<1x128xi32, #tpu.memory_space<vmem>>
    %dma_wait3A_77 = tpu.memref_squeeze %dma_wait3A_76 : memref<1x128xi32, #tpu.memory_space<vmem>> -> memref<128xi32, #tpu.memory_space<vmem>>
    %dma_wait3A_78 = arith.constant 0 : i32
    %dma_wait3A_79 = arith.constant 0 : i32
    %dma_wait3A_80 = tpu.memref_slice %arg2[%dma_wait3A_78, %dma_wait3A_79] : memref<100000x256xf32, #tpu.memory_space<hbm>> -> memref<100000x256xf32, #tpu.memory_space<hbm>>
    tpu.wait_indirect_dma semaphore(%arg16 : memref<!tpu.dma_semaphore, #tpu.memory_space<semaphore_mem>>) src(%dma_wait3A_80 : memref<100000x256xf32, #tpu.memory_space<hbm>>) dst(%arg11 : memref<128x256xf32, #tpu.memory_space<vmem>>)
    %add3A_81 = arith.constant 256 : i32
    %add3A_82 = arith.addi %mul3A_2, %add3A_81 : i32
    %dma_start3A_83 = arith.constant 0 : i32
    %dma_start3A_84 = tpu.memref_slice %arg6[%add3A_82, %dma_start3A_83] : memref<98304x256xf32, #tpu.memory_space<hbm>> -> memref<128x256xf32, #tpu.memory_space<hbm>>
    %dma_start3A_85 = arith.constant 0 : i32
    %dma_start3A_86 = tpu.memref_slice %arg6[%add3A_82, %dma_start3A_85] : memref<98304x256xf32, #tpu.memory_space<hbm>> -> memref<128x256xf32, #tpu.memory_space<hbm>>
    tpu.enqueue_dma source(%arg11 : memref<128x256xf32, #tpu.memory_space<vmem>>) target(%dma_start3A_86 : memref<128x256xf32, #tpu.memory_space<hbm>>) target_semaphore(%arg19 : memref<!tpu.dma_semaphore, #tpu.memory_space<semaphore_mem>>)
    %dma_wait3A_87 = arith.constant 0 : i32
    %dma_wait3A_88 = tpu.memref_slice %arg6[%add3A_82, %dma_wait3A_87] : memref<98304x256xf32, #tpu.memory_space<hbm>> -> memref<128x256xf32, #tpu.memory_space<hbm>>
    %dma_wait3A_89 = arith.constant 0 : i32
    %dma_wait3A_90 = tpu.memref_slice %arg6[%add3A_82, %dma_wait3A_89] : memref<98304x256xf32, #tpu.memory_space<hbm>> -> memref<128x256xf32, #tpu.memory_space<hbm>>
    tpu.wait_dma2 semaphore(%arg19 : memref<!tpu.dma_semaphore, #tpu.memory_space<semaphore_mem>>) src(%arg11 : memref<128x256xf32, #tpu.memory_space<vmem>>) dst(%dma_wait3A_90 : memref<128x256xf32, #tpu.memory_space<hbm>>)
    %dma_start3A_91 = arith.constant 5 : i32
    %dma_start3A_92 = arith.constant 0 : i32
    %dma_start3A_93 = tpu.memref_slice %arg8[%dma_start3A_91, %dma_start3A_92] : memref<24x128xi32, #tpu.memory_space<vmem>> -> memref<1x128xi32, #tpu.memory_space<vmem>>
    %dma_start3A_94 = tpu.memref_squeeze %dma_start3A_93 : memref<1x128xi32, #tpu.memory_space<vmem>> -> memref<128xi32, #tpu.memory_space<vmem>>
    %dma_start3A_95 = arith.constant 0 : i32
    %dma_start3A_96 = arith.constant 0 : i32
    %dma_start3A_97 = tpu.memref_slice %arg2[%dma_start3A_95, %dma_start3A_96] : memref<100000x256xf32, #tpu.memory_space<hbm>> -> memref<100000x256xf32, #tpu.memory_space<hbm>>
    tpu.enqueue_indirect_dma source(%dma_start3A_97 : memref<100000x256xf32, #tpu.memory_space<hbm>>) target(%arg11 : memref<128x256xf32, #tpu.memory_space<vmem>>) offsets(%dma_start3A_94 : memref<128xi32, #tpu.memory_space<vmem>>) semaphore(%arg16 : memref<!tpu.dma_semaphore, #tpu.memory_space<semaphore_mem>>)
    %dma_wait3A_98 = arith.constant 3 : i32
    %dma_wait3A_99 = arith.constant 0 : i32
    %dma_wait3A_100 = tpu.memref_slice %arg8[%dma_wait3A_98, %dma_wait3A_99] : memref<24x128xi32, #tpu.memory_space<vmem>> -> memref<1x128xi32, #tpu.memory_space<vmem>>
    %dma_wait3A_101 = tpu.memref_squeeze %dma_wait3A_100 : memref<1x128xi32, #tpu.memory_space<vmem>> -> memref<128xi32, #tpu.memory_space<vmem>>
    %dma_wait3A_102 = arith.constant 0 : i32
    %dma_wait3A_103 = arith.constant 0 : i32
    %dma_wait3A_104 = tpu.memref_slice %arg2[%dma_wait3A_102, %dma_wait3A_103] : memref<100000x256xf32, #tpu.memory_space<hbm>> -> memref<100000x256xf32, #tpu.memory_space<hbm>>
    tpu.wait_indirect_dma semaphore(%arg14 : memref<!tpu.dma_semaphore, #tpu.memory_space<semaphore_mem>>) src(%dma_wait3A_104 : memref<100000x256xf32, #tpu.memory_space<hbm>>) dst(%arg9 : memref<128x256xf32, #tpu.memory_space<vmem>>)
    %add3A_105 = arith.constant 384 : i32
    %add3A_106 = arith.addi %mul3A_2, %add3A_105 : i32
    %dma_start3A_107 = arith.constant 0 : i32
    %dma_start3A_108 = tpu.memref_slice %arg6[%add3A_106, %dma_start3A_107] : memref<98304x256xf32, #tpu.memory_space<hbm>> -> memref<128x256xf32, #tpu.memory_space<hbm>>
    %dma_start3A_109 = arith.constant 0 : i32
    %dma_start3A_110 = tpu.memref_slice %arg6[%add3A_106, %dma_start3A_109] : memref<98304x256xf32, #tpu.memory_space<hbm>> -> memref<128x256xf32, #tpu.memory_space<hbm>>
    tpu.enqueue_dma source(%arg9 : memref<128x256xf32, #tpu.memory_space<vmem>>) target(%dma_start3A_110 : memref<128x256xf32, #tpu.memory_space<hbm>>) target_semaphore(%arg17 : memref<!tpu.dma_semaphore, #tpu.memory_space<semaphore_mem>>)
    %dma_wait3A_111 = arith.constant 0 : i32
    %dma_wait3A_112 = tpu.memref_slice %arg6[%add3A_106, %dma_wait3A_111] : memref<98304x256xf32, #tpu.memory_space<hbm>> -> memref<128x256xf32, #tpu.memory_space<hbm>>
    %dma_wait3A_113 = arith.constant 0 : i32
    %dma_wait3A_114 = tpu.memref_slice %arg6[%add3A_106, %dma_wait3A_113] : memref<98304x256xf32, #tpu.memory_space<hbm>> -> memref<128x256xf32, #tpu.memory_space<hbm>>
    tpu.wait_dma2 semaphore(%arg17 : memref<!tpu.dma_semaphore, #tpu.memory_space<semaphore_mem>>) src(%arg9 : memref<128x256xf32, #tpu.memory_space<vmem>>) dst(%dma_wait3A_114 : memref<128x256xf32, #tpu.memory_space<hbm>>)
    %dma_start3A_115 = arith.constant 6 : i32
    %dma_start3A_116 = arith.constant 0 : i32
    %dma_start3A_117 = tpu.memref_slice %arg8[%dma_start3A_115, %dma_start3A_116] : memref<24x128xi32, #tpu.memory_space<vmem>> -> memref<1x128xi32, #tpu.memory_space<vmem>>
    %dma_start3A_118 = tpu.memref_squeeze %dma_start3A_117 : memref<1x128xi32, #tpu.memory_space<vmem>> -> memref<128xi32, #tpu.memory_space<vmem>>
    %dma_start3A_119 = arith.constant 0 : i32
    %dma_start3A_120 = arith.constant 0 : i32
    %dma_start3A_121 = tpu.memref_slice %arg2[%dma_start3A_119, %dma_start3A_120] : memref<100000x256xf32, #tpu.memory_space<hbm>> -> memref<100000x256xf32, #tpu.memory_space<hbm>>
    tpu.enqueue_indirect_dma source(%dma_start3A_121 : memref<100000x256xf32, #tpu.memory_space<hbm>>) target(%arg9 : memref<128x256xf32, #tpu.memory_space<vmem>>) offsets(%dma_start3A_118 : memref<128xi32, #tpu.memory_space<vmem>>) semaphore(%arg14 : memref<!tpu.dma_semaphore, #tpu.memory_space<semaphore_mem>>)
    %dma_wait3A_122 = arith.constant 4 : i32
    %dma_wait3A_123 = arith.constant 0 : i32
    %dma_wait3A_124 = tpu.memref_slice %arg8[%dma_wait3A_122, %dma_wait3A_123] : memref<24x128xi32, #tpu.memory_space<vmem>> -> memref<1x128xi32, #tpu.memory_space<vmem>>
    %dma_wait3A_125 = tpu.memref_squeeze %dma_wait3A_124 : memref<1x128xi32, #tpu.memory_space<vmem>> -> memref<128xi32, #tpu.memory_space<vmem>>
    %dma_wait3A_126 = arith.constant 0 : i32
    %dma_wait3A_127 = arith.constant 0 : i32
    %dma_wait3A_128 = tpu.memref_slice %arg2[%dma_wait3A_126, %dma_wait3A_127] : memref<100000x256xf32, #tpu.memory_space<hbm>> -> memref<100000x256xf32, #tpu.memory_space<hbm>>
    tpu.wait_indirect_dma semaphore(%arg15 : memref<!tpu.dma_semaphore, #tpu.memory_space<semaphore_mem>>) src(%dma_wait3A_128 : memref<100000x256xf32, #tpu.memory_space<hbm>>) dst(%arg10 : memref<128x256xf32, #tpu.memory_space<vmem>>)
    %add3A_129 = arith.constant 512 : i32
    %add3A_130 = arith.addi %mul3A_2, %add3A_129 : i32
    %dma_start3A_131 = arith.constant 0 : i32
    %dma_start3A_132 = tpu.memref_slice %arg6[%add3A_130, %dma_start3A_131] : memref<98304x256xf32, #tpu.memory_space<hbm>> -> memref<128x256xf32, #tpu.memory_space<hbm>>
    %dma_start3A_133 = arith.constant 0 : i32
    %dma_start3A_134 = tpu.memref_slice %arg6[%add3A_130, %dma_start3A_133] : memref<98304x256xf32, #tpu.memory_space<hbm>> -> memref<128x256xf32, #tpu.memory_space<hbm>>
    tpu.enqueue_dma source(%arg10 : memref<128x256xf32, #tpu.memory_space<vmem>>) target(%dma_start3A_134 : memref<128x256xf32, #tpu.memory_space<hbm>>) target_semaphore(%arg18 : memref<!tpu.dma_semaphore, #tpu.memory_space<semaphore_mem>>)
    %dma_wait3A_135 = arith.constant 0 : i32
    %dma_wait3A_136 = tpu.memref_slice %arg6[%add3A_130, %dma_wait3A_135] : memref<98304x256xf32, #tpu.memory_space<hbm>> -> memref<128x256xf32, #tpu.memory_space<hbm>>
    %dma_wait3A_137 = arith.constant 0 : i32
    %dma_wait3A_138 = tpu.memref_slice %arg6[%add3A_130, %dma_wait3A_137] : memref<98304x256xf32, #tpu.memory_space<hbm>> -> memref<128x256xf32, #tpu.memory_space<hbm>>
    tpu.wait_dma2 semaphore(%arg18 : memref<!tpu.dma_semaphore, #tpu.memory_space<semaphore_mem>>) src(%arg10 : memref<128x256xf32, #tpu.memory_space<vmem>>) dst(%dma_wait3A_138 : memref<128x256xf32, #tpu.memory_space<hbm>>)
    %dma_start3A_139 = arith.constant 7 : i32
    %dma_start3A_140 = arith.constant 0 : i32
    %dma_start3A_141 = tpu.memref_slice %arg8[%dma_start3A_139, %dma_start3A_140] : memref<24x128xi32, #tpu.memory_space<vmem>> -> memref<1x128xi32, #tpu.memory_space<vmem>>
    %dma_start3A_142 = tpu.memref_squeeze %dma_start3A_141 : memref<1x128xi32, #tpu.memory_space<vmem>> -> memref<128xi32, #tpu.memory_space<vmem>>
    %dma_start3A_143 = arith.constant 0 : i32
    %dma_start3A_144 = arith.constant 0 : i32
    %dma_start3A_145 = tpu.memref_slice %arg2[%dma_start3A_143, %dma_start3A_144] : memref<100000x256xf32, #tpu.memory_space<hbm>> -> memref<100000x256xf32, #tpu.memory_space<hbm>>
    tpu.enqueue_indirect_dma source(%dma_start3A_145 : memref<100000x256xf32, #tpu.memory_space<hbm>>) target(%arg10 : memref<128x256xf32, #tpu.memory_space<vmem>>) offsets(%dma_start3A_142 : memref<128xi32, #tpu.memory_space<vmem>>) semaphore(%arg15 : memref<!tpu.dma_semaphore, #tpu.memory_space<semaphore_mem>>)
    %dma_wait3A_146 = arith.constant 5 : i32
    %dma_wait3A_147 = arith.constant 0 : i32
    %dma_wait3A_148 = tpu.memref_slice %arg8[%dma_wait3A_146, %dma_wait3A_147] : memref<24x128xi32, #tpu.memory_space<vmem>> -> memref<1x128xi32, #tpu.memory_space<vmem>>
    %dma_wait3A_149 = tpu.memref_squeeze %dma_wait3A_148 : memref<1x128xi32, #tpu.memory_space<vmem>> -> memref<128xi32, #tpu.memory_space<vmem>>
    %dma_wait3A_150 = arith.constant 0 : i32
    %dma_wait3A_151 = arith.constant 0 : i32
    %dma_wait3A_152 = tpu.memref_slice %arg2[%dma_wait3A_150, %dma_wait3A_151] : memref<100000x256xf32, #tpu.memory_space<hbm>> -> memref<100000x256xf32, #tpu.memory_space<hbm>>
    tpu.wait_indirect_dma semaphore(%arg16 : memref<!tpu.dma_semaphore, #tpu.memory_space<semaphore_mem>>) src(%dma_wait3A_152 : memref<100000x256xf32, #tpu.memory_space<hbm>>) dst(%arg11 : memref<128x256xf32, #tpu.memory_space<vmem>>)
    %add3A_153 = arith.constant 640 : i32
    %add3A_154 = arith.addi %mul3A_2, %add3A_153 : i32
    %dma_start3A_155 = arith.constant 0 : i32
    %dma_start3A_156 = tpu.memref_slice %arg6[%add3A_154, %dma_start3A_155] : memref<98304x256xf32, #tpu.memory_space<hbm>> -> memref<128x256xf32, #tpu.memory_space<hbm>>
    %dma_start3A_157 = arith.constant 0 : i32
    %dma_start3A_158 = tpu.memref_slice %arg6[%add3A_154, %dma_start3A_157] : memref<98304x256xf32, #tpu.memory_space<hbm>> -> memref<128x256xf32, #tpu.memory_space<hbm>>
    tpu.enqueue_dma source(%arg11 : memref<128x256xf32, #tpu.memory_space<vmem>>) target(%dma_start3A_158 : memref<128x256xf32, #tpu.memory_space<hbm>>) target_semaphore(%arg19 : memref<!tpu.dma_semaphore, #tpu.memory_space<semaphore_mem>>)
    %dma_wait3A_159 = arith.constant 0 : i32
    %dma_wait3A_160 = tpu.memref_slice %arg6[%add3A_154, %dma_wait3A_159] : memref<98304x256xf32, #tpu.memory_space<hbm>> -> memref<128x256xf32, #tpu.memory_space<hbm>>
    %dma_wait3A_161 = arith.constant 0 : i32
    %dma_wait3A_162 = tpu.memref_slice %arg6[%add3A_154, %dma_wait3A_161] : memref<98304x256xf32, #tpu.memory_space<hbm>> -> memref<128x256xf32, #tpu.memory_space<hbm>>
    tpu.wait_dma2 semaphore(%arg19 : memref<!tpu.dma_semaphore, #tpu.memory_space<semaphore_mem>>) src(%arg11 : memref<128x256xf32, #tpu.memory_space<vmem>>) dst(%dma_wait3A_162 : memref<128x256xf32, #tpu.memory_space<hbm>>)
    %dma_start3A_163 = arith.constant 8 : i32
    %dma_start3A_164 = arith.constant 0 : i32
    %dma_start3A_165 = tpu.memref_slice %arg8[%dma_start3A_163, %dma_start3A_164] : memref<24x128xi32, #tpu.memory_space<vmem>> -> memref<1x128xi32, #tpu.memory_space<vmem>>
    %dma_start3A_166 = tpu.memref_squeeze %dma_start3A_165 : memref<1x128xi32, #tpu.memory_space<vmem>> -> memref<128xi32, #tpu.memory_space<vmem>>
    %dma_start3A_167 = arith.constant 0 : i32
    %dma_start3A_168 = arith.constant 0 : i32
    %dma_start3A_169 = tpu.memref_slice %arg2[%dma_start3A_167, %dma_start3A_168] : memref<100000x256xf32, #tpu.memory_space<hbm>> -> memref<100000x256xf32, #tpu.memory_space<hbm>>
    tpu.enqueue_indirect_dma source(%dma_start3A_169 : memref<100000x256xf32, #tpu.memory_space<hbm>>) target(%arg11 : memref<128x256xf32, #tpu.memory_space<vmem>>) offsets(%dma_start3A_166 : memref<128xi32, #tpu.memory_space<vmem>>) semaphore(%arg16 : memref<!tpu.dma_semaphore, #tpu.memory_space<semaphore_mem>>)
    %dma_wait3A_170 = arith.constant 6 : i32
    %dma_wait3A_171 = arith.constant 0 : i32
    %dma_wait3A_172 = tpu.memref_slice %arg8[%dma_wait3A_170, %dma_wait3A_171] : memref<24x128xi32, #tpu.memory_space<vmem>> -> memref<1x128xi32, #tpu.memory_space<vmem>>
    %dma_wait3A_173 = tpu.memref_squeeze %dma_wait3A_172 : memref<1x128xi32, #tpu.memory_space<vmem>> -> memref<128xi32, #tpu.memory_space<vmem>>
    %dma_wait3A_174 = arith.constant 0 : i32
    %dma_wait3A_175 = arith.constant 0 : i32
    %dma_wait3A_176 = tpu.memref_slice %arg2[%dma_wait3A_174, %dma_wait3A_175] : memref<100000x256xf32, #tpu.memory_space<hbm>> -> memref<100000x256xf32, #tpu.memory_space<hbm>>
    tpu.wait_indirect_dma semaphore(%arg14 : memref<!tpu.dma_semaphore, #tpu.memory_space<semaphore_mem>>) src(%dma_wait3A_176 : memref<100000x256xf32, #tpu.memory_space<hbm>>) dst(%arg9 : memref<128x256xf32, #tpu.memory_space<vmem>>)
    %add3A_177 = arith.constant 768 : i32
    %add3A_178 = arith.addi %mul3A_2, %add3A_177 : i32
    %dma_start3A_179 = arith.constant 0 : i32
    %dma_start3A_180 = tpu.memref_slice %arg6[%add3A_178, %dma_start3A_179] : memref<98304x256xf32, #tpu.memory_space<hbm>> -> memref<128x256xf32, #tpu.memory_space<hbm>>
    %dma_start3A_181 = arith.constant 0 : i32
    %dma_start3A_182 = tpu.memref_slice %arg6[%add3A_178, %dma_start3A_181] : memref<98304x256xf32, #tpu.memory_space<hbm>> -> memref<128x256xf32, #tpu.memory_space<hbm>>
    tpu.enqueue_dma source(%arg9 : memref<128x256xf32, #tpu.memory_space<vmem>>) target(%dma_start3A_182 : memref<128x256xf32, #tpu.memory_space<hbm>>) target_semaphore(%arg17 : memref<!tpu.dma_semaphore, #tpu.memory_space<semaphore_mem>>)
    %dma_wait3A_183 = arith.constant 0 : i32
    %dma_wait3A_184 = tpu.memref_slice %arg6[%add3A_178, %dma_wait3A_183] : memref<98304x256xf32, #tpu.memory_space<hbm>> -> memref<128x256xf32, #tpu.memory_space<hbm>>
    %dma_wait3A_185 = arith.constant 0 : i32
    %dma_wait3A_186 = tpu.memref_slice %arg6[%add3A_178, %dma_wait3A_185] : memref<98304x256xf32, #tpu.memory_space<hbm>> -> memref<128x256xf32, #tpu.memory_space<hbm>>
    tpu.wait_dma2 semaphore(%arg17 : memref<!tpu.dma_semaphore, #tpu.memory_space<semaphore_mem>>) src(%arg9 : memref<128x256xf32, #tpu.memory_space<vmem>>) dst(%dma_wait3A_186 : memref<128x256xf32, #tpu.memory_space<hbm>>)
    %dma_start3A_187 = arith.constant 9 : i32
    %dma_start3A_188 = arith.constant 0 : i32
    %dma_start3A_189 = tpu.memref_slice %arg8[%dma_start3A_187, %dma_start3A_188] : memref<24x128xi32, #tpu.memory_space<vmem>> -> memref<1x128xi32, #tpu.memory_space<vmem>>
    %dma_start3A_190 = tpu.memref_squeeze %dma_start3A_189 : memref<1x128xi32, #tpu.memory_space<vmem>> -> memref<128xi32, #tpu.memory_space<vmem>>
    %dma_start3A_191 = arith.constant 0 : i32
    %dma_start3A_192 = arith.constant 0 : i32
    %dma_start3A_193 = tpu.memref_slice %arg2[%dma_start3A_191, %dma_start3A_192] : memref<100000x256xf32, #tpu.memory_space<hbm>> -> memref<100000x256xf32, #tpu.memory_space<hbm>>
    tpu.enqueue_indirect_dma source(%dma_start3A_193 : memref<100000x256xf32, #tpu.memory_space<hbm>>) target(%arg9 : memref<128x256xf32, #tpu.memory_space<vmem>>) offsets(%dma_start3A_190 : memref<128xi32, #tpu.memory_space<vmem>>) semaphore(%arg14 : memref<!tpu.dma_semaphore, #tpu.memory_space<semaphore_mem>>)
    %dma_wait3A_194 = arith.constant 7 : i32
    %dma_wait3A_195 = arith.constant 0 : i32
    %dma_wait3A_196 = tpu.memref_slice %arg8[%dma_wait3A_194, %dma_wait3A_195] : memref<24x128xi32, #tpu.memory_space<vmem>> -> memref<1x128xi32, #tpu.memory_space<vmem>>
    %dma_wait3A_197 = tpu.memref_squeeze %dma_wait3A_196 : memref<1x128xi32, #tpu.memory_space<vmem>> -> memref<128xi32, #tpu.memory_space<vmem>>
    %dma_wait3A_198 = arith.constant 0 : i32
    %dma_wait3A_199 = arith.constant 0 : i32
    %dma_wait3A_200 = tpu.memref_slice %arg2[%dma_wait3A_198, %dma_wait3A_199] : memref<100000x256xf32, #tpu.memory_space<hbm>> -> memref<100000x256xf32, #tpu.memory_space<hbm>>
    tpu.wait_indirect_dma semaphore(%arg15 : memref<!tpu.dma_semaphore, #tpu.memory_space<semaphore_mem>>) src(%dma_wait3A_200 : memref<100000x256xf32, #tpu.memory_space<hbm>>) dst(%arg10 : memref<128x256xf32, #tpu.memory_space<vmem>>)
    %add3A_201 = arith.constant 896 : i32
    %add3A_202 = arith.addi %mul3A_2, %add3A_201 : i32
    %dma_start3A_203 = arith.constant 0 : i32
    %dma_start3A_204 = tpu.memref_slice %arg6[%add3A_202, %dma_start3A_203] : memref<98304x256xf32, #tpu.memory_space<hbm>> -> memref<128x256xf32, #tpu.memory_space<hbm>>
    %dma_start3A_205 = arith.constant 0 : i32
    %dma_start3A_206 = tpu.memref_slice %arg6[%add3A_202, %dma_start3A_205] : memref<98304x256xf32, #tpu.memory_space<hbm>> -> memref<128x256xf32, #tpu.memory_space<hbm>>
    tpu.enqueue_dma source(%arg10 : memref<128x256xf32, #tpu.memory_space<vmem>>) target(%dma_start3A_206 : memref<128x256xf32, #tpu.memory_space<hbm>>) target_semaphore(%arg18 : memref<!tpu.dma_semaphore, #tpu.memory_space<semaphore_mem>>)
    %dma_wait3A_207 = arith.constant 0 : i32
    %dma_wait3A_208 = tpu.memref_slice %arg6[%add3A_202, %dma_wait3A_207] : memref<98304x256xf32, #tpu.memory_space<hbm>> -> memref<128x256xf32, #tpu.memory_space<hbm>>
    %dma_wait3A_209 = arith.constant 0 : i32
    %dma_wait3A_210 = tpu.memref_slice %arg6[%add3A_202, %dma_wait3A_209] : memref<98304x256xf32, #tpu.memory_space<hbm>> -> memref<128x256xf32, #tpu.memory_space<hbm>>
    tpu.wait_dma2 semaphore(%arg18 : memref<!tpu.dma_semaphore, #tpu.memory_space<semaphore_mem>>) src(%arg10 : memref<128x256xf32, #tpu.memory_space<vmem>>) dst(%dma_wait3A_210 : memref<128x256xf32, #tpu.memory_space<hbm>>)
    %dma_start3A_211 = arith.constant 10 : i32
    %dma_start3A_212 = arith.constant 0 : i32
    %dma_start3A_213 = tpu.memref_slice %arg8[%dma_start3A_211, %dma_start3A_212] : memref<24x128xi32, #tpu.memory_space<vmem>> -> memref<1x128xi32, #tpu.memory_space<vmem>>
    %dma_start3A_214 = tpu.memref_squeeze %dma_start3A_213 : memref<1x128xi32, #tpu.memory_space<vmem>> -> memref<128xi32, #tpu.memory_space<vmem>>
    %dma_start3A_215 = arith.constant 0 : i32
    %dma_start3A_216 = arith.constant 0 : i32
    %dma_start3A_217 = tpu.memref_slice %arg2[%dma_start3A_215, %dma_start3A_216] : memref<100000x256xf32, #tpu.memory_space<hbm>> -> memref<100000x256xf32, #tpu.memory_space<hbm>>
    tpu.enqueue_indirect_dma source(%dma_start3A_217 : memref<100000x256xf32, #tpu.memory_space<hbm>>) target(%arg10 : memref<128x256xf32, #tpu.memory_space<vmem>>) offsets(%dma_start3A_214 : memref<128xi32, #tpu.memory_space<vmem>>) semaphore(%arg15 : memref<!tpu.dma_semaphore, #tpu.memory_space<semaphore_mem>>)
    %dma_wait3A_218 = arith.constant 8 : i32
    %dma_wait3A_219 = arith.constant 0 : i32
    %dma_wait3A_220 = tpu.memref_slice %arg8[%dma_wait3A_218, %dma_wait3A_219] : memref<24x128xi32, #tpu.memory_space<vmem>> -> memref<1x128xi32, #tpu.memory_space<vmem>>
    %dma_wait3A_221 = tpu.memref_squeeze %dma_wait3A_220 : memref<1x128xi32, #tpu.memory_space<vmem>> -> memref<128xi32, #tpu.memory_space<vmem>>
    %dma_wait3A_222 = arith.constant 0 : i32
    %dma_wait3A_223 = arith.constant 0 : i32
    %dma_wait3A_224 = tpu.memref_slice %arg2[%dma_wait3A_222, %dma_wait3A_223] : memref<100000x256xf32, #tpu.memory_space<hbm>> -> memref<100000x256xf32, #tpu.memory_space<hbm>>
    tpu.wait_indirect_dma semaphore(%arg16 : memref<!tpu.dma_semaphore, #tpu.memory_space<semaphore_mem>>) src(%dma_wait3A_224 : memref<100000x256xf32, #tpu.memory_space<hbm>>) dst(%arg11 : memref<128x256xf32, #tpu.memory_space<vmem>>)
    %add3A_225 = arith.constant 1024 : i32
    %add3A_226 = arith.addi %mul3A_2, %add3A_225 : i32
    %dma_start3A_227 = arith.constant 0 : i32
    %dma_start3A_228 = tpu.memref_slice %arg6[%add3A_226, %dma_start3A_227] : memref<98304x256xf32, #tpu.memory_space<hbm>> -> memref<128x256xf32, #tpu.memory_space<hbm>>
    %dma_start3A_229 = arith.constant 0 : i32
    %dma_start3A_230 = tpu.memref_slice %arg6[%add3A_226, %dma_start3A_229] : memref<98304x256xf32, #tpu.memory_space<hbm>> -> memref<128x256xf32, #tpu.memory_space<hbm>>
    tpu.enqueue_dma source(%arg11 : memref<128x256xf32, #tpu.memory_space<vmem>>) target(%dma_start3A_230 : memref<128x256xf32, #tpu.memory_space<hbm>>) target_semaphore(%arg19 : memref<!tpu.dma_semaphore, #tpu.memory_space<semaphore_mem>>)
    %dma_wait3A_231 = arith.constant 0 : i32
    %dma_wait3A_232 = tpu.memref_slice %arg6[%add3A_226, %dma_wait3A_231] : memref<98304x256xf32, #tpu.memory_space<hbm>> -> memref<128x256xf32, #tpu.memory_space<hbm>>
    %dma_wait3A_233 = arith.constant 0 : i32
    %dma_wait3A_234 = tpu.memref_slice %arg6[%add3A_226, %dma_wait3A_233] : memref<98304x256xf32, #tpu.memory_space<hbm>> -> memref<128x256xf32, #tpu.memory_space<hbm>>
    tpu.wait_dma2 semaphore(%arg19 : memref<!tpu.dma_semaphore, #tpu.memory_space<semaphore_mem>>) src(%arg11 : memref<128x256xf32, #tpu.memory_space<vmem>>) dst(%dma_wait3A_234 : memref<128x256xf32, #tpu.memory_space<hbm>>)
    %dma_start3A_235 = arith.constant 11 : i32
    %dma_start3A_236 = arith.constant 0 : i32
    %dma_start3A_237 = tpu.memref_slice %arg8[%dma_start3A_235, %dma_start3A_236] : memref<24x128xi32, #tpu.memory_space<vmem>> -> memref<1x128xi32, #tpu.memory_space<vmem>>
    %dma_start3A_238 = tpu.memref_squeeze %dma_start3A_237 : memref<1x128xi32, #tpu.memory_space<vmem>> -> memref<128xi32, #tpu.memory_space<vmem>>
    %dma_start3A_239 = arith.constant 0 : i32
    %dma_start3A_240 = arith.constant 0 : i32
    %dma_start3A_241 = tpu.memref_slice %arg2[%dma_start3A_239, %dma_start3A_240] : memref<100000x256xf32, #tpu.memory_space<hbm>> -> memref<100000x256xf32, #tpu.memory_space<hbm>>
    tpu.enqueue_indirect_dma source(%dma_start3A_241 : memref<100000x256xf32, #tpu.memory_space<hbm>>) target(%arg11 : memref<128x256xf32, #tpu.memory_space<vmem>>) offsets(%dma_start3A_238 : memref<128xi32, #tpu.memory_space<vmem>>) semaphore(%arg16 : memref<!tpu.dma_semaphore, #tpu.memory_space<semaphore_mem>>)
    %dma_wait3A_242 = arith.constant 9 : i32
    %dma_wait3A_243 = arith.constant 0 : i32
    %dma_wait3A_244 = tpu.memref_slice %arg8[%dma_wait3A_242, %dma_wait3A_243] : memref<24x128xi32, #tpu.memory_space<vmem>> -> memref<1x128xi32, #tpu.memory_space<vmem>>
    %dma_wait3A_245 = tpu.memref_squeeze %dma_wait3A_244 : memref<1x128xi32, #tpu.memory_space<vmem>> -> memref<128xi32, #tpu.memory_space<vmem>>
    %dma_wait3A_246 = arith.constant 0 : i32
    %dma_wait3A_247 = arith.constant 0 : i32
    %dma_wait3A_248 = tpu.memref_slice %arg2[%dma_wait3A_246, %dma_wait3A_247] : memref<100000x256xf32, #tpu.memory_space<hbm>> -> memref<100000x256xf32, #tpu.memory_space<hbm>>
    tpu.wait_indirect_dma semaphore(%arg14 : memref<!tpu.dma_semaphore, #tpu.memory_space<semaphore_mem>>) src(%dma_wait3A_248 : memref<100000x256xf32, #tpu.memory_space<hbm>>) dst(%arg9 : memref<128x256xf32, #tpu.memory_space<vmem>>)
    %add3A_249 = arith.constant 1152 : i32
    %add3A_250 = arith.addi %mul3A_2, %add3A_249 : i32
    %dma_start3A_251 = arith.constant 0 : i32
    %dma_start3A_252 = tpu.memref_slice %arg6[%add3A_250, %dma_start3A_251] : memref<98304x256xf32, #tpu.memory_space<hbm>> -> memref<128x256xf32, #tpu.memory_space<hbm>>
    %dma_start3A_253 = arith.constant 0 : i32
    %dma_start3A_254 = tpu.memref_slice %arg6[%add3A_250, %dma_start3A_253] : memref<98304x256xf32, #tpu.memory_space<hbm>> -> memref<128x256xf32, #tpu.memory_space<hbm>>
    tpu.enqueue_dma source(%arg9 : memref<128x256xf32, #tpu.memory_space<vmem>>) target(%dma_start3A_254 : memref<128x256xf32, #tpu.memory_space<hbm>>) target_semaphore(%arg17 : memref<!tpu.dma_semaphore, #tpu.memory_space<semaphore_mem>>)
    %dma_wait3A_255 = arith.constant 0 : i32
    %dma_wait3A_256 = tpu.memref_slice %arg6[%add3A_250, %dma_wait3A_255] : memref<98304x256xf32, #tpu.memory_space<hbm>> -> memref<128x256xf32, #tpu.memory_space<hbm>>
    %dma_wait3A_257 = arith.constant 0 : i32
    %dma_wait3A_258 = tpu.memref_slice %arg6[%add3A_250, %dma_wait3A_257] : memref<98304x256xf32, #tpu.memory_space<hbm>> -> memref<128x256xf32, #tpu.memory_space<hbm>>
    tpu.wait_dma2 semaphore(%arg17 : memref<!tpu.dma_semaphore, #tpu.memory_space<semaphore_mem>>) src(%arg9 : memref<128x256xf32, #tpu.memory_space<vmem>>) dst(%dma_wait3A_258 : memref<128x256xf32, #tpu.memory_space<hbm>>)
    %dma_start3A_259 = arith.constant 12 : i32
    %dma_start3A_260 = arith.constant 0 : i32
    %dma_start3A_261 = tpu.memref_slice %arg8[%dma_start3A_259, %dma_start3A_260] : memref<24x128xi32, #tpu.memory_space<vmem>> -> memref<1x128xi32, #tpu.memory_space<vmem>>
    %dma_start3A_262 = tpu.memref_squeeze %dma_start3A_261 : memref<1x128xi32, #tpu.memory_space<vmem>> -> memref<128xi32, #tpu.memory_space<vmem>>
    %dma_start3A_263 = arith.constant 0 : i32
    %dma_start3A_264 = arith.constant 0 : i32
    %dma_start3A_265 = tpu.memref_slice %arg2[%dma_start3A_263, %dma_start3A_264] : memref<100000x256xf32, #tpu.memory_space<hbm>> -> memref<100000x256xf32, #tpu.memory_space<hbm>>
    tpu.enqueue_indirect_dma source(%dma_start3A_265 : memref<100000x256xf32, #tpu.memory_space<hbm>>) target(%arg9 : memref<128x256xf32, #tpu.memory_space<vmem>>) offsets(%dma_start3A_262 : memref<128xi32, #tpu.memory_space<vmem>>) semaphore(%arg14 : memref<!tpu.dma_semaphore, #tpu.memory_space<semaphore_mem>>)
    %dma_wait3A_266 = arith.constant 10 : i32
    %dma_wait3A_267 = arith.constant 0 : i32
    %dma_wait3A_268 = tpu.memref_slice %arg8[%dma_wait3A_266, %dma_wait3A_267] : memref<24x128xi32, #tpu.memory_space<vmem>> -> memref<1x128xi32, #tpu.memory_space<vmem>>
    %dma_wait3A_269 = tpu.memref_squeeze %dma_wait3A_268 : memref<1x128xi32, #tpu.memory_space<vmem>> -> memref<128xi32, #tpu.memory_space<vmem>>
    %dma_wait3A_270 = arith.constant 0 : i32
    %dma_wait3A_271 = arith.constant 0 : i32
    %dma_wait3A_272 = tpu.memref_slice %arg2[%dma_wait3A_270, %dma_wait3A_271] : memref<100000x256xf32, #tpu.memory_space<hbm>> -> memref<100000x256xf32, #tpu.memory_space<hbm>>
    tpu.wait_indirect_dma semaphore(%arg15 : memref<!tpu.dma_semaphore, #tpu.memory_space<semaphore_mem>>) src(%dma_wait3A_272 : memref<100000x256xf32, #tpu.memory_space<hbm>>) dst(%arg10 : memref<128x256xf32, #tpu.memory_space<vmem>>)
    %add3A_273 = arith.constant 1280 : i32
    %add3A_274 = arith.addi %mul3A_2, %add3A_273 : i32
    %dma_start3A_275 = arith.constant 0 : i32
    %dma_start3A_276 = tpu.memref_slice %arg6[%add3A_274, %dma_start3A_275] : memref<98304x256xf32, #tpu.memory_space<hbm>> -> memref<128x256xf32, #tpu.memory_space<hbm>>
    %dma_start3A_277 = arith.constant 0 : i32
    %dma_start3A_278 = tpu.memref_slice %arg6[%add3A_274, %dma_start3A_277] : memref<98304x256xf32, #tpu.memory_space<hbm>> -> memref<128x256xf32, #tpu.memory_space<hbm>>
    tpu.enqueue_dma source(%arg10 : memref<128x256xf32, #tpu.memory_space<vmem>>) target(%dma_start3A_278 : memref<128x256xf32, #tpu.memory_space<hbm>>) target_semaphore(%arg18 : memref<!tpu.dma_semaphore, #tpu.memory_space<semaphore_mem>>)
    %dma_wait3A_279 = arith.constant 0 : i32
    %dma_wait3A_280 = tpu.memref_slice %arg6[%add3A_274, %dma_wait3A_279] : memref<98304x256xf32, #tpu.memory_space<hbm>> -> memref<128x256xf32, #tpu.memory_space<hbm>>
    %dma_wait3A_281 = arith.constant 0 : i32
    %dma_wait3A_282 = tpu.memref_slice %arg6[%add3A_274, %dma_wait3A_281] : memref<98304x256xf32, #tpu.memory_space<hbm>> -> memref<128x256xf32, #tpu.memory_space<hbm>>
    tpu.wait_dma2 semaphore(%arg18 : memref<!tpu.dma_semaphore, #tpu.memory_space<semaphore_mem>>) src(%arg10 : memref<128x256xf32, #tpu.memory_space<vmem>>) dst(%dma_wait3A_282 : memref<128x256xf32, #tpu.memory_space<hbm>>)
    %dma_start3A_283 = arith.constant 13 : i32
    %dma_start3A_284 = arith.constant 0 : i32
    %dma_start3A_285 = tpu.memref_slice %arg8[%dma_start3A_283, %dma_start3A_284] : memref<24x128xi32, #tpu.memory_space<vmem>> -> memref<1x128xi32, #tpu.memory_space<vmem>>
    %dma_start3A_286 = tpu.memref_squeeze %dma_start3A_285 : memref<1x128xi32, #tpu.memory_space<vmem>> -> memref<128xi32, #tpu.memory_space<vmem>>
    %dma_start3A_287 = arith.constant 0 : i32
    %dma_start3A_288 = arith.constant 0 : i32
    %dma_start3A_289 = tpu.memref_slice %arg2[%dma_start3A_287, %dma_start3A_288] : memref<100000x256xf32, #tpu.memory_space<hbm>> -> memref<100000x256xf32, #tpu.memory_space<hbm>>
    tpu.enqueue_indirect_dma source(%dma_start3A_289 : memref<100000x256xf32, #tpu.memory_space<hbm>>) target(%arg10 : memref<128x256xf32, #tpu.memory_space<vmem>>) offsets(%dma_start3A_286 : memref<128xi32, #tpu.memory_space<vmem>>) semaphore(%arg15 : memref<!tpu.dma_semaphore, #tpu.memory_space<semaphore_mem>>)
    %dma_wait3A_290 = arith.constant 11 : i32
    %dma_wait3A_291 = arith.constant 0 : i32
    %dma_wait3A_292 = tpu.memref_slice %arg8[%dma_wait3A_290, %dma_wait3A_291] : memref<24x128xi32, #tpu.memory_space<vmem>> -> memref<1x128xi32, #tpu.memory_space<vmem>>
    %dma_wait3A_293 = tpu.memref_squeeze %dma_wait3A_292 : memref<1x128xi32, #tpu.memory_space<vmem>> -> memref<128xi32, #tpu.memory_space<vmem>>
    %dma_wait3A_294 = arith.constant 0 : i32
    %dma_wait3A_295 = arith.constant 0 : i32
    %dma_wait3A_296 = tpu.memref_slice %arg2[%dma_wait3A_294, %dma_wait3A_295] : memref<100000x256xf32, #tpu.memory_space<hbm>> -> memref<100000x256xf32, #tpu.memory_space<hbm>>
    tpu.wait_indirect_dma semaphore(%arg16 : memref<!tpu.dma_semaphore, #tpu.memory_space<semaphore_mem>>) src(%dma_wait3A_296 : memref<100000x256xf32, #tpu.memory_space<hbm>>) dst(%arg11 : memref<128x256xf32, #tpu.memory_space<vmem>>)
    %add3A_297 = arith.constant 1408 : i32
    %add3A_298 = arith.addi %mul3A_2, %add3A_297 : i32
    %dma_start3A_299 = arith.constant 0 : i32
    %dma_start3A_300 = tpu.memref_slice %arg6[%add3A_298, %dma_start3A_299] : memref<98304x256xf32, #tpu.memory_space<hbm>> -> memref<128x256xf32, #tpu.memory_space<hbm>>
    %dma_start3A_301 = arith.constant 0 : i32
    %dma_start3A_302 = tpu.memref_slice %arg6[%add3A_298, %dma_start3A_301] : memref<98304x256xf32, #tpu.memory_space<hbm>> -> memref<128x256xf32, #tpu.memory_space<hbm>>
    tpu.enqueue_dma source(%arg11 : memref<128x256xf32, #tpu.memory_space<vmem>>) target(%dma_start3A_302 : memref<128x256xf32, #tpu.memory_space<hbm>>) target_semaphore(%arg19 : memref<!tpu.dma_semaphore, #tpu.memory_space<semaphore_mem>>)
    %dma_wait3A_303 = arith.constant 0 : i32
    %dma_wait3A_304 = tpu.memref_slice %arg6[%add3A_298, %dma_wait3A_303] : memref<98304x256xf32, #tpu.memory_space<hbm>> -> memref<128x256xf32, #tpu.memory_space<hbm>>
    %dma_wait3A_305 = arith.constant 0 : i32
    %dma_wait3A_306 = tpu.memref_slice %arg6[%add3A_298, %dma_wait3A_305] : memref<98304x256xf32, #tpu.memory_space<hbm>> -> memref<128x256xf32, #tpu.memory_space<hbm>>
    tpu.wait_dma2 semaphore(%arg19 : memref<!tpu.dma_semaphore, #tpu.memory_space<semaphore_mem>>) src(%arg11 : memref<128x256xf32, #tpu.memory_space<vmem>>) dst(%dma_wait3A_306 : memref<128x256xf32, #tpu.memory_space<hbm>>)
    %dma_start3A_307 = arith.constant 14 : i32
    %dma_start3A_308 = arith.constant 0 : i32
    %dma_start3A_309 = tpu.memref_slice %arg8[%dma_start3A_307, %dma_start3A_308] : memref<24x128xi32, #tpu.memory_space<vmem>> -> memref<1x128xi32, #tpu.memory_space<vmem>>
    %dma_start3A_310 = tpu.memref_squeeze %dma_start3A_309 : memref<1x128xi32, #tpu.memory_space<vmem>> -> memref<128xi32, #tpu.memory_space<vmem>>
    %dma_start3A_311 = arith.constant 0 : i32
    %dma_start3A_312 = arith.constant 0 : i32
    %dma_start3A_313 = tpu.memref_slice %arg2[%dma_start3A_311, %dma_start3A_312] : memref<100000x256xf32, #tpu.memory_space<hbm>> -> memref<100000x256xf32, #tpu.memory_space<hbm>>
    tpu.enqueue_indirect_dma source(%dma_start3A_313 : memref<100000x256xf32, #tpu.memory_space<hbm>>) target(%arg11 : memref<128x256xf32, #tpu.memory_space<vmem>>) offsets(%dma_start3A_310 : memref<128xi32, #tpu.memory_space<vmem>>) semaphore(%arg16 : memref<!tpu.dma_semaphore, #tpu.memory_space<semaphore_mem>>)
    %dma_wait3A_314 = arith.constant 12 : i32
    %dma_wait3A_315 = arith.constant 0 : i32
    %dma_wait3A_316 = tpu.memref_slice %arg8[%dma_wait3A_314, %dma_wait3A_315] : memref<24x128xi32, #tpu.memory_space<vmem>> -> memref<1x128xi32, #tpu.memory_space<vmem>>
    %dma_wait3A_317 = tpu.memref_squeeze %dma_wait3A_316 : memref<1x128xi32, #tpu.memory_space<vmem>> -> memref<128xi32, #tpu.memory_space<vmem>>
    %dma_wait3A_318 = arith.constant 0 : i32
    %dma_wait3A_319 = arith.constant 0 : i32
    %dma_wait3A_320 = tpu.memref_slice %arg2[%dma_wait3A_318, %dma_wait3A_319] : memref<100000x256xf32, #tpu.memory_space<hbm>> -> memref<100000x256xf32, #tpu.memory_space<hbm>>
    tpu.wait_indirect_dma semaphore(%arg14 : memref<!tpu.dma_semaphore, #tpu.memory_space<semaphore_mem>>) src(%dma_wait3A_320 : memref<100000x256xf32, #tpu.memory_space<hbm>>) dst(%arg9 : memref<128x256xf32, #tpu.memory_space<vmem>>)
    %add3A_321 = arith.constant 1536 : i32
    %add3A_322 = arith.addi %mul3A_2, %add3A_321 : i32
    %dma_start3A_323 = arith.constant 0 : i32
    %dma_start3A_324 = tpu.memref_slice %arg6[%add3A_322, %dma_start3A_323] : memref<98304x256xf32, #tpu.memory_space<hbm>> -> memref<128x256xf32, #tpu.memory_space<hbm>>
    %dma_start3A_325 = arith.constant 0 : i32
    %dma_start3A_326 = tpu.memref_slice %arg6[%add3A_322, %dma_start3A_325] : memref<98304x256xf32, #tpu.memory_space<hbm>> -> memref<128x256xf32, #tpu.memory_space<hbm>>
    tpu.enqueue_dma source(%arg9 : memref<128x256xf32, #tpu.memory_space<vmem>>) target(%dma_start3A_326 : memref<128x256xf32, #tpu.memory_space<hbm>>) target_semaphore(%arg17 : memref<!tpu.dma_semaphore, #tpu.memory_space<semaphore_mem>>)
    %dma_wait3A_327 = arith.constant 0 : i32
    %dma_wait3A_328 = tpu.memref_slice %arg6[%add3A_322, %dma_wait3A_327] : memref<98304x256xf32, #tpu.memory_space<hbm>> -> memref<128x256xf32, #tpu.memory_space<hbm>>
    %dma_wait3A_329 = arith.constant 0 : i32
    %dma_wait3A_330 = tpu.memref_slice %arg6[%add3A_322, %dma_wait3A_329] : memref<98304x256xf32, #tpu.memory_space<hbm>> -> memref<128x256xf32, #tpu.memory_space<hbm>>
    tpu.wait_dma2 semaphore(%arg17 : memref<!tpu.dma_semaphore, #tpu.memory_space<semaphore_mem>>) src(%arg9 : memref<128x256xf32, #tpu.memory_space<vmem>>) dst(%dma_wait3A_330 : memref<128x256xf32, #tpu.memory_space<hbm>>)
    %dma_start3A_331 = arith.constant 15 : i32
    %dma_start3A_332 = arith.constant 0 : i32
    %dma_start3A_333 = tpu.memref_slice %arg8[%dma_start3A_331, %dma_start3A_332] : memref<24x128xi32, #tpu.memory_space<vmem>> -> memref<1x128xi32, #tpu.memory_space<vmem>>
    %dma_start3A_334 = tpu.memref_squeeze %dma_start3A_333 : memref<1x128xi32, #tpu.memory_space<vmem>> -> memref<128xi32, #tpu.memory_space<vmem>>
    %dma_start3A_335 = arith.constant 0 : i32
    %dma_start3A_336 = arith.constant 0 : i32
    %dma_start3A_337 = tpu.memref_slice %arg2[%dma_start3A_335, %dma_start3A_336] : memref<100000x256xf32, #tpu.memory_space<hbm>> -> memref<100000x256xf32, #tpu.memory_space<hbm>>
    tpu.enqueue_indirect_dma source(%dma_start3A_337 : memref<100000x256xf32, #tpu.memory_space<hbm>>) target(%arg9 : memref<128x256xf32, #tpu.memory_space<vmem>>) offsets(%dma_start3A_334 : memref<128xi32, #tpu.memory_space<vmem>>) semaphore(%arg14 : memref<!tpu.dma_semaphore, #tpu.memory_space<semaphore_mem>>)
    %dma_wait3A_338 = arith.constant 13 : i32
    %dma_wait3A_339 = arith.constant 0 : i32
    %dma_wait3A_340 = tpu.memref_slice %arg8[%dma_wait3A_338, %dma_wait3A_339] : memref<24x128xi32, #tpu.memory_space<vmem>> -> memref<1x128xi32, #tpu.memory_space<vmem>>
    %dma_wait3A_341 = tpu.memref_squeeze %dma_wait3A_340 : memref<1x128xi32, #tpu.memory_space<vmem>> -> memref<128xi32, #tpu.memory_space<vmem>>
    %dma_wait3A_342 = arith.constant 0 : i32
    %dma_wait3A_343 = arith.constant 0 : i32
    %dma_wait3A_344 = tpu.memref_slice %arg2[%dma_wait3A_342, %dma_wait3A_343] : memref<100000x256xf32, #tpu.memory_space<hbm>> -> memref<100000x256xf32, #tpu.memory_space<hbm>>
    tpu.wait_indirect_dma semaphore(%arg15 : memref<!tpu.dma_semaphore, #tpu.memory_space<semaphore_mem>>) src(%dma_wait3A_344 : memref<100000x256xf32, #tpu.memory_space<hbm>>) dst(%arg10 : memref<128x256xf32, #tpu.memory_space<vmem>>)
    %add3A_345 = arith.constant 1664 : i32
    %add3A_346 = arith.addi %mul3A_2, %add3A_345 : i32
    %dma_start3A_347 = arith.constant 0 : i32
    %dma_start3A_348 = tpu.memref_slice %arg6[%add3A_346, %dma_start3A_347] : memref<98304x256xf32, #tpu.memory_space<hbm>> -> memref<128x256xf32, #tpu.memory_space<hbm>>
    %dma_start3A_349 = arith.constant 0 : i32
    %dma_start3A_350 = tpu.memref_slice %arg6[%add3A_346, %dma_start3A_349] : memref<98304x256xf32, #tpu.memory_space<hbm>> -> memref<128x256xf32, #tpu.memory_space<hbm>>
    tpu.enqueue_dma source(%arg10 : memref<128x256xf32, #tpu.memory_space<vmem>>) target(%dma_start3A_350 : memref<128x256xf32, #tpu.memory_space<hbm>>) target_semaphore(%arg18 : memref<!tpu.dma_semaphore, #tpu.memory_space<semaphore_mem>>)
    %dma_wait3A_351 = arith.constant 0 : i32
    %dma_wait3A_352 = tpu.memref_slice %arg6[%add3A_346, %dma_wait3A_351] : memref<98304x256xf32, #tpu.memory_space<hbm>> -> memref<128x256xf32, #tpu.memory_space<hbm>>
    %dma_wait3A_353 = arith.constant 0 : i32
    %dma_wait3A_354 = tpu.memref_slice %arg6[%add3A_346, %dma_wait3A_353] : memref<98304x256xf32, #tpu.memory_space<hbm>> -> memref<128x256xf32, #tpu.memory_space<hbm>>
    tpu.wait_dma2 semaphore(%arg18 : memref<!tpu.dma_semaphore, #tpu.memory_space<semaphore_mem>>) src(%arg10 : memref<128x256xf32, #tpu.memory_space<vmem>>) dst(%dma_wait3A_354 : memref<128x256xf32, #tpu.memory_space<hbm>>)
    %dma_start3A_355 = arith.constant 16 : i32
    %dma_start3A_356 = arith.constant 0 : i32
    %dma_start3A_357 = tpu.memref_slice %arg8[%dma_start3A_355, %dma_start3A_356] : memref<24x128xi32, #tpu.memory_space<vmem>> -> memref<1x128xi32, #tpu.memory_space<vmem>>
    %dma_start3A_358 = tpu.memref_squeeze %dma_start3A_357 : memref<1x128xi32, #tpu.memory_space<vmem>> -> memref<128xi32, #tpu.memory_space<vmem>>
    %dma_start3A_359 = arith.constant 0 : i32
    %dma_start3A_360 = arith.constant 0 : i32
    %dma_start3A_361 = tpu.memref_slice %arg2[%dma_start3A_359, %dma_start3A_360] : memref<100000x256xf32, #tpu.memory_space<hbm>> -> memref<100000x256xf32, #tpu.memory_space<hbm>>
    tpu.enqueue_indirect_dma source(%dma_start3A_361 : memref<100000x256xf32, #tpu.memory_space<hbm>>) target(%arg10 : memref<128x256xf32, #tpu.memory_space<vmem>>) offsets(%dma_start3A_358 : memref<128xi32, #tpu.memory_space<vmem>>) semaphore(%arg15 : memref<!tpu.dma_semaphore, #tpu.memory_space<semaphore_mem>>)
    %dma_wait3A_362 = arith.constant 14 : i32
    %dma_wait3A_363 = arith.constant 0 : i32
    %dma_wait3A_364 = tpu.memref_slice %arg8[%dma_wait3A_362, %dma_wait3A_363] : memref<24x128xi32, #tpu.memory_space<vmem>> -> memref<1x128xi32, #tpu.memory_space<vmem>>
    %dma_wait3A_365 = tpu.memref_squeeze %dma_wait3A_364 : memref<1x128xi32, #tpu.memory_space<vmem>> -> memref<128xi32, #tpu.memory_space<vmem>>
    %dma_wait3A_366 = arith.constant 0 : i32
    %dma_wait3A_367 = arith.constant 0 : i32
    %dma_wait3A_368 = tpu.memref_slice %arg2[%dma_wait3A_366, %dma_wait3A_367] : memref<100000x256xf32, #tpu.memory_space<hbm>> -> memref<100000x256xf32, #tpu.memory_space<hbm>>
    tpu.wait_indirect_dma semaphore(%arg16 : memref<!tpu.dma_semaphore, #tpu.memory_space<semaphore_mem>>) src(%dma_wait3A_368 : memref<100000x256xf32, #tpu.memory_space<hbm>>) dst(%arg11 : memref<128x256xf32, #tpu.memory_space<vmem>>)
    %add3A_369 = arith.constant 1792 : i32
    %add3A_370 = arith.addi %mul3A_2, %add3A_369 : i32
    %dma_start3A_371 = arith.constant 0 : i32
    %dma_start3A_372 = tpu.memref_slice %arg6[%add3A_370, %dma_start3A_371] : memref<98304x256xf32, #tpu.memory_space<hbm>> -> memref<128x256xf32, #tpu.memory_space<hbm>>
    %dma_start3A_373 = arith.constant 0 : i32
    %dma_start3A_374 = tpu.memref_slice %arg6[%add3A_370, %dma_start3A_373] : memref<98304x256xf32, #tpu.memory_space<hbm>> -> memref<128x256xf32, #tpu.memory_space<hbm>>
    tpu.enqueue_dma source(%arg11 : memref<128x256xf32, #tpu.memory_space<vmem>>) target(%dma_start3A_374 : memref<128x256xf32, #tpu.memory_space<hbm>>) target_semaphore(%arg19 : memref<!tpu.dma_semaphore, #tpu.memory_space<semaphore_mem>>)
    %dma_wait3A_375 = arith.constant 0 : i32
    %dma_wait3A_376 = tpu.memref_slice %arg6[%add3A_370, %dma_wait3A_375] : memref<98304x256xf32, #tpu.memory_space<hbm>> -> memref<128x256xf32, #tpu.memory_space<hbm>>
    %dma_wait3A_377 = arith.constant 0 : i32
    %dma_wait3A_378 = tpu.memref_slice %arg6[%add3A_370, %dma_wait3A_377] : memref<98304x256xf32, #tpu.memory_space<hbm>> -> memref<128x256xf32, #tpu.memory_space<hbm>>
    tpu.wait_dma2 semaphore(%arg19 : memref<!tpu.dma_semaphore, #tpu.memory_space<semaphore_mem>>) src(%arg11 : memref<128x256xf32, #tpu.memory_space<vmem>>) dst(%dma_wait3A_378 : memref<128x256xf32, #tpu.memory_space<hbm>>)
    %dma_start3A_379 = arith.constant 17 : i32
    %dma_start3A_380 = arith.constant 0 : i32
    %dma_start3A_381 = tpu.memref_slice %arg8[%dma_start3A_379, %dma_start3A_380] : memref<24x128xi32, #tpu.memory_space<vmem>> -> memref<1x128xi32, #tpu.memory_space<vmem>>
    %dma_start3A_382 = tpu.memref_squeeze %dma_start3A_381 : memref<1x128xi32, #tpu.memory_space<vmem>> -> memref<128xi32, #tpu.memory_space<vmem>>
    %dma_start3A_383 = arith.constant 0 : i32
    %dma_start3A_384 = arith.constant 0 : i32
    %dma_start3A_385 = tpu.memref_slice %arg2[%dma_start3A_383, %dma_start3A_384] : memref<100000x256xf32, #tpu.memory_space<hbm>> -> memref<100000x256xf32, #tpu.memory_space<hbm>>
    tpu.enqueue_indirect_dma source(%dma_start3A_385 : memref<100000x256xf32, #tpu.memory_space<hbm>>) target(%arg11 : memref<128x256xf32, #tpu.memory_space<vmem>>) offsets(%dma_start3A_382 : memref<128xi32, #tpu.memory_space<vmem>>) semaphore(%arg16 : memref<!tpu.dma_semaphore, #tpu.memory_space<semaphore_mem>>)
    %dma_wait3A_386 = arith.constant 15 : i32
    %dma_wait3A_387 = arith.constant 0 : i32
    %dma_wait3A_388 = tpu.memref_slice %arg8[%dma_wait3A_386, %dma_wait3A_387] : memref<24x128xi32, #tpu.memory_space<vmem>> -> memref<1x128xi32, #tpu.memory_space<vmem>>
    %dma_wait3A_389 = tpu.memref_squeeze %dma_wait3A_388 : memref<1x128xi32, #tpu.memory_space<vmem>> -> memref<128xi32, #tpu.memory_space<vmem>>
    %dma_wait3A_390 = arith.constant 0 : i32
    %dma_wait3A_391 = arith.constant 0 : i32
    %dma_wait3A_392 = tpu.memref_slice %arg2[%dma_wait3A_390, %dma_wait3A_391] : memref<100000x256xf32, #tpu.memory_space<hbm>> -> memref<100000x256xf32, #tpu.memory_space<hbm>>
    tpu.wait_indirect_dma semaphore(%arg14 : memref<!tpu.dma_semaphore, #tpu.memory_space<semaphore_mem>>) src(%dma_wait3A_392 : memref<100000x256xf32, #tpu.memory_space<hbm>>) dst(%arg9 : memref<128x256xf32, #tpu.memory_space<vmem>>)
    %add3A_393 = arith.constant 1920 : i32
    %add3A_394 = arith.addi %mul3A_2, %add3A_393 : i32
    %dma_start3A_395 = arith.constant 0 : i32
    %dma_start3A_396 = tpu.memref_slice %arg6[%add3A_394, %dma_start3A_395] : memref<98304x256xf32, #tpu.memory_space<hbm>> -> memref<128x256xf32, #tpu.memory_space<hbm>>
    %dma_start3A_397 = arith.constant 0 : i32
    %dma_start3A_398 = tpu.memref_slice %arg6[%add3A_394, %dma_start3A_397] : memref<98304x256xf32, #tpu.memory_space<hbm>> -> memref<128x256xf32, #tpu.memory_space<hbm>>
    tpu.enqueue_dma source(%arg9 : memref<128x256xf32, #tpu.memory_space<vmem>>) target(%dma_start3A_398 : memref<128x256xf32, #tpu.memory_space<hbm>>) target_semaphore(%arg17 : memref<!tpu.dma_semaphore, #tpu.memory_space<semaphore_mem>>)
    %dma_wait3A_399 = arith.constant 0 : i32
    %dma_wait3A_400 = tpu.memref_slice %arg6[%add3A_394, %dma_wait3A_399] : memref<98304x256xf32, #tpu.memory_space<hbm>> -> memref<128x256xf32, #tpu.memory_space<hbm>>
    %dma_wait3A_401 = arith.constant 0 : i32
    %dma_wait3A_402 = tpu.memref_slice %arg6[%add3A_394, %dma_wait3A_401] : memref<98304x256xf32, #tpu.memory_space<hbm>> -> memref<128x256xf32, #tpu.memory_space<hbm>>
    tpu.wait_dma2 semaphore(%arg17 : memref<!tpu.dma_semaphore, #tpu.memory_space<semaphore_mem>>) src(%arg9 : memref<128x256xf32, #tpu.memory_space<vmem>>) dst(%dma_wait3A_402 : memref<128x256xf32, #tpu.memory_space<hbm>>)
    %dma_start3A_403 = arith.constant 18 : i32
    %dma_start3A_404 = arith.constant 0 : i32
    %dma_start3A_405 = tpu.memref_slice %arg8[%dma_start3A_403, %dma_start3A_404] : memref<24x128xi32, #tpu.memory_space<vmem>> -> memref<1x128xi32, #tpu.memory_space<vmem>>
    %dma_start3A_406 = tpu.memref_squeeze %dma_start3A_405 : memref<1x128xi32, #tpu.memory_space<vmem>> -> memref<128xi32, #tpu.memory_space<vmem>>
    %dma_start3A_407 = arith.constant 0 : i32
    %dma_start3A_408 = arith.constant 0 : i32
    %dma_start3A_409 = tpu.memref_slice %arg2[%dma_start3A_407, %dma_start3A_408] : memref<100000x256xf32, #tpu.memory_space<hbm>> -> memref<100000x256xf32, #tpu.memory_space<hbm>>
    tpu.enqueue_indirect_dma source(%dma_start3A_409 : memref<100000x256xf32, #tpu.memory_space<hbm>>) target(%arg9 : memref<128x256xf32, #tpu.memory_space<vmem>>) offsets(%dma_start3A_406 : memref<128xi32, #tpu.memory_space<vmem>>) semaphore(%arg14 : memref<!tpu.dma_semaphore, #tpu.memory_space<semaphore_mem>>)
    %dma_wait3A_410 = arith.constant 16 : i32
    %dma_wait3A_411 = arith.constant 0 : i32
    %dma_wait3A_412 = tpu.memref_slice %arg8[%dma_wait3A_410, %dma_wait3A_411] : memref<24x128xi32, #tpu.memory_space<vmem>> -> memref<1x128xi32, #tpu.memory_space<vmem>>
    %dma_wait3A_413 = tpu.memref_squeeze %dma_wait3A_412 : memref<1x128xi32, #tpu.memory_space<vmem>> -> memref<128xi32, #tpu.memory_space<vmem>>
    %dma_wait3A_414 = arith.constant 0 : i32
    %dma_wait3A_415 = arith.constant 0 : i32
    %dma_wait3A_416 = tpu.memref_slice %arg2[%dma_wait3A_414, %dma_wait3A_415] : memref<100000x256xf32, #tpu.memory_space<hbm>> -> memref<100000x256xf32, #tpu.memory_space<hbm>>
    tpu.wait_indirect_dma semaphore(%arg15 : memref<!tpu.dma_semaphore, #tpu.memory_space<semaphore_mem>>) src(%dma_wait3A_416 : memref<100000x256xf32, #tpu.memory_space<hbm>>) dst(%arg10 : memref<128x256xf32, #tpu.memory_space<vmem>>)
    %add3A_417 = arith.constant 2048 : i32
    %add3A_418 = arith.addi %mul3A_2, %add3A_417 : i32
    %dma_start3A_419 = arith.constant 0 : i32
    %dma_start3A_420 = tpu.memref_slice %arg6[%add3A_418, %dma_start3A_419] : memref<98304x256xf32, #tpu.memory_space<hbm>> -> memref<128x256xf32, #tpu.memory_space<hbm>>
    %dma_start3A_421 = arith.constant 0 : i32
    %dma_start3A_422 = tpu.memref_slice %arg6[%add3A_418, %dma_start3A_421] : memref<98304x256xf32, #tpu.memory_space<hbm>> -> memref<128x256xf32, #tpu.memory_space<hbm>>
    tpu.enqueue_dma source(%arg10 : memref<128x256xf32, #tpu.memory_space<vmem>>) target(%dma_start3A_422 : memref<128x256xf32, #tpu.memory_space<hbm>>) target_semaphore(%arg18 : memref<!tpu.dma_semaphore, #tpu.memory_space<semaphore_mem>>)
    %dma_wait3A_423 = arith.constant 0 : i32
    %dma_wait3A_424 = tpu.memref_slice %arg6[%add3A_418, %dma_wait3A_423] : memref<98304x256xf32, #tpu.memory_space<hbm>> -> memref<128x256xf32, #tpu.memory_space<hbm>>
    %dma_wait3A_425 = arith.constant 0 : i32
    %dma_wait3A_426 = tpu.memref_slice %arg6[%add3A_418, %dma_wait3A_425] : memref<98304x256xf32, #tpu.memory_space<hbm>> -> memref<128x256xf32, #tpu.memory_space<hbm>>
    tpu.wait_dma2 semaphore(%arg18 : memref<!tpu.dma_semaphore, #tpu.memory_space<semaphore_mem>>) src(%arg10 : memref<128x256xf32, #tpu.memory_space<vmem>>) dst(%dma_wait3A_426 : memref<128x256xf32, #tpu.memory_space<hbm>>)
    %dma_start3A_427 = arith.constant 19 : i32
    %dma_start3A_428 = arith.constant 0 : i32
    %dma_start3A_429 = tpu.memref_slice %arg8[%dma_start3A_427, %dma_start3A_428] : memref<24x128xi32, #tpu.memory_space<vmem>> -> memref<1x128xi32, #tpu.memory_space<vmem>>
    %dma_start3A_430 = tpu.memref_squeeze %dma_start3A_429 : memref<1x128xi32, #tpu.memory_space<vmem>> -> memref<128xi32, #tpu.memory_space<vmem>>
    %dma_start3A_431 = arith.constant 0 : i32
    %dma_start3A_432 = arith.constant 0 : i32
    %dma_start3A_433 = tpu.memref_slice %arg2[%dma_start3A_431, %dma_start3A_432] : memref<100000x256xf32, #tpu.memory_space<hbm>> -> memref<100000x256xf32, #tpu.memory_space<hbm>>
    tpu.enqueue_indirect_dma source(%dma_start3A_433 : memref<100000x256xf32, #tpu.memory_space<hbm>>) target(%arg10 : memref<128x256xf32, #tpu.memory_space<vmem>>) offsets(%dma_start3A_430 : memref<128xi32, #tpu.memory_space<vmem>>) semaphore(%arg15 : memref<!tpu.dma_semaphore, #tpu.memory_space<semaphore_mem>>)
    %dma_wait3A_434 = arith.constant 17 : i32
    %dma_wait3A_435 = arith.constant 0 : i32
    %dma_wait3A_436 = tpu.memref_slice %arg8[%dma_wait3A_434, %dma_wait3A_435] : memref<24x128xi32, #tpu.memory_space<vmem>> -> memref<1x128xi32, #tpu.memory_space<vmem>>
    %dma_wait3A_437 = tpu.memref_squeeze %dma_wait3A_436 : memref<1x128xi32, #tpu.memory_space<vmem>> -> memref<128xi32, #tpu.memory_space<vmem>>
    %dma_wait3A_438 = arith.constant 0 : i32
    %dma_wait3A_439 = arith.constant 0 : i32
    %dma_wait3A_440 = tpu.memref_slice %arg2[%dma_wait3A_438, %dma_wait3A_439] : memref<100000x256xf32, #tpu.memory_space<hbm>> -> memref<100000x256xf32, #tpu.memory_space<hbm>>
    tpu.wait_indirect_dma semaphore(%arg16 : memref<!tpu.dma_semaphore, #tpu.memory_space<semaphore_mem>>) src(%dma_wait3A_440 : memref<100000x256xf32, #tpu.memory_space<hbm>>) dst(%arg11 : memref<128x256xf32, #tpu.memory_space<vmem>>)
    %add3A_441 = arith.constant 2176 : i32
    %add3A_442 = arith.addi %mul3A_2, %add3A_441 : i32
    %dma_start3A_443 = arith.constant 0 : i32
    %dma_start3A_444 = tpu.memref_slice %arg6[%add3A_442, %dma_start3A_443] : memref<98304x256xf32, #tpu.memory_space<hbm>> -> memref<128x256xf32, #tpu.memory_space<hbm>>
    %dma_start3A_445 = arith.constant 0 : i32
    %dma_start3A_446 = tpu.memref_slice %arg6[%add3A_442, %dma_start3A_445] : memref<98304x256xf32, #tpu.memory_space<hbm>> -> memref<128x256xf32, #tpu.memory_space<hbm>>
    tpu.enqueue_dma source(%arg11 : memref<128x256xf32, #tpu.memory_space<vmem>>) target(%dma_start3A_446 : memref<128x256xf32, #tpu.memory_space<hbm>>) target_semaphore(%arg19 : memref<!tpu.dma_semaphore, #tpu.memory_space<semaphore_mem>>)
    %dma_wait3A_447 = arith.constant 0 : i32
    %dma_wait3A_448 = tpu.memref_slice %arg6[%add3A_442, %dma_wait3A_447] : memref<98304x256xf32, #tpu.memory_space<hbm>> -> memref<128x256xf32, #tpu.memory_space<hbm>>
    %dma_wait3A_449 = arith.constant 0 : i32
    %dma_wait3A_450 = tpu.memref_slice %arg6[%add3A_442, %dma_wait3A_449] : memref<98304x256xf32, #tpu.memory_space<hbm>> -> memref<128x256xf32, #tpu.memory_space<hbm>>
    tpu.wait_dma2 semaphore(%arg19 : memref<!tpu.dma_semaphore, #tpu.memory_space<semaphore_mem>>) src(%arg11 : memref<128x256xf32, #tpu.memory_space<vmem>>) dst(%dma_wait3A_450 : memref<128x256xf32, #tpu.memory_space<hbm>>)
    %dma_start3A_451 = arith.constant 20 : i32
    %dma_start3A_452 = arith.constant 0 : i32
    %dma_start3A_453 = tpu.memref_slice %arg8[%dma_start3A_451, %dma_start3A_452] : memref<24x128xi32, #tpu.memory_space<vmem>> -> memref<1x128xi32, #tpu.memory_space<vmem>>
    %dma_start3A_454 = tpu.memref_squeeze %dma_start3A_453 : memref<1x128xi32, #tpu.memory_space<vmem>> -> memref<128xi32, #tpu.memory_space<vmem>>
    %dma_start3A_455 = arith.constant 0 : i32
    %dma_start3A_456 = arith.constant 0 : i32
    %dma_start3A_457 = tpu.memref_slice %arg2[%dma_start3A_455, %dma_start3A_456] : memref<100000x256xf32, #tpu.memory_space<hbm>> -> memref<100000x256xf32, #tpu.memory_space<hbm>>
    tpu.enqueue_indirect_dma source(%dma_start3A_457 : memref<100000x256xf32, #tpu.memory_space<hbm>>) target(%arg11 : memref<128x256xf32, #tpu.memory_space<vmem>>) offsets(%dma_start3A_454 : memref<128xi32, #tpu.memory_space<vmem>>) semaphore(%arg16 : memref<!tpu.dma_semaphore, #tpu.memory_space<semaphore_mem>>)
    %dma_wait3A_458 = arith.constant 18 : i32
    %dma_wait3A_459 = arith.constant 0 : i32
    %dma_wait3A_460 = tpu.memref_slice %arg8[%dma_wait3A_458, %dma_wait3A_459] : memref<24x128xi32, #tpu.memory_space<vmem>> -> memref<1x128xi32, #tpu.memory_space<vmem>>
    %dma_wait3A_461 = tpu.memref_squeeze %dma_wait3A_460 : memref<1x128xi32, #tpu.memory_space<vmem>> -> memref<128xi32, #tpu.memory_space<vmem>>
    %dma_wait3A_462 = arith.constant 0 : i32
    %dma_wait3A_463 = arith.constant 0 : i32
    %dma_wait3A_464 = tpu.memref_slice %arg2[%dma_wait3A_462, %dma_wait3A_463] : memref<100000x256xf32, #tpu.memory_space<hbm>> -> memref<100000x256xf32, #tpu.memory_space<hbm>>
    tpu.wait_indirect_dma semaphore(%arg14 : memref<!tpu.dma_semaphore, #tpu.memory_space<semaphore_mem>>) src(%dma_wait3A_464 : memref<100000x256xf32, #tpu.memory_space<hbm>>) dst(%arg9 : memref<128x256xf32, #tpu.memory_space<vmem>>)
    %add3A_465 = arith.constant 2304 : i32
    %add3A_466 = arith.addi %mul3A_2, %add3A_465 : i32
    %dma_start3A_467 = arith.constant 0 : i32
    %dma_start3A_468 = tpu.memref_slice %arg6[%add3A_466, %dma_start3A_467] : memref<98304x256xf32, #tpu.memory_space<hbm>> -> memref<128x256xf32, #tpu.memory_space<hbm>>
    %dma_start3A_469 = arith.constant 0 : i32
    %dma_start3A_470 = tpu.memref_slice %arg6[%add3A_466, %dma_start3A_469] : memref<98304x256xf32, #tpu.memory_space<hbm>> -> memref<128x256xf32, #tpu.memory_space<hbm>>
    tpu.enqueue_dma source(%arg9 : memref<128x256xf32, #tpu.memory_space<vmem>>) target(%dma_start3A_470 : memref<128x256xf32, #tpu.memory_space<hbm>>) target_semaphore(%arg17 : memref<!tpu.dma_semaphore, #tpu.memory_space<semaphore_mem>>)
    %dma_wait3A_471 = arith.constant 0 : i32
    %dma_wait3A_472 = tpu.memref_slice %arg6[%add3A_466, %dma_wait3A_471] : memref<98304x256xf32, #tpu.memory_space<hbm>> -> memref<128x256xf32, #tpu.memory_space<hbm>>
    %dma_wait3A_473 = arith.constant 0 : i32
    %dma_wait3A_474 = tpu.memref_slice %arg6[%add3A_466, %dma_wait3A_473] : memref<98304x256xf32, #tpu.memory_space<hbm>> -> memref<128x256xf32, #tpu.memory_space<hbm>>
    tpu.wait_dma2 semaphore(%arg17 : memref<!tpu.dma_semaphore, #tpu.memory_space<semaphore_mem>>) src(%arg9 : memref<128x256xf32, #tpu.memory_space<vmem>>) dst(%dma_wait3A_474 : memref<128x256xf32, #tpu.memory_space<hbm>>)
    %dma_start3A_475 = arith.constant 21 : i32
    %dma_start3A_476 = arith.constant 0 : i32
    %dma_start3A_477 = tpu.memref_slice %arg8[%dma_start3A_475, %dma_start3A_476] : memref<24x128xi32, #tpu.memory_space<vmem>> -> memref<1x128xi32, #tpu.memory_space<vmem>>
    %dma_start3A_478 = tpu.memref_squeeze %dma_start3A_477 : memref<1x128xi32, #tpu.memory_space<vmem>> -> memref<128xi32, #tpu.memory_space<vmem>>
    %dma_start3A_479 = arith.constant 0 : i32
    %dma_start3A_480 = arith.constant 0 : i32
    %dma_start3A_481 = tpu.memref_slice %arg2[%dma_start3A_479, %dma_start3A_480] : memref<100000x256xf32, #tpu.memory_space<hbm>> -> memref<100000x256xf32, #tpu.memory_space<hbm>>
    tpu.enqueue_indirect_dma source(%dma_start3A_481 : memref<100000x256xf32, #tpu.memory_space<hbm>>) target(%arg9 : memref<128x256xf32, #tpu.memory_space<vmem>>) offsets(%dma_start3A_478 : memref<128xi32, #tpu.memory_space<vmem>>) semaphore(%arg14 : memref<!tpu.dma_semaphore, #tpu.memory_space<semaphore_mem>>)
    %dma_wait3A_482 = arith.constant 19 : i32
    %dma_wait3A_483 = arith.constant 0 : i32
    %dma_wait3A_484 = tpu.memref_slice %arg8[%dma_wait3A_482, %dma_wait3A_483] : memref<24x128xi32, #tpu.memory_space<vmem>> -> memref<1x128xi32, #tpu.memory_space<vmem>>
    %dma_wait3A_485 = tpu.memref_squeeze %dma_wait3A_484 : memref<1x128xi32, #tpu.memory_space<vmem>> -> memref<128xi32, #tpu.memory_space<vmem>>
    %dma_wait3A_486 = arith.constant 0 : i32
    %dma_wait3A_487 = arith.constant 0 : i32
    %dma_wait3A_488 = tpu.memref_slice %arg2[%dma_wait3A_486, %dma_wait3A_487] : memref<100000x256xf32, #tpu.memory_space<hbm>> -> memref<100000x256xf32, #tpu.memory_space<hbm>>
    tpu.wait_indirect_dma semaphore(%arg15 : memref<!tpu.dma_semaphore, #tpu.memory_space<semaphore_mem>>) src(%dma_wait3A_488 : memref<100000x256xf32, #tpu.memory_space<hbm>>) dst(%arg10 : memref<128x256xf32, #tpu.memory_space<vmem>>)
    %add3A_489 = arith.constant 2432 : i32
    %add3A_490 = arith.addi %mul3A_2, %add3A_489 : i32
    %dma_start3A_491 = arith.constant 0 : i32
    %dma_start3A_492 = tpu.memref_slice %arg6[%add3A_490, %dma_start3A_491] : memref<98304x256xf32, #tpu.memory_space<hbm>> -> memref<128x256xf32, #tpu.memory_space<hbm>>
    %dma_start3A_493 = arith.constant 0 : i32
    %dma_start3A_494 = tpu.memref_slice %arg6[%add3A_490, %dma_start3A_493] : memref<98304x256xf32, #tpu.memory_space<hbm>> -> memref<128x256xf32, #tpu.memory_space<hbm>>
    tpu.enqueue_dma source(%arg10 : memref<128x256xf32, #tpu.memory_space<vmem>>) target(%dma_start3A_494 : memref<128x256xf32, #tpu.memory_space<hbm>>) target_semaphore(%arg18 : memref<!tpu.dma_semaphore, #tpu.memory_space<semaphore_mem>>)
    %dma_wait3A_495 = arith.constant 0 : i32
    %dma_wait3A_496 = tpu.memref_slice %arg6[%add3A_490, %dma_wait3A_495] : memref<98304x256xf32, #tpu.memory_space<hbm>> -> memref<128x256xf32, #tpu.memory_space<hbm>>
    %dma_wait3A_497 = arith.constant 0 : i32
    %dma_wait3A_498 = tpu.memref_slice %arg6[%add3A_490, %dma_wait3A_497] : memref<98304x256xf32, #tpu.memory_space<hbm>> -> memref<128x256xf32, #tpu.memory_space<hbm>>
    tpu.wait_dma2 semaphore(%arg18 : memref<!tpu.dma_semaphore, #tpu.memory_space<semaphore_mem>>) src(%arg10 : memref<128x256xf32, #tpu.memory_space<vmem>>) dst(%dma_wait3A_498 : memref<128x256xf32, #tpu.memory_space<hbm>>)
    %dma_start3A_499 = arith.constant 22 : i32
    %dma_start3A_500 = arith.constant 0 : i32
    %dma_start3A_501 = tpu.memref_slice %arg8[%dma_start3A_499, %dma_start3A_500] : memref<24x128xi32, #tpu.memory_space<vmem>> -> memref<1x128xi32, #tpu.memory_space<vmem>>
    %dma_start3A_502 = tpu.memref_squeeze %dma_start3A_501 : memref<1x128xi32, #tpu.memory_space<vmem>> -> memref<128xi32, #tpu.memory_space<vmem>>
    %dma_start3A_503 = arith.constant 0 : i32
    %dma_start3A_504 = arith.constant 0 : i32
    %dma_start3A_505 = tpu.memref_slice %arg2[%dma_start3A_503, %dma_start3A_504] : memref<100000x256xf32, #tpu.memory_space<hbm>> -> memref<100000x256xf32, #tpu.memory_space<hbm>>
    tpu.enqueue_indirect_dma source(%dma_start3A_505 : memref<100000x256xf32, #tpu.memory_space<hbm>>) target(%arg10 : memref<128x256xf32, #tpu.memory_space<vmem>>) offsets(%dma_start3A_502 : memref<128xi32, #tpu.memory_space<vmem>>) semaphore(%arg15 : memref<!tpu.dma_semaphore, #tpu.memory_space<semaphore_mem>>)
    %dma_wait3A_506 = arith.constant 20 : i32
    %dma_wait3A_507 = arith.constant 0 : i32
    %dma_wait3A_508 = tpu.memref_slice %arg8[%dma_wait3A_506, %dma_wait3A_507] : memref<24x128xi32, #tpu.memory_space<vmem>> -> memref<1x128xi32, #tpu.memory_space<vmem>>
    %dma_wait3A_509 = tpu.memref_squeeze %dma_wait3A_508 : memref<1x128xi32, #tpu.memory_space<vmem>> -> memref<128xi32, #tpu.memory_space<vmem>>
    %dma_wait3A_510 = arith.constant 0 : i32
    %dma_wait3A_511 = arith.constant 0 : i32
    %dma_wait3A_512 = tpu.memref_slice %arg2[%dma_wait3A_510, %dma_wait3A_511] : memref<100000x256xf32, #tpu.memory_space<hbm>> -> memref<100000x256xf32, #tpu.memory_space<hbm>>
    tpu.wait_indirect_dma semaphore(%arg16 : memref<!tpu.dma_semaphore, #tpu.memory_space<semaphore_mem>>) src(%dma_wait3A_512 : memref<100000x256xf32, #tpu.memory_space<hbm>>) dst(%arg11 : memref<128x256xf32, #tpu.memory_space<vmem>>)
    %add3A_513 = arith.constant 2560 : i32
    %add3A_514 = arith.addi %mul3A_2, %add3A_513 : i32
    %dma_start3A_515 = arith.constant 0 : i32
    %dma_start3A_516 = tpu.memref_slice %arg6[%add3A_514, %dma_start3A_515] : memref<98304x256xf32, #tpu.memory_space<hbm>> -> memref<128x256xf32, #tpu.memory_space<hbm>>
    %dma_start3A_517 = arith.constant 0 : i32
    %dma_start3A_518 = tpu.memref_slice %arg6[%add3A_514, %dma_start3A_517] : memref<98304x256xf32, #tpu.memory_space<hbm>> -> memref<128x256xf32, #tpu.memory_space<hbm>>
    tpu.enqueue_dma source(%arg11 : memref<128x256xf32, #tpu.memory_space<vmem>>) target(%dma_start3A_518 : memref<128x256xf32, #tpu.memory_space<hbm>>) target_semaphore(%arg19 : memref<!tpu.dma_semaphore, #tpu.memory_space<semaphore_mem>>)
    %dma_wait3A_519 = arith.constant 0 : i32
    %dma_wait3A_520 = tpu.memref_slice %arg6[%add3A_514, %dma_wait3A_519] : memref<98304x256xf32, #tpu.memory_space<hbm>> -> memref<128x256xf32, #tpu.memory_space<hbm>>
    %dma_wait3A_521 = arith.constant 0 : i32
    %dma_wait3A_522 = tpu.memref_slice %arg6[%add3A_514, %dma_wait3A_521] : memref<98304x256xf32, #tpu.memory_space<hbm>> -> memref<128x256xf32, #tpu.memory_space<hbm>>
    tpu.wait_dma2 semaphore(%arg19 : memref<!tpu.dma_semaphore, #tpu.memory_space<semaphore_mem>>) src(%arg11 : memref<128x256xf32, #tpu.memory_space<vmem>>) dst(%dma_wait3A_522 : memref<128x256xf32, #tpu.memory_space<hbm>>)
    %dma_start3A_523 = arith.constant 23 : i32
    %dma_start3A_524 = arith.constant 0 : i32
    %dma_start3A_525 = tpu.memref_slice %arg8[%dma_start3A_523, %dma_start3A_524] : memref<24x128xi32, #tpu.memory_space<vmem>> -> memref<1x128xi32, #tpu.memory_space<vmem>>
    %dma_start3A_526 = tpu.memref_squeeze %dma_start3A_525 : memref<1x128xi32, #tpu.memory_space<vmem>> -> memref<128xi32, #tpu.memory_space<vmem>>
    %dma_start3A_527 = arith.constant 0 : i32
    %dma_start3A_528 = arith.constant 0 : i32
    %dma_start3A_529 = tpu.memref_slice %arg2[%dma_start3A_527, %dma_start3A_528] : memref<100000x256xf32, #tpu.memory_space<hbm>> -> memref<100000x256xf32, #tpu.memory_space<hbm>>
    tpu.enqueue_indirect_dma source(%dma_start3A_529 : memref<100000x256xf32, #tpu.memory_space<hbm>>) target(%arg11 : memref<128x256xf32, #tpu.memory_space<vmem>>) offsets(%dma_start3A_526 : memref<128xi32, #tpu.memory_space<vmem>>) semaphore(%arg16 : memref<!tpu.dma_semaphore, #tpu.memory_space<semaphore_mem>>)
    %dma_wait3A_530 = arith.constant 21 : i32
    %dma_wait3A_531 = arith.constant 0 : i32
    %dma_wait3A_532 = tpu.memref_slice %arg8[%dma_wait3A_530, %dma_wait3A_531] : memref<24x128xi32, #tpu.memory_space<vmem>> -> memref<1x128xi32, #tpu.memory_space<vmem>>
    %dma_wait3A_533 = tpu.memref_squeeze %dma_wait3A_532 : memref<1x128xi32, #tpu.memory_space<vmem>> -> memref<128xi32, #tpu.memory_space<vmem>>
    %dma_wait3A_534 = arith.constant 0 : i32
    %dma_wait3A_535 = arith.constant 0 : i32
    %dma_wait3A_536 = tpu.memref_slice %arg2[%dma_wait3A_534, %dma_wait3A_535] : memref<100000x256xf32, #tpu.memory_space<hbm>> -> memref<100000x256xf32, #tpu.memory_space<hbm>>
    tpu.wait_indirect_dma semaphore(%arg14 : memref<!tpu.dma_semaphore, #tpu.memory_space<semaphore_mem>>) src(%dma_wait3A_536 : memref<100000x256xf32, #tpu.memory_space<hbm>>) dst(%arg9 : memref<128x256xf32, #tpu.memory_space<vmem>>)
    %add3A_537 = arith.constant 2688 : i32
    %add3A_538 = arith.addi %mul3A_2, %add3A_537 : i32
    %dma_start3A_539 = arith.constant 0 : i32
    %dma_start3A_540 = tpu.memref_slice %arg6[%add3A_538, %dma_start3A_539] : memref<98304x256xf32, #tpu.memory_space<hbm>> -> memref<128x256xf32, #tpu.memory_space<hbm>>
    %dma_start3A_541 = arith.constant 0 : i32
    %dma_start3A_542 = tpu.memref_slice %arg6[%add3A_538, %dma_start3A_541] : memref<98304x256xf32, #tpu.memory_space<hbm>> -> memref<128x256xf32, #tpu.memory_space<hbm>>
    tpu.enqueue_dma source(%arg9 : memref<128x256xf32, #tpu.memory_space<vmem>>) target(%dma_start3A_542 : memref<128x256xf32, #tpu.memory_space<hbm>>) target_semaphore(%arg17 : memref<!tpu.dma_semaphore, #tpu.memory_space<semaphore_mem>>)
    %dma_wait3A_543 = arith.constant 22 : i32
    %dma_wait3A_544 = arith.constant 0 : i32
    %dma_wait3A_545 = tpu.memref_slice %arg8[%dma_wait3A_543, %dma_wait3A_544] : memref<24x128xi32, #tpu.memory_space<vmem>> -> memref<1x128xi32, #tpu.memory_space<vmem>>
    %dma_wait3A_546 = tpu.memref_squeeze %dma_wait3A_545 : memref<1x128xi32, #tpu.memory_space<vmem>> -> memref<128xi32, #tpu.memory_space<vmem>>
    %dma_wait3A_547 = arith.constant 0 : i32
    %dma_wait3A_548 = arith.constant 0 : i32
    %dma_wait3A_549 = tpu.memref_slice %arg2[%dma_wait3A_547, %dma_wait3A_548] : memref<100000x256xf32, #tpu.memory_space<hbm>> -> memref<100000x256xf32, #tpu.memory_space<hbm>>
    tpu.wait_indirect_dma semaphore(%arg15 : memref<!tpu.dma_semaphore, #tpu.memory_space<semaphore_mem>>) src(%dma_wait3A_549 : memref<100000x256xf32, #tpu.memory_space<hbm>>) dst(%arg10 : memref<128x256xf32, #tpu.memory_space<vmem>>)
    %add3A_550 = arith.constant 2816 : i32
    %add3A_551 = arith.addi %mul3A_2, %add3A_550 : i32
    %dma_start3A_552 = arith.constant 0 : i32
    %dma_start3A_553 = tpu.memref_slice %arg6[%add3A_551, %dma_start3A_552] : memref<98304x256xf32, #tpu.memory_space<hbm>> -> memref<128x256xf32, #tpu.memory_space<hbm>>
    %dma_start3A_554 = arith.constant 0 : i32
    %dma_start3A_555 = tpu.memref_slice %arg6[%add3A_551, %dma_start3A_554] : memref<98304x256xf32, #tpu.memory_space<hbm>> -> memref<128x256xf32, #tpu.memory_space<hbm>>
    tpu.enqueue_dma source(%arg10 : memref<128x256xf32, #tpu.memory_space<vmem>>) target(%dma_start3A_555 : memref<128x256xf32, #tpu.memory_space<hbm>>) target_semaphore(%arg18 : memref<!tpu.dma_semaphore, #tpu.memory_space<semaphore_mem>>)
    %dma_wait3A_556 = arith.constant 23 : i32
    %dma_wait3A_557 = arith.constant 0 : i32
    %dma_wait3A_558 = tpu.memref_slice %arg8[%dma_wait3A_556, %dma_wait3A_557] : memref<24x128xi32, #tpu.memory_space<vmem>> -> memref<1x128xi32, #tpu.memory_space<vmem>>
    %dma_wait3A_559 = tpu.memref_squeeze %dma_wait3A_558 : memref<1x128xi32, #tpu.memory_space<vmem>> -> memref<128xi32, #tpu.memory_space<vmem>>
    %dma_wait3A_560 = arith.constant 0 : i32
    %dma_wait3A_561 = arith.constant 0 : i32
    %dma_wait3A_562 = tpu.memref_slice %arg2[%dma_wait3A_560, %dma_wait3A_561] : memref<100000x256xf32, #tpu.memory_space<hbm>> -> memref<100000x256xf32, #tpu.memory_space<hbm>>
    tpu.wait_indirect_dma semaphore(%arg16 : memref<!tpu.dma_semaphore, #tpu.memory_space<semaphore_mem>>) src(%dma_wait3A_562 : memref<100000x256xf32, #tpu.memory_space<hbm>>) dst(%arg11 : memref<128x256xf32, #tpu.memory_space<vmem>>)
    %add3A_563 = arith.constant 2944 : i32
    %add3A_564 = arith.addi %mul3A_2, %add3A_563 : i32
    %dma_start3A_565 = arith.constant 0 : i32
    %dma_start3A_566 = tpu.memref_slice %arg6[%add3A_564, %dma_start3A_565] : memref<98304x256xf32, #tpu.memory_space<hbm>> -> memref<128x256xf32, #tpu.memory_space<hbm>>
    %dma_start3A_567 = arith.constant 0 : i32
    %dma_start3A_568 = tpu.memref_slice %arg6[%add3A_564, %dma_start3A_567] : memref<98304x256xf32, #tpu.memory_space<hbm>> -> memref<128x256xf32, #tpu.memory_space<hbm>>
    tpu.enqueue_dma source(%arg11 : memref<128x256xf32, #tpu.memory_space<vmem>>) target(%dma_start3A_568 : memref<128x256xf32, #tpu.memory_space<hbm>>) target_semaphore(%arg19 : memref<!tpu.dma_semaphore, #tpu.memory_space<semaphore_mem>>)
    %dma_wait3A_569 = arith.constant 0 : i32
    %dma_wait3A_570 = tpu.memref_slice %arg6[%add3A_538, %dma_wait3A_569] : memref<98304x256xf32, #tpu.memory_space<hbm>> -> memref<128x256xf32, #tpu.memory_space<hbm>>
    %dma_wait3A_571 = arith.constant 0 : i32
    %dma_wait3A_572 = tpu.memref_slice %arg6[%add3A_538, %dma_wait3A_571] : memref<98304x256xf32, #tpu.memory_space<hbm>> -> memref<128x256xf32, #tpu.memory_space<hbm>>
    tpu.wait_dma2 semaphore(%arg17 : memref<!tpu.dma_semaphore, #tpu.memory_space<semaphore_mem>>) src(%arg9 : memref<128x256xf32, #tpu.memory_space<vmem>>) dst(%dma_wait3A_572 : memref<128x256xf32, #tpu.memory_space<hbm>>)
    %dma_wait3A_573 = arith.constant 0 : i32
    %dma_wait3A_574 = tpu.memref_slice %arg6[%add3A_551, %dma_wait3A_573] : memref<98304x256xf32, #tpu.memory_space<hbm>> -> memref<128x256xf32, #tpu.memory_space<hbm>>
    %dma_wait3A_575 = arith.constant 0 : i32
    %dma_wait3A_576 = tpu.memref_slice %arg6[%add3A_551, %dma_wait3A_575] : memref<98304x256xf32, #tpu.memory_space<hbm>> -> memref<128x256xf32, #tpu.memory_space<hbm>>
    tpu.wait_dma2 semaphore(%arg18 : memref<!tpu.dma_semaphore, #tpu.memory_space<semaphore_mem>>) src(%arg10 : memref<128x256xf32, #tpu.memory_space<vmem>>) dst(%dma_wait3A_576 : memref<128x256xf32, #tpu.memory_space<hbm>>)
    %dma_wait3A_577 = arith.constant 0 : i32
    %dma_wait3A_578 = tpu.memref_slice %arg6[%add3A_564, %dma_wait3A_577] : memref<98304x256xf32, #tpu.memory_space<hbm>> -> memref<128x256xf32, #tpu.memory_space<hbm>>
    %dma_wait3A_579 = arith.constant 0 : i32
    %dma_wait3A_580 = tpu.memref_slice %arg6[%add3A_564, %dma_wait3A_579] : memref<98304x256xf32, #tpu.memory_space<hbm>> -> memref<128x256xf32, #tpu.memory_space<hbm>>
    tpu.wait_dma2 semaphore(%arg19 : memref<!tpu.dma_semaphore, #tpu.memory_space<semaphore_mem>>) src(%arg11 : memref<128x256xf32, #tpu.memory_space<vmem>>) dst(%dma_wait3A_580 : memref<128x256xf32, #tpu.memory_space<hbm>>)
    %dma_start3A_581 = arith.constant 0 : i32
    %dma_start3A_582 = tpu.memref_slice %arg12[%dma_start3A_581] : memref<128xi32, #tpu.memory_space<vmem>> -> memref<64xi32, #tpu.memory_space<vmem>>
    %dma_start3A_583 = arith.constant 0 : i32
    %dma_start3A_584 = arith.constant 0 : i32
    %dma_start3A_585 = tpu.memref_slice %arg3[%dma_start3A_583, %dma_start3A_584] : memref<100000x256xf32, #tpu.memory_space<hbm>> -> memref<100000x256xf32, #tpu.memory_space<hbm>>
    tpu.enqueue_indirect_dma source(%dma_start3A_585 : memref<100000x256xf32, #tpu.memory_space<hbm>>) target(%arg13 : memref<64x256xf32, #tpu.memory_space<vmem>>) offsets(%dma_start3A_582 : memref<64xi32, #tpu.memory_space<vmem>>) semaphore(%arg20 : memref<!tpu.dma_semaphore, #tpu.memory_space<semaphore_mem>>)
    %dma_wait3A_586 = arith.constant 0 : i32
    %dma_wait3A_587 = tpu.memref_slice %arg12[%dma_wait3A_586] : memref<128xi32, #tpu.memory_space<vmem>> -> memref<64xi32, #tpu.memory_space<vmem>>
    %dma_wait3A_588 = arith.constant 0 : i32
    %dma_wait3A_589 = arith.constant 0 : i32
    %dma_wait3A_590 = tpu.memref_slice %arg3[%dma_wait3A_588, %dma_wait3A_589] : memref<100000x256xf32, #tpu.memory_space<hbm>> -> memref<100000x256xf32, #tpu.memory_space<hbm>>
    tpu.wait_indirect_dma semaphore(%arg20 : memref<!tpu.dma_semaphore, #tpu.memory_space<semaphore_mem>>) src(%dma_wait3A_590 : memref<100000x256xf32, #tpu.memory_space<hbm>>) dst(%arg13 : memref<64x256xf32, #tpu.memory_space<vmem>>)
    %add3A_591 = arith.constant 0 : i32
    %add3A_592 = arith.addi %mul3A_6, %add3A_591 : i32
    "tpu.region"() ({
      %run_scoped3A = tpu.sem_alloc : memref<!tpu.dma_semaphore, #tpu.memory_space<semaphore_mem>>
      %dma_start3A_605 = arith.constant 0 : i32
      %dma_start3A_606 = tpu.memref_slice %arg7[%add3A_592, %dma_start3A_605] : memref<4096x256xf32, #tpu.memory_space<hbm>> -> memref<64x256xf32, #tpu.memory_space<hbm>>
      %dma_start3A_607 = arith.constant 0 : i32
      %dma_start3A_608 = tpu.memref_slice %arg7[%add3A_592, %dma_start3A_607] : memref<4096x256xf32, #tpu.memory_space<hbm>> -> memref<64x256xf32, #tpu.memory_space<hbm>>
      tpu.enqueue_dma source(%arg13 : memref<64x256xf32, #tpu.memory_space<vmem>>) target(%dma_start3A_608 : memref<64x256xf32, #tpu.memory_space<hbm>>) target_semaphore(%run_scoped3A : memref<!tpu.dma_semaphore, #tpu.memory_space<semaphore_mem>>)
      %dma_wait3A_609 = arith.constant 0 : i32
      %dma_wait3A_610 = tpu.memref_slice %arg7[%add3A_592, %dma_wait3A_609] : memref<4096x256xf32, #tpu.memory_space<hbm>> -> memref<64x256xf32, #tpu.memory_space<hbm>>
      %dma_wait3A_611 = arith.constant 0 : i32
      %dma_wait3A_612 = tpu.memref_slice %arg7[%add3A_592, %dma_wait3A_611] : memref<4096x256xf32, #tpu.memory_space<hbm>> -> memref<64x256xf32, #tpu.memory_space<hbm>>
      tpu.wait_dma2 semaphore(%run_scoped3A : memref<!tpu.dma_semaphore, #tpu.memory_space<semaphore_mem>>) src(%arg13 : memref<64x256xf32, #tpu.memory_space<vmem>>) dst(%dma_wait3A_612 : memref<64x256xf32, #tpu.memory_space<hbm>>)
      tpu.yield
    }) : () -> ()
    %dma_start3A_593 = arith.constant 64 : i32
    %dma_start3A_594 = tpu.memref_slice %arg12[%dma_start3A_593] : memref<128xi32, #tpu.memory_space<vmem>> -> memref<64xi32, #tpu.memory_space<vmem>>
    %dma_start3A_595 = arith.constant 0 : i32
    %dma_start3A_596 = arith.constant 0 : i32
    %dma_start3A_597 = tpu.memref_slice %arg3[%dma_start3A_595, %dma_start3A_596] : memref<100000x256xf32, #tpu.memory_space<hbm>> -> memref<100000x256xf32, #tpu.memory_space<hbm>>
    tpu.enqueue_indirect_dma source(%dma_start3A_597 : memref<100000x256xf32, #tpu.memory_space<hbm>>) target(%arg13 : memref<64x256xf32, #tpu.memory_space<vmem>>) offsets(%dma_start3A_594 : memref<64xi32, #tpu.memory_space<vmem>>) semaphore(%arg20 : memref<!tpu.dma_semaphore, #tpu.memory_space<semaphore_mem>>)
    %dma_wait3A_598 = arith.constant 64 : i32
    %dma_wait3A_599 = tpu.memref_slice %arg12[%dma_wait3A_598] : memref<128xi32, #tpu.memory_space<vmem>> -> memref<64xi32, #tpu.memory_space<vmem>>
    %dma_wait3A_600 = arith.constant 0 : i32
    %dma_wait3A_601 = arith.constant 0 : i32
    %dma_wait3A_602 = tpu.memref_slice %arg3[%dma_wait3A_600, %dma_wait3A_601] : memref<100000x256xf32, #tpu.memory_space<hbm>> -> memref<100000x256xf32, #tpu.memory_space<hbm>>
    tpu.wait_indirect_dma semaphore(%arg20 : memref<!tpu.dma_semaphore, #tpu.memory_space<semaphore_mem>>) src(%dma_wait3A_602 : memref<100000x256xf32, #tpu.memory_space<hbm>>) dst(%arg13 : memref<64x256xf32, #tpu.memory_space<vmem>>)
    %add3A_603 = arith.constant 64 : i32
    %add3A_604 = arith.addi %mul3A_6, %add3A_603 : i32
    "tpu.region"() ({
      %run_scoped3A = tpu.sem_alloc : memref<!tpu.dma_semaphore, #tpu.memory_space<semaphore_mem>>
      %dma_start3A_605 = arith.constant 0 : i32
      %dma_start3A_606 = tpu.memref_slice %arg7[%add3A_604, %dma_start3A_605] : memref<4096x256xf32, #tpu.memory_space<hbm>> -> memref<64x256xf32, #tpu.memory_space<hbm>>
      %dma_start3A_607 = arith.constant 0 : i32
      %dma_start3A_608 = tpu.memref_slice %arg7[%add3A_604, %dma_start3A_607] : memref<4096x256xf32, #tpu.memory_space<hbm>> -> memref<64x256xf32, #tpu.memory_space<hbm>>
      tpu.enqueue_dma source(%arg13 : memref<64x256xf32, #tpu.memory_space<vmem>>) target(%dma_start3A_608 : memref<64x256xf32, #tpu.memory_space<hbm>>) target_semaphore(%run_scoped3A : memref<!tpu.dma_semaphore, #tpu.memory_space<semaphore_mem>>)
      %dma_wait3A_609 = arith.constant 0 : i32
      %dma_wait3A_610 = tpu.memref_slice %arg7[%add3A_604, %dma_wait3A_609] : memref<4096x256xf32, #tpu.memory_space<hbm>> -> memref<64x256xf32, #tpu.memory_space<hbm>>
      %dma_wait3A_611 = arith.constant 0 : i32
      %dma_wait3A_612 = tpu.memref_slice %arg7[%add3A_604, %dma_wait3A_611] : memref<4096x256xf32, #tpu.memory_space<hbm>> -> memref<64x256xf32, #tpu.memory_space<hbm>>
      tpu.wait_dma2 semaphore(%run_scoped3A : memref<!tpu.dma_semaphore, #tpu.memory_space<semaphore_mem>>) src(%arg13 : memref<64x256xf32, #tpu.memory_space<vmem>>) dst(%dma_wait3A_612 : memref<64x256xf32, #tpu.memory_space<hbm>>)
      tpu.yield
    }) : () -> ()
    return
  }
}

module attributes {stable_mosaic.version = 14 : i64} {
  func.func @body(%arg0: i32, %arg1: memref<256x1xi32, #tpu.memory_space<vmem>>, %arg2: memref<1x4096xi32, #tpu.memory_space<vmem>>, %arg3: memref<256x1xi32, #tpu.memory_space<vmem>>) attributes {dimension_semantics = [#tpu.dimension_semantics<arbitrary>], iteration_bounds = array<i64: 16>, scalar_prefetch = 0 : i64, scratch_operands = 0 : i64, tpu.core_type = #tpu.core_type<tc>, window_params = [{transform_indices = @transform_0, window_bounds = array<i64: 256, 1>}, {pipeline_mode = #tpu.pipeline_mode<synchronous>, transform_indices = @transform_1, window_bounds = array<i64: 1, 4096>}, {transform_indices = @transform_2, window_bounds = array<i64: 256, 1>}]} {
    %get3A = arith.constant 0 : index
    %get3A_0 = arith.constant 0 : index
    %get3A_1 = vector.load %arg1[%get3A, %get3A_0] : memref<256x1xi32, #tpu.memory_space<vmem>>, vector<256x1xi32>
    %get3A_2 = arith.constant 0 : index
    %get3A_3 = arith.constant 0 : index
    %get3A_4 = vector.load %arg2[%get3A_2, %get3A_3] : memref<1x4096xi32, #tpu.memory_space<vmem>>, vector<1x4096xi32>
    %iota3A = tpu.iota {dimensions = array<i32: 1>} : vector<256x4096xi32>
    %eq3A = vector.broadcast %get3A_1 : vector<256x1xi32> to vector<256x4096xi32>
    %eq3A_5 = vector.broadcast %get3A_4 : vector<1x4096xi32> to vector<256x4096xi32>
    %eq3A_6 = arith.cmpi eq, %eq3A, %eq3A_5 : vector<256x4096xi32>
    %jit3A = arith.constant -1 : i32
    %broadcast_in_dim3A = vector.broadcast %jit3A : i32 to vector<256x4096xi32>
    %select_n3A = arith.select %eq3A_6, %iota3A, %broadcast_in_dim3A : vector<256x4096xi1>, vector<256x4096xi32>
    %reduce_max3A = arith.constant dense<-2147483648> : vector<256xi32>
    %reduce_max3A_7 = vector.multi_reduction <maxsi>, %select_n3A, %reduce_max3A [1] : vector<256x4096xi32> to vector<256xi32>
    %broadcast_in_dim3A_8 = vector.shape_cast %reduce_max3A_7 : vector<256xi32> to vector<256x1xi32>
    %swap3A = arith.constant 0 : index
    %swap3A_9 = arith.constant 0 : index
    %swap3A_10 = vector.load %arg3[%swap3A, %swap3A_9] : memref<256x1xi32, #tpu.memory_space<vmem>>, vector<256x1xi32>
    tpu.vector_store %arg3[%swap3A, %swap3A_9], %broadcast_in_dim3A_8 {strides = array<i32>} : memref<256x1xi32, #tpu.memory_space<vmem>>, vector<256x1xi32>,
    return
  }
  func.func @transform_0(%arg0: i32) -> (i32, i32) {
    %c0_i32 = arith.constant 0 : i32
    %c0_i32_0 = arith.constant 0 : i32
    return %arg0, %c0_i32 : i32, i32
  }
  func.func @transform_1(%arg0: i32) -> (i32, i32) {
    %c0_i32 = arith.constant 0 : i32
    %c0_i32_0 = arith.constant 0 : i32
    %c0_i32_1 = arith.constant 0 : i32
    return %c0_i32, %c0_i32_0 : i32, i32
  }
  func.func @transform_2(%arg0: i32) -> (i32, i32) {
    %c0_i32 = arith.constant 0 : i32
    %c0_i32_0 = arith.constant 0 : i32
    return %arg0, %c0_i32 : i32, i32
  }
}

module attributes {stable_mosaic.version = 14 : i64} {
  func.func @body(%arg0: memref<256x128xf32, #tpu.memory_space<vmem>>, %arg1: memref<1x128xf32, #tpu.memory_space<vmem>>, %arg2: memref<128x128xf32, #tpu.memory_space<vmem>>, %arg3: memref<256x128xf32, #tpu.memory_space<vmem>>, %arg4: memref<1x128xf32, #tpu.memory_space<vmem>>) attributes {dimension_semantics = [], scalar_prefetch = 0 : i64, scratch_operands = 0 : i64, tpu.core_type = #tpu.core_type<tc>} {
    %get3A = arith.constant 0 : index
    %get3A_0 = arith.constant 0 : index
    %get3A_1 = vector.load %arg2[%get3A, %get3A_0] : memref<128x128xf32, #tpu.memory_space<vmem>>, vector<128x128xf32>
    %get3A_2 = arith.constant 0 : index
    %get3A_3 = arith.constant 0 : index
    %get3A_4 = vector.load %arg0[%get3A_2, %get3A_3] : memref<256x128xf32, #tpu.memory_space<vmem>>, vector<256x128xf32>
    %dot_general3A = arith.constant dense<0.000000e+00> : vector<256x128xf32>
    %dot_general3A_5 = tpu.matmul %get3A_4, %get3A_1, %dot_general3A {dimension_numbers = #tpu.dot_dimension_numbers<[1], [0], [0], [1], [0, 0, 1, 1], [], []>, transpose_lhs_hint = false} : vector<256x128xf32>, vector<128x128xf32>, vector<256x128xf32> -> vector<256x128xf32>
    %swap3A = arith.constant 0 : index
    %swap3A_6 = arith.constant 0 : index
    %swap3A_7 = vector.load %arg3[%swap3A, %swap3A_6] : memref<256x128xf32, #tpu.memory_space<vmem>>, vector<256x128xf32>
    tpu.vector_store %arg3[%swap3A, %swap3A_6], %dot_general3A_5 {strides = array<i32>} : memref<256x128xf32, #tpu.memory_space<vmem>>, vector<256x128xf32>,
    %get3A_8 = arith.constant 0 : index
    %get3A_9 = arith.constant 0 : index
    %get3A_10 = vector.load %arg1[%get3A_8, %get3A_9] : memref<1x128xf32, #tpu.memory_space<vmem>>, vector<1x128xf32>
    %dot_general3A_11 = arith.constant dense<0.000000e+00> : vector<1x128xf32>
    %dot_general3A_12 = tpu.matmul %get3A_10, %get3A_1, %dot_general3A_11 {dimension_numbers = #tpu.dot_dimension_numbers<[1], [0], [0], [1], [0, 0, 1, 1], [], []>, transpose_lhs_hint = false} : vector<1x128xf32>, vector<128x128xf32>, vector<1x128xf32> -> vector<1x128xf32>
    %swap3A_13 = arith.constant 0 : index
    %swap3A_14 = arith.constant 0 : index
    %swap3A_15 = vector.load %arg4[%swap3A_13, %swap3A_14] : memref<1x128xf32, #tpu.memory_space<vmem>>, vector<1x128xf32>
    tpu.vector_store %arg4[%swap3A_13, %swap3A_14], %dot_general3A_12 {strides = array<i32>} : memref<1x128xf32, #tpu.memory_space<vmem>>, vector<1x128xf32>,
    return
  }
}

module attributes {stable_mosaic.version = 14 : i64} {
  func.func @body(%arg0: i32, %arg1: memref<512x256xf32, #tpu.memory_space<vmem>>, %arg2: memref<12288x256xf32, #tpu.memory_space<vmem>>, %arg3: memref<256x128xf32, #tpu.memory_space<vmem>>, %arg4: memref<1x128xf32, #tpu.memory_space<vmem>>, %arg5: memref<256x128xf32, #tpu.memory_space<vmem>>, %arg6: memref<1x128xf32, #tpu.memory_space<vmem>>, %arg7: memref<256x128xf32, #tpu.memory_space<vmem>>, %arg8: memref<128x128xf32, #tpu.memory_space<vmem>>, %arg9: memref<1x128xf32, #tpu.memory_space<vmem>>, %arg10: memref<128x1xf32, #tpu.memory_space<vmem>>, %arg11: memref<1x128xf32, #tpu.memory_space<vmem>>, %arg12: memref<512x128xf32, #tpu.memory_space<vmem>>, %arg13: memref<512x128xf32, #tpu.memory_space<vmem>>) attributes {dimension_semantics = [#tpu.dimension_semantics<arbitrary>], iteration_bounds = array<i64: 8>, scalar_prefetch = 0 : i64, scratch_operands = 0 : i64, tpu.core_type = #tpu.core_type<tc>, window_params = [{transform_indices = @transform_0, window_bounds = array<i64: 512, 256>}, {transform_indices = @transform_1, window_bounds = array<i64: 12288, 256>}, {pipeline_mode = #tpu.pipeline_mode<synchronous>, transform_indices = @transform_2, window_bounds = array<i64: 256, 128>}, {pipeline_mode = #tpu.pipeline_mode<synchronous>, transform_indices = @transform_3, window_bounds = array<i64: 1, 128>}, {pipeline_mode = #tpu.pipeline_mode<synchronous>, transform_indices = @transform_4, window_bounds = array<i64: 256, 128>}, {pipeline_mode = #tpu.pipeline_mode<synchronous>, transform_indices = @transform_5, window_bounds = array<i64: 1, 128>}, {pipeline_mode = #tpu.pipeline_mode<synchronous>, transform_indices = @transform_6, window_bounds = array<i64: 256, 128>}, {pipeline_mode = #tpu.pipeline_mode<synchronous>, transform_indices = @transform_7, window_bounds = array<i64: 128, 128>}, {pipeline_mode = #tpu.pipeline_mode<synchronous>, transform_indices = @transform_8, window_bounds = array<i64: 1, 128>}, {pipeline_mode = #tpu.pipeline_mode<synchronous>, transform_indices = @transform_9, window_bounds = array<i64: 128, 1>}, {pipeline_mode = #tpu.pipeline_mode<synchronous>, transform_indices = @transform_10, window_bounds = array<i64: 1, 128>}, {transform_indices = @transform_11, window_bounds = array<i64: 512, 128>}, {transform_indices = @transform_12, window_bounds = array<i64: 512, 128>}]} {
    %get3A = arith.constant 0 : index
    %get3A_0 = arith.constant 0 : index
    %get3A_1 = vector.load %arg1[%get3A, %get3A_0] : memref<512x256xf32, #tpu.memory_space<vmem>>, vector<512x256xf32>
    %get3A_2 = arith.constant 0 : index
    %get3A_3 = arith.constant 0 : index
    %get3A_4 = vector.load %arg3[%get3A_2, %get3A_3] : memref<256x128xf32, #tpu.memory_space<vmem>>, vector<256x128xf32>
    %dot_general3A = arith.constant dense<0.000000e+00> : vector<512x128xf32>
    %dot_general3A_5 = tpu.matmul %get3A_1, %get3A_4, %dot_general3A {dimension_numbers = #tpu.dot_dimension_numbers<[1], [0], [0], [1], [0, 0, 1, 1], [], []>, transpose_lhs_hint = false} : vector<512x256xf32>, vector<256x128xf32>, vector<512x128xf32> -> vector<512x128xf32>
    %get3A_6 = arith.constant 0 : index
    %get3A_7 = arith.constant 0 : index
    %get3A_8 = vector.load %arg4[%get3A_6, %get3A_7] : memref<1x128xf32, #tpu.memory_space<vmem>>, vector<1x128xf32>
    %add3A = vector.broadcast %get3A_8 : vector<1x128xf32> to vector<512x128xf32>
    %add3A_9 = arith.addf %dot_general3A_5, %add3A : vector<512x128xf32>
    %swap3A = arith.constant 0 : index
    %swap3A_10 = arith.constant 0 : index
    %swap3A_11 = vector.load %arg12[%swap3A, %swap3A_10] : memref<512x128xf32, #tpu.memory_space<vmem>>, vector<512x128xf32>
    tpu.vector_store %arg12[%swap3A, %swap3A_10], %add3A_9 {strides = array<i32>} : memref<512x128xf32, #tpu.memory_space<vmem>>, vector<512x128xf32>,
    %get3A_12 = arith.constant 0 : index
    %get3A_13 = arith.constant 0 : index
    %get3A_14 = vector.load %arg8[%get3A_12, %get3A_13] : memref<128x128xf32, #tpu.memory_space<vmem>>, vector<128x128xf32>
    %dot_general3A_15 = arith.constant dense<0.000000e+00> : vector<512x128xf32>
    %dot_general3A_16 = tpu.matmul %add3A_9, %get3A_14, %dot_general3A_15 {dimension_numbers = #tpu.dot_dimension_numbers<[1], [0], [0], [1], [0, 0, 1, 1], [], []>, transpose_lhs_hint = false} : vector<512x128xf32>, vector<128x128xf32>, vector<512x128xf32> -> vector<512x128xf32>
    %get3A_17 = arith.constant 0 : index
    %get3A_18 = arith.constant 0 : index
    %get3A_19 = vector.load %arg9[%get3A_17, %get3A_18] : memref<1x128xf32, #tpu.memory_space<vmem>>, vector<1x128xf32>
    %add3A_20 = vector.broadcast %get3A_19 : vector<1x128xf32> to vector<512x128xf32>
    %add3A_21 = arith.addf %dot_general3A_16, %add3A_20 : vector<512x128xf32>
    %get3A_22 = arith.constant 0 : index
    %get3A_23 = arith.constant 0 : index
    %get3A_24 = vector.load %arg6[%get3A_22, %get3A_23] : memref<1x128xf32, #tpu.memory_space<vmem>>, vector<1x128xf32>
    %add3A_25 = vector.broadcast %get3A_24 : vector<1x128xf32> to vector<512x128xf32>
    %add3A_26 = arith.addf %add3A_21, %add3A_25 : vector<512x128xf32>
    %get3A_27 = arith.constant 0 : index
    %get3A_28 = arith.constant 0 : index
    %get3A_29 = vector.load %arg2[%get3A_27, %get3A_28] : memref<12288x256xf32, #tpu.memory_space<vmem>>, vector<12288x256xf32>
    %convert_element_type3A = arith.truncf %get3A_29 : vector<12288x256xf32> to vector<12288x256xbf16>
    %get3A_30 = arith.constant 0 : index
    %get3A_31 = arith.constant 0 : index
    %get3A_32 = vector.load %arg7[%get3A_30, %get3A_31] : memref<256x128xf32, #tpu.memory_space<vmem>>, vector<256x128xf32>
    %convert_element_type3A_33 = arith.truncf %get3A_32 : vector<256x128xf32> to vector<256x128xbf16>
    %dot_general3A_34 = arith.constant dense<0.000000e+00> : vector<12288x128xf32>
    %dot_general3A_35 = tpu.matmul %convert_element_type3A, %convert_element_type3A_33, %dot_general3A_34 {dimension_numbers = #tpu.dot_dimension_numbers<[1], [0], [0], [1], [0, 0, 1, 1], [], []>, transpose_lhs_hint = false} : vector<12288x256xbf16>, vector<256x128xbf16>, vector<12288x128xf32> -> vector<12288x128xf32>
    %broadcast_in_dim3A = vector.shape_cast %add3A_26 : vector<512x128xf32> to vector<512x1x128xf32>
    %broadcast_in_dim3A_36 = vector.shape_cast %broadcast_in_dim3A : vector<512x1x128xf32> to vector<512x1x128xf32>
    %broadcast_in_dim3A_37 = vector.broadcast %broadcast_in_dim3A_36 : vector<512x1x128xf32> to vector<512x24x128xf32>
    %reshape3A = vector.shape_cast %broadcast_in_dim3A_37 : vector<512x24x128xf32> to vector<12288x128xf32>
    %add3A_38 = arith.addf %dot_general3A_35, %reshape3A : vector<12288x128xf32>
    %max3A = arith.constant 0.000000e+00 : f32
    %max3A_39 = vector.broadcast %max3A : f32 to vector<12288x128xf32>
    %max3A_40 = arith.maximumf %add3A_38, %max3A_39 : vector<12288x128xf32>
    %get3A_41 = arith.constant 0 : index
    %get3A_42 = arith.constant 0 : index
    %get3A_43 = vector.load %arg10[%get3A_41, %get3A_42] : memref<128x1xf32, #tpu.memory_space<vmem>>, vector<128x1xf32>
    %dot_general3A_44 = arith.constant dense<0.000000e+00> : vector<12288x1xf32>
    %dot_general3A_45 = tpu.matmul %max3A_40, %get3A_43, %dot_general3A_44 {dimension_numbers = #tpu.dot_dimension_numbers<[1], [0], [0], [1], [0, 0, 1, 1], [], []>, transpose_lhs_hint = false} : vector<12288x128xf32>, vector<128x1xf32>, vector<12288x1xf32> -> vector<12288x1xf32>
    %reshape3A_46 = vector.shape_cast %dot_general3A_45 : vector<12288x1xf32> to vector<512x24x1xf32>
    %exp3A = math.exp %reshape3A_46 : vector<512x24x1xf32>
    %reduce_sum3A = arith.constant dense<0.000000e+00> : vector<512x1xf32>
    %reduce_sum3A_47 = vector.multi_reduction <add>, %exp3A, %reduce_sum3A [1] : vector<512x24x1xf32> to vector<512x1xf32>
    %broadcast_in_dim3A_48 = vector.shape_cast %reduce_sum3A_47 : vector<512x1xf32> to vector<512x1x1xf32>
    %reshape3A_49 = vector.shape_cast %get3A_29 : vector<12288x256xf32> to vector<512x24x256xf32>
    %mul3A = vector.broadcast %exp3A : vector<512x24x1xf32> to vector<512x24x256xf32>
    %mul3A_50 = arith.mulf %mul3A, %reshape3A_49 : vector<512x24x256xf32>
    %reduce_sum3A_51 = arith.constant dense<0.000000e+00> : vector<512x256xf32>
    %reduce_sum3A_52 = vector.multi_reduction <add>, %mul3A_50, %reduce_sum3A_51 [1] : vector<512x24x256xf32> to vector<512x256xf32>
    %reshape3A_53 = vector.shape_cast %broadcast_in_dim3A_48 : vector<512x1x1xf32> to vector<512x1xf32>
    %div3A = vector.broadcast %reshape3A_53 : vector<512x1xf32> to vector<512x256xf32>
    %div3A_54 = arith.divf %reduce_sum3A_52, %div3A : vector<512x256xf32>
    %get3A_55 = arith.constant 0 : index
    %get3A_56 = arith.constant 0 : index
    %get3A_57 = vector.load %arg5[%get3A_55, %get3A_56] : memref<256x128xf32, #tpu.memory_space<vmem>>, vector<256x128xf32>
    %dot_general3A_58 = arith.constant dense<0.000000e+00> : vector<512x128xf32>
    %dot_general3A_59 = tpu.matmul %div3A_54, %get3A_57, %dot_general3A_58 {dimension_numbers = #tpu.dot_dimension_numbers<[1], [0], [0], [1], [0, 0, 1, 1], [], []>, transpose_lhs_hint = false} : vector<512x256xf32>, vector<256x128xf32>, vector<512x128xf32> -> vector<512x128xf32>
    %get3A_60 = arith.constant 0 : index
    %get3A_61 = arith.constant 0 : index
    %get3A_62 = vector.load %arg11[%get3A_60, %get3A_61] : memref<1x128xf32, #tpu.memory_space<vmem>>, vector<1x128xf32>
    %add3A_63 = vector.broadcast %get3A_62 : vector<1x128xf32> to vector<512x128xf32>
    %add3A_64 = arith.addf %dot_general3A_59, %add3A_63 : vector<512x128xf32>
    %swap3A_65 = arith.constant 0 : index
    %swap3A_66 = arith.constant 0 : index
    %swap3A_67 = vector.load %arg13[%swap3A_65, %swap3A_66] : memref<512x128xf32, #tpu.memory_space<vmem>>, vector<512x128xf32>
    tpu.vector_store %arg13[%swap3A_65, %swap3A_66], %add3A_64 {strides = array<i32>} : memref<512x128xf32, #tpu.memory_space<vmem>>, vector<512x128xf32>,
    return
  }
  func.func @transform_0(%arg0: i32) -> (i32, i32) {
    %c0_i32 = arith.constant 0 : i32
    %c0_i32_0 = arith.constant 0 : i32
    return %arg0, %c0_i32 : i32, i32
  }
  func.func @transform_1(%arg0: i32) -> (i32, i32) {
    %c0_i32 = arith.constant 0 : i32
    %c0_i32_0 = arith.constant 0 : i32
    return %arg0, %c0_i32 : i32, i32
  }
  func.func @transform_2(%arg0: i32) -> (i32, i32) {
    %c0_i32 = arith.constant 0 : i32
    %c0_i32_0 = arith.constant 0 : i32
    %c0_i32_1 = arith.constant 0 : i32
    return %c0_i32, %c0_i32_0 : i32, i32
  }
  func.func @transform_3(%arg0: i32) -> (i32, i32) {
    %c0_i32 = arith.constant 0 : i32
    %c0_i32_0 = arith.constant 0 : i32
    %c0_i32_1 = arith.constant 0 : i32
    return %c0_i32, %c0_i32_0 : i32, i32
  }
  func.func @transform_4(%arg0: i32) -> (i32, i32) {
    %c0_i32 = arith.constant 0 : i32
    %c0_i32_0 = arith.constant 0 : i32
    %c0_i32_1 = arith.constant 0 : i32
    return %c0_i32, %c0_i32_0 : i32, i32
  }
  func.func @transform_5(%arg0: i32) -> (i32, i32) {
    %c0_i32 = arith.constant 0 : i32
    %c0_i32_0 = arith.constant 0 : i32
    %c0_i32_1 = arith.constant 0 : i32
    return %c0_i32, %c0_i32_0 : i32, i32
  }
  func.func @transform_6(%arg0: i32) -> (i32, i32) {
    %c0_i32 = arith.constant 0 : i32
    %c0_i32_0 = arith.constant 0 : i32
    %c0_i32_1 = arith.constant 0 : i32
    return %c0_i32, %c0_i32_0 : i32, i32
  }
  func.func @transform_7(%arg0: i32) -> (i32, i32) {
    %c0_i32 = arith.constant 0 : i32
    %c0_i32_0 = arith.constant 0 : i32
    %c0_i32_1 = arith.constant 0 : i32
    return %c0_i32, %c0_i32_0 : i32, i32
  }
  func.func @transform_8(%arg0: i32) -> (i32, i32) {
    %c0_i32 = arith.constant 0 : i32
    %c0_i32_0 = arith.constant 0 : i32
    %c0_i32_1 = arith.constant 0 : i32
    return %c0_i32, %c0_i32_0 : i32, i32
  }
  func.func @transform_9(%arg0: i32) -> (i32, i32) {
    %c0_i32 = arith.constant 0 : i32
    %c0_i32_0 = arith.constant 0 : i32
    %c0_i32_1 = arith.constant 0 : i32
    return %c0_i32, %c0_i32_0 : i32, i32
  }
  func.func @transform_10(%arg0: i32) -> (i32, i32) {
    %c0_i32 = arith.constant 0 : i32
    %c0_i32_0 = arith.constant 0 : i32
    %c0_i32_1 = arith.constant 0 : i32
    return %c0_i32, %c0_i32_0 : i32, i32
  }
  func.func @transform_11(%arg0: i32) -> (i32, i32) {
    %c0_i32 = arith.constant 0 : i32
    %c0_i32_0 = arith.constant 0 : i32
    return %arg0, %c0_i32 : i32, i32
  }
  func.func @transform_12(%arg0: i32) -> (i32, i32) {
    %c0_i32 = arith.constant 0 : i32
    %c0_i32_0 = arith.constant 0 : i32
    return %arg0, %c0_i32 : i32, i32
  }
}

</mosaic_0001>

<sc_bundles>
// kernel: kernel.10.cloned.1.call-start
scs
__scs_entry_jumppad:
0x0: {  	(pc) =	sbr.rel $0x88, $3  }
0x1: {  	(tag) =	ssettag $0x0;
	lr =	simm.s32 $0x1  }
0x2: {  	[smem:$0x3F96] =	sst lr;
	_ =	strace $0xD0000000  }
0x3: {  	_ = 	snop  }
0x4: {  	_ = 	snop  }
0x5: {  	_ = 	snop  }
0x6: {  	_ = 	snop  }
0x7: {  	_ = 	snop  }
__scs_overlays_trampoline_lowered:
0x8: {  	[smem:$0x3FA5] =	sst s0  }
0x9: {  	[smem:$0x3FA6] =	sst s1  }
0xa: {  	[smem:$0x3FA7] =	sst s2  }
0xb: {  	[smem:$0x3FA8] =	sst s3  }
0xc: {  	[smem:$0x3FA9] =	sst s4  }
0xd: {  	[smem:$0x3FAA] =	sst s5  }
0xe: {  	[smem:$0x3FAB] =	sst s6  }
0xf: {  	[smem:$0x3FAC] =	sst s7  }
0x10: {  	[smem:$0x3FAD] =	sst s8  }
0x11: {  	[smem:$0x3FAE] =	sst s9;
	s0 =	simm.s32 @!p0 $0x0  }
0x12: {  	s1 =	sld [smem:$0x3F94];
	s0 =	simm.s32 @p0 $0x1  }
0x13: {  	[smem:$0x3FAF] =	sst s0;
	s0 =	simm.s32 @!p1 $0x0  }
0x14: {  	s2 =	sld [smem:$0x3F93];
	s0 =	simm.s32 @p1 $0x1  }
0x15: {  	[smem:$0x3FB0] =	sst s0;
	s0 =	simm.s32 @!p2 $0x0  }
0x16: {  	s3 =	sld [smem:$0x3FDB];
	s0 =	simm.s32 @p2 $0x1  }
0x17: {  	s4 =	simm.s32 $0x1BF5;
	[smem:$0x3FB2] =	sst s0  }
0x18: {  	s0 =	sld [smem:$0x3F95];
	_ =	swait.ge [sflag:s4], $0x0  }
0x19: {  	s7 =	sld [smem:$0x3F96]  }
0x1a: {  	s8 =	sadd.s32 $0xFFFFE003, lr  }
0x1b: {  	s9 =	sadd.s32 $0xFFFFFEF7, lr;
	s5 =	simm.s32 $0xFFFFFFFF;
	p2 =	slt.u32 s8, $0xFFFFF086  }
0x1c: {  	p1 =	slt.u32 s9, $0xF7A;
	s5 =	simm.s32 @!p2 $0x0  }
0x1d: {  	s5 =	simm.s32 @p1 $0x1;
	p0 =	seq.s32 s7, s2  }
0x1e: {  	s7 =	smul.u32 @!p0 $0xF7A, s2;
	p2 =	seq.s32 @!p0 s5, $0x0  }
0x1f: {  	s9 =	smul.u32 $0xF7A, s1;
	s8 =	simm.s32 @!p0 $0x1BF5;
	p2 =	por !p2, p0  }
0x20: {  	[sflag:s8] =	ssyncset.s32 @!p0 $0xFFFFF086;
	s6 =	sadd.s32 @!p0 s3, s7;
	s7 =	simm.s32 @!p0 $0x108  }
0x21: {  	s3 =	sadd.s32 s3, s9;
	s6 =	sadd.s32 @!p0 $0x88, s6;
	s7 =	simm.s32 @p2 $0x1082  }
0x22: {  	[simem:s7], [sflag:s8] =	dma.local @!p0 [hbm:s6], $0xF7A  }
0x23: {  	s9 =	sor.u32 $0xD0000000, s2;
	s6 =	simm.s32 $0x108;
	_ =	swait.ge @!p0 [sflag:s8], $0x0  }
0x24: {  	s3 =	sadd.s32 $0x88, s3;
	s6 =	simm.s32 @!p1 $0x1082;
	[sflag:s4] =	ssyncset.s32 $0xFFFFF086  }
0x25: {  	[simem:s6], [sflag:s4] =	dma.local [hbm:s3], $0xF7A  }
0x26: {  	[smem:$0x3F96] =	sst s1;
	(tag) =	ssettag s2;
	_ =	strace s9  }
0x27: {  	s1 =	sld [smem:$0x3FA6]  }
0x28: {  	s2 =	sld [smem:$0x3FA7]  }
0x29: {  	s4 =	sld [smem:$0x3FA9]  }
0x2a: {  	p0 =	seq.s32 s5, $0x0;
	s5 =	sld [smem:$0x3FAA]  }
0x2b: {  	s6 =	sld [smem:$0x3FAB]  }
0x2c: {  	s7 =	sld [smem:$0x3FAC]  }
0x2d: {  	s3 =	simm.s32 $0x108;
	s8 =	sld [smem:$0x3FAD]  }
0x2e: {  	s3 =	simm.s32 @!p0 $0x1082;
	s9 =	sld [smem:$0x3FAE]  }
0x2f: {  	lr =	sadd.s32 s0, s3;
	s0 =	sld [smem:$0x3FA5]  }
0x30: {  	s3 =	sld [smem:$0x3FA8]  }
0x31: {  	[smem:$0x3FB1] =	sst s10  }
0x32: {  	s10 =	sld [smem:$0x3FAF];
	_ =	sdelay $0x3  }
0x33: {  	p0 =	seq.s32 s10, $0x1;
	s10 =	sld [smem:$0x3FB1];
	_ =	sdelay $0x3  }
0x34: {  	[smem:$0x3FB1] =	sst s10  }
0x35: {  	s10 =	sld [smem:$0x3FB0];
	_ =	sdelay $0x3  }
0x36: {  	p1 =	seq.s32 s10, $0x1;
	s10 =	sld [smem:$0x3FB1];
	_ =	sdelay $0x3  }
0x37: {  	[smem:$0x3FB1] =	sst s10  }
0x38: {  	s10 =	sld [smem:$0x3FB2]  }
0x39: {  	_ = 	snop;
	(pc) =	sbr.ind lr, $3  }
0x3a: {  	_ = 	snop  }
0x3b: {  	_ = 	snop  }
0x3c: {  	p2 =	seq.s32 s10, $0x1;
	s10 =	sld [smem:$0x3FB1]  }
0x3d: {  	_ =	shalt  }
0x3e: {  	_ =	shalt  }
0x3f: {  	_ =	shalt  }
0x40: {  	_ =	shalt  }
0x41: {  	_ =	shalt  }
0x42: {  	_ =	shalt  }
0x43: {  	_ =	shalt  }
0x44: {  	_ =	shalt  }
0x45: {  	_ =	shalt  }
0x46: {  	_ =	shalt  }
0x47: {  	_ =	shalt  }
0x48: {  	_ =	shalt  }
0x49: {  	_ =	shalt  }
0x4a: {  	_ =	shalt  }
0x4b: {  	_ =	shalt  }
0x4c: {  	_ =	shalt  }
0x4d: {  	_ =	shalt  }
0x4e: {  	_ =	shalt  }
0x4f: {  	_ =	shalt  }
0x50: {  	_ =	shalt  }
0x51: {  	_ =	shalt  }
0x52: {  	_ =	shalt  }
0x53: {  	_ =	shalt  }
0x54: {  	_ =	shalt  }
0x55: {  	_ =	shalt  }
0x56: {  	_ =	shalt  }
0x57: {  	_ =	shalt  }
0x58: {  	_ =	shalt  }
0x59: {  	_ =	shalt  }
0x5a: {  	_ =	shalt  }
0x5b: {  	_ =	shalt  }
0x5c: {  	_ =	shalt  }
0x5d: {  	_ =	shalt  }
0x5e: {  	_ =	shalt  }
0x5f: {  	_ =	shalt  }
0x60: {  	_ =	shalt  }
0x61: {  	_ =	shalt  }
0x62: {  	_ =	shalt  }
0x63: {  	_ =	shalt  }
0x64: {  	_ =	shalt  }
0x65: {  	_ =	shalt  }
0x66: {  	_ =	shalt  }
0x67: {  	_ =	shalt  }
0x68: {  	_ =	shalt  }
0x69: {  	_ =	shalt  }
0x6a: {  	_ =	shalt  }
0x6b: {  	_ =	shalt  }
0x6c: {  	_ =	shalt  }
0x6d: {  	_ =	shalt  }
0x6e: {  	_ =	shalt  }
0x6f: {  	_ =	shalt  }
0x70: {  	_ =	shalt  }
0x71: {  	_ =	shalt  }
0x72: {  	_ =	shalt  }
0x73: {  	_ =	shalt  }
0x74: {  	_ =	shalt  }
0x75: {  	_ =	shalt  }
0x76: {  	_ =	shalt  }
0x77: {  	_ =	shalt  }
0x78: {  	_ =	shalt  }
0x79: {  	_ =	shalt  }
0x7a: {  	_ =	shalt  }
0x7b: {  	_ =	shalt  }
0x7c: {  	_ =	shalt  }
0x7d: {  	_ =	shalt  }
0x7e: {  	_ =	shalt  }
0x7f: {  	_ =	shalt  }
0x80: {  	_ =	shalt  }
0x81: {  	_ =	shalt  }
0x82: {  	_ =	shalt  }
0x83: {  	_ =	shalt  }
0x84: {  	_ =	shalt  }
0x85: {  	_ =	shalt  }
0x86: {  	_ =	shalt  }
0x87: {  	_ =	shalt  }
.Lfunc_end0:
.L_simem_size_0:
called_computation.1_lowered:
.L_overlay_start_0:
0x88: {  	s2 =	sld [smem:$0x3FD9]  }
0x89: {  	s3 =	sld [smem:$0x3FFE];
	_ =	sdelay $0x1  }
0x8a: {  	s1 =	srdreg.scid  }
0x8b: {  	s0 =	sand.u32 $0x1, s1  }
0x8c: {  	s14 =	sshll.u32 s0, $0xA;
	s2 =	sadd.s32 s3, s2  }
0x8d: {  	s2 =	sadd.s32 s2, s14  }
0x8e: {  	[smem:$0x3FBD] =	sst s2  }
0x8f: {  	_ = 	snop  }
0x90: {  	s2 =	sld [smem:$0x3FD0];
	_ =	sdelay $0x2  }
0x91: {  	s4 =	simm.s32 $0xA;
	s5 =	simm.s32 $0x10;
	s15 =	sld [smem:$0x3FC0]  }
0x92: {  	[smem:s5], [sflag:s4] =	dma.local [hbm:s2], $0x1  }
0x93: {  	_ =	swait.eq [sflag:s4], $0x1  }
0x94: {  	[sflag:s4] =	ssyncset.done $0x0  }
0x95: {  	[sflag:s4] =	ssyncadd.s32 $0xFFFFFFFF  }
0x96: {  	s16 =	sld [smem:$0x11];
	(tm) =	ssettm $0x1  }
0x97: {  	s17 =	sld [smem:$0x3FFB];
	_ =	sdelay $0x3  }
0x98: {  	_ =	strace s17  }
0x99: {  	s4 =	sld [smem:$0x3FFC];
	_ =	sdelay $0x3  }
0x9a: {  	_ =	strace s4  }
0x9b: {  	s4 =	sld [smem:$0x3FFD];
	_ =	sdelay $0x3  }
0x9c: {  	_ =	strace s4  }
0x9d: {  	_ =	strace $0x8FFFFFFF  }
0x9e: {  	s18 =	sld [smem:$0x3FDB];
	_ =	sdelay $0x1  }
0x9f: {  	s19 =	simm.s32 $_scs_section_size  }
0xa0: {  	s6 =	simm.s32 $_size__tile_overlayer_lowered;
	s7 =	simm.s32 $_tile_overlayer_lowered  }
0xa1: {  	s22 =	simm.s32 $0x1BFF;
	s21 =	sshll.u32 s7, $0x1;
	s4 =	sadd.s32 s19, s18  }
0xa2: {  	s8 =	simm.s32 $0x0;
	s20 =	sshll.u32 s6, $0x1;
	s6 =	sadd.s32 s21, s4  }
0xa3: {  	[timem:s8], [sflag:s22] =	dma.local [hbm:s6], s20  }
0xa4: {  	_ =	swait.ge [sflag:s22], s20  }
0xa5: {  	s5 =	ssub.s32 $0x0, s20;
	[sflag:s22] =	ssyncset.done $0x0  }
0xa6: {  	[sflag:s22] =	ssyncadd.s32 s5;
	_ =	sdelay $0x1  }
0xa7: {  	s23 =	simm.s32 $0x1B8B  }
0xa8: {  	_ =	swait.ge [sflag:s23], $0x1  }
0xa9: {  	[sflag:s23] =	ssyncset.done $0x0  }
0xaa: {  	s25 =	simm.s32 $0x1B8E;
	s24 =	sld [smem:$0x3FFE];
	[sflag:s23] =	ssyncadd.s32 $0xFFFFFFFF  }
0xab: {  	s26 =	simm.s32 $execute0_lowered;
	[smem:$0x3FD2] =	sst s25  }
0xac: {  	s6 =	sshll.u32 s26, $0x1;
	_ =	strace $0x80000049;
	[dreg:$0x1] =	wrdreg $0xFFFFFFFF  }
0xad: {  	s28 =	simm.s32 $_size_execute0_lowered;
	s4 =	sadd.s32 s4, s6;
	[dreg:$0x0] =	wrdreg $0x0  }
0xae: {  	s6 =	sshll.u32 s28, $0x1;
	[dreg:$0x2] =	wrdreg s4  }
0xaf: {  	[dreg:$0x3] =	wrdreg s6  }
0xb0: {  	[dreg:$0x4] =	wrdreg $0xC0  }
0xb1: {  	_ =	task [dreg:s8], $0x5FFFF  }
0xb2: {  	[dreg:$0x1] =	wrdreg $0xFFFFFFFF  }
0xb3: {  	[dreg:$0x0] =	wrdreg $0x60  }
0xb4: {  	[dreg:$0x2] =	wrdreg s24  }
0xb5: {  	[dreg:$0x3] =	wrdreg s15  }
0xb6: {  	[dreg:$0x4] =	wrdreg s16  }
0xb7: {  	[dreg:$0x5] =	wrdreg $0x9  }
0xb8: {  	_ =	task.clear_ibuf [dreg:s8], $0x6FFFF;
	_ =	strace $0x90000049  }
0xb9: {  	s29 =	simm.s32 $0x9;
	_ =	strace $0x8000004B  }
0xba: {  	_ =	swait.ge [sflag:s29], $0x1  }
0xbb: {  	[sflag:s29] =	ssyncadd.s32 $0xFFFFFFFF  }
0xbc: {  	_ =	strace $0x9000004B  }
0xbd: {  	_ =	sfence  }
0xbe: {  	s30 =	sld [smem:$0x0];
	_ =	sdelay $0x2  }
0xbf: {  	s31 =	sshll.u32 s1, $0xD;
	s1 =	sshrl.u32 s1, $0x2  }
0xc0: {  	s3 =	sand.u32 $0x4000, s31;
	s1 =	sadd.s32 s1, s30  }
0xc1: {  	s0 =	sor.u32 s3, s0;
	s1 =	sshll.u32 s1, $0x11  }
0xc2: {  	s0 =	sor.u32 s1, s0  }
0xc3: {  	s0 =	sadd.s32 $0x8F2B, s0  }
0xc4: {  	[sflag:s0] =	ssyncadd.remote.s32 $0x1  }
0xc5: {  	_ =	sfence.sel $0xFFFF  }
0xc6: {  	[dreg:$0x0] =	wrdreg $0xFFFFFFFF;
	(pc) =	sbr.abs _section_cstart, $3  }
0xc7: {  	[dreg:$0x1] =	wrdreg $0xFFFFFFFF  }
0xc8: {  	_ =	task.clear_ibuf [dreg:s8], $0x2FFFF;
	_ =	strace $0x9FFFFFFF  }
0xc9: {  	(tm) =	ssettm $0x7FFFFFFF  }
tec
execute0_lowered:
.L_overlay_start_1:
0x0: {  	(tag) =	ssettag $0x1  }
0x1: {  	s6 =	rddreg [dreg:$0x0];
	s1 =	srdreg.scid  }
0x2: {  	s10 =	rddreg [dreg:$0x1];
	s0 =	stileid.u32;
	s11 =	sand.u32 $0x1, s1  }
0x3: {  	s2 =	rddreg [dreg:$0x2];
	s4 =	sshll.u32 s0, $0x5;
	s5 =	sshll.u32 s11, $0x4  }
0x4: {  	s3 =	simm.s32 $0x0;
	s1 =	rddreg [dreg:$0x3];
	s12 =	sor.u32 s5, s4  }
0x5: {  	[smem:$0x7FF] =	sst s3;
	s4 =	sadd.s32 s12, s6  }
0x6: {  	_ =	strace $0x8000004A;
	s5 =	simm.s32 $0x2;
	s4 =	sadd.s32 $0x302200, s4  }
0x7: {  	[tilespmem:s3], [sflag:$0x2] =	stream.linear.gather [hbm4b:s4+s3], $0x80, $0x38;
	[tilespmem:$0x4100] =	vst v63  }
0x8: {  	s7 =	simm.s32 $0x80;
	_ =	swait.ge [sflag:s5], $0x80  }
0x9: {  	s9 =	simm.s32 $0x100;
	s8 =	simm.s32 $0x1;
	[sflag:s5] =	ssyncset.done $0x0  }
0xa: {  	s11 =	ssub.s32 $0x2, s11;
	s6 =	sadd.s32 $0x2200, s6;
	[sflag:s5] =	ssyncadd.s32 $0xFFFFFF80  }
0xb: {  	[tilespmem:s9], [sflag:$0x1] =	stream.indirect.gather [hbm4b:s6+s7], $0x80, s3, s7, $0xb8;
	[tilespmem:$0x4100] =	vst v63  }
0xc: {  	s31 =	sshrl.u32 s11, $0x1;
	_ =	swait.ge [sflag:s8], $0x4000  }
0xd: {  	s11 =	ssub.s32 s11, s31;
	[sflag:s8] =	ssyncset.done $0x0  }
0xe: {  	s10 =	sadd.s32 s10, s12;
	s11 =	smax.u32 s11, $0x1;
	[sflag:s8] =	ssyncadd.s32 $0xFFFFC000  }
0xf: {  	[tilespmem:s7], [sflag:$0x2] =	stream.linear.gather [hbm4b:s10+s3], $0x80, $0x38;
	[tilespmem:$0x4100] =	vst v63  }
0x10: {  	p0 =	sne.s32 s11, $0x1;
	_ =	swait.ge [sflag:s5], $0x80  }
.Ltmp0:
0x11: {  	[sflag:s5] =	ssyncset.done $0x0;
	(pc) =	sbr.rel @!p0 .LBB2_2-.Ltmp0, $4  }
0x12: {  	[sflag:s5] =	ssyncadd.s32 $0xFFFFFF80  }
0x13: {  	[hbm4b:s2+s7] =	stream.indirect.scatter [tilespmem:s9], [sflag:$0x1], $0x80, s7, s7, $0xb8;
	[tilespmem:$0x4100] =	vst v63  }
0x14: {  	_ =	swait.ge [sflag:s8], $0x4000  }
0x15: {  	s11 =	sadd.s32 $0xFFFFFFFF, s11;
	[sflag:s8] =	ssyncset.done $0x0  }
.LBB2_1:
0x16: {  	p0 =	sne.s32 s11, $0x1;
	s11 =	sadd.s32 $0xFFFFFFFF, s11;
	[sflag:s8] =	ssyncadd.s32 $0xFFFFC000  }
0x17: {  	[tilespmem:s3], [sflag:$0x2] =	stream.linear.gather [hbm4b:s4+s3], $0x80, $0x38;
	[tilespmem:$0x4100] =	vst v63  }
0x18: {  	_ =	swait.ge [sflag:s5], $0x80  }
0x19: {  	[sflag:s5] =	ssyncset.done $0x0  }
0x1a: {  	[sflag:s5] =	ssyncadd.s32 $0xFFFFFF80  }
0x1b: {  	[tilespmem:s9], [sflag:$0x1] =	stream.indirect.gather [hbm4b:s6+s7], $0x80, s3, s7, $0xb8;
	[tilespmem:$0x4100] =	vst v63  }
0x1c: {  	_ =	swait.ge [sflag:s8], $0x4000  }
0x1d: {  	[sflag:s8] =	ssyncset.done $0x0  }
0x1e: {  	[sflag:s8] =	ssyncadd.s32 $0xFFFFC000  }
0x1f: {  	[tilespmem:s7], [sflag:$0x2] =	stream.linear.gather [hbm4b:s10+s3], $0x80, $0x38;
	[tilespmem:$0x4100] =	vst v63  }
0x20: {  	_ =	swait.ge [sflag:s5], $0x80  }
.Ltmp1:
0x21: {  	[sflag:s5] =	ssyncset.done $0x0;
	(pc) =	sbr.rel @p0 .LBB2_1-.Ltmp1, $4  }
0x22: {  	[sflag:s5] =	ssyncadd.s32 $0xFFFFFF80  }
0x23: {  	[hbm4b:s2+s7] =	stream.indirect.scatter [tilespmem:s9], [sflag:$0x1], $0x80, s7, s7, $0xb8;
	[tilespmem:$0x4100] =	vst v63  }
0x24: {  	_ =	swait.ge [sflag:s8], $0x4000  }
0x25: {  	[sflag:s8] =	ssyncset.done $0x0  }
.LBB2_2:
0x26: {  	[sflag:s8] =	ssyncadd.s32 $0xFFFFC000  }
0x27: {  	_ =	sfence.sel $0x180000  }
0x28: {  	[bflag:$0x0] =	sbarrier.arrive $0xFFFF  }
0x29: {  	p0 =	sne.s32 s0, $0x0;
	_ =	strace $0x9000004A  }
0x2a: {  	s0 =	sadd.s32 @!p0 $0x100000, s1;
	[bflag:$0x2] =	sbarrier.arrive $0xFFFF  }
0x2b: {  	[sflag:s0] =	ssyncadd.tile.s32 @!p0 $0x1;
	_ =	shalt  }
.Lfunc_end2:
_tile_overlayer_lowered:
.L_overlay_start_2:
0x2c: {  	(tag) =	ssettag $0x2  }
0x2d: {  	s0 =	rddreg [dreg:$0x0];
	s2 =	stileid.u32  }
0x2e: {  	s1 =	rddreg [dreg:$0x1];
	p0 =	sne.s32 s2, $0x0  }
0x2f: {  	s3 =	rddreg [dreg:$0x2];
	[bflag:$0x3] =	sbarrier.arrive $0xFFFF;
	s2 =	simm.s32 @!p0 $0x1C02  }
0x30: {  	[timem:s3], [sflag:s2] =	dma.local @!p0 [hbm:s0], s1  }
0x31: {  	s0 =	simm.s32 @!p0 $0x2  }
0x32: {  	_ =	swait.ge @!p0 [sflag:s0], s1  }
0x33: {  	s1 =	ssub.s32 @!p0 $0x0, s1;
	[sflag:s0] =	ssyncset.done @!p0 $0x0  }
0x34: {  	[sflag:s0] =	ssyncadd.s32 @!p0 s1  }
0x35: {  	[bflag:$0x3] =	sbarrier.arrive $0xFFFF  }
0x36: {  	_ =	shalt  }

// kernel: kernel.7.cloned.1.call-start
scs
__scs_entry_jumppad:
0x0: {  	(pc) =	sbr.rel $0x88, $3  }
0x1: {  	(tag) =	ssettag $0x0;
	lr =	simm.s32 $0x1  }
0x2: {  	[smem:$0x3F96] =	sst lr;
	_ =	strace $0xD0000000  }
0x3: {  	_ = 	snop  }
0x4: {  	_ = 	snop  }
0x5: {  	_ = 	snop  }
0x6: {  	_ = 	snop  }
0x7: {  	_ = 	snop  }
__scs_overlays_trampoline_lowered:
0x8: {  	[smem:$0x3FA5] =	sst s0  }
0x9: {  	[smem:$0x3FA6] =	sst s1  }
0xa: {  	[smem:$0x3FA7] =	sst s2  }
0xb: {  	[smem:$0x3FA8] =	sst s3  }
0xc: {  	[smem:$0x3FA9] =	sst s4  }
0xd: {  	[smem:$0x3FAA] =	sst s5  }
0xe: {  	[smem:$0x3FAB] =	sst s6  }
0xf: {  	[smem:$0x3FAC] =	sst s7  }
0x10: {  	[smem:$0x3FAD] =	sst s8  }
0x11: {  	[smem:$0x3FAE] =	sst s9;
	s0 =	simm.s32 @!p0 $0x0  }
0x12: {  	s1 =	sld [smem:$0x3F94];
	s0 =	simm.s32 @p0 $0x1  }
0x13: {  	[smem:$0x3FAF] =	sst s0;
	s0 =	simm.s32 @!p1 $0x0  }
0x14: {  	s2 =	sld [smem:$0x3F93];
	s0 =	simm.s32 @p1 $0x1  }
0x15: {  	[smem:$0x3FB0] =	sst s0;
	s0 =	simm.s32 @!p2 $0x0  }
0x16: {  	s3 =	sld [smem:$0x3FDB];
	s0 =	simm.s32 @p2 $0x1  }
0x17: {  	s4 =	simm.s32 $0x1BF5;
	[smem:$0x3FB2] =	sst s0  }
0x18: {  	s0 =	sld [smem:$0x3F95];
	_ =	swait.ge [sflag:s4], $0x0  }
0x19: {  	s7 =	sld [smem:$0x3F96]  }
0x1a: {  	s8 =	sadd.s32 $0xFFFFE003, lr  }
0x1b: {  	s9 =	sadd.s32 $0xFFFFFEF7, lr;
	s5 =	simm.s32 $0xFFFFFFFF;
	p2 =	slt.u32 s8, $0xFFFFF086  }
0x1c: {  	p1 =	slt.u32 s9, $0xF7A;
	s5 =	simm.s32 @!p2 $0x0  }
0x1d: {  	s5 =	simm.s32 @p1 $0x1;
	p0 =	seq.s32 s7, s2  }
0x1e: {  	s7 =	smul.u32 @!p0 $0xF7A, s2;
	p2 =	seq.s32 @!p0 s5, $0x0  }
0x1f: {  	s9 =	smul.u32 $0xF7A, s1;
	s8 =	simm.s32 @!p0 $0x1BF5;
	p2 =	por !p2, p0  }
0x20: {  	[sflag:s8] =	ssyncset.s32 @!p0 $0xFFFFF086;
	s6 =	sadd.s32 @!p0 s3, s7;
	s7 =	simm.s32 @!p0 $0x108  }
0x21: {  	s3 =	sadd.s32 s3, s9;
	s6 =	sadd.s32 @!p0 $0x88, s6;
	s7 =	simm.s32 @p2 $0x1082  }
0x22: {  	[simem:s7], [sflag:s8] =	dma.local @!p0 [hbm:s6], $0xF7A  }
0x23: {  	s9 =	sor.u32 $0xD0000000, s2;
	s6 =	simm.s32 $0x108;
	_ =	swait.ge @!p0 [sflag:s8], $0x0  }
0x24: {  	s3 =	sadd.s32 $0x88, s3;
	s6 =	simm.s32 @!p1 $0x1082;
	[sflag:s4] =	ssyncset.s32 $0xFFFFF086  }
0x25: {  	[simem:s6], [sflag:s4] =	dma.local [hbm:s3], $0xF7A  }
0x26: {  	[smem:$0x3F96] =	sst s1;
	(tag) =	ssettag s2;
	_ =	strace s9  }
0x27: {  	s1 =	sld [smem:$0x3FA6]  }
0x28: {  	s2 =	sld [smem:$0x3FA7]  }
0x29: {  	s4 =	sld [smem:$0x3FA9]  }
0x2a: {  	p0 =	seq.s32 s5, $0x0;
	s5 =	sld [smem:$0x3FAA]  }
0x2b: {  	s6 =	sld [smem:$0x3FAB]  }
0x2c: {  	s7 =	sld [smem:$0x3FAC]  }
0x2d: {  	s3 =	simm.s32 $0x108;
	s8 =	sld [smem:$0x3FAD]  }
0x2e: {  	s3 =	simm.s32 @!p0 $0x1082;
	s9 =	sld [smem:$0x3FAE]  }
0x2f: {  	lr =	sadd.s32 s0, s3;
	s0 =	sld [smem:$0x3FA5]  }
0x30: {  	s3 =	sld [smem:$0x3FA8]  }
0x31: {  	[smem:$0x3FB1] =	sst s10  }
0x32: {  	s10 =	sld [smem:$0x3FAF];
	_ =	sdelay $0x3  }
0x33: {  	p0 =	seq.s32 s10, $0x1;
	s10 =	sld [smem:$0x3FB1];
	_ =	sdelay $0x3  }
0x34: {  	[smem:$0x3FB1] =	sst s10  }
0x35: {  	s10 =	sld [smem:$0x3FB0];
	_ =	sdelay $0x3  }
0x36: {  	p1 =	seq.s32 s10, $0x1;
	s10 =	sld [smem:$0x3FB1];
	_ =	sdelay $0x3  }
0x37: {  	[smem:$0x3FB1] =	sst s10  }
0x38: {  	s10 =	sld [smem:$0x3FB2]  }
0x39: {  	_ = 	snop;
	(pc) =	sbr.ind lr, $3  }
0x3a: {  	_ = 	snop  }
0x3b: {  	_ = 	snop  }
0x3c: {  	p2 =	seq.s32 s10, $0x1;
	s10 =	sld [smem:$0x3FB1]  }
0x3d: {  	_ =	shalt  }
0x3e: {  	_ =	shalt  }
0x3f: {  	_ =	shalt  }
0x40: {  	_ =	shalt  }
0x41: {  	_ =	shalt  }
0x42: {  	_ =	shalt  }
0x43: {  	_ =	shalt  }
0x44: {  	_ =	shalt  }
0x45: {  	_ =	shalt  }
0x46: {  	_ =	shalt  }
0x47: {  	_ =	shalt  }
0x48: {  	_ =	shalt  }
0x49: {  	_ =	shalt  }
0x4a: {  	_ =	shalt  }
0x4b: {  	_ =	shalt  }
0x4c: {  	_ =	shalt  }
0x4d: {  	_ =	shalt  }
0x4e: {  	_ =	shalt  }
0x4f: {  	_ =	shalt  }
0x50: {  	_ =	shalt  }
0x51: {  	_ =	shalt  }
0x52: {  	_ =	shalt  }
0x53: {  	_ =	shalt  }
0x54: {  	_ =	shalt  }
0x55: {  	_ =	shalt  }
0x56: {  	_ =	shalt  }
0x57: {  	_ =	shalt  }
0x58: {  	_ =	shalt  }
0x59: {  	_ =	shalt  }
0x5a: {  	_ =	shalt  }
0x5b: {  	_ =	shalt  }
0x5c: {  	_ =	shalt  }
0x5d: {  	_ =	shalt  }
0x5e: {  	_ =	shalt  }
0x5f: {  	_ =	shalt  }
0x60: {  	_ =	shalt  }
0x61: {  	_ =	shalt  }
0x62: {  	_ =	shalt  }
0x63: {  	_ =	shalt  }
0x64: {  	_ =	shalt  }
0x65: {  	_ =	shalt  }
0x66: {  	_ =	shalt  }
0x67: {  	_ =	shalt  }
0x68: {  	_ =	shalt  }
0x69: {  	_ =	shalt  }
0x6a: {  	_ =	shalt  }
0x6b: {  	_ =	shalt  }
0x6c: {  	_ =	shalt  }
0x6d: {  	_ =	shalt  }
0x6e: {  	_ =	shalt  }
0x6f: {  	_ =	shalt  }
0x70: {  	_ =	shalt  }
0x71: {  	_ =	shalt  }
0x72: {  	_ =	shalt  }
0x73: {  	_ =	shalt  }
0x74: {  	_ =	shalt  }
0x75: {  	_ =	shalt  }
0x76: {  	_ =	shalt  }
0x77: {  	_ =	shalt  }
0x78: {  	_ =	shalt  }
0x79: {  	_ =	shalt  }
0x7a: {  	_ =	shalt  }
0x7b: {  	_ =	shalt  }
0x7c: {  	_ =	shalt  }
0x7d: {  	_ =	shalt  }
0x7e: {  	_ =	shalt  }
0x7f: {  	_ =	shalt  }
0x80: {  	_ =	shalt  }
0x81: {  	_ =	shalt  }
0x82: {  	_ =	shalt  }
0x83: {  	_ =	shalt  }
0x84: {  	_ =	shalt  }
0x85: {  	_ =	shalt  }
0x86: {  	_ =	shalt  }
0x87: {  	_ =	shalt  }
.Lfunc_end0:
.L_simem_size_0:
called_computation_lowered:
.L_overlay_start_0:
0x88: {  	s2 =	sld [smem:$0x3FD9]  }
0x89: {  	s3 =	sld [smem:$0x3FFE];
	_ =	sdelay $0x1  }
0x8a: {  	s1 =	srdreg.scid  }
0x8b: {  	s0 =	sand.u32 $0x1, s1  }
0x8c: {  	s14 =	sshll.u32 s0, $0xA;
	s2 =	sadd.s32 s3, s2  }
0x8d: {  	s2 =	sadd.s32 s2, s14  }
0x8e: {  	[smem:$0x3FBD] =	sst s2  }
0x8f: {  	_ = 	snop  }
0x90: {  	s2 =	sld [smem:$0x3FD0]  }
0x91: {  	s15 =	sld [smem:$0x3FC9]  }
0x92: {  	s4 =	sld [smem:$0x3FC8]  }
0x93: {  	s6 =	simm.s32 $0xA;
	s7 =	simm.s32 $0x10;
	s5 =	sld [smem:$0x3FC0]  }
0x94: {  	[smem:s7], [sflag:s6] =	dma.local [hbm:s2], $0x1  }
0x95: {  	_ =	swait.eq [sflag:s6], $0x1  }
0x96: {  	[sflag:s6] =	ssyncset.done $0x0  }
0x97: {  	s16 =	sld [smem:$0x10];
	[sflag:s6] =	ssyncadd.s32 $0xFFFFFFFF  }
0x98: {  	s17 =	sld [smem:$0x11];
	(tm) =	ssettm $0x1  }
0x99: {  	s18 =	sld [smem:$0x3FFB];
	_ =	sdelay $0x3  }
0x9a: {  	_ =	strace s18  }
0x9b: {  	s7 =	sld [smem:$0x3FFC];
	_ =	sdelay $0x3  }
0x9c: {  	_ =	strace s7  }
0x9d: {  	s7 =	sld [smem:$0x3FFD];
	_ =	sdelay $0x3  }
0x9e: {  	_ =	strace s7  }
0x9f: {  	_ =	strace $0x8FFFFFFF  }
0xa0: {  	s19 =	sld [smem:$0x3FDB];
	_ =	sdelay $0x1  }
0xa1: {  	s8 =	simm.s32 $_scs_section_size  }
0xa2: {  	s9 =	simm.s32 $_size__tile_overlayer_lowered;
	s10 =	simm.s32 $_tile_overlayer_lowered  }
0xa3: {  	s22 =	simm.s32 $0x1BFF;
	s21 =	sshll.u32 s10, $0x1;
	s7 =	sadd.s32 s8, s19  }
0xa4: {  	s11 =	simm.s32 $0x0;
	s20 =	sshll.u32 s9, $0x1;
	s9 =	sadd.s32 s21, s7  }
0xa5: {  	[timem:s11], [sflag:s22] =	dma.local [hbm:s9], s20  }
0xa6: {  	_ =	swait.ge [sflag:s22], s20  }
0xa7: {  	s8 =	ssub.s32 $0x0, s20;
	[sflag:s22] =	ssyncset.done $0x0  }
0xa8: {  	[sflag:s22] =	ssyncadd.s32 s8;
	_ =	sdelay $0x1  }
0xa9: {  	s23 =	simm.s32 $0x1B8B  }
0xaa: {  	_ =	swait.ge [sflag:s23], $0x1  }
0xab: {  	[sflag:s23] =	ssyncset.done $0x0  }
0xac: {  	s25 =	simm.s32 $0x1B8E;
	s24 =	sld [smem:$0x3FFE];
	[sflag:s23] =	ssyncadd.s32 $0xFFFFFFFF  }
0xad: {  	s26 =	simm.s32 $execute0_lowered;
	[smem:$0x3FD2] =	sst s25  }
0xae: {  	s9 =	sshll.u32 s26, $0x1;
	_ =	strace $0x80000046;
	[dreg:$0x1] =	wrdreg $0xFFFFFFFF  }
0xaf: {  	s28 =	simm.s32 $_size_execute0_lowered;
	s7 =	sadd.s32 s7, s9;
	[dreg:$0x0] =	wrdreg $0x0  }
0xb0: {  	s9 =	sshll.u32 s28, $0x1;
	[dreg:$0x2] =	wrdreg s7  }
0xb1: {  	[dreg:$0x3] =	wrdreg s9  }
0xb2: {  	[dreg:$0x4] =	wrdreg $0xC0  }
0xb3: {  	_ =	task [dreg:s11], $0x5FFFF  }
0xb4: {  	[dreg:$0x1] =	wrdreg $0xFFFFFFFF  }
0xb5: {  	[dreg:$0x0] =	wrdreg $0x60  }
0xb6: {  	[dreg:$0x2] =	wrdreg s4  }
0xb7: {  	[dreg:$0x3] =	wrdreg s15  }
0xb8: {  	[dreg:$0x4] =	wrdreg s16  }
0xb9: {  	[dreg:$0x5] =	wrdreg s5  }
0xba: {  	[dreg:$0x6] =	wrdreg s24  }
0xbb: {  	[dreg:$0x7] =	wrdreg s17  }
0xbc: {  	[dreg:$0x8] =	wrdreg $0x9  }
0xbd: {  	_ =	task.clear_ibuf [dreg:s11], $0x9FFFF;
	_ =	strace $0x90000046  }
0xbe: {  	s29 =	simm.s32 $0x9;
	_ =	strace $0x80000048  }
0xbf: {  	_ =	swait.ge [sflag:s29], $0x1  }
0xc0: {  	[sflag:s29] =	ssyncadd.s32 $0xFFFFFFFF  }
0xc1: {  	_ =	strace $0x90000048  }
0xc2: {  	_ =	sfence  }
0xc3: {  	s30 =	sld [smem:$0x0];
	_ =	sdelay $0x2  }
0xc4: {  	s31 =	sshll.u32 s1, $0xD;
	s1 =	sshrl.u32 s1, $0x2  }
0xc5: {  	s3 =	sand.u32 $0x4000, s31;
	s1 =	sadd.s32 s1, s30  }
0xc6: {  	s0 =	sor.u32 s3, s0;
	s1 =	sshll.u32 s1, $0x11  }
0xc7: {  	s0 =	sor.u32 s1, s0  }
0xc8: {  	s0 =	sadd.s32 $0x8F2B, s0  }
0xc9: {  	[sflag:s0] =	ssyncadd.remote.s32 $0x1  }
0xca: {  	_ =	sfence.sel $0xFFFF  }
0xcb: {  	[dreg:$0x0] =	wrdreg $0xFFFFFFFF;
	(pc) =	sbr.abs _section_cstart, $3  }
0xcc: {  	[dreg:$0x1] =	wrdreg $0xFFFFFFFF  }
0xcd: {  	_ =	task.clear_ibuf [dreg:s11], $0x2FFFF;
	_ =	strace $0x9FFFFFFF  }
0xce: {  	(tm) =	ssettm $0x7FFFFFFF  }
0xcf: {  	_ =	shalt  }
tec
execute0_lowered:
.L_overlay_start_1:
0x0: {  	(tag) =	ssettag $0x1  }
0x1: {  	s0 =	rddreg [dreg:$0x0]  }
0x2: {  	s3 =	rddreg [dreg:$0x2]  }
0x3: {  	s5 =	rddreg [dreg:$0x3]  }
0x4: {  	s4 =	srdreg.scid;
	s8 =	stileid.u32  }
0x5: {  	s6 =	rddreg [dreg:$0x4];
	s7 =	sand.u32 $0x1, s4;
	s8 =	sshll.u32 s8, $0x1  }
0x6: {  	s2 =	rddreg [dreg:$0x5];
	s4 =	simm.s32 $0x0;
	s8 =	sor.u32 s7, s8  }
0x7: {  	s6 =	sadd.s32 $0x2200, s6;
	s9 =	smul.u32 $0x180, s8;
	s21 =	sshll.u32 s8, $0x4  }
0x8: {  	[smem:$0x7FF] =	sst s4;
	s10 =	smul.u32 $0x18000, s8;
	s22 =	sadd.s32 s5, s21  }
0x9: {  	_ =	strace $0x80000047;
	s3 =	sadd.s32 s3, s9;
	[dreg:$0x8] =	wrdreg s22  }
0xa: {  	s23 =	sadd.s32 s6, s10;
	[dreg:$0x7] =	wrdreg s3  }
0xb: {  	s24 =	sadd.s32 $0x1000, s23;
	[smem:$0x7FA] =	sst s23  }
0xc: {  	s25 =	sadd.s32 $0x2000, s23;
	[dreg:$0x9] =	wrdreg s24  }
0xd: {  	s26 =	sadd.s32 $0x3000, s23;
	[dreg:$0xa] =	wrdreg s25  }
0xe: {  	s29 =	smul.u32 $0xC0000, s8;
	s28 =	sadd.s32 $0x4000, s23;
	[dreg:$0xb] =	wrdreg s26  }
0xf: {  	s30 =	sadd.s32 $0x5000, s23;
	[dreg:$0xc] =	wrdreg s28  }
0x10: {  	s5 =	sshrl.u32 s29, $0x3;
	s31 =	sadd.s32 $0x6000, s23;
	[dreg:$0xd] =	wrdreg s30  }
0x11: {  	s1 =	sadd.s32 $0x7000, s23;
	s5 =	sadd.s32 s6, s5;
	[dreg:$0xe] =	wrdreg s31  }
0x12: {  	[dreg:$0xf] =	wrdreg s1;
	s9 =	sadd.s32 $0x8000, s5  }
0x13: {  	s10 =	sadd.s32 $0x9000, s5;
	[dreg:$0x10] =	wrdreg s9  }
0x14: {  	s11 =	sadd.s32 $0xA000, s5;
	[dreg:$0x11] =	wrdreg s10  }
0x15: {  	s12 =	sadd.s32 $0xB000, s5;
	[dreg:$0x12] =	wrdreg s11  }
0x16: {  	s13 =	sadd.s32 $0xC000, s5;
	[dreg:$0x13] =	wrdreg s12  }
0x17: {  	s14 =	sadd.s32 $0xD000, s5;
	[dreg:$0x14] =	wrdreg s13  }
0x18: {  	s15 =	sadd.s32 $0xE000, s5;
	[dreg:$0x15] =	wrdreg s14  }
0x19: {  	s16 =	sadd.s32 $0xF000, s5;
	[dreg:$0x16] =	wrdreg s15  }
0x1a: {  	s17 =	sadd.s32 $0x10000, s5;
	[dreg:$0x17] =	wrdreg s16  }
0x1b: {  	s18 =	sadd.s32 $0x11000, s5;
	[dreg:$0x18] =	wrdreg s17  }
0x1c: {  	s19 =	sadd.s32 $0x12000, s5;
	[dreg:$0x19] =	wrdreg s18  }
0x1d: {  	s20 =	sadd.s32 $0x13000, s5;
	[dreg:$0x1a] =	wrdreg s19  }
0x1e: {  	s22 =	ssub.s32 $0x2, s7;
	s21 =	sadd.s32 $0x14000, s5;
	[dreg:$0x1b] =	wrdreg s20  }
0x1f: {  	s29 =	sshrl.u32 s22, $0x1;
	s23 =	sadd.s32 $0x15000, s5;
	[dreg:$0x1c] =	wrdreg s21  }
0x20: {  	s6 =	simm.s32 $0x1;
	s24 =	sadd.s32 $0x16000, s5;
	[dreg:$0x1d] =	wrdreg s23  }
0x21: {  	s25 =	sshll.u32 s8, $0xC;
	s26 =	sadd.s32 $0x17000, s5;
	[dreg:$0x1e] =	wrdreg s24  }
0x22: {  	s31 =	simm.s32 $0x18C00;
	s5 =	simm.s32 $0x4;
	[dreg:$0x1f] =	wrdreg s26  }
0x23: {  	s28 =	sadd.s32 s2, s25;
	s2 =	ssub.s32 s22, s29;
	[smem:$0x7FD] =	sst s31  }
0x24: {  	v2 =	vlaneseq.u32;
	s10 =	simm.s32 $0x2;
	s11 =	simm.s32 $0x5;
	s12 =	simm.s32 $0x3  }
0x25: {  	vm0 =	vmmov $0xffff;
	v1 =	vshrl.u32 v2, $0x3;
	s13 =	simm.s32 $0x6;
	[smem:$0x7FB] =	sst s28;
	s30 =	sadd.s32 $0x800, s28  }
0x26: {  	v0 =	vand.u32 $0x7, v2;
	v2 =	vor.u32 $0x8, v2;
	v1 =	vmul.u32 $0x8, v1;
	s25 =	simm.s32 $0xC00;
	s2 =	smax.u32 s2, $0x1;
	[smem:$0x7FC] =	sst s30  }
.LBB2_1:
0x27: {  	[smem:$0x7F9] =	sst s2  }
0x28: {  	s14 =	rddreg [dreg:$0x7];
	s18 =	simm.s32 $0x8  }
0x29: {  	[tilespmem:s4], [sflag:$0x8] =	stream.linear.gather [hbm4b:s14+s4], $0xC00, $0x38;
	[tilespmem:$0x1CC80] =	vst v63  }
0x2a: {  	_ =	swait.ge [sflag:s18], $0xC00  }
0x2b: {  	s15 =	sld [smem:$0x7FD]  }
0x2c: {  	[sflag:s18] =	ssyncset.done $0x0  }
0x2d: {  	s19 =	rddreg [dreg:$0x8];
	[sflag:s18] =	ssyncadd.s32 $0xFFFFF400  }
0x2e: {  	[tilespmem:s15], [sflag:$0x8] =	stream.linear.gather [hbm4b:s19+s4], $0x80, $0x38;
	[tilespmem:$0x1CC80] =	vst v63  }
0x2f: {  	_ =	swait.ge [sflag:s18], $0x80  }
0x30: {  	[sflag:s18] =	ssyncset.done $0x0  }
0x31: {  	[sflag:s18] =	ssyncadd.s32 $0xFFFFFF80  }
0x32: {  	v3 =	vld [tilespmem:$0x0];
	_ =	sdelay $0x4  }
0x33: {  	v4 =	vshll.u32 v3, $0x1  }
0x34: {  	v3 =	vand.u32 $0x7, v3;
	v4 =	vand.u32 $0xFFFFFFF0, v4  }
0x35: {  	v3 =	vor.u32 v3, v4  }
0x36: {  	v4 =	vperm.xlane v3, v0;
	_ =	sdelay $0x1  }
0x37: {  	v3 =	vperm.xlane v3, v2;
	v4 =	vadd.s32 v1, v4;
	_ =	sdelay $0x1  }
0x38: {  	v3 =	vadd.s32 v1, v3;
	_ =	sdelay $0x2  }
0x39: {  	[tilespmem:s25], [sflag:$0x1] =	stream.indirect_vreg.gather [hbm4b:s0+s4], $0x80, v4, vm0, $0xb8;
	[tilespmem:$0x1CC80] =	vst v63  }
0x3a: {  	s1 =	simm.s32 $0x1400  }
0x3b: {  	[tilespmem:s1], [sflag:$0x1] =	stream.indirect_vreg.gather [hbm4b:s0+s4], $0x80, v3, vm0, $0xb8;
	[tilespmem:$0x1CC80] =	vst v63  }
0x3c: {  	v3 =	vld [tilespmem:$0x10];
	_ =	sdelay $0x4  }
0x3d: {  	v33 =	vshll.u32 v3, $0x1  }
0x3e: {  	v3 =	vand.u32 $0x7, v3;
	v4 =	vand.u32 $0xFFFFFFF0, v33  }
0x3f: {  	v3 =	vor.u32 v3, v4  }
0x40: {  	v4 =	vperm.xlane v3, v0;
	_ =	sdelay $0x1  }
0x41: {  	v3 =	vperm.xlane v3, v2;
	v4 =	vadd.s32 v1, v4;
	_ =	sdelay $0x1  }
0x42: {  	v3 =	vadd.s32 v1, v3;
	_ =	sdelay $0x1  }
0x43: {  	s20 =	simm.s32 $0x1C00  }
0x44: {  	[tilespmem:s20], [sflag:$0x1] =	stream.indirect_vreg.gather [hbm4b:s0+s4], $0x80, v4, vm0, $0xb8;
	[tilespmem:$0x1CC80] =	vst v63  }
0x45: {  	s21 =	simm.s32 $0x2400  }
0x46: {  	[tilespmem:s21], [sflag:$0x1] =	stream.indirect_vreg.gather [hbm4b:s0+s4], $0x80, v3, vm0, $0xb8;
	[tilespmem:$0x1CC80] =	vst v63  }
0x47: {  	v3 =	vld [tilespmem:$0x20];
	_ =	sdelay $0x4  }
0x48: {  	v34 =	vshll.u32 v3, $0x1  }
0x49: {  	v3 =	vand.u32 $0x7, v3;
	v4 =	vand.u32 $0xFFFFFFF0, v34  }
0x4a: {  	v3 =	vor.u32 v3, v4  }
0x4b: {  	v4 =	vperm.xlane v3, v0;
	_ =	sdelay $0x1  }
0x4c: {  	v3 =	vperm.xlane v3, v2;
	v4 =	vadd.s32 v1, v4;
	_ =	sdelay $0x1  }
0x4d: {  	v3 =	vadd.s32 v1, v3;
	_ =	sdelay $0x1  }
0x4e: {  	s22 =	simm.s32 $0x2C00  }
0x4f: {  	[tilespmem:s22], [sflag:$0x1] =	stream.indirect_vreg.gather [hbm4b:s0+s4], $0x80, v4, vm0, $0xb8;
	[tilespmem:$0x1CC80] =	vst v63  }
0x50: {  	s23 =	simm.s32 $0x3400  }
0x51: {  	[tilespmem:s23], [sflag:$0x1] =	stream.indirect_vreg.gather [hbm4b:s0+s4], $0x80, v3, vm0, $0xb8;
	[tilespmem:$0x1CC80] =	vst v63  }
0x52: {  	v3 =	vld [tilespmem:$0x30];
	_ =	sdelay $0x4  }
0x53: {  	v35 =	vshll.u32 v3, $0x1  }
0x54: {  	v3 =	vand.u32 $0x7, v3;
	v4 =	vand.u32 $0xFFFFFFF0, v35  }
0x55: {  	v3 =	vor.u32 v3, v4  }
0x56: {  	v4 =	vperm.xlane v3, v0;
	_ =	sdelay $0x1  }
0x57: {  	v3 =	vperm.xlane v3, v2;
	v4 =	vadd.s32 v1, v4;
	_ =	sdelay $0x1  }
0x58: {  	v3 =	vadd.s32 v1, v3;
	_ =	sdelay $0x1  }
0x59: {  	s24 =	simm.s32 $0x3C00  }
0x5a: {  	[tilespmem:s24], [sflag:$0x1] =	stream.indirect_vreg.gather [hbm4b:s0+s4], $0x80, v4, vm0, $0xb8;
	[tilespmem:$0x1CC80] =	vst v63  }
0x5b: {  	s26 =	simm.s32 $0x4400  }
0x5c: {  	[tilespmem:s26], [sflag:$0x1] =	stream.indirect_vreg.gather [hbm4b:s0+s4], $0x80, v3, vm0, $0xb8;
	[tilespmem:$0x1CC80] =	vst v63  }
0x5d: {  	v3 =	vld [tilespmem:$0x40];
	_ =	sdelay $0x4  }
0x5e: {  	v36 =	vshll.u32 v3, $0x1  }
0x5f: {  	v3 =	vand.u32 $0x7, v3;
	v4 =	vand.u32 $0xFFFFFFF0, v36  }
0x60: {  	v3 =	vor.u32 v3, v4  }
0x61: {  	v4 =	vperm.xlane v3, v0;
	_ =	sdelay $0x1  }
0x62: {  	v3 =	vperm.xlane v3, v2;
	v4 =	vadd.s32 v1, v4;
	_ =	sdelay $0x1  }
0x63: {  	v3 =	vadd.s32 v1, v3;
	_ =	sdelay $0x1  }
0x64: {  	s28 =	simm.s32 $0x4C00  }
0x65: {  	[tilespmem:s28], [sflag:$0x1] =	stream.indirect_vreg.gather [hbm4b:s0+s4], $0x80, v4, vm0, $0xb8;
	[tilespmem:$0x1CC80] =	vst v63  }
0x66: {  	s29 =	simm.s32 $0x5400  }
0x67: {  	[tilespmem:s29], [sflag:$0x1] =	stream.indirect_vreg.gather [hbm4b:s0+s4], $0x80, v3, vm0, $0xb8;
	[tilespmem:$0x1CC80] =	vst v63  }
0x68: {  	v3 =	vld [tilespmem:$0x50];
	_ =	sdelay $0x4  }
0x69: {  	v37 =	vshll.u32 v3, $0x1  }
0x6a: {  	v3 =	vand.u32 $0x7, v3;
	v4 =	vand.u32 $0xFFFFFFF0, v37  }
0x6b: {  	v3 =	vor.u32 v3, v4  }
0x6c: {  	v4 =	vperm.xlane v3, v0;
	_ =	sdelay $0x1  }
0x6d: {  	v3 =	vperm.xlane v3, v2;
	v4 =	vadd.s32 v1, v4;
	_ =	sdelay $0x1  }
0x6e: {  	v3 =	vadd.s32 v1, v3;
	_ =	sdelay $0x1  }
0x6f: {  	s30 =	simm.s32 $0x5C00  }
0x70: {  	[tilespmem:s30], [sflag:$0x1] =	stream.indirect_vreg.gather [hbm4b:s0+s4], $0x80, v4, vm0, $0xb8;
	[tilespmem:$0x1CC80] =	vst v63  }
0x71: {  	s2 =	simm.s32 $0x6400  }
0x72: {  	[tilespmem:s2], [sflag:$0x1] =	stream.indirect_vreg.gather [hbm4b:s0+s4], $0x80, v3, vm0, $0xb8;
	[tilespmem:$0x1CC80] =	vst v63  }
0x73: {  	v3 =	vld [tilespmem:$0x60];
	_ =	sdelay $0x4  }
0x74: {  	v38 =	vshll.u32 v3, $0x1  }
0x75: {  	v3 =	vand.u32 $0x7, v3;
	v4 =	vand.u32 $0xFFFFFFF0, v38  }
0x76: {  	v3 =	vor.u32 v3, v4  }
0x77: {  	v4 =	vperm.xlane v3, v0;
	_ =	sdelay $0x1  }
0x78: {  	v3 =	vperm.xlane v3, v2;
	v4 =	vadd.s32 v1, v4;
	_ =	sdelay $0x1  }
0x79: {  	v3 =	vadd.s32 v1, v3;
	_ =	sdelay $0x1  }
0x7a: {  	s7 =	simm.s32 $0x6C00  }
0x7b: {  	[tilespmem:s7], [sflag:$0x1] =	stream.indirect_vreg.gather [hbm4b:s0+s4], $0x80, v4, vm0, $0xb8;
	[tilespmem:$0x1CC80] =	vst v63  }
0x7c: {  	s9 =	simm.s32 $0x7400  }
0x7d: {  	[tilespmem:s9], [sflag:$0x1] =	stream.indirect_vreg.gather [hbm4b:s0+s4], $0x80, v3, vm0, $0xb8;
	[tilespmem:$0x1CC80] =	vst v63  }
0x7e: {  	v3 =	vld [tilespmem:$0x70];
	_ =	sdelay $0x4  }
0x7f: {  	v39 =	vshll.u32 v3, $0x1  }
0x80: {  	v3 =	vand.u32 $0x7, v3;
	v4 =	vand.u32 $0xFFFFFFF0, v39  }
0x81: {  	v3 =	vor.u32 v3, v4  }
0x82: {  	v4 =	vperm.xlane v3, v0;
	_ =	sdelay $0x1  }
0x83: {  	v3 =	vperm.xlane v3, v2;
	v4 =	vadd.s32 v1, v4;
	_ =	sdelay $0x1  }
0x84: {  	v3 =	vadd.s32 v1, v3;
	_ =	sdelay $0x1  }
0x85: {  	s14 =	simm.s32 $0x7C00  }
0x86: {  	[tilespmem:s14], [sflag:$0x1] =	stream.indirect_vreg.gather [hbm4b:s0+s4], $0x80, v4, vm0, $0xb8;
	[tilespmem:$0x1CC80] =	vst v63  }
0x87: {  	s15 =	simm.s32 $0x8400  }
0x88: {  	[tilespmem:s15], [sflag:$0x1] =	stream.indirect_vreg.gather [hbm4b:s0+s4], $0x80, v3, vm0, $0xb8;
	[tilespmem:$0x1CC80] =	vst v63  }
0x89: {  	v3 =	vld [tilespmem:$0x80];
	_ =	sdelay $0x4  }
0x8a: {  	v40 =	vshll.u32 v3, $0x1  }
0x8b: {  	v3 =	vand.u32 $0x7, v3;
	v4 =	vand.u32 $0xFFFFFFF0, v40  }
0x8c: {  	v3 =	vor.u32 v3, v4  }
0x8d: {  	v4 =	vperm.xlane v3, v0;
	_ =	sdelay $0x1  }
0x8e: {  	v3 =	vperm.xlane v3, v2;
	v4 =	vadd.s32 v1, v4;
	_ =	sdelay $0x1  }
0x8f: {  	v3 =	vadd.s32 v1, v3;
	_ =	sdelay $0x1  }
0x90: {  	s22 =	simm.s32 $0x8C00  }
0x91: {  	[tilespmem:s22], [sflag:$0x2] =	stream.indirect_vreg.gather [hbm4b:s0+s4], $0x80, v4, vm0, $0xb8;
	[tilespmem:$0x1CC80] =	vst v63  }
0x92: {  	s16 =	simm.s32 $0x9400  }
0x93: {  	[tilespmem:s16], [sflag:$0x2] =	stream.indirect_vreg.gather [hbm4b:s0+s4], $0x80, v3, vm0, $0xb8;
	[tilespmem:$0x1CC80] =	vst v63  }
0x94: {  	v3 =	vld [tilespmem:$0x90];
	_ =	sdelay $0x4  }
0x95: {  	v41 =	vshll.u32 v3, $0x1  }
0x96: {  	v3 =	vand.u32 $0x7, v3;
	v4 =	vand.u32 $0xFFFFFFF0, v41  }
0x97: {  	v3 =	vor.u32 v3, v4  }
0x98: {  	v4 =	vperm.xlane v3, v0;
	_ =	sdelay $0x1  }
0x99: {  	v3 =	vperm.xlane v3, v2;
	v4 =	vadd.s32 v1, v4;
	_ =	sdelay $0x1  }
0x9a: {  	v3 =	vadd.s32 v1, v3;
	_ =	sdelay $0x1  }
0x9b: {  	s17 =	simm.s32 $0x9C00  }
0x9c: {  	[tilespmem:s17], [sflag:$0x2] =	stream.indirect_vreg.gather [hbm4b:s0+s4], $0x80, v4, vm0, $0xb8;
	[tilespmem:$0x1CC80] =	vst v63  }
0x9d: {  	s18 =	simm.s32 $0xA400  }
0x9e: {  	[tilespmem:s18], [sflag:$0x2] =	stream.indirect_vreg.gather [hbm4b:s0+s4], $0x80, v3, vm0, $0xb8;
	[tilespmem:$0x1CC80] =	vst v63  }
0x9f: {  	v3 =	vld [tilespmem:$0xA0];
	_ =	sdelay $0x4  }
0xa0: {  	v42 =	vshll.u32 v3, $0x1  }
0xa1: {  	v3 =	vand.u32 $0x7, v3;
	v4 =	vand.u32 $0xFFFFFFF0, v42  }
0xa2: {  	v3 =	vor.u32 v3, v4  }
0xa3: {  	v4 =	vperm.xlane v3, v0;
	_ =	sdelay $0x1  }
0xa4: {  	v3 =	vperm.xlane v3, v2;
	v4 =	vadd.s32 v1, v4;
	_ =	sdelay $0x1  }
0xa5: {  	v3 =	vadd.s32 v1, v3;
	_ =	sdelay $0x1  }
0xa6: {  	s19 =	simm.s32 $0xAC00  }
0xa7: {  	[tilespmem:s19], [sflag:$0x2] =	stream.indirect_vreg.gather [hbm4b:s0+s4], $0x80, v4, vm0, $0xb8;
	[tilespmem:$0x1CC80] =	vst v63  }
0xa8: {  	s20 =	simm.s32 $0xB400  }
0xa9: {  	[tilespmem:s20], [sflag:$0x2] =	stream.indirect_vreg.gather [hbm4b:s0+s4], $0x80, v3, vm0, $0xb8;
	[tilespmem:$0x1CC80] =	vst v63  }
0xaa: {  	v3 =	vld [tilespmem:$0xB0];
	_ =	sdelay $0x4  }
0xab: {  	v43 =	vshll.u32 v3, $0x1  }
0xac: {  	v3 =	vand.u32 $0x7, v3;
	v4 =	vand.u32 $0xFFFFFFF0, v43  }
0xad: {  	v3 =	vor.u32 v3, v4  }
0xae: {  	v4 =	vperm.xlane v3, v0;
	_ =	sdelay $0x1  }
0xaf: {  	v3 =	vperm.xlane v3, v2;
	v4 =	vadd.s32 v1, v4;
	_ =	sdelay $0x1  }
0xb0: {  	v3 =	vadd.s32 v1, v3;
	_ =	sdelay $0x1  }
0xb1: {  	s21 =	simm.s32 $0xBC00  }
0xb2: {  	[tilespmem:s21], [sflag:$0x2] =	stream.indirect_vreg.gather [hbm4b:s0+s4], $0x80, v4, vm0, $0xb8;
	[tilespmem:$0x1CC80] =	vst v63  }
0xb3: {  	s26 =	simm.s32 $0xC400  }
0xb4: {  	[tilespmem:s26], [sflag:$0x2] =	stream.indirect_vreg.gather [hbm4b:s0+s4], $0x80, v3, vm0, $0xb8;
	[tilespmem:$0x1CC80] =	vst v63  }
0xb5: {  	v3 =	vld [tilespmem:$0xC0];
	_ =	sdelay $0x4  }
0xb6: {  	v44 =	vshll.u32 v3, $0x1  }
0xb7: {  	v3 =	vand.u32 $0x7, v3;
	v4 =	vand.u32 $0xFFFFFFF0, v44  }
0xb8: {  	v3 =	vor.u32 v3, v4  }
0xb9: {  	v4 =	vperm.xlane v3, v0;
	_ =	sdelay $0x1  }
0xba: {  	v3 =	vperm.xlane v3, v2;
	v4 =	vadd.s32 v1, v4;
	_ =	sdelay $0x1  }
0xbb: {  	v3 =	vadd.s32 v1, v3;
	_ =	sdelay $0x1  }
0xbc: {  	s28 =	simm.s32 $0xCC00  }
0xbd: {  	[tilespmem:s28], [sflag:$0x2] =	stream.indirect_vreg.gather [hbm4b:s0+s4], $0x80, v4, vm0, $0xb8;
	[tilespmem:$0x1CC80] =	vst v63  }
0xbe: {  	s29 =	simm.s32 $0xD400  }
0xbf: {  	[tilespmem:s29], [sflag:$0x2] =	stream.indirect_vreg.gather [hbm4b:s0+s4], $0x80, v3, vm0, $0xb8;
	[tilespmem:$0x1CC80] =	vst v63  }
0xc0: {  	v3 =	vld [tilespmem:$0xD0];
	_ =	sdelay $0x4  }
0xc1: {  	v45 =	vshll.u32 v3, $0x1  }
0xc2: {  	v3 =	vand.u32 $0x7, v3;
	v4 =	vand.u32 $0xFFFFFFF0, v45  }
0xc3: {  	v3 =	vor.u32 v3, v4  }
0xc4: {  	v4 =	vperm.xlane v3, v0;
	_ =	sdelay $0x1  }
0xc5: {  	v3 =	vperm.xlane v3, v2;
	v4 =	vadd.s32 v1, v4;
	_ =	sdelay $0x1  }
0xc6: {  	v3 =	vadd.s32 v1, v3;
	_ =	sdelay $0x1  }
0xc7: {  	s30 =	simm.s32 $0xDC00  }
0xc8: {  	[tilespmem:s30], [sflag:$0x2] =	stream.indirect_vreg.gather [hbm4b:s0+s4], $0x80, v4, vm0, $0xb8;
	[tilespmem:$0x1CC80] =	vst v63  }
0xc9: {  	s1 =	simm.s32 $0xE400  }
0xca: {  	[tilespmem:s1], [sflag:$0x2] =	stream.indirect_vreg.gather [hbm4b:s0+s4], $0x80, v3, vm0, $0xb8;
	[tilespmem:$0x1CC80] =	vst v63  }
0xcb: {  	v3 =	vld [tilespmem:$0xE0];
	_ =	sdelay $0x4  }
0xcc: {  	v46 =	vshll.u32 v3, $0x1  }
0xcd: {  	v3 =	vand.u32 $0x7, v3;
	v4 =	vand.u32 $0xFFFFFFF0, v46  }
0xce: {  	v3 =	vor.u32 v3, v4  }
0xcf: {  	v4 =	vperm.xlane v3, v0;
	_ =	sdelay $0x1  }
0xd0: {  	v3 =	vperm.xlane v3, v2;
	v4 =	vadd.s32 v1, v4;
	_ =	sdelay $0x1  }
0xd1: {  	v3 =	vadd.s32 v1, v3;
	_ =	sdelay $0x1  }
0xd2: {  	s7 =	simm.s32 $0xEC00  }
0xd3: {  	[tilespmem:s7], [sflag:$0x2] =	stream.indirect_vreg.gather [hbm4b:s0+s4], $0x80, v4, vm0, $0xb8;
	[tilespmem:$0x1CC80] =	vst v63  }
0xd4: {  	s9 =	simm.s32 $0xF400  }
0xd5: {  	[tilespmem:s9], [sflag:$0x2] =	stream.indirect_vreg.gather [hbm4b:s0+s4], $0x80, v3, vm0, $0xb8;
	[tilespmem:$0x1CC80] =	vst v63  }
0xd6: {  	v3 =	vld [tilespmem:$0xF0];
	_ =	sdelay $0x4  }
0xd7: {  	v47 =	vshll.u32 v3, $0x1  }
0xd8: {  	v3 =	vand.u32 $0x7, v3;
	v4 =	vand.u32 $0xFFFFFFF0, v47  }
0xd9: {  	v3 =	vor.u32 v3, v4  }
0xda: {  	v4 =	vperm.xlane v3, v0;
	_ =	sdelay $0x1  }
0xdb: {  	v3 =	vperm.xlane v3, v2;
	v4 =	vadd.s32 v1, v4;
	_ =	sdelay $0x1  }
0xdc: {  	v3 =	vadd.s32 v1, v3;
	_ =	sdelay $0x1  }
0xdd: {  	s14 =	simm.s32 $0xFC00  }
0xde: {  	[tilespmem:s14], [sflag:$0x2] =	stream.indirect_vreg.gather [hbm4b:s0+s4], $0x80, v4, vm0, $0xb8;
	[tilespmem:$0x1CC80] =	vst v63  }
0xdf: {  	s15 =	simm.s32 $0x10400  }
0xe0: {  	[tilespmem:s15], [sflag:$0x2] =	stream.indirect_vreg.gather [hbm4b:s0+s4], $0x80, v3, vm0, $0xb8;
	[tilespmem:$0x1CC80] =	vst v63  }
0xe1: {  	v3 =	vld [tilespmem:$0x100];
	_ =	sdelay $0x4  }
0xe2: {  	v48 =	vshll.u32 v3, $0x1  }
0xe3: {  	v3 =	vand.u32 $0x7, v3;
	v4 =	vand.u32 $0xFFFFFFF0, v48  }
0xe4: {  	v3 =	vor.u32 v3, v4  }
0xe5: {  	v4 =	vperm.xlane v3, v0;
	_ =	sdelay $0x1  }
0xe6: {  	v3 =	vperm.xlane v3, v2;
	v4 =	vadd.s32 v1, v4;
	_ =	sdelay $0x1  }
0xe7: {  	v3 =	vadd.s32 v1, v3;
	_ =	sdelay $0x1  }
0xe8: {  	s21 =	simm.s32 $0x10C00  }
0xe9: {  	[tilespmem:s21], [sflag:$0x3] =	stream.indirect_vreg.gather [hbm4b:s0+s4], $0x80, v4, vm0, $0xb8;
	[tilespmem:$0x1CC80] =	vst v63  }
0xea: {  	s17 =	simm.s32 $0x11400  }
0xeb: {  	[tilespmem:s17], [sflag:$0x3] =	stream.indirect_vreg.gather [hbm4b:s0+s4], $0x80, v3, vm0, $0xb8;
	[tilespmem:$0x1CC80] =	vst v63  }
0xec: {  	v3 =	vld [tilespmem:$0x110];
	_ =	sdelay $0x4  }
0xed: {  	v49 =	vshll.u32 v3, $0x1  }
0xee: {  	v3 =	vand.u32 $0x7, v3;
	v4 =	vand.u32 $0xFFFFFFF0, v49  }
0xef: {  	v3 =	vor.u32 v3, v4  }
0xf0: {  	v4 =	vperm.xlane v3, v0;
	_ =	sdelay $0x1  }
0xf1: {  	v3 =	vperm.xlane v3, v2;
	v4 =	vadd.s32 v1, v4;
	_ =	sdelay $0x1  }
0xf2: {  	v3 =	vadd.s32 v1, v3;
	_ =	sdelay $0x1  }
0xf3: {  	s18 =	simm.s32 $0x11C00  }
0xf4: {  	[tilespmem:s18], [sflag:$0x3] =	stream.indirect_vreg.gather [hbm4b:s0+s4], $0x80, v4, vm0, $0xb8;
	[tilespmem:$0x1CC80] =	vst v63  }
0xf5: {  	s19 =	simm.s32 $0x12400  }
0xf6: {  	[tilespmem:s19], [sflag:$0x3] =	stream.indirect_vreg.gather [hbm4b:s0+s4], $0x80, v3, vm0, $0xb8;
	[tilespmem:$0x1CC80] =	vst v63  }
0xf7: {  	v3 =	vld [tilespmem:$0x120];
	_ =	sdelay $0x4  }
0xf8: {  	v50 =	vshll.u32 v3, $0x1  }
0xf9: {  	v3 =	vand.u32 $0x7, v3;
	v4 =	vand.u32 $0xFFFFFFF0, v50  }
0xfa: {  	v3 =	vor.u32 v3, v4  }
0xfb: {  	v4 =	vperm.xlane v3, v0;
	_ =	sdelay $0x1  }
0xfc: {  	v3 =	vperm.xlane v3, v2;
	v4 =	vadd.s32 v1, v4;
	_ =	sdelay $0x1  }
0xfd: {  	v3 =	vadd.s32 v1, v3;
	_ =	sdelay $0x1  }
0xfe: {  	s20 =	simm.s32 $0x12C00  }
0xff: {  	[tilespmem:s20], [sflag:$0x3] =	stream.indirect_vreg.gather [hbm4b:s0+s4], $0x80, v4, vm0, $0xb8;
	[tilespmem:$0x1CC80] =	vst v63  }
0x100: {  	s1 =	simm.s32 $0x13400  }
0x101: {  	[tilespmem:s1], [sflag:$0x3] =	stream.indirect_vreg.gather [hbm4b:s0+s4], $0x80, v3, vm0, $0xb8;
	[tilespmem:$0x1CC80] =	vst v63  }
0x102: {  	v3 =	vld [tilespmem:$0x130];
	_ =	sdelay $0x4  }
0x103: {  	v51 =	vshll.u32 v3, $0x1  }
0x104: {  	v3 =	vand.u32 $0x7, v3;
	v4 =	vand.u32 $0xFFFFFFF0, v51  }
0x105: {  	v3 =	vor.u32 v3, v4  }
0x106: {  	v4 =	vperm.xlane v3, v0;
	_ =	sdelay $0x1  }
0x107: {  	v3 =	vperm.xlane v3, v2;
	v4 =	vadd.s32 v1, v4;
	_ =	sdelay $0x1  }
0x108: {  	v3 =	vadd.s32 v1, v3;
	_ =	sdelay $0x1  }
0x109: {  	s2 =	simm.s32 $0x13C00  }
0x10a: {  	[tilespmem:s2], [sflag:$0x3] =	stream.indirect_vreg.gather [hbm4b:s0+s4], $0x80, v4, vm0, $0xb8;
	[tilespmem:$0x1CC80] =	vst v63  }
0x10b: {  	s7 =	simm.s32 $0x14400  }
0x10c: {  	[tilespmem:s7], [sflag:$0x3] =	stream.indirect_vreg.gather [hbm4b:s0+s4], $0x80, v3, vm0, $0xb8;
	[tilespmem:$0x1CC80] =	vst v63  }
0x10d: {  	v3 =	vld [tilespmem:$0x140];
	_ =	sdelay $0x4  }
0x10e: {  	v52 =	vshll.u32 v3, $0x1  }
0x10f: {  	v3 =	vand.u32 $0x7, v3;
	v4 =	vand.u32 $0xFFFFFFF0, v52  }
0x110: {  	v3 =	vor.u32 v3, v4  }
0x111: {  	v4 =	vperm.xlane v3, v0;
	_ =	sdelay $0x1  }
0x112: {  	v3 =	vperm.xlane v3, v2;
	v4 =	vadd.s32 v1, v4;
	_ =	sdelay $0x1  }
0x113: {  	v3 =	vadd.s32 v1, v3;
	_ =	sdelay $0x1  }
0x114: {  	s9 =	simm.s32 $0x14C00  }
0x115: {  	[tilespmem:s9], [sflag:$0x3] =	stream.indirect_vreg.gather [hbm4b:s0+s4], $0x80, v4, vm0, $0xb8;
	[tilespmem:$0x1CC80] =	vst v63  }
0x116: {  	s15 =	simm.s32 $0x15400  }
0x117: {  	[tilespmem:s15], [sflag:$0x3] =	stream.indirect_vreg.gather [hbm4b:s0+s4], $0x80, v3, vm0, $0xb8;
	[tilespmem:$0x1CC80] =	vst v63  }
0x118: {  	v3 =	vld [tilespmem:$0x150];
	_ =	sdelay $0x4  }
0x119: {  	v53 =	vshll.u32 v3, $0x1  }
0x11a: {  	v3 =	vand.u32 $0x7, v3;
	v4 =	vand.u32 $0xFFFFFFF0, v53  }
0x11b: {  	v3 =	vor.u32 v3, v4  }
0x11c: {  	v4 =	vperm.xlane v3, v0;
	_ =	sdelay $0x1  }
0x11d: {  	v3 =	vperm.xlane v3, v2;
	v4 =	vadd.s32 v1, v4;
	_ =	sdelay $0x1  }
0x11e: {  	v3 =	vadd.s32 v1, v3;
	_ =	sdelay $0x1  }
0x11f: {  	s17 =	simm.s32 $0x15C00  }
0x120: {  	[tilespmem:s17], [sflag:$0x3] =	stream.indirect_vreg.gather [hbm4b:s0+s4], $0x80, v4, vm0, $0xb8;
	[tilespmem:$0x1CC80] =	vst v63  }
0x121: {  	s18 =	simm.s32 $0x16400  }
0x122: {  	[tilespmem:s18], [sflag:$0x3] =	stream.indirect_vreg.gather [hbm4b:s0+s4], $0x80, v3, vm0, $0xb8;
	[tilespmem:$0x1CC80] =	vst v63  }
0x123: {  	v3 =	vld [tilespmem:$0x160];
	_ =	sdelay $0x4  }
0x124: {  	v54 =	vshll.u32 v3, $0x1  }
0x125: {  	v3 =	vand.u32 $0x7, v3;
	v4 =	vand.u32 $0xFFFFFFF0, v54  }
0x126: {  	v3 =	vor.u32 v3, v4  }
0x127: {  	v4 =	vperm.xlane v3, v0;
	_ =	sdelay $0x1  }
0x128: {  	v3 =	vperm.xlane v3, v2;
	v4 =	vadd.s32 v1, v4;
	_ =	sdelay $0x1  }
0x129: {  	v3 =	vadd.s32 v1, v3;
	_ =	sdelay $0x1  }
0x12a: {  	s19 =	simm.s32 $0x16C00  }
0x12b: {  	[tilespmem:s19], [sflag:$0x3] =	stream.indirect_vreg.gather [hbm4b:s0+s4], $0x80, v4, vm0, $0xb8;
	[tilespmem:$0x1CC80] =	vst v63  }
0x12c: {  	s20 =	simm.s32 $0x17400  }
0x12d: {  	[tilespmem:s20], [sflag:$0x3] =	stream.indirect_vreg.gather [hbm4b:s0+s4], $0x80, v3, vm0, $0xb8;
	[tilespmem:$0x1CC80] =	vst v63  }
0x12e: {  	v3 =	vld [tilespmem:$0x170];
	_ =	sdelay $0x4  }
0x12f: {  	v55 =	vshll.u32 v3, $0x1  }
0x130: {  	v3 =	vand.u32 $0x7, v3;
	v4 =	vand.u32 $0xFFFFFFF0, v55  }
0x131: {  	v3 =	vor.u32 v3, v4  }
0x132: {  	v4 =	vperm.xlane v3, v0;
	_ =	sdelay $0x1  }
0x133: {  	v3 =	vperm.xlane v3, v2;
	v4 =	vadd.s32 v1, v4;
	_ =	sdelay $0x1  }
0x134: {  	v3 =	vadd.s32 v1, v3;
	_ =	sdelay $0x1  }
0x135: {  	s1 =	simm.s32 $0x17C00  }
0x136: {  	[tilespmem:s1], [sflag:$0x3] =	stream.indirect_vreg.gather [hbm4b:s0+s4], $0x80, v4, vm0, $0xb8;
	[tilespmem:$0x1CC80] =	vst v63  }
0x137: {  	s2 =	simm.s32 $0x18400  }
0x138: {  	[tilespmem:s2], [sflag:$0x3] =	stream.indirect_vreg.gather [hbm4b:s0+s4], $0x80, v3, vm0, $0xb8;
	[tilespmem:$0x1CC80] =	vst v63  }
0x139: {  	_ =	swait.ge [sflag:s6], $0x8000  }
0x13a: {  	s7 =	sld [smem:$0x7FA]  }
0x13b: {  	[sflag:s6] =	ssyncset.done $0x0  }
0x13c: {  	[sflag:s6] =	ssyncadd.s32 $0xFFFF8000  }
0x13d: {  	[hbm4b:s7+s4] =	stream.linear.scatter [tilespmem:s25], [sflag:$0x4], $0x8000, $0x38;
	[tilespmem:$0x1CC80] =	vst v63  }
0x13e: {  	_ =	swait.ge [sflag:s5], $0x8000  }
0x13f: {  	[sflag:s5] =	ssyncset.done $0x0  }
0x140: {  	[sflag:s5] =	ssyncadd.s32 $0xFFFF8000  }
0x141: {  	v3 =	vld [tilespmem:$0x180];
	_ =	sdelay $0x4  }
0x142: {  	v56 =	vshll.u32 v3, $0x1  }
0x143: {  	v3 =	vand.u32 $0x7, v3;
	v4 =	vand.u32 $0xFFFFFFF0, v56  }
0x144: {  	v3 =	vor.u32 v3, v4  }
0x145: {  	v4 =	vperm.xlane v3, v0;
	_ =	sdelay $0x1  }
0x146: {  	v3 =	vperm.xlane v3, v2;
	v4 =	vadd.s32 v1, v4;
	_ =	sdelay $0x1  }
0x147: {  	v3 =	vadd.s32 v1, v3;
	_ =	sdelay $0x2  }
0x148: {  	[tilespmem:s25], [sflag:$0x1] =	stream.indirect_vreg.gather [hbm4b:s0+s4], $0x80, v4, vm0, $0xb8;
	[tilespmem:$0x1CC80] =	vst v63  }
0x149: {  	s3 =	simm.s32 $0x1400  }
0x14a: {  	[tilespmem:s3], [sflag:$0x1] =	stream.indirect_vreg.gather [hbm4b:s0+s4], $0x80, v3, vm0, $0xb8;
	[tilespmem:$0x1CC80] =	vst v63  }
0x14b: {  	v3 =	vld [tilespmem:$0x190];
	_ =	sdelay $0x4  }
0x14c: {  	v57 =	vshll.u32 v3, $0x1  }
0x14d: {  	v3 =	vand.u32 $0x7, v3;
	v4 =	vand.u32 $0xFFFFFFF0, v57  }
0x14e: {  	v3 =	vor.u32 v3, v4  }
0x14f: {  	v4 =	vperm.xlane v3, v0;
	_ =	sdelay $0x1  }
0x150: {  	v3 =	vperm.xlane v3, v2;
	v4 =	vadd.s32 v1, v4;
	_ =	sdelay $0x1  }
0x151: {  	v3 =	vadd.s32 v1, v3;
	_ =	sdelay $0x1  }
0x152: {  	s7 =	simm.s32 $0x1C00  }
0x153: {  	[tilespmem:s7], [sflag:$0x1] =	stream.indirect_vreg.gather [hbm4b:s0+s4], $0x80, v4, vm0, $0xb8;
	[tilespmem:$0x1CC80] =	vst v63  }
0x154: {  	s8 =	simm.s32 $0x2400  }
0x155: {  	[tilespmem:s8], [sflag:$0x1] =	stream.indirect_vreg.gather [hbm4b:s0+s4], $0x80, v3, vm0, $0xb8;
	[tilespmem:$0x1CC80] =	vst v63  }
0x156: {  	v3 =	vld [tilespmem:$0x1A0];
	_ =	sdelay $0x4  }
0x157: {  	v58 =	vshll.u32 v3, $0x1  }
0x158: {  	v3 =	vand.u32 $0x7, v3;
	v4 =	vand.u32 $0xFFFFFFF0, v58  }
0x159: {  	v3 =	vor.u32 v3, v4  }
0x15a: {  	v4 =	vperm.xlane v3, v0;
	_ =	sdelay $0x1  }
0x15b: {  	v3 =	vperm.xlane v3, v2;
	v4 =	vadd.s32 v1, v4;
	_ =	sdelay $0x1  }
0x15c: {  	v3 =	vadd.s32 v1, v3;
	_ =	sdelay $0x1  }
0x15d: {  	s9 =	simm.s32 $0x2C00  }
0x15e: {  	[tilespmem:s9], [sflag:$0x1] =	stream.indirect_vreg.gather [hbm4b:s0+s4], $0x80, v4, vm0, $0xb8;
	[tilespmem:$0x1CC80] =	vst v63  }
0x15f: {  	s31 =	simm.s32 $0x3400  }
0x160: {  	[tilespmem:s31], [sflag:$0x1] =	stream.indirect_vreg.gather [hbm4b:s0+s4], $0x80, v3, vm0, $0xb8;
	[tilespmem:$0x1CC80] =	vst v63  }
0x161: {  	v3 =	vld [tilespmem:$0x1B0];
	_ =	sdelay $0x4  }
0x162: {  	v59 =	vshll.u32 v3, $0x1  }
0x163: {  	v3 =	vand.u32 $0x7, v3;
	v4 =	vand.u32 $0xFFFFFFF0, v59  }
0x164: {  	v3 =	vor.u32 v3, v4  }
0x165: {  	v4 =	vperm.xlane v3, v0;
	_ =	sdelay $0x1  }
0x166: {  	v3 =	vperm.xlane v3, v2;
	v4 =	vadd.s32 v1, v4;
	_ =	sdelay $0x1  }
0x167: {  	v3 =	vadd.s32 v1, v3;
	_ =	sdelay $0x1  }
0x168: {  	s31 =	simm.s32 $0x3C00  }
0x169: {  	[tilespmem:s31], [sflag:$0x1] =	stream.indirect_vreg.gather [hbm4b:s0+s4], $0x80, v4, vm0, $0xb8;
	[tilespmem:$0x1CC80] =	vst v63  }
0x16a: {  	s15 =	simm.s32 $0x4400  }
0x16b: {  	[tilespmem:s15], [sflag:$0x1] =	stream.indirect_vreg.gather [hbm4b:s0+s4], $0x80, v3, vm0, $0xb8;
	[tilespmem:$0x1CC80] =	vst v63  }
0x16c: {  	v3 =	vld [tilespmem:$0x1C0];
	_ =	sdelay $0x4  }
0x16d: {  	v60 =	vshll.u32 v3, $0x1  }
0x16e: {  	v3 =	vand.u32 $0x7, v3;
	v4 =	vand.u32 $0xFFFFFFF0, v60  }
0x16f: {  	v3 =	vor.u32 v3, v4  }
0x170: {  	v4 =	vperm.xlane v3, v0;
	_ =	sdelay $0x1  }
0x171: {  	v3 =	vperm.xlane v3, v2;
	v4 =	vadd.s32 v1, v4;
	_ =	sdelay $0x1  }
0x172: {  	v3 =	vadd.s32 v1, v3;
	_ =	sdelay $0x1  }
0x173: {  	s1 =	simm.s32 $0x4C00  }
0x174: {  	[tilespmem:s1], [sflag:$0x1] =	stream.indirect_vreg.gather [hbm4b:s0+s4], $0x80, v4, vm0, $0xb8;
	[tilespmem:$0x1CC80] =	vst v63  }
0x175: {  	s17 =	simm.s32 $0x5400  }
0x176: {  	[tilespmem:s17], [sflag:$0x1] =	stream.indirect_vreg.gather [hbm4b:s0+s4], $0x80, v3, vm0, $0xb8;
	[tilespmem:$0x1CC80] =	vst v63  }
0x177: {  	v3 =	vld [tilespmem:$0x1D0];
	_ =	sdelay $0x4  }
0x178: {  	v61 =	vshll.u32 v3, $0x1  }
0x179: {  	v3 =	vand.u32 $0x7, v3;
	v4 =	vand.u32 $0xFFFFFFF0, v61  }
0x17a: {  	v3 =	vor.u32 v3, v4  }
0x17b: {  	v4 =	vperm.xlane v3, v0;
	_ =	sdelay $0x1  }
0x17c: {  	v3 =	vperm.xlane v3, v2;
	v4 =	vadd.s32 v1, v4;
	_ =	sdelay $0x1  }
0x17d: {  	v3 =	vadd.s32 v1, v3;
	_ =	sdelay $0x1  }
0x17e: {  	s2 =	simm.s32 $0x5C00  }
0x17f: {  	[tilespmem:s2], [sflag:$0x1] =	stream.indirect_vreg.gather [hbm4b:s0+s4], $0x80, v4, vm0, $0xb8;
	[tilespmem:$0x1CC80] =	vst v63  }
0x180: {  	s18 =	simm.s32 $0x6400  }
0x181: {  	[tilespmem:s18], [sflag:$0x1] =	stream.indirect_vreg.gather [hbm4b:s0+s4], $0x80, v3, vm0, $0xb8;
	[tilespmem:$0x1CC80] =	vst v63  }
0x182: {  	v3 =	vld [tilespmem:$0x1E0];
	_ =	sdelay $0x4  }
0x183: {  	v62 =	vshll.u32 v3, $0x1  }
0x184: {  	v3 =	vand.u32 $0x7, v3;
	v4 =	vand.u32 $0xFFFFFFF0, v62  }
0x185: {  	v3 =	vor.u32 v3, v4  }
0x186: {  	v4 =	vperm.xlane v3, v0;
	_ =	sdelay $0x1  }
0x187: {  	v3 =	vperm.xlane v3, v2;
	v4 =	vadd.s32 v1, v4;
	_ =	sdelay $0x1  }
0x188: {  	v3 =	vadd.s32 v1, v3;
	_ =	sdelay $0x1  }
0x189: {  	s3 =	simm.s32 $0x6C00  }
0x18a: {  	[tilespmem:s3], [sflag:$0x1] =	stream.indirect_vreg.gather [hbm4b:s0+s4], $0x80, v4, vm0, $0xb8;
	[tilespmem:$0x1CC80] =	vst v63  }
0x18b: {  	s19 =	simm.s32 $0x7400  }
0x18c: {  	[tilespmem:s19], [sflag:$0x1] =	stream.indirect_vreg.gather [hbm4b:s0+s4], $0x80, v3, vm0, $0xb8;
	[tilespmem:$0x1CC80] =	vst v63  }
0x18d: {  	v3 =	vld [tilespmem:$0x1F0];
	_ =	sdelay $0x4  }
0x18e: {  	v63 =	vshll.u32 v3, $0x1  }
0x18f: {  	v3 =	vand.u32 $0x7, v3;
	v4 =	vand.u32 $0xFFFFFFF0, v63  }
0x190: {  	v3 =	vor.u32 v3, v4  }
0x191: {  	v4 =	vperm.xlane v3, v0;
	_ =	sdelay $0x1  }
0x192: {  	v3 =	vperm.xlane v3, v2;
	v4 =	vadd.s32 v1, v4;
	_ =	sdelay $0x1  }
0x193: {  	v3 =	vadd.s32 v1, v3;
	_ =	sdelay $0x1  }
0x194: {  	s8 =	simm.s32 $0x7C00  }
0x195: {  	[tilespmem:s8], [sflag:$0x1] =	stream.indirect_vreg.gather [hbm4b:s0+s4], $0x80, v4, vm0, $0xb8;
	[tilespmem:$0x1CC80] =	vst v63  }
0x196: {  	s20 =	simm.s32 $0x8400  }
0x197: {  	[tilespmem:s20], [sflag:$0x1] =	stream.indirect_vreg.gather [hbm4b:s0+s4], $0x80, v3, vm0, $0xb8;
	[tilespmem:$0x1CC80] =	vst v63  }
0x198: {  	_ =	swait.ge [sflag:s10], $0x8000  }
0x199: {  	[sflag:s10] =	ssyncset.done $0x0  }
0x19a: {  	s14 =	rddreg [dreg:$0x9];
	[sflag:s10] =	ssyncadd.s32 $0xFFFF8000  }
0x19b: {  	[hbm4b:s14+s4] =	stream.linear.scatter [tilespmem:s22], [sflag:$0x5], $0x8000, $0x38;
	[tilespmem:$0x1CC80] =	vst v63  }
0x19c: {  	_ =	swait.ge [sflag:s11], $0x8000  }
0x19d: {  	[sflag:s11] =	ssyncset.done $0x0  }
0x19e: {  	[sflag:s11] =	ssyncadd.s32 $0xFFFF8000  }
0x19f: {  	v3 =	vld [tilespmem:$0x200];
	_ =	sdelay $0x4  }
0x1a0: {  	v8 =	vshll.u32 v3, $0x1  }
0x1a1: {  	v3 =	vand.u32 $0x7, v3;
	v4 =	vand.u32 $0xFFFFFFF0, v8  }
0x1a2: {  	v3 =	vor.u32 v3, v4  }
0x1a3: {  	v4 =	vperm.xlane v3, v0;
	_ =	sdelay $0x1  }
0x1a4: {  	v3 =	vperm.xlane v3, v2;
	v4 =	vadd.s32 v1, v4;
	_ =	sdelay $0x1  }
0x1a5: {  	v3 =	vadd.s32 v1, v3;
	_ =	sdelay $0x2  }
0x1a6: {  	[tilespmem:s22], [sflag:$0x2] =	stream.indirect_vreg.gather [hbm4b:s0+s4], $0x80, v4, vm0, $0xb8;
	[tilespmem:$0x1CC80] =	vst v63  }
0x1a7: {  	s16 =	simm.s32 $0x9400  }
0x1a8: {  	[tilespmem:s16], [sflag:$0x2] =	stream.indirect_vreg.gather [hbm4b:s0+s4], $0x80, v3, vm0, $0xb8;
	[tilespmem:$0x1CC80] =	vst v63  }
0x1a9: {  	v3 =	vld [tilespmem:$0x210];
	_ =	sdelay $0x4  }
0x1aa: {  	v9 =	vshll.u32 v3, $0x1  }
0x1ab: {  	v3 =	vand.u32 $0x7, v3;
	v4 =	vand.u32 $0xFFFFFFF0, v9  }
0x1ac: {  	v3 =	vor.u32 v3, v4  }
0x1ad: {  	v4 =	vperm.xlane v3, v0;
	_ =	sdelay $0x1  }
0x1ae: {  	v3 =	vperm.xlane v3, v2;
	v4 =	vadd.s32 v1, v4;
	_ =	sdelay $0x1  }
0x1af: {  	v3 =	vadd.s32 v1, v3;
	_ =	sdelay $0x1  }
0x1b0: {  	s16 =	simm.s32 $0x9C00  }
0x1b1: {  	[tilespmem:s16], [sflag:$0x2] =	stream.indirect_vreg.gather [hbm4b:s0+s4], $0x80, v4, vm0, $0xb8;
	[tilespmem:$0x1CC80] =	vst v63  }
0x1b2: {  	s23 =	simm.s32 $0xA400  }
0x1b3: {  	[tilespmem:s23], [sflag:$0x2] =	stream.indirect_vreg.gather [hbm4b:s0+s4], $0x80, v3, vm0, $0xb8;
	[tilespmem:$0x1CC80] =	vst v63  }
0x1b4: {  	v3 =	vld [tilespmem:$0x220];
	_ =	sdelay $0x4  }
0x1b5: {  	v10 =	vshll.u32 v3, $0x1  }
0x1b6: {  	v3 =	vand.u32 $0x7, v3;
	v4 =	vand.u32 $0xFFFFFFF0, v10  }
0x1b7: {  	v3 =	vor.u32 v3, v4  }
0x1b8: {  	v4 =	vperm.xlane v3, v0;
	_ =	sdelay $0x1  }
0x1b9: {  	v3 =	vperm.xlane v3, v2;
	v4 =	vadd.s32 v1, v4;
	_ =	sdelay $0x1  }
0x1ba: {  	v3 =	vadd.s32 v1, v3;
	_ =	sdelay $0x1  }
0x1bb: {  	s23 =	simm.s32 $0xAC00  }
0x1bc: {  	[tilespmem:s23], [sflag:$0x2] =	stream.indirect_vreg.gather [hbm4b:s0+s4], $0x80, v4, vm0, $0xb8;
	[tilespmem:$0x1CC80] =	vst v63  }
0x1bd: {  	s24 =	simm.s32 $0xB400  }
0x1be: {  	[tilespmem:s24], [sflag:$0x2] =	stream.indirect_vreg.gather [hbm4b:s0+s4], $0x80, v3, vm0, $0xb8;
	[tilespmem:$0x1CC80] =	vst v63  }
0x1bf: {  	v3 =	vld [tilespmem:$0x230];
	_ =	sdelay $0x4  }
0x1c0: {  	v11 =	vshll.u32 v3, $0x1  }
0x1c1: {  	v3 =	vand.u32 $0x7, v3;
	v4 =	vand.u32 $0xFFFFFFF0, v11  }
0x1c2: {  	v3 =	vor.u32 v3, v4  }
0x1c3: {  	v4 =	vperm.xlane v3, v0;
	_ =	sdelay $0x1  }
0x1c4: {  	v3 =	vperm.xlane v3, v2;
	v4 =	vadd.s32 v1, v4;
	_ =	sdelay $0x1  }
0x1c5: {  	v3 =	vadd.s32 v1, v3;
	_ =	sdelay $0x1  }
0x1c6: {  	s24 =	simm.s32 $0xBC00  }
0x1c7: {  	[tilespmem:s24], [sflag:$0x2] =	stream.indirect_vreg.gather [hbm4b:s0+s4], $0x80, v4, vm0, $0xb8;
	[tilespmem:$0x1CC80] =	vst v63  }
0x1c8: {  	s26 =	simm.s32 $0xC400  }
0x1c9: {  	[tilespmem:s26], [sflag:$0x2] =	stream.indirect_vreg.gather [hbm4b:s0+s4], $0x80, v3, vm0, $0xb8;
	[tilespmem:$0x1CC80] =	vst v63  }
0x1ca: {  	v3 =	vld [tilespmem:$0x240];
	_ =	sdelay $0x4  }
0x1cb: {  	v12 =	vshll.u32 v3, $0x1  }
0x1cc: {  	v3 =	vand.u32 $0x7, v3;
	v4 =	vand.u32 $0xFFFFFFF0, v12  }
0x1cd: {  	v3 =	vor.u32 v3, v4  }
0x1ce: {  	v4 =	vperm.xlane v3, v0;
	_ =	sdelay $0x1  }
0x1cf: {  	v3 =	vperm.xlane v3, v2;
	v4 =	vadd.s32 v1, v4;
	_ =	sdelay $0x1  }
0x1d0: {  	v3 =	vadd.s32 v1, v3;
	_ =	sdelay $0x1  }
0x1d1: {  	s26 =	simm.s32 $0xCC00  }
0x1d2: {  	[tilespmem:s26], [sflag:$0x2] =	stream.indirect_vreg.gather [hbm4b:s0+s4], $0x80, v4, vm0, $0xb8;
	[tilespmem:$0x1CC80] =	vst v63  }
0x1d3: {  	s28 =	simm.s32 $0xD400  }
0x1d4: {  	[tilespmem:s28], [sflag:$0x2] =	stream.indirect_vreg.gather [hbm4b:s0+s4], $0x80, v3, vm0, $0xb8;
	[tilespmem:$0x1CC80] =	vst v63  }
0x1d5: {  	v3 =	vld [tilespmem:$0x250];
	_ =	sdelay $0x4  }
0x1d6: {  	v13 =	vshll.u32 v3, $0x1  }
0x1d7: {  	v3 =	vand.u32 $0x7, v3;
	v4 =	vand.u32 $0xFFFFFFF0, v13  }
0x1d8: {  	v3 =	vor.u32 v3, v4  }
0x1d9: {  	v4 =	vperm.xlane v3, v0;
	_ =	sdelay $0x1  }
0x1da: {  	v3 =	vperm.xlane v3, v2;
	v4 =	vadd.s32 v1, v4;
	_ =	sdelay $0x1  }
0x1db: {  	v3 =	vadd.s32 v1, v3;
	_ =	sdelay $0x1  }
0x1dc: {  	s28 =	simm.s32 $0xDC00  }
0x1dd: {  	[tilespmem:s28], [sflag:$0x2] =	stream.indirect_vreg.gather [hbm4b:s0+s4], $0x80, v4, vm0, $0xb8;
	[tilespmem:$0x1CC80] =	vst v63  }
0x1de: {  	s29 =	simm.s32 $0xE400  }
0x1df: {  	[tilespmem:s29], [sflag:$0x2] =	stream.indirect_vreg.gather [hbm4b:s0+s4], $0x80, v3, vm0, $0xb8;
	[tilespmem:$0x1CC80] =	vst v63  }
0x1e0: {  	v3 =	vld [tilespmem:$0x260];
	_ =	sdelay $0x4  }
0x1e1: {  	v14 =	vshll.u32 v3, $0x1  }
0x1e2: {  	v3 =	vand.u32 $0x7, v3;
	v4 =	vand.u32 $0xFFFFFFF0, v14  }
0x1e3: {  	v3 =	vor.u32 v3, v4  }
0x1e4: {  	v4 =	vperm.xlane v3, v0;
	_ =	sdelay $0x1  }
0x1e5: {  	v3 =	vperm.xlane v3, v2;
	v4 =	vadd.s32 v1, v4;
	_ =	sdelay $0x1  }
0x1e6: {  	v3 =	vadd.s32 v1, v3;
	_ =	sdelay $0x1  }
0x1e7: {  	s29 =	simm.s32 $0xEC00  }
0x1e8: {  	[tilespmem:s29], [sflag:$0x2] =	stream.indirect_vreg.gather [hbm4b:s0+s4], $0x80, v4, vm0, $0xb8;
	[tilespmem:$0x1CC80] =	vst v63  }
0x1e9: {  	s30 =	simm.s32 $0xF400  }
0x1ea: {  	[tilespmem:s30], [sflag:$0x2] =	stream.indirect_vreg.gather [hbm4b:s0+s4], $0x80, v3, vm0, $0xb8;
	[tilespmem:$0x1CC80] =	vst v63  }
0x1eb: {  	v3 =	vld [tilespmem:$0x270];
	_ =	sdelay $0x4  }
0x1ec: {  	v15 =	vshll.u32 v3, $0x1  }
0x1ed: {  	v3 =	vand.u32 $0x7, v3;
	v4 =	vand.u32 $0xFFFFFFF0, v15  }
0x1ee: {  	v3 =	vor.u32 v3, v4  }
0x1ef: {  	v4 =	vperm.xlane v3, v0;
	_ =	sdelay $0x1  }
0x1f0: {  	v3 =	vperm.xlane v3, v2;
	v4 =	vadd.s32 v1, v4;
	_ =	sdelay $0x1  }
0x1f1: {  	v3 =	vadd.s32 v1, v3;
	_ =	sdelay $0x1  }
0x1f2: {  	s30 =	simm.s32 $0xFC00  }
0x1f3: {  	[tilespmem:s30], [sflag:$0x2] =	stream.indirect_vreg.gather [hbm4b:s0+s4], $0x80, v4, vm0, $0xb8;
	[tilespmem:$0x1CC80] =	vst v63  }
0x1f4: {  	s14 =	simm.s32 $0x10400  }
0x1f5: {  	[tilespmem:s14], [sflag:$0x2] =	stream.indirect_vreg.gather [hbm4b:s0+s4], $0x80, v3, vm0, $0xb8;
	[tilespmem:$0x1CC80] =	vst v63  }
0x1f6: {  	_ =	swait.ge [sflag:s12], $0x8000  }
0x1f7: {  	[sflag:s12] =	ssyncset.done $0x0  }
0x1f8: {  	s14 =	rddreg [dreg:$0xa];
	[sflag:s12] =	ssyncadd.s32 $0xFFFF8000  }
0x1f9: {  	[hbm4b:s14+s4] =	stream.linear.scatter [tilespmem:s21], [sflag:$0x6], $0x8000, $0x38;
	[tilespmem:$0x1CC80] =	vst v63  }
0x1fa: {  	_ =	swait.ge [sflag:s13], $0x8000  }
0x1fb: {  	[sflag:s13] =	ssyncset.done $0x0  }
0x1fc: {  	[sflag:s13] =	ssyncadd.s32 $0xFFFF8000  }
0x1fd: {  	v3 =	vld [tilespmem:$0x280];
	_ =	sdelay $0x4  }
0x1fe: {  	v16 =	vshll.u32 v3, $0x1  }
0x1ff: {  	v3 =	vand.u32 $0x7, v3;
	v4 =	vand.u32 $0xFFFFFFF0, v16  }
0x200: {  	v3 =	vor.u32 v3, v4  }
0x201: {  	v4 =	vperm.xlane v3, v0;
	_ =	sdelay $0x1  }
0x202: {  	v3 =	vperm.xlane v3, v2;
	v4 =	vadd.s32 v1, v4;
	_ =	sdelay $0x1  }
0x203: {  	v3 =	vadd.s32 v1, v3;
	_ =	sdelay $0x2  }
0x204: {  	[tilespmem:s21], [sflag:$0x3] =	stream.indirect_vreg.gather [hbm4b:s0+s4], $0x80, v4, vm0, $0xb8;
	[tilespmem:$0x1CC80] =	vst v63  }
0x205: {  	s14 =	simm.s32 $0x11400  }
0x206: {  	[tilespmem:s14], [sflag:$0x3] =	stream.indirect_vreg.gather [hbm4b:s0+s4], $0x80, v3, vm0, $0xb8;
	[tilespmem:$0x1CC80] =	vst v63  }
0x207: {  	v3 =	vld [tilespmem:$0x290];
	_ =	sdelay $0x4  }
0x208: {  	v17 =	vshll.u32 v3, $0x1  }
0x209: {  	v3 =	vand.u32 $0x7, v3;
	v4 =	vand.u32 $0xFFFFFFF0, v17  }
0x20a: {  	v3 =	vor.u32 v3, v4  }
0x20b: {  	v4 =	vperm.xlane v3, v0;
	_ =	sdelay $0x1  }
0x20c: {  	v3 =	vperm.xlane v3, v2;
	v4 =	vadd.s32 v1, v4;
	_ =	sdelay $0x1  }
0x20d: {  	v3 =	vadd.s32 v1, v3;
	_ =	sdelay $0x1  }
0x20e: {  	s14 =	simm.s32 $0x11C00  }
0x20f: {  	[tilespmem:s14], [sflag:$0x3] =	stream.indirect_vreg.gather [hbm4b:s0+s4], $0x80, v4, vm0, $0xb8;
	[tilespmem:$0x1CC80] =	vst v63  }
0x210: {  	s14 =	simm.s32 $0x12400  }
0x211: {  	[tilespmem:s14], [sflag:$0x3] =	stream.indirect_vreg.gather [hbm4b:s0+s4], $0x80, v3, vm0, $0xb8;
	[tilespmem:$0x1CC80] =	vst v63  }
0x212: {  	v3 =	vld [tilespmem:$0x2A0];
	_ =	sdelay $0x4  }
0x213: {  	v18 =	vshll.u32 v3, $0x1  }
0x214: {  	v3 =	vand.u32 $0x7, v3;
	v4 =	vand.u32 $0xFFFFFFF0, v18  }
0x215: {  	v3 =	vor.u32 v3, v4  }
0x216: {  	v4 =	vperm.xlane v3, v0;
	_ =	sdelay $0x1  }
0x217: {  	v3 =	vperm.xlane v3, v2;
	v4 =	vadd.s32 v1, v4;
	_ =	sdelay $0x1  }
0x218: {  	v3 =	vadd.s32 v1, v3;
	_ =	sdelay $0x1  }
0x219: {  	s14 =	simm.s32 $0x12C00  }
0x21a: {  	[tilespmem:s14], [sflag:$0x3] =	stream.indirect_vreg.gather [hbm4b:s0+s4], $0x80, v4, vm0, $0xb8;
	[tilespmem:$0x1CC80] =	vst v63  }
0x21b: {  	s14 =	simm.s32 $0x13400  }
0x21c: {  	[tilespmem:s14], [sflag:$0x3] =	stream.indirect_vreg.gather [hbm4b:s0+s4], $0x80, v3, vm0, $0xb8;
	[tilespmem:$0x1CC80] =	vst v63  }
0x21d: {  	v3 =	vld [tilespmem:$0x2B0];
	_ =	sdelay $0x4  }
0x21e: {  	v19 =	vshll.u32 v3, $0x1  }
0x21f: {  	v3 =	vand.u32 $0x7, v3;
	v4 =	vand.u32 $0xFFFFFFF0, v19  }
0x220: {  	v3 =	vor.u32 v3, v4  }
0x221: {  	v4 =	vperm.xlane v3, v0;
	_ =	sdelay $0x1  }
0x222: {  	v3 =	vperm.xlane v3, v2;
	v4 =	vadd.s32 v1, v4;
	_ =	sdelay $0x1  }
0x223: {  	v3 =	vadd.s32 v1, v3;
	_ =	sdelay $0x1  }
0x224: {  	s14 =	simm.s32 $0x13C00  }
0x225: {  	[tilespmem:s14], [sflag:$0x3] =	stream.indirect_vreg.gather [hbm4b:s0+s4], $0x80, v4, vm0, $0xb8;
	[tilespmem:$0x1CC80] =	vst v63  }
0x226: {  	s14 =	simm.s32 $0x14400  }
0x227: {  	[tilespmem:s14], [sflag:$0x3] =	stream.indirect_vreg.gather [hbm4b:s0+s4], $0x80, v3, vm0, $0xb8;
	[tilespmem:$0x1CC80] =	vst v63  }
0x228: {  	v3 =	vld [tilespmem:$0x2C0];
	_ =	sdelay $0x4  }
0x229: {  	v20 =	vshll.u32 v3, $0x1  }
0x22a: {  	v3 =	vand.u32 $0x7, v3;
	v4 =	vand.u32 $0xFFFFFFF0, v20  }
0x22b: {  	v3 =	vor.u32 v3, v4  }
0x22c: {  	v4 =	vperm.xlane v3, v0;
	_ =	sdelay $0x1  }
0x22d: {  	v3 =	vperm.xlane v3, v2;
	v4 =	vadd.s32 v1, v4;
	_ =	sdelay $0x1  }
0x22e: {  	v3 =	vadd.s32 v1, v3;
	_ =	sdelay $0x1  }
0x22f: {  	s14 =	simm.s32 $0x14C00  }
0x230: {  	[tilespmem:s14], [sflag:$0x3] =	stream.indirect_vreg.gather [hbm4b:s0+s4], $0x80, v4, vm0, $0xb8;
	[tilespmem:$0x1CC80] =	vst v63  }
0x231: {  	s14 =	simm.s32 $0x15400  }
0x232: {  	[tilespmem:s14], [sflag:$0x3] =	stream.indirect_vreg.gather [hbm4b:s0+s4], $0x80, v3, vm0, $0xb8;
	[tilespmem:$0x1CC80] =	vst v63  }
0x233: {  	v3 =	vld [tilespmem:$0x2D0];
	_ =	sdelay $0x4  }
0x234: {  	v21 =	vshll.u32 v3, $0x1  }
0x235: {  	v3 =	vand.u32 $0x7, v3;
	v4 =	vand.u32 $0xFFFFFFF0, v21  }
0x236: {  	v3 =	vor.u32 v3, v4  }
0x237: {  	v4 =	vperm.xlane v3, v0;
	_ =	sdelay $0x1  }
0x238: {  	v3 =	vperm.xlane v3, v2;
	v4 =	vadd.s32 v1, v4;
	_ =	sdelay $0x1  }
0x239: {  	v3 =	vadd.s32 v1, v3;
	_ =	sdelay $0x1  }
0x23a: {  	s14 =	simm.s32 $0x15C00  }
0x23b: {  	[tilespmem:s14], [sflag:$0x3] =	stream.indirect_vreg.gather [hbm4b:s0+s4], $0x80, v4, vm0, $0xb8;
	[tilespmem:$0x1CC80] =	vst v63  }
0x23c: {  	s14 =	simm.s32 $0x16400  }
0x23d: {  	[tilespmem:s14], [sflag:$0x3] =	stream.indirect_vreg.gather [hbm4b:s0+s4], $0x80, v3, vm0, $0xb8;
	[tilespmem:$0x1CC80] =	vst v63  }
0x23e: {  	v3 =	vld [tilespmem:$0x2E0];
	_ =	sdelay $0x4  }
0x23f: {  	v22 =	vshll.u32 v3, $0x1  }
0x240: {  	v3 =	vand.u32 $0x7, v3;
	v4 =	vand.u32 $0xFFFFFFF0, v22  }
0x241: {  	v3 =	vor.u32 v3, v4  }
0x242: {  	v4 =	vperm.xlane v3, v0;
	_ =	sdelay $0x1  }
0x243: {  	v3 =	vperm.xlane v3, v2;
	v4 =	vadd.s32 v1, v4;
	_ =	sdelay $0x1  }
0x244: {  	v3 =	vadd.s32 v1, v3;
	_ =	sdelay $0x1  }
0x245: {  	s14 =	simm.s32 $0x16C00  }
0x246: {  	[tilespmem:s14], [sflag:$0x3] =	stream.indirect_vreg.gather [hbm4b:s0+s4], $0x80, v4, vm0, $0xb8;
	[tilespmem:$0x1CC80] =	vst v63  }
0x247: {  	s14 =	simm.s32 $0x17400  }
0x248: {  	[tilespmem:s14], [sflag:$0x3] =	stream.indirect_vreg.gather [hbm4b:s0+s4], $0x80, v3, vm0, $0xb8;
	[tilespmem:$0x1CC80] =	vst v63  }
0x249: {  	v3 =	vld [tilespmem:$0x2F0];
	_ =	sdelay $0x4  }
0x24a: {  	v23 =	vshll.u32 v3, $0x1  }
0x24b: {  	v3 =	vand.u32 $0x7, v3;
	v4 =	vand.u32 $0xFFFFFFF0, v23  }
0x24c: {  	v3 =	vor.u32 v3, v4  }
0x24d: {  	v4 =	vperm.xlane v3, v0;
	_ =	sdelay $0x1  }
0x24e: {  	v3 =	vperm.xlane v3, v2;
	v4 =	vadd.s32 v1, v4;
	_ =	sdelay $0x1  }
0x24f: {  	v3 =	vadd.s32 v1, v3;
	_ =	sdelay $0x1  }
0x250: {  	s14 =	simm.s32 $0x17C00  }
0x251: {  	[tilespmem:s14], [sflag:$0x3] =	stream.indirect_vreg.gather [hbm4b:s0+s4], $0x80, v4, vm0, $0xb8;
	[tilespmem:$0x1CC80] =	vst v63  }
0x252: {  	s14 =	simm.s32 $0x18400  }
0x253: {  	[tilespmem:s14], [sflag:$0x3] =	stream.indirect_vreg.gather [hbm4b:s0+s4], $0x80, v3, vm0, $0xb8;
	[tilespmem:$0x1CC80] =	vst v63  }
0x254: {  	_ =	swait.ge [sflag:s6], $0x8000  }
0x255: {  	[sflag:s6] =	ssyncset.done $0x0  }
0x256: {  	s14 =	rddreg [dreg:$0xb];
	[sflag:s6] =	ssyncadd.s32 $0xFFFF8000  }
0x257: {  	[hbm4b:s14+s4] =	stream.linear.scatter [tilespmem:s25], [sflag:$0x4], $0x8000, $0x38;
	[tilespmem:$0x1CC80] =	vst v63  }
0x258: {  	_ =	swait.ge [sflag:s5], $0x8000  }
0x259: {  	[sflag:s5] =	ssyncset.done $0x0  }
0x25a: {  	[sflag:s5] =	ssyncadd.s32 $0xFFFF8000  }
0x25b: {  	v3 =	vld [tilespmem:$0x300];
	_ =	sdelay $0x4  }
0x25c: {  	v24 =	vshll.u32 v3, $0x1  }
0x25d: {  	v3 =	vand.u32 $0x7, v3;
	v4 =	vand.u32 $0xFFFFFFF0, v24  }
0x25e: {  	v3 =	vor.u32 v3, v4  }
0x25f: {  	v4 =	vperm.xlane v3, v0;
	_ =	sdelay $0x1  }
0x260: {  	v3 =	vperm.xlane v3, v2;
	v4 =	vadd.s32 v1, v4;
	_ =	sdelay $0x1  }
0x261: {  	v3 =	vadd.s32 v1, v3;
	_ =	sdelay $0x2  }
0x262: {  	[tilespmem:s25], [sflag:$0x1] =	stream.indirect_vreg.gather [hbm4b:s0+s4], $0x80, v4, vm0, $0xb8;
	[tilespmem:$0x1CC80] =	vst v63  }
0x263: {  	s14 =	simm.s32 $0x1400  }
0x264: {  	[tilespmem:s14], [sflag:$0x1] =	stream.indirect_vreg.gather [hbm4b:s0+s4], $0x80, v3, vm0, $0xb8;
	[tilespmem:$0x1CC80] =	vst v63  }
0x265: {  	v3 =	vld [tilespmem:$0x310];
	_ =	sdelay $0x4  }
0x266: {  	v25 =	vshll.u32 v3, $0x1  }
0x267: {  	v3 =	vand.u32 $0x7, v3;
	v4 =	vand.u32 $0xFFFFFFF0, v25  }
0x268: {  	v3 =	vor.u32 v3, v4  }
0x269: {  	v4 =	vperm.xlane v3, v0;
	_ =	sdelay $0x1  }
0x26a: {  	v3 =	vperm.xlane v3, v2;
	v4 =	vadd.s32 v1, v4;
	_ =	sdelay $0x1  }
0x26b: {  	v3 =	vadd.s32 v1, v3;
	_ =	sdelay $0x2  }
0x26c: {  	[tilespmem:s7], [sflag:$0x1] =	stream.indirect_vreg.gather [hbm4b:s0+s4], $0x80, v4, vm0, $0xb8;
	[tilespmem:$0x1CC80] =	vst v63  }
0x26d: {  	s14 =	simm.s32 $0x2400  }
0x26e: {  	[tilespmem:s14], [sflag:$0x1] =	stream.indirect_vreg.gather [hbm4b:s0+s4], $0x80, v3, vm0, $0xb8;
	[tilespmem:$0x1CC80] =	vst v63  }
0x26f: {  	v3 =	vld [tilespmem:$0x320];
	_ =	sdelay $0x4  }
0x270: {  	v26 =	vshll.u32 v3, $0x1  }
0x271: {  	v3 =	vand.u32 $0x7, v3;
	v4 =	vand.u32 $0xFFFFFFF0, v26  }
0x272: {  	v3 =	vor.u32 v3, v4  }
0x273: {  	v4 =	vperm.xlane v3, v0;
	_ =	sdelay $0x1  }
0x274: {  	v3 =	vperm.xlane v3, v2;
	v4 =	vadd.s32 v1, v4;
	_ =	sdelay $0x1  }
0x275: {  	v3 =	vadd.s32 v1, v3;
	_ =	sdelay $0x2  }
0x276: {  	[tilespmem:s9], [sflag:$0x1] =	stream.indirect_vreg.gather [hbm4b:s0+s4], $0x80, v4, vm0, $0xb8;
	[tilespmem:$0x1CC80] =	vst v63  }
0x277: {  	s14 =	simm.s32 $0x3400  }
0x278: {  	[tilespmem:s14], [sflag:$0x1] =	stream.indirect_vreg.gather [hbm4b:s0+s4], $0x80, v3, vm0, $0xb8;
	[tilespmem:$0x1CC80] =	vst v63  }
0x279: {  	v3 =	vld [tilespmem:$0x330];
	_ =	sdelay $0x4  }
0x27a: {  	v27 =	vshll.u32 v3, $0x1  }
0x27b: {  	v3 =	vand.u32 $0x7, v3;
	v4 =	vand.u32 $0xFFFFFFF0, v27  }
0x27c: {  	v3 =	vor.u32 v3, v4  }
0x27d: {  	v4 =	vperm.xlane v3, v0;
	_ =	sdelay $0x1  }
0x27e: {  	v3 =	vperm.xlane v3, v2;
	v4 =	vadd.s32 v1, v4;
	_ =	sdelay $0x1  }
0x27f: {  	v3 =	vadd.s32 v1, v3;
	_ =	sdelay $0x2  }
0x280: {  	[tilespmem:s31], [sflag:$0x1] =	stream.indirect_vreg.gather [hbm4b:s0+s4], $0x80, v4, vm0, $0xb8;
	[tilespmem:$0x1CC80] =	vst v63  }
0x281: {  	_ = 	snop  }
0x282: {  	[tilespmem:s15], [sflag:$0x1] =	stream.indirect_vreg.gather [hbm4b:s0+s4], $0x80, v3, vm0, $0xb8;
	[tilespmem:$0x1CC80] =	vst v63  }
0x283: {  	v3 =	vld [tilespmem:$0x340];
	_ =	sdelay $0x4  }
0x284: {  	v28 =	vshll.u32 v3, $0x1  }
0x285: {  	v3 =	vand.u32 $0x7, v3;
	v4 =	vand.u32 $0xFFFFFFF0, v28  }
0x286: {  	v3 =	vor.u32 v3, v4  }
0x287: {  	v4 =	vperm.xlane v3, v0;
	_ =	sdelay $0x1  }
0x288: {  	v3 =	vperm.xlane v3, v2;
	v4 =	vadd.s32 v1, v4;
	_ =	sdelay $0x1  }
0x289: {  	v3 =	vadd.s32 v1, v3;
	_ =	sdelay $0x2  }
0x28a: {  	[tilespmem:s1], [sflag:$0x1] =	stream.indirect_vreg.gather [hbm4b:s0+s4], $0x80, v4, vm0, $0xb8;
	[tilespmem:$0x1CC80] =	vst v63  }
0x28b: {  	_ = 	snop  }
0x28c: {  	[tilespmem:s17], [sflag:$0x1] =	stream.indirect_vreg.gather [hbm4b:s0+s4], $0x80, v3, vm0, $0xb8;
	[tilespmem:$0x1CC80] =	vst v63  }
0x28d: {  	v3 =	vld [tilespmem:$0x350];
	_ =	sdelay $0x4  }
0x28e: {  	v29 =	vshll.u32 v3, $0x1  }
0x28f: {  	v3 =	vand.u32 $0x7, v3;
	v4 =	vand.u32 $0xFFFFFFF0, v29  }
0x290: {  	v3 =	vor.u32 v3, v4  }
0x291: {  	v4 =	vperm.xlane v3, v0;
	_ =	sdelay $0x1  }
0x292: {  	v3 =	vperm.xlane v3, v2;
	v4 =	vadd.s32 v1, v4;
	_ =	sdelay $0x1  }
0x293: {  	v3 =	vadd.s32 v1, v3;
	_ =	sdelay $0x2  }
0x294: {  	[tilespmem:s2], [sflag:$0x1] =	stream.indirect_vreg.gather [hbm4b:s0+s4], $0x80, v4, vm0, $0xb8;
	[tilespmem:$0x1CC80] =	vst v63  }
0x295: {  	_ = 	snop  }
0x296: {  	[tilespmem:s18], [sflag:$0x1] =	stream.indirect_vreg.gather [hbm4b:s0+s4], $0x80, v3, vm0, $0xb8;
	[tilespmem:$0x1CC80] =	vst v63  }
0x297: {  	v3 =	vld [tilespmem:$0x360];
	_ =	sdelay $0x4  }
0x298: {  	v30 =	vshll.u32 v3, $0x1  }
0x299: {  	v3 =	vand.u32 $0x7, v3;
	v4 =	vand.u32 $0xFFFFFFF0, v30  }
0x29a: {  	v3 =	vor.u32 v3, v4  }
0x29b: {  	v4 =	vperm.xlane v3, v0;
	_ =	sdelay $0x1  }
0x29c: {  	v3 =	vperm.xlane v3, v2;
	v4 =	vadd.s32 v1, v4;
	_ =	sdelay $0x1  }
0x29d: {  	v3 =	vadd.s32 v1, v3;
	_ =	sdelay $0x2  }
0x29e: {  	[tilespmem:s3], [sflag:$0x1] =	stream.indirect_vreg.gather [hbm4b:s0+s4], $0x80, v4, vm0, $0xb8;
	[tilespmem:$0x1CC80] =	vst v63  }
0x29f: {  	_ = 	snop  }
0x2a0: {  	[tilespmem:s19], [sflag:$0x1] =	stream.indirect_vreg.gather [hbm4b:s0+s4], $0x80, v3, vm0, $0xb8;
	[tilespmem:$0x1CC80] =	vst v63  }
0x2a1: {  	v3 =	vld [tilespmem:$0x370];
	_ =	sdelay $0x4  }
0x2a2: {  	v31 =	vshll.u32 v3, $0x1  }
0x2a3: {  	v3 =	vand.u32 $0x7, v3;
	v4 =	vand.u32 $0xFFFFFFF0, v31  }
0x2a4: {  	v3 =	vor.u32 v3, v4  }
0x2a5: {  	v4 =	vperm.xlane v3, v0;
	_ =	sdelay $0x1  }
0x2a6: {  	v3 =	vperm.xlane v3, v2;
	v4 =	vadd.s32 v1, v4;
	_ =	sdelay $0x1  }
0x2a7: {  	v3 =	vadd.s32 v1, v3;
	_ =	sdelay $0x2  }
0x2a8: {  	[tilespmem:s8], [sflag:$0x1] =	stream.indirect_vreg.gather [hbm4b:s0+s4], $0x80, v4, vm0, $0xb8;
	[tilespmem:$0x1CC80] =	vst v63  }
0x2a9: {  	_ = 	snop  }
0x2aa: {  	[tilespmem:s20], [sflag:$0x1] =	stream.indirect_vreg.gather [hbm4b:s0+s4], $0x80, v3, vm0, $0xb8;
	[tilespmem:$0x1CC80] =	vst v63  }
0x2ab: {  	_ =	swait.ge [sflag:s10], $0x8000  }
0x2ac: {  	[sflag:s10] =	ssyncset.done $0x0  }
0x2ad: {  	s8 =	rddreg [dreg:$0xc];
	[sflag:s10] =	ssyncadd.s32 $0xFFFF8000  }
0x2ae: {  	[hbm4b:s8+s4] =	stream.linear.scatter [tilespmem:s22], [sflag:$0x5], $0x8000, $0x38;
	[tilespmem:$0x1CC80] =	vst v63  }
0x2af: {  	_ =	swait.ge [sflag:s11], $0x8000  }
0x2b0: {  	[sflag:s11] =	ssyncset.done $0x0  }
0x2b1: {  	[sflag:s11] =	ssyncadd.s32 $0xFFFF8000  }
0x2b2: {  	v3 =	vld [tilespmem:$0x380];
	_ =	sdelay $0x4  }
0x2b3: {  	v32 =	vshll.u32 v3, $0x1  }
0x2b4: {  	v3 =	vand.u32 $0x7, v3;
	v4 =	vand.u32 $0xFFFFFFF0, v32  }
0x2b5: {  	v3 =	vor.u32 v3, v4  }
0x2b6: {  	v4 =	vperm.xlane v3, v0;
	_ =	sdelay $0x1  }
0x2b7: {  	v3 =	vperm.xlane v3, v2;
	v4 =	vadd.s32 v1, v4;
	_ =	sdelay $0x1  }
0x2b8: {  	v3 =	vadd.s32 v1, v3;
	_ =	sdelay $0x2  }
0x2b9: {  	[tilespmem:s22], [sflag:$0x2] =	stream.indirect_vreg.gather [hbm4b:s0+s4], $0x80, v4, vm0, $0xb8;
	[tilespmem:$0x1CC80] =	vst v63  }
0x2ba: {  	s14 =	simm.s32 $0x9400  }
0x2bb: {  	[tilespmem:s14], [sflag:$0x2] =	stream.indirect_vreg.gather [hbm4b:s0+s4], $0x80, v3, vm0, $0xb8;
	[tilespmem:$0x1CC80] =	vst v63  }
0x2bc: {  	v3 =	vld [tilespmem:$0x390];
	_ =	sdelay $0x4  }
0x2bd: {  	v33 =	vshll.u32 v3, $0x1  }
0x2be: {  	v3 =	vand.u32 $0x7, v3;
	v4 =	vand.u32 $0xFFFFFFF0, v33  }
0x2bf: {  	v3 =	vor.u32 v3, v4  }
0x2c0: {  	v4 =	vperm.xlane v3, v0;
	_ =	sdelay $0x1  }
0x2c1: {  	v3 =	vperm.xlane v3, v2;
	v4 =	vadd.s32 v1, v4;
	_ =	sdelay $0x1  }
0x2c2: {  	v3 =	vadd.s32 v1, v3;
	_ =	sdelay $0x2  }
0x2c3: {  	[tilespmem:s16], [sflag:$0x2] =	stream.indirect_vreg.gather [hbm4b:s0+s4], $0x80, v4, vm0, $0xb8;
	[tilespmem:$0x1CC80] =	vst v63  }
0x2c4: {  	s16 =	simm.s32 $0xA400  }
0x2c5: {  	[tilespmem:s16], [sflag:$0x2] =	stream.indirect_vreg.gather [hbm4b:s0+s4], $0x80, v3, vm0, $0xb8;
	[tilespmem:$0x1CC80] =	vst v63  }
0x2c6: {  	v3 =	vld [tilespmem:$0x3A0];
	_ =	sdelay $0x4  }
0x2c7: {  	v34 =	vshll.u32 v3, $0x1  }
0x2c8: {  	v3 =	vand.u32 $0x7, v3;
	v4 =	vand.u32 $0xFFFFFFF0, v34  }
0x2c9: {  	v3 =	vor.u32 v3, v4  }
0x2ca: {  	v4 =	vperm.xlane v3, v0;
	_ =	sdelay $0x1  }
0x2cb: {  	v3 =	vperm.xlane v3, v2;
	v4 =	vadd.s32 v1, v4;
	_ =	sdelay $0x1  }
0x2cc: {  	v3 =	vadd.s32 v1, v3;
	_ =	sdelay $0x2  }
0x2cd: {  	[tilespmem:s23], [sflag:$0x2] =	stream.indirect_vreg.gather [hbm4b:s0+s4], $0x80, v4, vm0, $0xb8;
	[tilespmem:$0x1CC80] =	vst v63  }
0x2ce: {  	s17 =	simm.s32 $0xB400  }
0x2cf: {  	[tilespmem:s17], [sflag:$0x2] =	stream.indirect_vreg.gather [hbm4b:s0+s4], $0x80, v3, vm0, $0xb8;
	[tilespmem:$0x1CC80] =	vst v63  }
0x2d0: {  	v3 =	vld [tilespmem:$0x3B0];
	_ =	sdelay $0x4  }
0x2d1: {  	v35 =	vshll.u32 v3, $0x1  }
0x2d2: {  	v3 =	vand.u32 $0x7, v3;
	v4 =	vand.u32 $0xFFFFFFF0, v35  }
0x2d3: {  	v3 =	vor.u32 v3, v4  }
0x2d4: {  	v4 =	vperm.xlane v3, v0;
	_ =	sdelay $0x1  }
0x2d5: {  	v3 =	vperm.xlane v3, v2;
	v4 =	vadd.s32 v1, v4;
	_ =	sdelay $0x1  }
0x2d6: {  	v3 =	vadd.s32 v1, v3;
	_ =	sdelay $0x2  }
0x2d7: {  	[tilespmem:s24], [sflag:$0x2] =	stream.indirect_vreg.gather [hbm4b:s0+s4], $0x80, v4, vm0, $0xb8;
	[tilespmem:$0x1CC80] =	vst v63  }
0x2d8: {  	s18 =	simm.s32 $0xC400  }
0x2d9: {  	[tilespmem:s18], [sflag:$0x2] =	stream.indirect_vreg.gather [hbm4b:s0+s4], $0x80, v3, vm0, $0xb8;
	[tilespmem:$0x1CC80] =	vst v63  }
0x2da: {  	v3 =	vld [tilespmem:$0x3C0];
	_ =	sdelay $0x4  }
0x2db: {  	v36 =	vshll.u32 v3, $0x1  }
0x2dc: {  	v3 =	vand.u32 $0x7, v3;
	v4 =	vand.u32 $0xFFFFFFF0, v36  }
0x2dd: {  	v3 =	vor.u32 v3, v4  }
0x2de: {  	v4 =	vperm.xlane v3, v0;
	_ =	sdelay $0x1  }
0x2df: {  	v3 =	vperm.xlane v3, v2;
	v4 =	vadd.s32 v1, v4;
	_ =	sdelay $0x1  }
0x2e0: {  	v3 =	vadd.s32 v1, v3;
	_ =	sdelay $0x2  }
0x2e1: {  	[tilespmem:s26], [sflag:$0x2] =	stream.indirect_vreg.gather [hbm4b:s0+s4], $0x80, v4, vm0, $0xb8;
	[tilespmem:$0x1CC80] =	vst v63  }
0x2e2: {  	s20 =	simm.s32 $0xD400  }
0x2e3: {  	[tilespmem:s20], [sflag:$0x2] =	stream.indirect_vreg.gather [hbm4b:s0+s4], $0x80, v3, vm0, $0xb8;
	[tilespmem:$0x1CC80] =	vst v63  }
0x2e4: {  	v3 =	vld [tilespmem:$0x3D0];
	_ =	sdelay $0x4  }
0x2e5: {  	v37 =	vshll.u32 v3, $0x1  }
0x2e6: {  	v3 =	vand.u32 $0x7, v3;
	v4 =	vand.u32 $0xFFFFFFF0, v37  }
0x2e7: {  	v3 =	vor.u32 v3, v4  }
0x2e8: {  	v4 =	vperm.xlane v3, v0;
	_ =	sdelay $0x1  }
0x2e9: {  	v3 =	vperm.xlane v3, v2;
	v4 =	vadd.s32 v1, v4;
	_ =	sdelay $0x1  }
0x2ea: {  	v3 =	vadd.s32 v1, v3;
	_ =	sdelay $0x2  }
0x2eb: {  	[tilespmem:s28], [sflag:$0x2] =	stream.indirect_vreg.gather [hbm4b:s0+s4], $0x80, v4, vm0, $0xb8;
	[tilespmem:$0x1CC80] =	vst v63  }
0x2ec: {  	s23 =	simm.s32 $0xE400  }
0x2ed: {  	[tilespmem:s23], [sflag:$0x2] =	stream.indirect_vreg.gather [hbm4b:s0+s4], $0x80, v3, vm0, $0xb8;
	[tilespmem:$0x1CC80] =	vst v63  }
0x2ee: {  	v3 =	vld [tilespmem:$0x3E0];
	_ =	sdelay $0x4  }
0x2ef: {  	v38 =	vshll.u32 v3, $0x1  }
0x2f0: {  	v3 =	vand.u32 $0x7, v3;
	v4 =	vand.u32 $0xFFFFFFF0, v38  }
0x2f1: {  	v3 =	vor.u32 v3, v4  }
0x2f2: {  	v4 =	vperm.xlane v3, v0;
	_ =	sdelay $0x1  }
0x2f3: {  	v3 =	vperm.xlane v3, v2;
	v4 =	vadd.s32 v1, v4;
	_ =	sdelay $0x1  }
0x2f4: {  	v3 =	vadd.s32 v1, v3;
	_ =	sdelay $0x2  }
0x2f5: {  	[tilespmem:s29], [sflag:$0x2] =	stream.indirect_vreg.gather [hbm4b:s0+s4], $0x80, v4, vm0, $0xb8;
	[tilespmem:$0x1CC80] =	vst v63  }
0x2f6: {  	s24 =	simm.s32 $0xF400  }
0x2f7: {  	[tilespmem:s24], [sflag:$0x2] =	stream.indirect_vreg.gather [hbm4b:s0+s4], $0x80, v3, vm0, $0xb8;
	[tilespmem:$0x1CC80] =	vst v63  }
0x2f8: {  	v3 =	vld [tilespmem:$0x3F0];
	_ =	sdelay $0x4  }
0x2f9: {  	v39 =	vshll.u32 v3, $0x1  }
0x2fa: {  	v3 =	vand.u32 $0x7, v3;
	v4 =	vand.u32 $0xFFFFFFF0, v39  }
0x2fb: {  	v3 =	vor.u32 v3, v4  }
0x2fc: {  	v4 =	vperm.xlane v3, v0;
	_ =	sdelay $0x1  }
0x2fd: {  	v3 =	vperm.xlane v3, v2;
	v4 =	vadd.s32 v1, v4;
	_ =	sdelay $0x1  }
0x2fe: {  	v3 =	vadd.s32 v1, v3;
	_ =	sdelay $0x2  }
0x2ff: {  	[tilespmem:s30], [sflag:$0x2] =	stream.indirect_vreg.gather [hbm4b:s0+s4], $0x80, v4, vm0, $0xb8;
	[tilespmem:$0x1CC80] =	vst v63  }
0x300: {  	s26 =	simm.s32 $0x10400  }
0x301: {  	[tilespmem:s26], [sflag:$0x2] =	stream.indirect_vreg.gather [hbm4b:s0+s4], $0x80, v3, vm0, $0xb8;
	[tilespmem:$0x1CC80] =	vst v63  }
0x302: {  	_ =	swait.ge [sflag:s12], $0x8000  }
0x303: {  	[sflag:s12] =	ssyncset.done $0x0  }
0x304: {  	s28 =	rddreg [dreg:$0xd];
	[sflag:s12] =	ssyncadd.s32 $0xFFFF8000  }
0x305: {  	[hbm4b:s28+s4] =	stream.linear.scatter [tilespmem:s21], [sflag:$0x6], $0x8000, $0x38;
	[tilespmem:$0x1CC80] =	vst v63  }
0x306: {  	_ =	swait.ge [sflag:s13], $0x8000  }
0x307: {  	[sflag:s13] =	ssyncset.done $0x0  }
0x308: {  	[sflag:s13] =	ssyncadd.s32 $0xFFFF8000  }
0x309: {  	v3 =	vld [tilespmem:$0x400];
	_ =	sdelay $0x4  }
0x30a: {  	v40 =	vshll.u32 v3, $0x1  }
0x30b: {  	v3 =	vand.u32 $0x7, v3;
	v4 =	vand.u32 $0xFFFFFFF0, v40  }
0x30c: {  	v3 =	vor.u32 v3, v4  }
0x30d: {  	v4 =	vperm.xlane v3, v0;
	_ =	sdelay $0x1  }
0x30e: {  	v3 =	vperm.xlane v3, v2;
	v4 =	vadd.s32 v1, v4;
	_ =	sdelay $0x1  }
0x30f: {  	v3 =	vadd.s32 v1, v3;
	_ =	sdelay $0x2  }
0x310: {  	[tilespmem:s21], [sflag:$0x3] =	stream.indirect_vreg.gather [hbm4b:s0+s4], $0x80, v4, vm0, $0xb8;
	[tilespmem:$0x1CC80] =	vst v63  }
0x311: {  	s29 =	simm.s32 $0x11400  }
0x312: {  	[tilespmem:s29], [sflag:$0x3] =	stream.indirect_vreg.gather [hbm4b:s0+s4], $0x80, v3, vm0, $0xb8;
	[tilespmem:$0x1CC80] =	vst v63  }
0x313: {  	v3 =	vld [tilespmem:$0x410];
	_ =	sdelay $0x4  }
0x314: {  	v41 =	vshll.u32 v3, $0x1  }
0x315: {  	v3 =	vand.u32 $0x7, v3;
	v4 =	vand.u32 $0xFFFFFFF0, v41  }
0x316: {  	v3 =	vor.u32 v3, v4  }
0x317: {  	v4 =	vperm.xlane v3, v0;
	_ =	sdelay $0x1  }
0x318: {  	v3 =	vperm.xlane v3, v2;
	v4 =	vadd.s32 v1, v4;
	_ =	sdelay $0x1  }
0x319: {  	v3 =	vadd.s32 v1, v3;
	_ =	sdelay $0x1  }
0x31a: {  	s30 =	simm.s32 $0x11C00  }
0x31b: {  	[tilespmem:s30], [sflag:$0x3] =	stream.indirect_vreg.gather [hbm4b:s0+s4], $0x80, v4, vm0, $0xb8;
	[tilespmem:$0x1CC80] =	vst v63  }
0x31c: {  	s24 =	simm.s32 $0x12400  }
0x31d: {  	[tilespmem:s24], [sflag:$0x3] =	stream.indirect_vreg.gather [hbm4b:s0+s4], $0x80, v3, vm0, $0xb8;
	[tilespmem:$0x1CC80] =	vst v63  }
0x31e: {  	v3 =	vld [tilespmem:$0x420];
	_ =	sdelay $0x4  }
0x31f: {  	v42 =	vshll.u32 v3, $0x1  }
0x320: {  	v3 =	vand.u32 $0x7, v3;
	v4 =	vand.u32 $0xFFFFFFF0, v42  }
0x321: {  	v3 =	vor.u32 v3, v4  }
0x322: {  	v4 =	vperm.xlane v3, v0;
	_ =	sdelay $0x1  }
0x323: {  	v3 =	vperm.xlane v3, v2;
	v4 =	vadd.s32 v1, v4;
	_ =	sdelay $0x1  }
0x324: {  	v3 =	vadd.s32 v1, v3;
	_ =	sdelay $0x1  }
0x325: {  	s26 =	simm.s32 $0x12C00  }
0x326: {  	[tilespmem:s26], [sflag:$0x3] =	stream.indirect_vreg.gather [hbm4b:s0+s4], $0x80, v4, vm0, $0xb8;
	[tilespmem:$0x1CC80] =	vst v63  }
0x327: {  	s28 =	simm.s32 $0x13400  }
0x328: {  	[tilespmem:s28], [sflag:$0x3] =	stream.indirect_vreg.gather [hbm4b:s0+s4], $0x80, v3, vm0, $0xb8;
	[tilespmem:$0x1CC80] =	vst v63  }
0x329: {  	v3 =	vld [tilespmem:$0x430];
	_ =	sdelay $0x4  }
0x32a: {  	v43 =	vshll.u32 v3, $0x1  }
0x32b: {  	v3 =	vand.u32 $0x7, v3;
	v4 =	vand.u32 $0xFFFFFFF0, v43  }
0x32c: {  	v3 =	vor.u32 v3, v4  }
0x32d: {  	v4 =	vperm.xlane v3, v0;
	_ =	sdelay $0x1  }
0x32e: {  	v3 =	vperm.xlane v3, v2;
	v4 =	vadd.s32 v1, v4;
	_ =	sdelay $0x1  }
0x32f: {  	v3 =	vadd.s32 v1, v3;
	_ =	sdelay $0x1  }
0x330: {  	s24 =	simm.s32 $0x13C00  }
0x331: {  	[tilespmem:s24], [sflag:$0x3] =	stream.indirect_vreg.gather [hbm4b:s0+s4], $0x80, v4, vm0, $0xb8;
	[tilespmem:$0x1CC80] =	vst v63  }
0x332: {  	s26 =	simm.s32 $0x14400  }
0x333: {  	[tilespmem:s26], [sflag:$0x3] =	stream.indirect_vreg.gather [hbm4b:s0+s4], $0x80, v3, vm0, $0xb8;
	[tilespmem:$0x1CC80] =	vst v63  }
0x334: {  	v3 =	vld [tilespmem:$0x440];
	_ =	sdelay $0x4  }
0x335: {  	v44 =	vshll.u32 v3, $0x1  }
0x336: {  	v3 =	vand.u32 $0x7, v3;
	v4 =	vand.u32 $0xFFFFFFF0, v44  }
0x337: {  	v3 =	vor.u32 v3, v4  }
0x338: {  	v4 =	vperm.xlane v3, v0;
	_ =	sdelay $0x1  }
0x339: {  	v3 =	vperm.xlane v3, v2;
	v4 =	vadd.s32 v1, v4;
	_ =	sdelay $0x1  }
0x33a: {  	v3 =	vadd.s32 v1, v3;
	_ =	sdelay $0x1  }
0x33b: {  	s28 =	simm.s32 $0x14C00  }
0x33c: {  	[tilespmem:s28], [sflag:$0x3] =	stream.indirect_vreg.gather [hbm4b:s0+s4], $0x80, v4, vm0, $0xb8;
	[tilespmem:$0x1CC80] =	vst v63  }
0x33d: {  	s24 =	simm.s32 $0x15400  }
0x33e: {  	[tilespmem:s24], [sflag:$0x3] =	stream.indirect_vreg.gather [hbm4b:s0+s4], $0x80, v3, vm0, $0xb8;
	[tilespmem:$0x1CC80] =	vst v63  }
0x33f: {  	v3 =	vld [tilespmem:$0x450];
	_ =	sdelay $0x4  }
0x340: {  	v45 =	vshll.u32 v3, $0x1  }
0x341: {  	v3 =	vand.u32 $0x7, v3;
	v4 =	vand.u32 $0xFFFFFFF0, v45  }
0x342: {  	v3 =	vor.u32 v3, v4  }
0x343: {  	v4 =	vperm.xlane v3, v0;
	_ =	sdelay $0x1  }
0x344: {  	v3 =	vperm.xlane v3, v2;
	v4 =	vadd.s32 v1, v4;
	_ =	sdelay $0x1  }
0x345: {  	v3 =	vadd.s32 v1, v3;
	_ =	sdelay $0x1  }
0x346: {  	s26 =	simm.s32 $0x15C00  }
0x347: {  	[tilespmem:s26], [sflag:$0x3] =	stream.indirect_vreg.gather [hbm4b:s0+s4], $0x80, v4, vm0, $0xb8;
	[tilespmem:$0x1CC80] =	vst v63  }
0x348: {  	s28 =	simm.s32 $0x16400  }
0x349: {  	[tilespmem:s28], [sflag:$0x3] =	stream.indirect_vreg.gather [hbm4b:s0+s4], $0x80, v3, vm0, $0xb8;
	[tilespmem:$0x1CC80] =	vst v63  }
0x34a: {  	v3 =	vld [tilespmem:$0x460];
	_ =	sdelay $0x4  }
0x34b: {  	v46 =	vshll.u32 v3, $0x1  }
0x34c: {  	v3 =	vand.u32 $0x7, v3;
	v4 =	vand.u32 $0xFFFFFFF0, v46  }
0x34d: {  	v3 =	vor.u32 v3, v4  }
0x34e: {  	v4 =	vperm.xlane v3, v0;
	_ =	sdelay $0x1  }
0x34f: {  	v3 =	vperm.xlane v3, v2;
	v4 =	vadd.s32 v1, v4;
	_ =	sdelay $0x1  }
0x350: {  	v3 =	vadd.s32 v1, v3;
	_ =	sdelay $0x1  }
0x351: {  	s26 =	simm.s32 $0x16C00  }
0x352: {  	[tilespmem:s26], [sflag:$0x3] =	stream.indirect_vreg.gather [hbm4b:s0+s4], $0x80, v4, vm0, $0xb8;
	[tilespmem:$0x1CC80] =	vst v63  }
0x353: {  	s28 =	simm.s32 $0x17400  }
0x354: {  	[tilespmem:s28], [sflag:$0x3] =	stream.indirect_vreg.gather [hbm4b:s0+s4], $0x80, v3, vm0, $0xb8;
	[tilespmem:$0x1CC80] =	vst v63  }
0x355: {  	v3 =	vld [tilespmem:$0x470];
	_ =	sdelay $0x4  }
0x356: {  	v47 =	vshll.u32 v3, $0x1  }
0x357: {  	v3 =	vand.u32 $0x7, v3;
	v4 =	vand.u32 $0xFFFFFFF0, v47  }
0x358: {  	v3 =	vor.u32 v3, v4  }
0x359: {  	v4 =	vperm.xlane v3, v0;
	_ =	sdelay $0x1  }
0x35a: {  	v3 =	vperm.xlane v3, v2;
	v4 =	vadd.s32 v1, v4;
	_ =	sdelay $0x1  }
0x35b: {  	v3 =	vadd.s32 v1, v3;
	_ =	sdelay $0x1  }
0x35c: {  	s28 =	simm.s32 $0x17C00  }
0x35d: {  	[tilespmem:s28], [sflag:$0x3] =	stream.indirect_vreg.gather [hbm4b:s0+s4], $0x80, v4, vm0, $0xb8;
	[tilespmem:$0x1CC80] =	vst v63  }
0x35e: {  	s14 =	simm.s32 $0x18400  }
0x35f: {  	[tilespmem:s14], [sflag:$0x3] =	stream.indirect_vreg.gather [hbm4b:s0+s4], $0x80, v3, vm0, $0xb8;
	[tilespmem:$0x1CC80] =	vst v63  }
0x360: {  	_ =	swait.ge [sflag:s6], $0x8000  }
0x361: {  	[sflag:s6] =	ssyncset.done $0x0  }
0x362: {  	s14 =	rddreg [dreg:$0xe];
	[sflag:s6] =	ssyncadd.s32 $0xFFFF8000  }
0x363: {  	[hbm4b:s14+s4] =	stream.linear.scatter [tilespmem:s25], [sflag:$0x4], $0x8000, $0x38;
	[tilespmem:$0x1CC80] =	vst v63  }
0x364: {  	_ =	swait.ge [sflag:s5], $0x8000  }
0x365: {  	[sflag:s5] =	ssyncset.done $0x0  }
0x366: {  	[sflag:s5] =	ssyncadd.s32 $0xFFFF8000  }
0x367: {  	v3 =	vld [tilespmem:$0x480];
	_ =	sdelay $0x4  }
0x368: {  	v48 =	vshll.u32 v3, $0x1  }
0x369: {  	v3 =	vand.u32 $0x7, v3;
	v4 =	vand.u32 $0xFFFFFFF0, v48  }
0x36a: {  	v3 =	vor.u32 v3, v4  }
0x36b: {  	v4 =	vperm.xlane v3, v0;
	_ =	sdelay $0x1  }
0x36c: {  	v3 =	vperm.xlane v3, v2;
	v4 =	vadd.s32 v1, v4;
	_ =	sdelay $0x1  }
0x36d: {  	v3 =	vadd.s32 v1, v3;
	_ =	sdelay $0x2  }
0x36e: {  	[tilespmem:s25], [sflag:$0x1] =	stream.indirect_vreg.gather [hbm4b:s0+s4], $0x80, v4, vm0, $0xb8;
	[tilespmem:$0x1CC80] =	vst v63  }
0x36f: {  	s14 =	simm.s32 $0x1400  }
0x370: {  	[tilespmem:s14], [sflag:$0x1] =	stream.indirect_vreg.gather [hbm4b:s0+s4], $0x80, v3, vm0, $0xb8;
	[tilespmem:$0x1CC80] =	vst v63  }
0x371: {  	v3 =	vld [tilespmem:$0x490];
	_ =	sdelay $0x4  }
0x372: {  	v49 =	vshll.u32 v3, $0x1  }
0x373: {  	v3 =	vand.u32 $0x7, v3;
	v4 =	vand.u32 $0xFFFFFFF0, v49  }
0x374: {  	v3 =	vor.u32 v3, v4  }
0x375: {  	v4 =	vperm.xlane v3, v0;
	_ =	sdelay $0x1  }
0x376: {  	v3 =	vperm.xlane v3, v2;
	v4 =	vadd.s32 v1, v4;
	_ =	sdelay $0x1  }
0x377: {  	v3 =	vadd.s32 v1, v3;
	_ =	sdelay $0x1  }
0x378: {  	s7 =	simm.s32 $0x1C00  }
0x379: {  	[tilespmem:s7], [sflag:$0x1] =	stream.indirect_vreg.gather [hbm4b:s0+s4], $0x80, v4, vm0, $0xb8;
	[tilespmem:$0x1CC80] =	vst v63  }
0x37a: {  	s14 =	simm.s32 $0x2400  }
0x37b: {  	[tilespmem:s14], [sflag:$0x1] =	stream.indirect_vreg.gather [hbm4b:s0+s4], $0x80, v3, vm0, $0xb8;
	[tilespmem:$0x1CC80] =	vst v63  }
0x37c: {  	v3 =	vld [tilespmem:$0x4A0];
	_ =	sdelay $0x4  }
0x37d: {  	v50 =	vshll.u32 v3, $0x1  }
0x37e: {  	v3 =	vand.u32 $0x7, v3;
	v4 =	vand.u32 $0xFFFFFFF0, v50  }
0x37f: {  	v3 =	vor.u32 v3, v4  }
0x380: {  	v4 =	vperm.xlane v3, v0;
	_ =	sdelay $0x1  }
0x381: {  	v3 =	vperm.xlane v3, v2;
	v4 =	vadd.s32 v1, v4;
	_ =	sdelay $0x1  }
0x382: {  	v3 =	vadd.s32 v1, v3;
	_ =	sdelay $0x1  }
0x383: {  	s9 =	simm.s32 $0x2C00  }
0x384: {  	[tilespmem:s9], [sflag:$0x1] =	stream.indirect_vreg.gather [hbm4b:s0+s4], $0x80, v4, vm0, $0xb8;
	[tilespmem:$0x1CC80] =	vst v63  }
0x385: {  	s14 =	simm.s32 $0x3400  }
0x386: {  	[tilespmem:s14], [sflag:$0x1] =	stream.indirect_vreg.gather [hbm4b:s0+s4], $0x80, v3, vm0, $0xb8;
	[tilespmem:$0x1CC80] =	vst v63  }
0x387: {  	v3 =	vld [tilespmem:$0x4B0];
	_ =	sdelay $0x4  }
0x388: {  	v51 =	vshll.u32 v3, $0x1  }
0x389: {  	v3 =	vand.u32 $0x7, v3;
	v4 =	vand.u32 $0xFFFFFFF0, v51  }
0x38a: {  	v3 =	vor.u32 v3, v4  }
0x38b: {  	v4 =	vperm.xlane v3, v0;
	_ =	sdelay $0x1  }
0x38c: {  	v3 =	vperm.xlane v3, v2;
	v4 =	vadd.s32 v1, v4;
	_ =	sdelay $0x1  }
0x38d: {  	v3 =	vadd.s32 v1, v3;
	_ =	sdelay $0x1  }
0x38e: {  	s31 =	simm.s32 $0x3C00  }
0x38f: {  	[tilespmem:s31], [sflag:$0x1] =	stream.indirect_vreg.gather [hbm4b:s0+s4], $0x80, v4, vm0, $0xb8;
	[tilespmem:$0x1CC80] =	vst v63  }
0x390: {  	s14 =	simm.s32 $0x4400  }
0x391: {  	[tilespmem:s14], [sflag:$0x1] =	stream.indirect_vreg.gather [hbm4b:s0+s4], $0x80, v3, vm0, $0xb8;
	[tilespmem:$0x1CC80] =	vst v63  }
0x392: {  	v3 =	vld [tilespmem:$0x4C0];
	_ =	sdelay $0x4  }
0x393: {  	v52 =	vshll.u32 v3, $0x1  }
0x394: {  	v3 =	vand.u32 $0x7, v3;
	v4 =	vand.u32 $0xFFFFFFF0, v52  }
0x395: {  	v3 =	vor.u32 v3, v4  }
0x396: {  	v4 =	vperm.xlane v3, v0;
	_ =	sdelay $0x1  }
0x397: {  	v3 =	vperm.xlane v3, v2;
	v4 =	vadd.s32 v1, v4;
	_ =	sdelay $0x1  }
0x398: {  	v3 =	vadd.s32 v1, v3;
	_ =	sdelay $0x1  }
0x399: {  	s1 =	simm.s32 $0x4C00  }
0x39a: {  	[tilespmem:s1], [sflag:$0x1] =	stream.indirect_vreg.gather [hbm4b:s0+s4], $0x80, v4, vm0, $0xb8;
	[tilespmem:$0x1CC80] =	vst v63  }
0x39b: {  	s14 =	simm.s32 $0x5400  }
0x39c: {  	[tilespmem:s14], [sflag:$0x1] =	stream.indirect_vreg.gather [hbm4b:s0+s4], $0x80, v3, vm0, $0xb8;
	[tilespmem:$0x1CC80] =	vst v63  }
0x39d: {  	v3 =	vld [tilespmem:$0x4D0];
	_ =	sdelay $0x4  }
0x39e: {  	v53 =	vshll.u32 v3, $0x1  }
0x39f: {  	v3 =	vand.u32 $0x7, v3;
	v4 =	vand.u32 $0xFFFFFFF0, v53  }
0x3a0: {  	v3 =	vor.u32 v3, v4  }
0x3a1: {  	v4 =	vperm.xlane v3, v0;
	_ =	sdelay $0x1  }
0x3a2: {  	v3 =	vperm.xlane v3, v2;
	v4 =	vadd.s32 v1, v4;
	_ =	sdelay $0x1  }
0x3a3: {  	v3 =	vadd.s32 v1, v3;
	_ =	sdelay $0x1  }
0x3a4: {  	s2 =	simm.s32 $0x5C00  }
0x3a5: {  	[tilespmem:s2], [sflag:$0x1] =	stream.indirect_vreg.gather [hbm4b:s0+s4], $0x80, v4, vm0, $0xb8;
	[tilespmem:$0x1CC80] =	vst v63  }
0x3a6: {  	s14 =	simm.s32 $0x6400  }
0x3a7: {  	[tilespmem:s14], [sflag:$0x1] =	stream.indirect_vreg.gather [hbm4b:s0+s4], $0x80, v3, vm0, $0xb8;
	[tilespmem:$0x1CC80] =	vst v63  }
0x3a8: {  	v3 =	vld [tilespmem:$0x4E0];
	_ =	sdelay $0x4  }
0x3a9: {  	v54 =	vshll.u32 v3, $0x1  }
0x3aa: {  	v3 =	vand.u32 $0x7, v3;
	v4 =	vand.u32 $0xFFFFFFF0, v54  }
0x3ab: {  	v3 =	vor.u32 v3, v4  }
0x3ac: {  	v4 =	vperm.xlane v3, v0;
	_ =	sdelay $0x1  }
0x3ad: {  	v3 =	vperm.xlane v3, v2;
	v4 =	vadd.s32 v1, v4;
	_ =	sdelay $0x1  }
0x3ae: {  	v3 =	vadd.s32 v1, v3;
	_ =	sdelay $0x1  }
0x3af: {  	s15 =	simm.s32 $0x6C00  }
0x3b0: {  	[tilespmem:s15], [sflag:$0x1] =	stream.indirect_vreg.gather [hbm4b:s0+s4], $0x80, v4, vm0, $0xb8;
	[tilespmem:$0x1CC80] =	vst v63  }
0x3b1: {  	s14 =	simm.s32 $0x7400  }
0x3b2: {  	[tilespmem:s14], [sflag:$0x1] =	stream.indirect_vreg.gather [hbm4b:s0+s4], $0x80, v3, vm0, $0xb8;
	[tilespmem:$0x1CC80] =	vst v63  }
0x3b3: {  	v3 =	vld [tilespmem:$0x4F0];
	_ =	sdelay $0x4  }
0x3b4: {  	v55 =	vshll.u32 v3, $0x1  }
0x3b5: {  	v3 =	vand.u32 $0x7, v3;
	v4 =	vand.u32 $0xFFFFFFF0, v55  }
0x3b6: {  	v3 =	vor.u32 v3, v4  }
0x3b7: {  	v4 =	vperm.xlane v3, v0;
	_ =	sdelay $0x1  }
0x3b8: {  	v3 =	vperm.xlane v3, v2;
	v4 =	vadd.s32 v1, v4;
	_ =	sdelay $0x1  }
0x3b9: {  	v3 =	vadd.s32 v1, v3;
	_ =	sdelay $0x1  }
0x3ba: {  	s19 =	simm.s32 $0x7C00  }
0x3bb: {  	[tilespmem:s19], [sflag:$0x1] =	stream.indirect_vreg.gather [hbm4b:s0+s4], $0x80, v4, vm0, $0xb8;
	[tilespmem:$0x1CC80] =	vst v63  }
0x3bc: {  	s14 =	simm.s32 $0x8400  }
0x3bd: {  	[tilespmem:s14], [sflag:$0x1] =	stream.indirect_vreg.gather [hbm4b:s0+s4], $0x80, v3, vm0, $0xb8;
	[tilespmem:$0x1CC80] =	vst v63  }
0x3be: {  	_ =	swait.ge [sflag:s10], $0x8000  }
0x3bf: {  	[sflag:s10] =	ssyncset.done $0x0  }
0x3c0: {  	s14 =	rddreg [dreg:$0xf];
	[sflag:s10] =	ssyncadd.s32 $0xFFFF8000  }
0x3c1: {  	[hbm4b:s14+s4] =	stream.linear.scatter [tilespmem:s22], [sflag:$0x5], $0x8000, $0x38;
	[tilespmem:$0x1CC80] =	vst v63  }
0x3c2: {  	_ =	swait.ge [sflag:s11], $0x8000  }
0x3c3: {  	[sflag:s11] =	ssyncset.done $0x0  }
0x3c4: {  	[sflag:s11] =	ssyncadd.s32 $0xFFFF8000  }
0x3c5: {  	v3 =	vld [tilespmem:$0x500];
	_ =	sdelay $0x4  }
0x3c6: {  	v56 =	vshll.u32 v3, $0x1  }
0x3c7: {  	v3 =	vand.u32 $0x7, v3;
	v4 =	vand.u32 $0xFFFFFFF0, v56  }
0x3c8: {  	v3 =	vor.u32 v3, v4  }
0x3c9: {  	v4 =	vperm.xlane v3, v0;
	_ =	sdelay $0x1  }
0x3ca: {  	v3 =	vperm.xlane v3, v2;
	v4 =	vadd.s32 v1, v4;
	_ =	sdelay $0x1  }
0x3cb: {  	v3 =	vadd.s32 v1, v3;
	_ =	sdelay $0x2  }
0x3cc: {  	[tilespmem:s22], [sflag:$0x2] =	stream.indirect_vreg.gather [hbm4b:s0+s4], $0x80, v4, vm0, $0xb8;
	[tilespmem:$0x1CC80] =	vst v63  }
0x3cd: {  	s14 =	simm.s32 $0x9400  }
0x3ce: {  	[tilespmem:s14], [sflag:$0x2] =	stream.indirect_vreg.gather [hbm4b:s0+s4], $0x80, v3, vm0, $0xb8;
	[tilespmem:$0x1CC80] =	vst v63  }
0x3cf: {  	v3 =	vld [tilespmem:$0x510];
	_ =	sdelay $0x4  }
0x3d0: {  	v57 =	vshll.u32 v3, $0x1  }
0x3d1: {  	v3 =	vand.u32 $0x7, v3;
	v4 =	vand.u32 $0xFFFFFFF0, v57  }
0x3d2: {  	v3 =	vor.u32 v3, v4  }
0x3d3: {  	v4 =	vperm.xlane v3, v0;
	_ =	sdelay $0x1  }
0x3d4: {  	v3 =	vperm.xlane v3, v2;
	v4 =	vadd.s32 v1, v4;
	_ =	sdelay $0x1  }
0x3d5: {  	v3 =	vadd.s32 v1, v3;
	_ =	sdelay $0x1  }
0x3d6: {  	s3 =	simm.s32 $0x9C00  }
0x3d7: {  	[tilespmem:s3], [sflag:$0x2] =	stream.indirect_vreg.gather [hbm4b:s0+s4], $0x80, v4, vm0, $0xb8;
	[tilespmem:$0x1CC80] =	vst v63  }
0x3d8: {  	s14 =	simm.s32 $0xA400  }
0x3d9: {  	[tilespmem:s14], [sflag:$0x2] =	stream.indirect_vreg.gather [hbm4b:s0+s4], $0x80, v3, vm0, $0xb8;
	[tilespmem:$0x1CC80] =	vst v63  }
0x3da: {  	v3 =	vld [tilespmem:$0x520];
	_ =	sdelay $0x4  }
0x3db: {  	v58 =	vshll.u32 v3, $0x1  }
0x3dc: {  	v3 =	vand.u32 $0x7, v3;
	v4 =	vand.u32 $0xFFFFFFF0, v58  }
0x3dd: {  	v3 =	vor.u32 v3, v4  }
0x3de: {  	v4 =	vperm.xlane v3, v0;
	_ =	sdelay $0x1  }
0x3df: {  	v3 =	vperm.xlane v3, v2;
	v4 =	vadd.s32 v1, v4;
	_ =	sdelay $0x1  }
0x3e0: {  	v3 =	vadd.s32 v1, v3;
	_ =	sdelay $0x1  }
0x3e1: {  	s16 =	simm.s32 $0xAC00  }
0x3e2: {  	[tilespmem:s16], [sflag:$0x2] =	stream.indirect_vreg.gather [hbm4b:s0+s4], $0x80, v4, vm0, $0xb8;
	[tilespmem:$0x1CC80] =	vst v63  }
0x3e3: {  	s14 =	simm.s32 $0xB400  }
0x3e4: {  	[tilespmem:s14], [sflag:$0x2] =	stream.indirect_vreg.gather [hbm4b:s0+s4], $0x80, v3, vm0, $0xb8;
	[tilespmem:$0x1CC80] =	vst v63  }
0x3e5: {  	v3 =	vld [tilespmem:$0x530];
	_ =	sdelay $0x4  }
0x3e6: {  	v59 =	vshll.u32 v3, $0x1  }
0x3e7: {  	v3 =	vand.u32 $0x7, v3;
	v4 =	vand.u32 $0xFFFFFFF0, v59  }
0x3e8: {  	v3 =	vor.u32 v3, v4  }
0x3e9: {  	v4 =	vperm.xlane v3, v0;
	_ =	sdelay $0x1  }
0x3ea: {  	v3 =	vperm.xlane v3, v2;
	v4 =	vadd.s32 v1, v4;
	_ =	sdelay $0x1  }
0x3eb: {  	v3 =	vadd.s32 v1, v3;
	_ =	sdelay $0x1  }
0x3ec: {  	s8 =	simm.s32 $0xBC00  }
0x3ed: {  	[tilespmem:s8], [sflag:$0x2] =	stream.indirect_vreg.gather [hbm4b:s0+s4], $0x80, v4, vm0, $0xb8;
	[tilespmem:$0x1CC80] =	vst v63  }
0x3ee: {  	s14 =	simm.s32 $0xC400  }
0x3ef: {  	[tilespmem:s14], [sflag:$0x2] =	stream.indirect_vreg.gather [hbm4b:s0+s4], $0x80, v3, vm0, $0xb8;
	[tilespmem:$0x1CC80] =	vst v63  }
0x3f0: {  	v3 =	vld [tilespmem:$0x540];
	_ =	sdelay $0x4  }
0x3f1: {  	v60 =	vshll.u32 v3, $0x1  }
0x3f2: {  	v3 =	vand.u32 $0x7, v3;
	v4 =	vand.u32 $0xFFFFFFF0, v60  }
0x3f3: {  	v3 =	vor.u32 v3, v4  }
0x3f4: {  	v4 =	vperm.xlane v3, v0;
	_ =	sdelay $0x1  }
0x3f5: {  	v3 =	vperm.xlane v3, v2;
	v4 =	vadd.s32 v1, v4;
	_ =	sdelay $0x1  }
0x3f6: {  	v3 =	vadd.s32 v1, v3;
	_ =	sdelay $0x1  }
0x3f7: {  	s17 =	simm.s32 $0xCC00  }
0x3f8: {  	[tilespmem:s17], [sflag:$0x2] =	stream.indirect_vreg.gather [hbm4b:s0+s4], $0x80, v4, vm0, $0xb8;
	[tilespmem:$0x1CC80] =	vst v63  }
0x3f9: {  	s14 =	simm.s32 $0xD400  }
0x3fa: {  	[tilespmem:s14], [sflag:$0x2] =	stream.indirect_vreg.gather [hbm4b:s0+s4], $0x80, v3, vm0, $0xb8;
	[tilespmem:$0x1CC80] =	vst v63  }
0x3fb: {  	v3 =	vld [tilespmem:$0x550];
	_ =	sdelay $0x4  }
0x3fc: {  	v61 =	vshll.u32 v3, $0x1  }
0x3fd: {  	v3 =	vand.u32 $0x7, v3;
	v4 =	vand.u32 $0xFFFFFFF0, v61  }
0x3fe: {  	v3 =	vor.u32 v3, v4  }
0x3ff: {  	v4 =	vperm.xlane v3, v0;
	_ =	sdelay $0x1  }
0x400: {  	v3 =	vperm.xlane v3, v2;
	v4 =	vadd.s32 v1, v4;
	_ =	sdelay $0x1  }
0x401: {  	v3 =	vadd.s32 v1, v3;
	_ =	sdelay $0x1  }
0x402: {  	s18 =	simm.s32 $0xDC00  }
0x403: {  	[tilespmem:s18], [sflag:$0x2] =	stream.indirect_vreg.gather [hbm4b:s0+s4], $0x80, v4, vm0, $0xb8;
	[tilespmem:$0x1CC80] =	vst v63  }
0x404: {  	s14 =	simm.s32 $0xE400  }
0x405: {  	[tilespmem:s14], [sflag:$0x2] =	stream.indirect_vreg.gather [hbm4b:s0+s4], $0x80, v3, vm0, $0xb8;
	[tilespmem:$0x1CC80] =	vst v63  }
0x406: {  	v3 =	vld [tilespmem:$0x560];
	_ =	sdelay $0x4  }
0x407: {  	v62 =	vshll.u32 v3, $0x1  }
0x408: {  	v3 =	vand.u32 $0x7, v3;
	v4 =	vand.u32 $0xFFFFFFF0, v62  }
0x409: {  	v3 =	vor.u32 v3, v4  }
0x40a: {  	v4 =	vperm.xlane v3, v0;
	_ =	sdelay $0x1  }
0x40b: {  	v3 =	vperm.xlane v3, v2;
	v4 =	vadd.s32 v1, v4;
	_ =	sdelay $0x1  }
0x40c: {  	v3 =	vadd.s32 v1, v3;
	_ =	sdelay $0x1  }
0x40d: {  	s20 =	simm.s32 $0xEC00  }
0x40e: {  	[tilespmem:s20], [sflag:$0x2] =	stream.indirect_vreg.gather [hbm4b:s0+s4], $0x80, v4, vm0, $0xb8;
	[tilespmem:$0x1CC80] =	vst v63  }
0x40f: {  	s14 =	simm.s32 $0xF400  }
0x410: {  	[tilespmem:s14], [sflag:$0x2] =	stream.indirect_vreg.gather [hbm4b:s0+s4], $0x80, v3, vm0, $0xb8;
	[tilespmem:$0x1CC80] =	vst v63  }
0x411: {  	v3 =	vld [tilespmem:$0x570];
	_ =	sdelay $0x4  }
0x412: {  	v63 =	vshll.u32 v3, $0x1  }
0x413: {  	v3 =	vand.u32 $0x7, v3;
	v4 =	vand.u32 $0xFFFFFFF0, v63  }
0x414: {  	v3 =	vor.u32 v3, v4  }
0x415: {  	v4 =	vperm.xlane v3, v0;
	_ =	sdelay $0x1  }
0x416: {  	v3 =	vperm.xlane v3, v2;
	v4 =	vadd.s32 v1, v4;
	_ =	sdelay $0x1  }
0x417: {  	v3 =	vadd.s32 v1, v3;
	_ =	sdelay $0x1  }
0x418: {  	s23 =	simm.s32 $0xFC00  }
0x419: {  	[tilespmem:s23], [sflag:$0x2] =	stream.indirect_vreg.gather [hbm4b:s0+s4], $0x80, v4, vm0, $0xb8;
	[tilespmem:$0x1CC80] =	vst v63  }
0x41a: {  	s14 =	simm.s32 $0x10400  }
0x41b: {  	[tilespmem:s14], [sflag:$0x2] =	stream.indirect_vreg.gather [hbm4b:s0+s4], $0x80, v3, vm0, $0xb8;
	[tilespmem:$0x1CC80] =	vst v63  }
0x41c: {  	_ =	swait.ge [sflag:s12], $0x8000  }
0x41d: {  	[sflag:s12] =	ssyncset.done $0x0  }
0x41e: {  	s14 =	rddreg [dreg:$0x10];
	[sflag:s12] =	ssyncadd.s32 $0xFFFF8000  }
0x41f: {  	[hbm4b:s14+s4] =	stream.linear.scatter [tilespmem:s21], [sflag:$0x6], $0x8000, $0x38;
	[tilespmem:$0x1CC80] =	vst v63  }
0x420: {  	_ =	swait.ge [sflag:s13], $0x8000  }
0x421: {  	[sflag:s13] =	ssyncset.done $0x0  }
0x422: {  	[sflag:s13] =	ssyncadd.s32 $0xFFFF8000  }
0x423: {  	v3 =	vld [tilespmem:$0x580];
	_ =	sdelay $0x4  }
0x424: {  	v8 =	vshll.u32 v3, $0x1  }
0x425: {  	v3 =	vand.u32 $0x7, v3;
	v4 =	vand.u32 $0xFFFFFFF0, v8  }
0x426: {  	v3 =	vor.u32 v3, v4  }
0x427: {  	v4 =	vperm.xlane v3, v0;
	_ =	sdelay $0x1  }
0x428: {  	v3 =	vperm.xlane v3, v2;
	v4 =	vadd.s32 v1, v4;
	_ =	sdelay $0x1  }
0x429: {  	v3 =	vadd.s32 v1, v3;
	_ =	sdelay $0x2  }
0x42a: {  	[tilespmem:s21], [sflag:$0x3] =	stream.indirect_vreg.gather [hbm4b:s0+s4], $0x80, v4, vm0, $0xb8;
	[tilespmem:$0x1CC80] =	vst v63  }
0x42b: {  	s29 =	simm.s32 $0x11400  }
0x42c: {  	[tilespmem:s29], [sflag:$0x3] =	stream.indirect_vreg.gather [hbm4b:s0+s4], $0x80, v3, vm0, $0xb8;
	[tilespmem:$0x1CC80] =	vst v63  }
0x42d: {  	v3 =	vld [tilespmem:$0x590];
	_ =	sdelay $0x4  }
0x42e: {  	v9 =	vshll.u32 v3, $0x1  }
0x42f: {  	v3 =	vand.u32 $0x7, v3;
	v4 =	vand.u32 $0xFFFFFFF0, v9  }
0x430: {  	v3 =	vor.u32 v3, v4  }
0x431: {  	v4 =	vperm.xlane v3, v0;
	_ =	sdelay $0x1  }
0x432: {  	v3 =	vperm.xlane v3, v2;
	v4 =	vadd.s32 v1, v4;
	_ =	sdelay $0x1  }
0x433: {  	v3 =	vadd.s32 v1, v3;
	_ =	sdelay $0x1  }
0x434: {  	s29 =	simm.s32 $0x11C00  }
0x435: {  	[tilespmem:s29], [sflag:$0x3] =	stream.indirect_vreg.gather [hbm4b:s0+s4], $0x80, v4, vm0, $0xb8;
	[tilespmem:$0x1CC80] =	vst v63  }
0x436: {  	s30 =	simm.s32 $0x12400  }
0x437: {  	[tilespmem:s30], [sflag:$0x3] =	stream.indirect_vreg.gather [hbm4b:s0+s4], $0x80, v3, vm0, $0xb8;
	[tilespmem:$0x1CC80] =	vst v63  }
0x438: {  	v3 =	vld [tilespmem:$0x5A0];
	_ =	sdelay $0x4  }
0x439: {  	v10 =	vshll.u32 v3, $0x1  }
0x43a: {  	v3 =	vand.u32 $0x7, v3;
	v4 =	vand.u32 $0xFFFFFFF0, v10  }
0x43b: {  	v3 =	vor.u32 v3, v4  }
0x43c: {  	v4 =	vperm.xlane v3, v0;
	_ =	sdelay $0x1  }
0x43d: {  	v3 =	vperm.xlane v3, v2;
	v4 =	vadd.s32 v1, v4;
	_ =	sdelay $0x1  }
0x43e: {  	v3 =	vadd.s32 v1, v3;
	_ =	sdelay $0x1  }
0x43f: {  	s29 =	simm.s32 $0x12C00  }
0x440: {  	[tilespmem:s29], [sflag:$0x3] =	stream.indirect_vreg.gather [hbm4b:s0+s4], $0x80, v4, vm0, $0xb8;
	[tilespmem:$0x1CC80] =	vst v63  }
0x441: {  	s29 =	simm.s32 $0x13400  }
0x442: {  	[tilespmem:s29], [sflag:$0x3] =	stream.indirect_vreg.gather [hbm4b:s0+s4], $0x80, v3, vm0, $0xb8;
	[tilespmem:$0x1CC80] =	vst v63  }
0x443: {  	v3 =	vld [tilespmem:$0x5B0];
	_ =	sdelay $0x4  }
0x444: {  	v11 =	vshll.u32 v3, $0x1  }
0x445: {  	v3 =	vand.u32 $0x7, v3;
	v4 =	vand.u32 $0xFFFFFFF0, v11  }
0x446: {  	v3 =	vor.u32 v3, v4  }
0x447: {  	v4 =	vperm.xlane v3, v0;
	_ =	sdelay $0x1  }
0x448: {  	v3 =	vperm.xlane v3, v2;
	v4 =	vadd.s32 v1, v4;
	_ =	sdelay $0x1  }
0x449: {  	v3 =	vadd.s32 v1, v3;
	_ =	sdelay $0x1  }
0x44a: {  	s29 =	simm.s32 $0x13C00  }
0x44b: {  	[tilespmem:s29], [sflag:$0x3] =	stream.indirect_vreg.gather [hbm4b:s0+s4], $0x80, v4, vm0, $0xb8;
	[tilespmem:$0x1CC80] =	vst v63  }
0x44c: {  	s29 =	simm.s32 $0x14400  }
0x44d: {  	[tilespmem:s29], [sflag:$0x3] =	stream.indirect_vreg.gather [hbm4b:s0+s4], $0x80, v3, vm0, $0xb8;
	[tilespmem:$0x1CC80] =	vst v63  }
0x44e: {  	v3 =	vld [tilespmem:$0x5C0];
	_ =	sdelay $0x4  }
0x44f: {  	v12 =	vshll.u32 v3, $0x1  }
0x450: {  	v3 =	vand.u32 $0x7, v3;
	v4 =	vand.u32 $0xFFFFFFF0, v12  }
0x451: {  	v3 =	vor.u32 v3, v4  }
0x452: {  	v4 =	vperm.xlane v3, v0;
	_ =	sdelay $0x1  }
0x453: {  	v3 =	vperm.xlane v3, v2;
	v4 =	vadd.s32 v1, v4;
	_ =	sdelay $0x1  }
0x454: {  	v3 =	vadd.s32 v1, v3;
	_ =	sdelay $0x1  }
0x455: {  	s29 =	simm.s32 $0x14C00  }
0x456: {  	[tilespmem:s29], [sflag:$0x3] =	stream.indirect_vreg.gather [hbm4b:s0+s4], $0x80, v4, vm0, $0xb8;
	[tilespmem:$0x1CC80] =	vst v63  }
0x457: {  	s29 =	simm.s32 $0x15400  }
0x458: {  	[tilespmem:s29], [sflag:$0x3] =	stream.indirect_vreg.gather [hbm4b:s0+s4], $0x80, v3, vm0, $0xb8;
	[tilespmem:$0x1CC80] =	vst v63  }
0x459: {  	v3 =	vld [tilespmem:$0x5D0];
	_ =	sdelay $0x4  }
0x45a: {  	v13 =	vshll.u32 v3, $0x1  }
0x45b: {  	v3 =	vand.u32 $0x7, v3;
	v4 =	vand.u32 $0xFFFFFFF0, v13  }
0x45c: {  	v3 =	vor.u32 v3, v4  }
0x45d: {  	v4 =	vperm.xlane v3, v0;
	_ =	sdelay $0x1  }
0x45e: {  	v3 =	vperm.xlane v3, v2;
	v4 =	vadd.s32 v1, v4;
	_ =	sdelay $0x1  }
0x45f: {  	v3 =	vadd.s32 v1, v3;
	_ =	sdelay $0x1  }
0x460: {  	s24 =	simm.s32 $0x15C00  }
0x461: {  	[tilespmem:s24], [sflag:$0x3] =	stream.indirect_vreg.gather [hbm4b:s0+s4], $0x80, v4, vm0, $0xb8;
	[tilespmem:$0x1CC80] =	vst v63  }
0x462: {  	s24 =	simm.s32 $0x16400  }
0x463: {  	[tilespmem:s24], [sflag:$0x3] =	stream.indirect_vreg.gather [hbm4b:s0+s4], $0x80, v3, vm0, $0xb8;
	[tilespmem:$0x1CC80] =	vst v63  }
0x464: {  	v3 =	vld [tilespmem:$0x5E0];
	_ =	sdelay $0x4  }
0x465: {  	v14 =	vshll.u32 v3, $0x1  }
0x466: {  	v3 =	vand.u32 $0x7, v3;
	v4 =	vand.u32 $0xFFFFFFF0, v14  }
0x467: {  	v3 =	vor.u32 v3, v4  }
0x468: {  	v4 =	vperm.xlane v3, v0;
	_ =	sdelay $0x1  }
0x469: {  	v3 =	vperm.xlane v3, v2;
	v4 =	vadd.s32 v1, v4;
	_ =	sdelay $0x1  }
0x46a: {  	v3 =	vadd.s32 v1, v3;
	_ =	sdelay $0x1  }
0x46b: {  	s26 =	simm.s32 $0x16C00  }
0x46c: {  	[tilespmem:s26], [sflag:$0x3] =	stream.indirect_vreg.gather [hbm4b:s0+s4], $0x80, v4, vm0, $0xb8;
	[tilespmem:$0x1CC80] =	vst v63  }
0x46d: {  	s14 =	simm.s32 $0x17400  }
0x46e: {  	[tilespmem:s14], [sflag:$0x3] =	stream.indirect_vreg.gather [hbm4b:s0+s4], $0x80, v3, vm0, $0xb8;
	[tilespmem:$0x1CC80] =	vst v63  }
0x46f: {  	v3 =	vld [tilespmem:$0x5F0];
	_ =	sdelay $0x4  }
0x470: {  	v15 =	vshll.u32 v3, $0x1  }
0x471: {  	v3 =	vand.u32 $0x7, v3;
	v4 =	vand.u32 $0xFFFFFFF0, v15  }
0x472: {  	v3 =	vor.u32 v3, v4  }
0x473: {  	v4 =	vperm.xlane v3, v0;
	_ =	sdelay $0x1  }
0x474: {  	v3 =	vperm.xlane v3, v2;
	v4 =	vadd.s32 v1, v4;
	_ =	sdelay $0x1  }
0x475: {  	v3 =	vadd.s32 v1, v3;
	_ =	sdelay $0x1  }
0x476: {  	s28 =	simm.s32 $0x17C00  }
0x477: {  	[tilespmem:s28], [sflag:$0x3] =	stream.indirect_vreg.gather [hbm4b:s0+s4], $0x80, v4, vm0, $0xb8;
	[tilespmem:$0x1CC80] =	vst v63  }
0x478: {  	s14 =	simm.s32 $0x18400  }
0x479: {  	[tilespmem:s14], [sflag:$0x3] =	stream.indirect_vreg.gather [hbm4b:s0+s4], $0x80, v3, vm0, $0xb8;
	[tilespmem:$0x1CC80] =	vst v63  }
0x47a: {  	_ =	swait.ge [sflag:s6], $0x8000  }
0x47b: {  	[sflag:s6] =	ssyncset.done $0x0  }
0x47c: {  	s14 =	rddreg [dreg:$0x11];
	[sflag:s6] =	ssyncadd.s32 $0xFFFF8000  }
0x47d: {  	[hbm4b:s14+s4] =	stream.linear.scatter [tilespmem:s25], [sflag:$0x4], $0x8000, $0x38;
	[tilespmem:$0x1CC80] =	vst v63  }
0x47e: {  	_ =	swait.ge [sflag:s5], $0x8000  }
0x47f: {  	[sflag:s5] =	ssyncset.done $0x0  }
0x480: {  	[sflag:s5] =	ssyncadd.s32 $0xFFFF8000  }
0x481: {  	v3 =	vld [tilespmem:$0x600];
	_ =	sdelay $0x4  }
0x482: {  	v16 =	vshll.u32 v3, $0x1  }
0x483: {  	v3 =	vand.u32 $0x7, v3;
	v4 =	vand.u32 $0xFFFFFFF0, v16  }
0x484: {  	v3 =	vor.u32 v3, v4  }
0x485: {  	v4 =	vperm.xlane v3, v0;
	_ =	sdelay $0x1  }
0x486: {  	v3 =	vperm.xlane v3, v2;
	v4 =	vadd.s32 v1, v4;
	_ =	sdelay $0x1  }
0x487: {  	v3 =	vadd.s32 v1, v3;
	_ =	sdelay $0x2  }
0x488: {  	[tilespmem:s25], [sflag:$0x1] =	stream.indirect_vreg.gather [hbm4b:s0+s4], $0x80, v4, vm0, $0xb8;
	[tilespmem:$0x1CC80] =	vst v63  }
0x489: {  	s14 =	simm.s32 $0x1400  }
0x48a: {  	[tilespmem:s14], [sflag:$0x1] =	stream.indirect_vreg.gather [hbm4b:s0+s4], $0x80, v3, vm0, $0xb8;
	[tilespmem:$0x1CC80] =	vst v63  }
0x48b: {  	v3 =	vld [tilespmem:$0x610];
	_ =	sdelay $0x4  }
0x48c: {  	v17 =	vshll.u32 v3, $0x1  }
0x48d: {  	v3 =	vand.u32 $0x7, v3;
	v4 =	vand.u32 $0xFFFFFFF0, v17  }
0x48e: {  	v3 =	vor.u32 v3, v4  }
0x48f: {  	v4 =	vperm.xlane v3, v0;
	_ =	sdelay $0x1  }
0x490: {  	v3 =	vperm.xlane v3, v2;
	v4 =	vadd.s32 v1, v4;
	_ =	sdelay $0x1  }
0x491: {  	v3 =	vadd.s32 v1, v3;
	_ =	sdelay $0x1  }
0x492: {  	s7 =	simm.s32 $0x1C00  }
0x493: {  	[tilespmem:s7], [sflag:$0x1] =	stream.indirect_vreg.gather [hbm4b:s0+s4], $0x80, v4, vm0, $0xb8;
	[tilespmem:$0x1CC80] =	vst v63  }
0x494: {  	s14 =	simm.s32 $0x2400  }
0x495: {  	[tilespmem:s14], [sflag:$0x1] =	stream.indirect_vreg.gather [hbm4b:s0+s4], $0x80, v3, vm0, $0xb8;
	[tilespmem:$0x1CC80] =	vst v63  }
0x496: {  	v3 =	vld [tilespmem:$0x620];
	_ =	sdelay $0x4  }
0x497: {  	v18 =	vshll.u32 v3, $0x1  }
0x498: {  	v3 =	vand.u32 $0x7, v3;
	v4 =	vand.u32 $0xFFFFFFF0, v18  }
0x499: {  	v3 =	vor.u32 v3, v4  }
0x49a: {  	v4 =	vperm.xlane v3, v0;
	_ =	sdelay $0x1  }
0x49b: {  	v3 =	vperm.xlane v3, v2;
	v4 =	vadd.s32 v1, v4;
	_ =	sdelay $0x1  }
0x49c: {  	v3 =	vadd.s32 v1, v3;
	_ =	sdelay $0x1  }
0x49d: {  	s9 =	simm.s32 $0x2C00  }
0x49e: {  	[tilespmem:s9], [sflag:$0x1] =	stream.indirect_vreg.gather [hbm4b:s0+s4], $0x80, v4, vm0, $0xb8;
	[tilespmem:$0x1CC80] =	vst v63  }
0x49f: {  	s14 =	simm.s32 $0x3400  }
0x4a0: {  	[tilespmem:s14], [sflag:$0x1] =	stream.indirect_vreg.gather [hbm4b:s0+s4], $0x80, v3, vm0, $0xb8;
	[tilespmem:$0x1CC80] =	vst v63  }
0x4a1: {  	v3 =	vld [tilespmem:$0x630];
	_ =	sdelay $0x4  }
0x4a2: {  	v19 =	vshll.u32 v3, $0x1  }
0x4a3: {  	v3 =	vand.u32 $0x7, v3;
	v4 =	vand.u32 $0xFFFFFFF0, v19  }
0x4a4: {  	v3 =	vor.u32 v3, v4  }
0x4a5: {  	v4 =	vperm.xlane v3, v0;
	_ =	sdelay $0x1  }
0x4a6: {  	v3 =	vperm.xlane v3, v2;
	v4 =	vadd.s32 v1, v4;
	_ =	sdelay $0x1  }
0x4a7: {  	v3 =	vadd.s32 v1, v3;
	_ =	sdelay $0x1  }
0x4a8: {  	s31 =	simm.s32 $0x3C00  }
0x4a9: {  	[tilespmem:s31], [sflag:$0x1] =	stream.indirect_vreg.gather [hbm4b:s0+s4], $0x80, v4, vm0, $0xb8;
	[tilespmem:$0x1CC80] =	vst v63  }
0x4aa: {  	s14 =	simm.s32 $0x4400  }
0x4ab: {  	[tilespmem:s14], [sflag:$0x1] =	stream.indirect_vreg.gather [hbm4b:s0+s4], $0x80, v3, vm0, $0xb8;
	[tilespmem:$0x1CC80] =	vst v63  }
0x4ac: {  	v3 =	vld [tilespmem:$0x640];
	_ =	sdelay $0x4  }
0x4ad: {  	v20 =	vshll.u32 v3, $0x1  }
0x4ae: {  	v3 =	vand.u32 $0x7, v3;
	v4 =	vand.u32 $0xFFFFFFF0, v20  }
0x4af: {  	v3 =	vor.u32 v3, v4  }
0x4b0: {  	v4 =	vperm.xlane v3, v0;
	_ =	sdelay $0x1  }
0x4b1: {  	v3 =	vperm.xlane v3, v2;
	v4 =	vadd.s32 v1, v4;
	_ =	sdelay $0x1  }
0x4b2: {  	v3 =	vadd.s32 v1, v3;
	_ =	sdelay $0x1  }
0x4b3: {  	s1 =	simm.s32 $0x4C00  }
0x4b4: {  	[tilespmem:s1], [sflag:$0x1] =	stream.indirect_vreg.gather [hbm4b:s0+s4], $0x80, v4, vm0, $0xb8;
	[tilespmem:$0x1CC80] =	vst v63  }
0x4b5: {  	s14 =	simm.s32 $0x5400  }
0x4b6: {  	[tilespmem:s14], [sflag:$0x1] =	stream.indirect_vreg.gather [hbm4b:s0+s4], $0x80, v3, vm0, $0xb8;
	[tilespmem:$0x1CC80] =	vst v63  }
0x4b7: {  	v3 =	vld [tilespmem:$0x650];
	_ =	sdelay $0x4  }
0x4b8: {  	v21 =	vshll.u32 v3, $0x1  }
0x4b9: {  	v3 =	vand.u32 $0x7, v3;
	v4 =	vand.u32 $0xFFFFFFF0, v21  }
0x4ba: {  	v3 =	vor.u32 v3, v4  }
0x4bb: {  	v4 =	vperm.xlane v3, v0;
	_ =	sdelay $0x1  }
0x4bc: {  	v3 =	vperm.xlane v3, v2;
	v4 =	vadd.s32 v1, v4;
	_ =	sdelay $0x1  }
0x4bd: {  	v3 =	vadd.s32 v1, v3;
	_ =	sdelay $0x1  }
0x4be: {  	s2 =	simm.s32 $0x5C00  }
0x4bf: {  	[tilespmem:s2], [sflag:$0x1] =	stream.indirect_vreg.gather [hbm4b:s0+s4], $0x80, v4, vm0, $0xb8;
	[tilespmem:$0x1CC80] =	vst v63  }
0x4c0: {  	s14 =	simm.s32 $0x6400  }
0x4c1: {  	[tilespmem:s14], [sflag:$0x1] =	stream.indirect_vreg.gather [hbm4b:s0+s4], $0x80, v3, vm0, $0xb8;
	[tilespmem:$0x1CC80] =	vst v63  }
0x4c2: {  	v3 =	vld [tilespmem:$0x660];
	_ =	sdelay $0x4  }
0x4c3: {  	v22 =	vshll.u32 v3, $0x1  }
0x4c4: {  	v3 =	vand.u32 $0x7, v3;
	v4 =	vand.u32 $0xFFFFFFF0, v22  }
0x4c5: {  	v3 =	vor.u32 v3, v4  }
0x4c6: {  	v4 =	vperm.xlane v3, v0;
	_ =	sdelay $0x1  }
0x4c7: {  	v3 =	vperm.xlane v3, v2;
	v4 =	vadd.s32 v1, v4;
	_ =	sdelay $0x1  }
0x4c8: {  	v3 =	vadd.s32 v1, v3;
	_ =	sdelay $0x1  }
0x4c9: {  	s15 =	simm.s32 $0x6C00  }
0x4ca: {  	[tilespmem:s15], [sflag:$0x1] =	stream.indirect_vreg.gather [hbm4b:s0+s4], $0x80, v4, vm0, $0xb8;
	[tilespmem:$0x1CC80] =	vst v63  }
0x4cb: {  	s14 =	simm.s32 $0x7400  }
0x4cc: {  	[tilespmem:s14], [sflag:$0x1] =	stream.indirect_vreg.gather [hbm4b:s0+s4], $0x80, v3, vm0, $0xb8;
	[tilespmem:$0x1CC80] =	vst v63  }
0x4cd: {  	v3 =	vld [tilespmem:$0x670];
	_ =	sdelay $0x4  }
0x4ce: {  	v23 =	vshll.u32 v3, $0x1  }
0x4cf: {  	v3 =	vand.u32 $0x7, v3;
	v4 =	vand.u32 $0xFFFFFFF0, v23  }
0x4d0: {  	v3 =	vor.u32 v3, v4  }
0x4d1: {  	v4 =	vperm.xlane v3, v0;
	_ =	sdelay $0x1  }
0x4d2: {  	v3 =	vperm.xlane v3, v2;
	v4 =	vadd.s32 v1, v4;
	_ =	sdelay $0x1  }
0x4d3: {  	v3 =	vadd.s32 v1, v3;
	_ =	sdelay $0x1  }
0x4d4: {  	s19 =	simm.s32 $0x7C00  }
0x4d5: {  	[tilespmem:s19], [sflag:$0x1] =	stream.indirect_vreg.gather [hbm4b:s0+s4], $0x80, v4, vm0, $0xb8;
	[tilespmem:$0x1CC80] =	vst v63  }
0x4d6: {  	s14 =	simm.s32 $0x8400  }
0x4d7: {  	[tilespmem:s14], [sflag:$0x1] =	stream.indirect_vreg.gather [hbm4b:s0+s4], $0x80, v3, vm0, $0xb8;
	[tilespmem:$0x1CC80] =	vst v63  }
0x4d8: {  	_ =	swait.ge [sflag:s10], $0x8000  }
0x4d9: {  	[sflag:s10] =	ssyncset.done $0x0  }
0x4da: {  	s14 =	rddreg [dreg:$0x12];
	[sflag:s10] =	ssyncadd.s32 $0xFFFF8000  }
0x4db: {  	[hbm4b:s14+s4] =	stream.linear.scatter [tilespmem:s22], [sflag:$0x5], $0x8000, $0x38;
	[tilespmem:$0x1CC80] =	vst v63  }
0x4dc: {  	_ =	swait.ge [sflag:s11], $0x8000  }
0x4dd: {  	[sflag:s11] =	ssyncset.done $0x0  }
0x4de: {  	[sflag:s11] =	ssyncadd.s32 $0xFFFF8000  }
0x4df: {  	v3 =	vld [tilespmem:$0x680];
	_ =	sdelay $0x4  }
0x4e0: {  	v24 =	vshll.u32 v3, $0x1  }
0x4e1: {  	v3 =	vand.u32 $0x7, v3;
	v4 =	vand.u32 $0xFFFFFFF0, v24  }
0x4e2: {  	v3 =	vor.u32 v3, v4  }
0x4e3: {  	v4 =	vperm.xlane v3, v0;
	_ =	sdelay $0x1  }
0x4e4: {  	v3 =	vperm.xlane v3, v2;
	v4 =	vadd.s32 v1, v4;
	_ =	sdelay $0x1  }
0x4e5: {  	v3 =	vadd.s32 v1, v3;
	_ =	sdelay $0x2  }
0x4e6: {  	[tilespmem:s22], [sflag:$0x2] =	stream.indirect_vreg.gather [hbm4b:s0+s4], $0x80, v4, vm0, $0xb8;
	[tilespmem:$0x1CC80] =	vst v63  }
0x4e7: {  	s14 =	simm.s32 $0x9400  }
0x4e8: {  	[tilespmem:s14], [sflag:$0x2] =	stream.indirect_vreg.gather [hbm4b:s0+s4], $0x80, v3, vm0, $0xb8;
	[tilespmem:$0x1CC80] =	vst v63  }
0x4e9: {  	v3 =	vld [tilespmem:$0x690];
	_ =	sdelay $0x4  }
0x4ea: {  	v25 =	vshll.u32 v3, $0x1  }
0x4eb: {  	v3 =	vand.u32 $0x7, v3;
	v4 =	vand.u32 $0xFFFFFFF0, v25  }
0x4ec: {  	v3 =	vor.u32 v3, v4  }
0x4ed: {  	v4 =	vperm.xlane v3, v0;
	_ =	sdelay $0x1  }
0x4ee: {  	v3 =	vperm.xlane v3, v2;
	v4 =	vadd.s32 v1, v4;
	_ =	sdelay $0x1  }
0x4ef: {  	v3 =	vadd.s32 v1, v3;
	_ =	sdelay $0x1  }
0x4f0: {  	s3 =	simm.s32 $0x9C00  }
0x4f1: {  	[tilespmem:s3], [sflag:$0x2] =	stream.indirect_vreg.gather [hbm4b:s0+s4], $0x80, v4, vm0, $0xb8;
	[tilespmem:$0x1CC80] =	vst v63  }
0x4f2: {  	s14 =	simm.s32 $0xA400  }
0x4f3: {  	[tilespmem:s14], [sflag:$0x2] =	stream.indirect_vreg.gather [hbm4b:s0+s4], $0x80, v3, vm0, $0xb8;
	[tilespmem:$0x1CC80] =	vst v63  }
0x4f4: {  	v3 =	vld [tilespmem:$0x6A0];
	_ =	sdelay $0x4  }
0x4f5: {  	v26 =	vshll.u32 v3, $0x1  }
0x4f6: {  	v3 =	vand.u32 $0x7, v3;
	v4 =	vand.u32 $0xFFFFFFF0, v26  }
0x4f7: {  	v3 =	vor.u32 v3, v4  }
0x4f8: {  	v4 =	vperm.xlane v3, v0;
	_ =	sdelay $0x1  }
0x4f9: {  	v3 =	vperm.xlane v3, v2;
	v4 =	vadd.s32 v1, v4;
	_ =	sdelay $0x1  }
0x4fa: {  	v3 =	vadd.s32 v1, v3;
	_ =	sdelay $0x1  }
0x4fb: {  	s16 =	simm.s32 $0xAC00  }
0x4fc: {  	[tilespmem:s16], [sflag:$0x2] =	stream.indirect_vreg.gather [hbm4b:s0+s4], $0x80, v4, vm0, $0xb8;
	[tilespmem:$0x1CC80] =	vst v63  }
0x4fd: {  	s14 =	simm.s32 $0xB400  }
0x4fe: {  	[tilespmem:s14], [sflag:$0x2] =	stream.indirect_vreg.gather [hbm4b:s0+s4], $0x80, v3, vm0, $0xb8;
	[tilespmem:$0x1CC80] =	vst v63  }
0x4ff: {  	v3 =	vld [tilespmem:$0x6B0];
	_ =	sdelay $0x4  }
0x500: {  	v27 =	vshll.u32 v3, $0x1  }
0x501: {  	v3 =	vand.u32 $0x7, v3;
	v4 =	vand.u32 $0xFFFFFFF0, v27  }
0x502: {  	v3 =	vor.u32 v3, v4  }
0x503: {  	v4 =	vperm.xlane v3, v0;
	_ =	sdelay $0x1  }
0x504: {  	v3 =	vperm.xlane v3, v2;
	v4 =	vadd.s32 v1, v4;
	_ =	sdelay $0x1  }
0x505: {  	v3 =	vadd.s32 v1, v3;
	_ =	sdelay $0x1  }
0x506: {  	s8 =	simm.s32 $0xBC00  }
0x507: {  	[tilespmem:s8], [sflag:$0x2] =	stream.indirect_vreg.gather [hbm4b:s0+s4], $0x80, v4, vm0, $0xb8;
	[tilespmem:$0x1CC80] =	vst v63  }
0x508: {  	s14 =	simm.s32 $0xC400  }
0x509: {  	[tilespmem:s14], [sflag:$0x2] =	stream.indirect_vreg.gather [hbm4b:s0+s4], $0x80, v3, vm0, $0xb8;
	[tilespmem:$0x1CC80] =	vst v63  }
0x50a: {  	v3 =	vld [tilespmem:$0x6C0];
	_ =	sdelay $0x4  }
0x50b: {  	v28 =	vshll.u32 v3, $0x1  }
0x50c: {  	v3 =	vand.u32 $0x7, v3;
	v4 =	vand.u32 $0xFFFFFFF0, v28  }
0x50d: {  	v3 =	vor.u32 v3, v4  }
0x50e: {  	v4 =	vperm.xlane v3, v0;
	_ =	sdelay $0x1  }
0x50f: {  	v3 =	vperm.xlane v3, v2;
	v4 =	vadd.s32 v1, v4;
	_ =	sdelay $0x1  }
0x510: {  	v3 =	vadd.s32 v1, v3;
	_ =	sdelay $0x1  }
0x511: {  	s17 =	simm.s32 $0xCC00  }
0x512: {  	[tilespmem:s17], [sflag:$0x2] =	stream.indirect_vreg.gather [hbm4b:s0+s4], $0x80, v4, vm0, $0xb8;
	[tilespmem:$0x1CC80] =	vst v63  }
0x513: {  	s14 =	simm.s32 $0xD400  }
0x514: {  	[tilespmem:s14], [sflag:$0x2] =	stream.indirect_vreg.gather [hbm4b:s0+s4], $0x80, v3, vm0, $0xb8;
	[tilespmem:$0x1CC80] =	vst v63  }
0x515: {  	v3 =	vld [tilespmem:$0x6D0];
	_ =	sdelay $0x4  }
0x516: {  	v29 =	vshll.u32 v3, $0x1  }
0x517: {  	v3 =	vand.u32 $0x7, v3;
	v4 =	vand.u32 $0xFFFFFFF0, v29  }
0x518: {  	v3 =	vor.u32 v3, v4  }
0x519: {  	v4 =	vperm.xlane v3, v0;
	_ =	sdelay $0x1  }
0x51a: {  	v3 =	vperm.xlane v3, v2;
	v4 =	vadd.s32 v1, v4;
	_ =	sdelay $0x1  }
0x51b: {  	v3 =	vadd.s32 v1, v3;
	_ =	sdelay $0x1  }
0x51c: {  	s18 =	simm.s32 $0xDC00  }
0x51d: {  	[tilespmem:s18], [sflag:$0x2] =	stream.indirect_vreg.gather [hbm4b:s0+s4], $0x80, v4, vm0, $0xb8;
	[tilespmem:$0x1CC80] =	vst v63  }
0x51e: {  	s14 =	simm.s32 $0xE400  }
0x51f: {  	[tilespmem:s14], [sflag:$0x2] =	stream.indirect_vreg.gather [hbm4b:s0+s4], $0x80, v3, vm0, $0xb8;
	[tilespmem:$0x1CC80] =	vst v63  }
0x520: {  	v3 =	vld [tilespmem:$0x6E0];
	_ =	sdelay $0x4  }
0x521: {  	v30 =	vshll.u32 v3, $0x1  }
0x522: {  	v3 =	vand.u32 $0x7, v3;
	v4 =	vand.u32 $0xFFFFFFF0, v30  }
0x523: {  	v3 =	vor.u32 v3, v4  }
0x524: {  	v4 =	vperm.xlane v3, v0;
	_ =	sdelay $0x1  }
0x525: {  	v3 =	vperm.xlane v3, v2;
	v4 =	vadd.s32 v1, v4;
	_ =	sdelay $0x1  }
0x526: {  	v3 =	vadd.s32 v1, v3;
	_ =	sdelay $0x1  }
0x527: {  	s20 =	simm.s32 $0xEC00  }
0x528: {  	[tilespmem:s20], [sflag:$0x2] =	stream.indirect_vreg.gather [hbm4b:s0+s4], $0x80, v4, vm0, $0xb8;
	[tilespmem:$0x1CC80] =	vst v63  }
0x529: {  	s14 =	simm.s32 $0xF400  }
0x52a: {  	[tilespmem:s14], [sflag:$0x2] =	stream.indirect_vreg.gather [hbm4b:s0+s4], $0x80, v3, vm0, $0xb8;
	[tilespmem:$0x1CC80] =	vst v63  }
0x52b: {  	v3 =	vld [tilespmem:$0x6F0];
	_ =	sdelay $0x4  }
0x52c: {  	v31 =	vshll.u32 v3, $0x1  }
0x52d: {  	v3 =	vand.u32 $0x7, v3;
	v4 =	vand.u32 $0xFFFFFFF0, v31  }
0x52e: {  	v3 =	vor.u32 v3, v4  }
0x52f: {  	v4 =	vperm.xlane v3, v0;
	_ =	sdelay $0x1  }
0x530: {  	v3 =	vperm.xlane v3, v2;
	v4 =	vadd.s32 v1, v4;
	_ =	sdelay $0x1  }
0x531: {  	v3 =	vadd.s32 v1, v3;
	_ =	sdelay $0x1  }
0x532: {  	s23 =	simm.s32 $0xFC00  }
0x533: {  	[tilespmem:s23], [sflag:$0x2] =	stream.indirect_vreg.gather [hbm4b:s0+s4], $0x80, v4, vm0, $0xb8;
	[tilespmem:$0x1CC80] =	vst v63  }
0x534: {  	s14 =	simm.s32 $0x10400  }
0x535: {  	[tilespmem:s14], [sflag:$0x2] =	stream.indirect_vreg.gather [hbm4b:s0+s4], $0x80, v3, vm0, $0xb8;
	[tilespmem:$0x1CC80] =	vst v63  }
0x536: {  	_ =	swait.ge [sflag:s12], $0x8000  }
0x537: {  	[sflag:s12] =	ssyncset.done $0x0  }
0x538: {  	s14 =	rddreg [dreg:$0x13];
	[sflag:s12] =	ssyncadd.s32 $0xFFFF8000  }
0x539: {  	[hbm4b:s14+s4] =	stream.linear.scatter [tilespmem:s21], [sflag:$0x6], $0x8000, $0x38;
	[tilespmem:$0x1CC80] =	vst v63  }
0x53a: {  	_ =	swait.ge [sflag:s13], $0x8000  }
0x53b: {  	[sflag:s13] =	ssyncset.done $0x0  }
0x53c: {  	[sflag:s13] =	ssyncadd.s32 $0xFFFF8000  }
0x53d: {  	v3 =	vld [tilespmem:$0x700];
	_ =	sdelay $0x4  }
0x53e: {  	v32 =	vshll.u32 v3, $0x1  }
0x53f: {  	v3 =	vand.u32 $0x7, v3;
	v4 =	vand.u32 $0xFFFFFFF0, v32  }
0x540: {  	v3 =	vor.u32 v3, v4  }
0x541: {  	v4 =	vperm.xlane v3, v0;
	_ =	sdelay $0x1  }
0x542: {  	v3 =	vperm.xlane v3, v2;
	v4 =	vadd.s32 v1, v4;
	_ =	sdelay $0x1  }
0x543: {  	v3 =	vadd.s32 v1, v3;
	_ =	sdelay $0x2  }
0x544: {  	[tilespmem:s21], [sflag:$0x3] =	stream.indirect_vreg.gather [hbm4b:s0+s4], $0x80, v4, vm0, $0xb8;
	[tilespmem:$0x1CC80] =	vst v63  }
0x545: {  	s14 =	simm.s32 $0x11400  }
0x546: {  	[tilespmem:s14], [sflag:$0x3] =	stream.indirect_vreg.gather [hbm4b:s0+s4], $0x80, v3, vm0, $0xb8;
	[tilespmem:$0x1CC80] =	vst v63  }
0x547: {  	v3 =	vld [tilespmem:$0x710];
	_ =	sdelay $0x4  }
0x548: {  	v33 =	vshll.u32 v3, $0x1  }
0x549: {  	v3 =	vand.u32 $0x7, v3;
	v4 =	vand.u32 $0xFFFFFFF0, v33  }
0x54a: {  	v3 =	vor.u32 v3, v4  }
0x54b: {  	v4 =	vperm.xlane v3, v0;
	_ =	sdelay $0x1  }
0x54c: {  	v3 =	vperm.xlane v3, v2;
	v4 =	vadd.s32 v1, v4;
	_ =	sdelay $0x1  }
0x54d: {  	v3 =	vadd.s32 v1, v3;
	_ =	sdelay $0x1  }
0x54e: {  	s14 =	simm.s32 $0x11C00  }
0x54f: {  	[tilespmem:s14], [sflag:$0x3] =	stream.indirect_vreg.gather [hbm4b:s0+s4], $0x80, v4, vm0, $0xb8;
	[tilespmem:$0x1CC80] =	vst v63  }
0x550: {  	s30 =	simm.s32 $0x12400  }
0x551: {  	[tilespmem:s30], [sflag:$0x3] =	stream.indirect_vreg.gather [hbm4b:s0+s4], $0x80, v3, vm0, $0xb8;
	[tilespmem:$0x1CC80] =	vst v63  }
0x552: {  	v3 =	vld [tilespmem:$0x720];
	_ =	sdelay $0x4  }
0x553: {  	v34 =	vshll.u32 v3, $0x1  }
0x554: {  	v3 =	vand.u32 $0x7, v3;
	v4 =	vand.u32 $0xFFFFFFF0, v34  }
0x555: {  	v3 =	vor.u32 v3, v4  }
0x556: {  	v4 =	vperm.xlane v3, v0;
	_ =	sdelay $0x1  }
0x557: {  	v3 =	vperm.xlane v3, v2;
	v4 =	vadd.s32 v1, v4;
	_ =	sdelay $0x1  }
0x558: {  	v3 =	vadd.s32 v1, v3;
	_ =	sdelay $0x1  }
0x559: {  	s14 =	simm.s32 $0x12C00  }
0x55a: {  	[tilespmem:s14], [sflag:$0x3] =	stream.indirect_vreg.gather [hbm4b:s0+s4], $0x80, v4, vm0, $0xb8;
	[tilespmem:$0x1CC80] =	vst v63  }
0x55b: {  	s14 =	simm.s32 $0x13400  }
0x55c: {  	[tilespmem:s14], [sflag:$0x3] =	stream.indirect_vreg.gather [hbm4b:s0+s4], $0x80, v3, vm0, $0xb8;
	[tilespmem:$0x1CC80] =	vst v63  }
0x55d: {  	v3 =	vld [tilespmem:$0x730];
	_ =	sdelay $0x4  }
0x55e: {  	v35 =	vshll.u32 v3, $0x1  }
0x55f: {  	v3 =	vand.u32 $0x7, v3;
	v4 =	vand.u32 $0xFFFFFFF0, v35  }
0x560: {  	v3 =	vor.u32 v3, v4  }
0x561: {  	v4 =	vperm.xlane v3, v0;
	_ =	sdelay $0x1  }
0x562: {  	v3 =	vperm.xlane v3, v2;
	v4 =	vadd.s32 v1, v4;
	_ =	sdelay $0x1  }
0x563: {  	v3 =	vadd.s32 v1, v3;
	_ =	sdelay $0x1  }
0x564: {  	s14 =	simm.s32 $0x13C00  }
0x565: {  	[tilespmem:s14], [sflag:$0x3] =	stream.indirect_vreg.gather [hbm4b:s0+s4], $0x80, v4, vm0, $0xb8;
	[tilespmem:$0x1CC80] =	vst v63  }
0x566: {  	s14 =	simm.s32 $0x14400  }
0x567: {  	[tilespmem:s14], [sflag:$0x3] =	stream.indirect_vreg.gather [hbm4b:s0+s4], $0x80, v3, vm0, $0xb8;
	[tilespmem:$0x1CC80] =	vst v63  }
0x568: {  	v3 =	vld [tilespmem:$0x740];
	_ =	sdelay $0x4  }
0x569: {  	v36 =	vshll.u32 v3, $0x1  }
0x56a: {  	v3 =	vand.u32 $0x7, v3;
	v4 =	vand.u32 $0xFFFFFFF0, v36  }
0x56b: {  	v3 =	vor.u32 v3, v4  }
0x56c: {  	v4 =	vperm.xlane v3, v0;
	_ =	sdelay $0x1  }
0x56d: {  	v3 =	vperm.xlane v3, v2;
	v4 =	vadd.s32 v1, v4;
	_ =	sdelay $0x1  }
0x56e: {  	v3 =	vadd.s32 v1, v3;
	_ =	sdelay $0x1  }
0x56f: {  	s14 =	simm.s32 $0x14C00  }
0x570: {  	[tilespmem:s14], [sflag:$0x3] =	stream.indirect_vreg.gather [hbm4b:s0+s4], $0x80, v4, vm0, $0xb8;
	[tilespmem:$0x1CC80] =	vst v63  }
0x571: {  	s14 =	simm.s32 $0x15400  }
0x572: {  	[tilespmem:s14], [sflag:$0x3] =	stream.indirect_vreg.gather [hbm4b:s0+s4], $0x80, v3, vm0, $0xb8;
	[tilespmem:$0x1CC80] =	vst v63  }
0x573: {  	v3 =	vld [tilespmem:$0x750];
	_ =	sdelay $0x4  }
0x574: {  	v37 =	vshll.u32 v3, $0x1  }
0x575: {  	v3 =	vand.u32 $0x7, v3;
	v4 =	vand.u32 $0xFFFFFFF0, v37  }
0x576: {  	v3 =	vor.u32 v3, v4  }
0x577: {  	v4 =	vperm.xlane v3, v0;
	_ =	sdelay $0x1  }
0x578: {  	v3 =	vperm.xlane v3, v2;
	v4 =	vadd.s32 v1, v4;
	_ =	sdelay $0x1  }
0x579: {  	v3 =	vadd.s32 v1, v3;
	_ =	sdelay $0x1  }
0x57a: {  	s29 =	simm.s32 $0x15C00  }
0x57b: {  	[tilespmem:s29], [sflag:$0x3] =	stream.indirect_vreg.gather [hbm4b:s0+s4], $0x80, v4, vm0, $0xb8;
	[tilespmem:$0x1CC80] =	vst v63  }
0x57c: {  	s24 =	simm.s32 $0x16400  }
0x57d: {  	[tilespmem:s24], [sflag:$0x3] =	stream.indirect_vreg.gather [hbm4b:s0+s4], $0x80, v3, vm0, $0xb8;
	[tilespmem:$0x1CC80] =	vst v63  }
0x57e: {  	v3 =	vld [tilespmem:$0x760];
	_ =	sdelay $0x4  }
0x57f: {  	v38 =	vshll.u32 v3, $0x1  }
0x580: {  	v3 =	vand.u32 $0x7, v3;
	v4 =	vand.u32 $0xFFFFFFF0, v38  }
0x581: {  	v3 =	vor.u32 v3, v4  }
0x582: {  	v4 =	vperm.xlane v3, v0;
	_ =	sdelay $0x1  }
0x583: {  	v3 =	vperm.xlane v3, v2;
	v4 =	vadd.s32 v1, v4;
	_ =	sdelay $0x1  }
0x584: {  	v3 =	vadd.s32 v1, v3;
	_ =	sdelay $0x1  }
0x585: {  	s26 =	simm.s32 $0x16C00  }
0x586: {  	[tilespmem:s26], [sflag:$0x3] =	stream.indirect_vreg.gather [hbm4b:s0+s4], $0x80, v4, vm0, $0xb8;
	[tilespmem:$0x1CC80] =	vst v63  }
0x587: {  	s14 =	simm.s32 $0x17400  }
0x588: {  	[tilespmem:s14], [sflag:$0x3] =	stream.indirect_vreg.gather [hbm4b:s0+s4], $0x80, v3, vm0, $0xb8;
	[tilespmem:$0x1CC80] =	vst v63  }
0x589: {  	v3 =	vld [tilespmem:$0x770];
	_ =	sdelay $0x4  }
0x58a: {  	v39 =	vshll.u32 v3, $0x1  }
0x58b: {  	v3 =	vand.u32 $0x7, v3;
	v4 =	vand.u32 $0xFFFFFFF0, v39  }
0x58c: {  	v3 =	vor.u32 v3, v4  }
0x58d: {  	v4 =	vperm.xlane v3, v0;
	_ =	sdelay $0x1  }
0x58e: {  	v3 =	vperm.xlane v3, v2;
	v4 =	vadd.s32 v1, v4;
	_ =	sdelay $0x1  }
0x58f: {  	v3 =	vadd.s32 v1, v3;
	_ =	sdelay $0x1  }
0x590: {  	s28 =	simm.s32 $0x17C00  }
0x591: {  	[tilespmem:s28], [sflag:$0x3] =	stream.indirect_vreg.gather [hbm4b:s0+s4], $0x80, v4, vm0, $0xb8;
	[tilespmem:$0x1CC80] =	vst v63  }
0x592: {  	s14 =	simm.s32 $0x18400  }
0x593: {  	[tilespmem:s14], [sflag:$0x3] =	stream.indirect_vreg.gather [hbm4b:s0+s4], $0x80, v3, vm0, $0xb8;
	[tilespmem:$0x1CC80] =	vst v63  }
0x594: {  	_ =	swait.ge [sflag:s6], $0x8000  }
0x595: {  	[sflag:s6] =	ssyncset.done $0x0  }
0x596: {  	s14 =	rddreg [dreg:$0x14];
	[sflag:s6] =	ssyncadd.s32 $0xFFFF8000  }
0x597: {  	[hbm4b:s14+s4] =	stream.linear.scatter [tilespmem:s25], [sflag:$0x4], $0x8000, $0x38;
	[tilespmem:$0x1CC80] =	vst v63  }
0x598: {  	_ =	swait.ge [sflag:s5], $0x8000  }
0x599: {  	[sflag:s5] =	ssyncset.done $0x0  }
0x59a: {  	[sflag:s5] =	ssyncadd.s32 $0xFFFF8000  }
0x59b: {  	v3 =	vld [tilespmem:$0x780];
	_ =	sdelay $0x4  }
0x59c: {  	v40 =	vshll.u32 v3, $0x1  }
0x59d: {  	v3 =	vand.u32 $0x7, v3;
	v4 =	vand.u32 $0xFFFFFFF0, v40  }
0x59e: {  	v3 =	vor.u32 v3, v4  }
0x59f: {  	v4 =	vperm.xlane v3, v0;
	_ =	sdelay $0x1  }
0x5a0: {  	v3 =	vperm.xlane v3, v2;
	v4 =	vadd.s32 v1, v4;
	_ =	sdelay $0x1  }
0x5a1: {  	v3 =	vadd.s32 v1, v3;
	_ =	sdelay $0x2  }
0x5a2: {  	[tilespmem:s25], [sflag:$0x1] =	stream.indirect_vreg.gather [hbm4b:s0+s4], $0x80, v4, vm0, $0xb8;
	[tilespmem:$0x1CC80] =	vst v63  }
0x5a3: {  	s14 =	simm.s32 $0x1400  }
0x5a4: {  	[tilespmem:s14], [sflag:$0x1] =	stream.indirect_vreg.gather [hbm4b:s0+s4], $0x80, v3, vm0, $0xb8;
	[tilespmem:$0x1CC80] =	vst v63  }
0x5a5: {  	v3 =	vld [tilespmem:$0x790];
	_ =	sdelay $0x4  }
0x5a6: {  	v41 =	vshll.u32 v3, $0x1  }
0x5a7: {  	v3 =	vand.u32 $0x7, v3;
	v4 =	vand.u32 $0xFFFFFFF0, v41  }
0x5a8: {  	v3 =	vor.u32 v3, v4  }
0x5a9: {  	v4 =	vperm.xlane v3, v0;
	_ =	sdelay $0x1  }
0x5aa: {  	v3 =	vperm.xlane v3, v2;
	v4 =	vadd.s32 v1, v4;
	_ =	sdelay $0x1  }
0x5ab: {  	v3 =	vadd.s32 v1, v3;
	_ =	sdelay $0x1  }
0x5ac: {  	s7 =	simm.s32 $0x1C00  }
0x5ad: {  	[tilespmem:s7], [sflag:$0x1] =	stream.indirect_vreg.gather [hbm4b:s0+s4], $0x80, v4, vm0, $0xb8;
	[tilespmem:$0x1CC80] =	vst v63  }
0x5ae: {  	s14 =	simm.s32 $0x2400  }
0x5af: {  	[tilespmem:s14], [sflag:$0x1] =	stream.indirect_vreg.gather [hbm4b:s0+s4], $0x80, v3, vm0, $0xb8;
	[tilespmem:$0x1CC80] =	vst v63  }
0x5b0: {  	v3 =	vld [tilespmem:$0x7A0];
	_ =	sdelay $0x4  }
0x5b1: {  	v42 =	vshll.u32 v3, $0x1  }
0x5b2: {  	v3 =	vand.u32 $0x7, v3;
	v4 =	vand.u32 $0xFFFFFFF0, v42  }
0x5b3: {  	v3 =	vor.u32 v3, v4  }
0x5b4: {  	v4 =	vperm.xlane v3, v0;
	_ =	sdelay $0x1  }
0x5b5: {  	v3 =	vperm.xlane v3, v2;
	v4 =	vadd.s32 v1, v4;
	_ =	sdelay $0x1  }
0x5b6: {  	v3 =	vadd.s32 v1, v3;
	_ =	sdelay $0x1  }
0x5b7: {  	s9 =	simm.s32 $0x2C00  }
0x5b8: {  	[tilespmem:s9], [sflag:$0x1] =	stream.indirect_vreg.gather [hbm4b:s0+s4], $0x80, v4, vm0, $0xb8;
	[tilespmem:$0x1CC80] =	vst v63  }
0x5b9: {  	s14 =	simm.s32 $0x3400  }
0x5ba: {  	[tilespmem:s14], [sflag:$0x1] =	stream.indirect_vreg.gather [hbm4b:s0+s4], $0x80, v3, vm0, $0xb8;
	[tilespmem:$0x1CC80] =	vst v63  }
0x5bb: {  	v3 =	vld [tilespmem:$0x7B0];
	_ =	sdelay $0x4  }
0x5bc: {  	v43 =	vshll.u32 v3, $0x1  }
0x5bd: {  	v3 =	vand.u32 $0x7, v3;
	v4 =	vand.u32 $0xFFFFFFF0, v43  }
0x5be: {  	v3 =	vor.u32 v3, v4  }
0x5bf: {  	v4 =	vperm.xlane v3, v0;
	_ =	sdelay $0x1  }
0x5c0: {  	v3 =	vperm.xlane v3, v2;
	v4 =	vadd.s32 v1, v4;
	_ =	sdelay $0x1  }
0x5c1: {  	v3 =	vadd.s32 v1, v3;
	_ =	sdelay $0x1  }
0x5c2: {  	s31 =	simm.s32 $0x3C00  }
0x5c3: {  	[tilespmem:s31], [sflag:$0x1] =	stream.indirect_vreg.gather [hbm4b:s0+s4], $0x80, v4, vm0, $0xb8;
	[tilespmem:$0x1CC80] =	vst v63  }
0x5c4: {  	s14 =	simm.s32 $0x4400  }
0x5c5: {  	[tilespmem:s14], [sflag:$0x1] =	stream.indirect_vreg.gather [hbm4b:s0+s4], $0x80, v3, vm0, $0xb8;
	[tilespmem:$0x1CC80] =	vst v63  }
0x5c6: {  	v3 =	vld [tilespmem:$0x7C0];
	_ =	sdelay $0x4  }
0x5c7: {  	v44 =	vshll.u32 v3, $0x1  }
0x5c8: {  	v3 =	vand.u32 $0x7, v3;
	v4 =	vand.u32 $0xFFFFFFF0, v44  }
0x5c9: {  	v3 =	vor.u32 v3, v4  }
0x5ca: {  	v4 =	vperm.xlane v3, v0;
	_ =	sdelay $0x1  }
0x5cb: {  	v3 =	vperm.xlane v3, v2;
	v4 =	vadd.s32 v1, v4;
	_ =	sdelay $0x1  }
0x5cc: {  	v3 =	vadd.s32 v1, v3;
	_ =	sdelay $0x1  }
0x5cd: {  	s1 =	simm.s32 $0x4C00  }
0x5ce: {  	[tilespmem:s1], [sflag:$0x1] =	stream.indirect_vreg.gather [hbm4b:s0+s4], $0x80, v4, vm0, $0xb8;
	[tilespmem:$0x1CC80] =	vst v63  }
0x5cf: {  	s14 =	simm.s32 $0x5400  }
0x5d0: {  	[tilespmem:s14], [sflag:$0x1] =	stream.indirect_vreg.gather [hbm4b:s0+s4], $0x80, v3, vm0, $0xb8;
	[tilespmem:$0x1CC80] =	vst v63  }
0x5d1: {  	v3 =	vld [tilespmem:$0x7D0];
	_ =	sdelay $0x4  }
0x5d2: {  	v45 =	vshll.u32 v3, $0x1  }
0x5d3: {  	v3 =	vand.u32 $0x7, v3;
	v4 =	vand.u32 $0xFFFFFFF0, v45  }
0x5d4: {  	v3 =	vor.u32 v3, v4  }
0x5d5: {  	v4 =	vperm.xlane v3, v0;
	_ =	sdelay $0x1  }
0x5d6: {  	v3 =	vperm.xlane v3, v2;
	v4 =	vadd.s32 v1, v4;
	_ =	sdelay $0x1  }
0x5d7: {  	v3 =	vadd.s32 v1, v3;
	_ =	sdelay $0x1  }
0x5d8: {  	s2 =	simm.s32 $0x5C00  }
0x5d9: {  	[tilespmem:s2], [sflag:$0x1] =	stream.indirect_vreg.gather [hbm4b:s0+s4], $0x80, v4, vm0, $0xb8;
	[tilespmem:$0x1CC80] =	vst v63  }
0x5da: {  	s14 =	simm.s32 $0x6400  }
0x5db: {  	[tilespmem:s14], [sflag:$0x1] =	stream.indirect_vreg.gather [hbm4b:s0+s4], $0x80, v3, vm0, $0xb8;
	[tilespmem:$0x1CC80] =	vst v63  }
0x5dc: {  	v3 =	vld [tilespmem:$0x7E0];
	_ =	sdelay $0x4  }
0x5dd: {  	v46 =	vshll.u32 v3, $0x1  }
0x5de: {  	v3 =	vand.u32 $0x7, v3;
	v4 =	vand.u32 $0xFFFFFFF0, v46  }
0x5df: {  	v3 =	vor.u32 v3, v4  }
0x5e0: {  	v4 =	vperm.xlane v3, v0;
	_ =	sdelay $0x1  }
0x5e1: {  	v3 =	vperm.xlane v3, v2;
	v4 =	vadd.s32 v1, v4;
	_ =	sdelay $0x1  }
0x5e2: {  	v3 =	vadd.s32 v1, v3;
	_ =	sdelay $0x1  }
0x5e3: {  	s15 =	simm.s32 $0x6C00  }
0x5e4: {  	[tilespmem:s15], [sflag:$0x1] =	stream.indirect_vreg.gather [hbm4b:s0+s4], $0x80, v4, vm0, $0xb8;
	[tilespmem:$0x1CC80] =	vst v63  }
0x5e5: {  	s14 =	simm.s32 $0x7400  }
0x5e6: {  	[tilespmem:s14], [sflag:$0x1] =	stream.indirect_vreg.gather [hbm4b:s0+s4], $0x80, v3, vm0, $0xb8;
	[tilespmem:$0x1CC80] =	vst v63  }
0x5e7: {  	v3 =	vld [tilespmem:$0x7F0];
	_ =	sdelay $0x4  }
0x5e8: {  	v47 =	vshll.u32 v3, $0x1  }
0x5e9: {  	v3 =	vand.u32 $0x7, v3;
	v4 =	vand.u32 $0xFFFFFFF0, v47  }
0x5ea: {  	v3 =	vor.u32 v3, v4  }
0x5eb: {  	v4 =	vperm.xlane v3, v0;
	_ =	sdelay $0x1  }
0x5ec: {  	v3 =	vperm.xlane v3, v2;
	v4 =	vadd.s32 v1, v4;
	_ =	sdelay $0x1  }
0x5ed: {  	v3 =	vadd.s32 v1, v3;
	_ =	sdelay $0x1  }
0x5ee: {  	s19 =	simm.s32 $0x7C00  }
0x5ef: {  	[tilespmem:s19], [sflag:$0x1] =	stream.indirect_vreg.gather [hbm4b:s0+s4], $0x80, v4, vm0, $0xb8;
	[tilespmem:$0x1CC80] =	vst v63  }
0x5f0: {  	s19 =	simm.s32 $0x8400  }
0x5f1: {  	[tilespmem:s19], [sflag:$0x1] =	stream.indirect_vreg.gather [hbm4b:s0+s4], $0x80, v3, vm0, $0xb8;
	[tilespmem:$0x1CC80] =	vst v63  }
0x5f2: {  	_ =	swait.ge [sflag:s10], $0x8000  }
0x5f3: {  	[sflag:s10] =	ssyncset.done $0x0  }
0x5f4: {  	s1 =	rddreg [dreg:$0x15];
	[sflag:s10] =	ssyncadd.s32 $0xFFFF8000  }
0x5f5: {  	[hbm4b:s1+s4] =	stream.linear.scatter [tilespmem:s22], [sflag:$0x5], $0x8000, $0x38;
	[tilespmem:$0x1CC80] =	vst v63  }
0x5f6: {  	_ =	swait.ge [sflag:s11], $0x8000  }
0x5f7: {  	[sflag:s11] =	ssyncset.done $0x0  }
0x5f8: {  	[sflag:s11] =	ssyncadd.s32 $0xFFFF8000  }
0x5f9: {  	v3 =	vld [tilespmem:$0x800];
	_ =	sdelay $0x4  }
0x5fa: {  	v48 =	vshll.u32 v3, $0x1  }
0x5fb: {  	v3 =	vand.u32 $0x7, v3;
	v4 =	vand.u32 $0xFFFFFFF0, v48  }
0x5fc: {  	v3 =	vor.u32 v3, v4  }
0x5fd: {  	v4 =	vperm.xlane v3, v0;
	_ =	sdelay $0x1  }
0x5fe: {  	v3 =	vperm.xlane v3, v2;
	v4 =	vadd.s32 v1, v4;
	_ =	sdelay $0x1  }
0x5ff: {  	v3 =	vadd.s32 v1, v3;
	_ =	sdelay $0x2  }
0x600: {  	[tilespmem:s22], [sflag:$0x2] =	stream.indirect_vreg.gather [hbm4b:s0+s4], $0x80, v4, vm0, $0xb8;
	[tilespmem:$0x1CC80] =	vst v63  }
0x601: {  	s14 =	simm.s32 $0x9400  }
0x602: {  	[tilespmem:s14], [sflag:$0x2] =	stream.indirect_vreg.gather [hbm4b:s0+s4], $0x80, v3, vm0, $0xb8;
	[tilespmem:$0x1CC80] =	vst v63  }
0x603: {  	v3 =	vld [tilespmem:$0x810];
	_ =	sdelay $0x4  }
0x604: {  	v49 =	vshll.u32 v3, $0x1  }
0x605: {  	v3 =	vand.u32 $0x7, v3;
	v4 =	vand.u32 $0xFFFFFFF0, v49  }
0x606: {  	v3 =	vor.u32 v3, v4  }
0x607: {  	v4 =	vperm.xlane v3, v0;
	_ =	sdelay $0x1  }
0x608: {  	v3 =	vperm.xlane v3, v2;
	v4 =	vadd.s32 v1, v4;
	_ =	sdelay $0x1  }
0x609: {  	v3 =	vadd.s32 v1, v3;
	_ =	sdelay $0x1  }
0x60a: {  	s3 =	simm.s32 $0x9C00  }
0x60b: {  	[tilespmem:s3], [sflag:$0x2] =	stream.indirect_vreg.gather [hbm4b:s0+s4], $0x80, v4, vm0, $0xb8;
	[tilespmem:$0x1CC80] =	vst v63  }
0x60c: {  	s19 =	simm.s32 $0xA400  }
0x60d: {  	[tilespmem:s19], [sflag:$0x2] =	stream.indirect_vreg.gather [hbm4b:s0+s4], $0x80, v3, vm0, $0xb8;
	[tilespmem:$0x1CC80] =	vst v63  }
0x60e: {  	v3 =	vld [tilespmem:$0x820];
	_ =	sdelay $0x4  }
0x60f: {  	v50 =	vshll.u32 v3, $0x1  }
0x610: {  	v3 =	vand.u32 $0x7, v3;
	v4 =	vand.u32 $0xFFFFFFF0, v50  }
0x611: {  	v3 =	vor.u32 v3, v4  }
0x612: {  	v4 =	vperm.xlane v3, v0;
	_ =	sdelay $0x1  }
0x613: {  	v3 =	vperm.xlane v3, v2;
	v4 =	vadd.s32 v1, v4;
	_ =	sdelay $0x1  }
0x614: {  	v3 =	vadd.s32 v1, v3;
	_ =	sdelay $0x1  }
0x615: {  	s16 =	simm.s32 $0xAC00  }
0x616: {  	[tilespmem:s16], [sflag:$0x2] =	stream.indirect_vreg.gather [hbm4b:s0+s4], $0x80, v4, vm0, $0xb8;
	[tilespmem:$0x1CC80] =	vst v63  }
0x617: {  	s14 =	simm.s32 $0xB400  }
0x618: {  	[tilespmem:s14], [sflag:$0x2] =	stream.indirect_vreg.gather [hbm4b:s0+s4], $0x80, v3, vm0, $0xb8;
	[tilespmem:$0x1CC80] =	vst v63  }
0x619: {  	v3 =	vld [tilespmem:$0x830];
	_ =	sdelay $0x4  }
0x61a: {  	v51 =	vshll.u32 v3, $0x1  }
0x61b: {  	v3 =	vand.u32 $0x7, v3;
	v4 =	vand.u32 $0xFFFFFFF0, v51  }
0x61c: {  	v3 =	vor.u32 v3, v4  }
0x61d: {  	v4 =	vperm.xlane v3, v0;
	_ =	sdelay $0x1  }
0x61e: {  	v3 =	vperm.xlane v3, v2;
	v4 =	vadd.s32 v1, v4;
	_ =	sdelay $0x1  }
0x61f: {  	v3 =	vadd.s32 v1, v3;
	_ =	sdelay $0x1  }
0x620: {  	s8 =	simm.s32 $0xBC00  }
0x621: {  	[tilespmem:s8], [sflag:$0x2] =	stream.indirect_vreg.gather [hbm4b:s0+s4], $0x80, v4, vm0, $0xb8;
	[tilespmem:$0x1CC80] =	vst v63  }
0x622: {  	s19 =	simm.s32 $0xC400  }
0x623: {  	[tilespmem:s19], [sflag:$0x2] =	stream.indirect_vreg.gather [hbm4b:s0+s4], $0x80, v3, vm0, $0xb8;
	[tilespmem:$0x1CC80] =	vst v63  }
0x624: {  	v3 =	vld [tilespmem:$0x840];
	_ =	sdelay $0x4  }
0x625: {  	v52 =	vshll.u32 v3, $0x1  }
0x626: {  	v3 =	vand.u32 $0x7, v3;
	v4 =	vand.u32 $0xFFFFFFF0, v52  }
0x627: {  	v3 =	vor.u32 v3, v4  }
0x628: {  	v4 =	vperm.xlane v3, v0;
	_ =	sdelay $0x1  }
0x629: {  	v3 =	vperm.xlane v3, v2;
	v4 =	vadd.s32 v1, v4;
	_ =	sdelay $0x1  }
0x62a: {  	v3 =	vadd.s32 v1, v3;
	_ =	sdelay $0x1  }
0x62b: {  	s17 =	simm.s32 $0xCC00  }
0x62c: {  	[tilespmem:s17], [sflag:$0x2] =	stream.indirect_vreg.gather [hbm4b:s0+s4], $0x80, v4, vm0, $0xb8;
	[tilespmem:$0x1CC80] =	vst v63  }
0x62d: {  	s14 =	simm.s32 $0xD400  }
0x62e: {  	[tilespmem:s14], [sflag:$0x2] =	stream.indirect_vreg.gather [hbm4b:s0+s4], $0x80, v3, vm0, $0xb8;
	[tilespmem:$0x1CC80] =	vst v63  }
0x62f: {  	v3 =	vld [tilespmem:$0x850];
	_ =	sdelay $0x4  }
0x630: {  	v53 =	vshll.u32 v3, $0x1  }
0x631: {  	v3 =	vand.u32 $0x7, v3;
	v4 =	vand.u32 $0xFFFFFFF0, v53  }
0x632: {  	v3 =	vor.u32 v3, v4  }
0x633: {  	v4 =	vperm.xlane v3, v0;
	_ =	sdelay $0x1  }
0x634: {  	v3 =	vperm.xlane v3, v2;
	v4 =	vadd.s32 v1, v4;
	_ =	sdelay $0x1  }
0x635: {  	v3 =	vadd.s32 v1, v3;
	_ =	sdelay $0x1  }
0x636: {  	s18 =	simm.s32 $0xDC00  }
0x637: {  	[tilespmem:s18], [sflag:$0x2] =	stream.indirect_vreg.gather [hbm4b:s0+s4], $0x80, v4, vm0, $0xb8;
	[tilespmem:$0x1CC80] =	vst v63  }
0x638: {  	s19 =	simm.s32 $0xE400  }
0x639: {  	[tilespmem:s19], [sflag:$0x2] =	stream.indirect_vreg.gather [hbm4b:s0+s4], $0x80, v3, vm0, $0xb8;
	[tilespmem:$0x1CC80] =	vst v63  }
0x63a: {  	v3 =	vld [tilespmem:$0x860];
	_ =	sdelay $0x4  }
0x63b: {  	v54 =	vshll.u32 v3, $0x1  }
0x63c: {  	v3 =	vand.u32 $0x7, v3;
	v4 =	vand.u32 $0xFFFFFFF0, v54  }
0x63d: {  	v3 =	vor.u32 v3, v4  }
0x63e: {  	v4 =	vperm.xlane v3, v0;
	_ =	sdelay $0x1  }
0x63f: {  	v3 =	vperm.xlane v3, v2;
	v4 =	vadd.s32 v1, v4;
	_ =	sdelay $0x1  }
0x640: {  	v3 =	vadd.s32 v1, v3;
	_ =	sdelay $0x1  }
0x641: {  	s20 =	simm.s32 $0xEC00  }
0x642: {  	[tilespmem:s20], [sflag:$0x2] =	stream.indirect_vreg.gather [hbm4b:s0+s4], $0x80, v4, vm0, $0xb8;
	[tilespmem:$0x1CC80] =	vst v63  }
0x643: {  	s14 =	simm.s32 $0xF400  }
0x644: {  	[tilespmem:s14], [sflag:$0x2] =	stream.indirect_vreg.gather [hbm4b:s0+s4], $0x80, v3, vm0, $0xb8;
	[tilespmem:$0x1CC80] =	vst v63  }
0x645: {  	v3 =	vld [tilespmem:$0x870];
	_ =	sdelay $0x4  }
0x646: {  	v55 =	vshll.u32 v3, $0x1  }
0x647: {  	v3 =	vand.u32 $0x7, v3;
	v4 =	vand.u32 $0xFFFFFFF0, v55  }
0x648: {  	v3 =	vor.u32 v3, v4  }
0x649: {  	v4 =	vperm.xlane v3, v0;
	_ =	sdelay $0x1  }
0x64a: {  	v3 =	vperm.xlane v3, v2;
	v4 =	vadd.s32 v1, v4;
	_ =	sdelay $0x1  }
0x64b: {  	v3 =	vadd.s32 v1, v3;
	_ =	sdelay $0x1  }
0x64c: {  	s23 =	simm.s32 $0xFC00  }
0x64d: {  	[tilespmem:s23], [sflag:$0x2] =	stream.indirect_vreg.gather [hbm4b:s0+s4], $0x80, v4, vm0, $0xb8;
	[tilespmem:$0x1CC80] =	vst v63  }
0x64e: {  	s20 =	simm.s32 $0x10400  }
0x64f: {  	[tilespmem:s20], [sflag:$0x2] =	stream.indirect_vreg.gather [hbm4b:s0+s4], $0x80, v3, vm0, $0xb8;
	[tilespmem:$0x1CC80] =	vst v63  }
0x650: {  	_ =	swait.ge [sflag:s12], $0x8000  }
0x651: {  	[sflag:s12] =	ssyncset.done $0x0  }
0x652: {  	s1 =	rddreg [dreg:$0x16];
	[sflag:s12] =	ssyncadd.s32 $0xFFFF8000  }
0x653: {  	[hbm4b:s1+s4] =	stream.linear.scatter [tilespmem:s21], [sflag:$0x6], $0x8000, $0x38;
	[tilespmem:$0x1CC80] =	vst v63  }
0x654: {  	_ =	swait.ge [sflag:s13], $0x8000  }
0x655: {  	[sflag:s13] =	ssyncset.done $0x0  }
0x656: {  	[sflag:s13] =	ssyncadd.s32 $0xFFFF8000  }
0x657: {  	v3 =	vld [tilespmem:$0x880];
	_ =	sdelay $0x4  }
0x658: {  	v56 =	vshll.u32 v3, $0x1  }
0x659: {  	v3 =	vand.u32 $0x7, v3;
	v4 =	vand.u32 $0xFFFFFFF0, v56  }
0x65a: {  	v3 =	vor.u32 v3, v4  }
0x65b: {  	v4 =	vperm.xlane v3, v0;
	_ =	sdelay $0x1  }
0x65c: {  	v3 =	vperm.xlane v3, v2;
	v4 =	vadd.s32 v1, v4;
	_ =	sdelay $0x1  }
0x65d: {  	v3 =	vadd.s32 v1, v3;
	_ =	sdelay $0x2  }
0x65e: {  	[tilespmem:s21], [sflag:$0x3] =	stream.indirect_vreg.gather [hbm4b:s0+s4], $0x80, v4, vm0, $0xb8;
	[tilespmem:$0x1CC80] =	vst v63  }
0x65f: {  	s14 =	simm.s32 $0x11400  }
0x660: {  	[tilespmem:s14], [sflag:$0x3] =	stream.indirect_vreg.gather [hbm4b:s0+s4], $0x80, v3, vm0, $0xb8;
	[tilespmem:$0x1CC80] =	vst v63  }
0x661: {  	v3 =	vld [tilespmem:$0x890];
	_ =	sdelay $0x4  }
0x662: {  	v57 =	vshll.u32 v3, $0x1  }
0x663: {  	v3 =	vand.u32 $0x7, v3;
	v4 =	vand.u32 $0xFFFFFFF0, v57  }
0x664: {  	v3 =	vor.u32 v3, v4  }
0x665: {  	v4 =	vperm.xlane v3, v0;
	_ =	sdelay $0x1  }
0x666: {  	v3 =	vperm.xlane v3, v2;
	v4 =	vadd.s32 v1, v4;
	_ =	sdelay $0x1  }
0x667: {  	v3 =	vadd.s32 v1, v3;
	_ =	sdelay $0x1  }
0x668: {  	s20 =	simm.s32 $0x11C00  }
0x669: {  	[tilespmem:s20], [sflag:$0x3] =	stream.indirect_vreg.gather [hbm4b:s0+s4], $0x80, v4, vm0, $0xb8;
	[tilespmem:$0x1CC80] =	vst v63  }
0x66a: {  	s30 =	simm.s32 $0x12400  }
0x66b: {  	[tilespmem:s30], [sflag:$0x3] =	stream.indirect_vreg.gather [hbm4b:s0+s4], $0x80, v3, vm0, $0xb8;
	[tilespmem:$0x1CC80] =	vst v63  }
0x66c: {  	v3 =	vld [tilespmem:$0x8A0];
	_ =	sdelay $0x4  }
0x66d: {  	v58 =	vshll.u32 v3, $0x1  }
0x66e: {  	v3 =	vand.u32 $0x7, v3;
	v4 =	vand.u32 $0xFFFFFFF0, v58  }
0x66f: {  	v3 =	vor.u32 v3, v4  }
0x670: {  	v4 =	vperm.xlane v3, v0;
	_ =	sdelay $0x1  }
0x671: {  	v3 =	vperm.xlane v3, v2;
	v4 =	vadd.s32 v1, v4;
	_ =	sdelay $0x1  }
0x672: {  	v3 =	vadd.s32 v1, v3;
	_ =	sdelay $0x1  }
0x673: {  	s14 =	simm.s32 $0x12C00  }
0x674: {  	[tilespmem:s14], [sflag:$0x3] =	stream.indirect_vreg.gather [hbm4b:s0+s4], $0x80, v4, vm0, $0xb8;
	[tilespmem:$0x1CC80] =	vst v63  }
0x675: {  	s20 =	simm.s32 $0x13400  }
0x676: {  	[tilespmem:s20], [sflag:$0x3] =	stream.indirect_vreg.gather [hbm4b:s0+s4], $0x80, v3, vm0, $0xb8;
	[tilespmem:$0x1CC80] =	vst v63  }
0x677: {  	v3 =	vld [tilespmem:$0x8B0];
	_ =	sdelay $0x4  }
0x678: {  	v59 =	vshll.u32 v3, $0x1  }
0x679: {  	v3 =	vand.u32 $0x7, v3;
	v4 =	vand.u32 $0xFFFFFFF0, v59  }
0x67a: {  	v3 =	vor.u32 v3, v4  }
0x67b: {  	v4 =	vperm.xlane v3, v0;
	_ =	sdelay $0x1  }
0x67c: {  	v3 =	vperm.xlane v3, v2;
	v4 =	vadd.s32 v1, v4;
	_ =	sdelay $0x1  }
0x67d: {  	v3 =	vadd.s32 v1, v3;
	_ =	sdelay $0x1  }
0x67e: {  	s14 =	simm.s32 $0x13C00  }
0x67f: {  	[tilespmem:s14], [sflag:$0x3] =	stream.indirect_vreg.gather [hbm4b:s0+s4], $0x80, v4, vm0, $0xb8;
	[tilespmem:$0x1CC80] =	vst v63  }
0x680: {  	s20 =	simm.s32 $0x14400  }
0x681: {  	[tilespmem:s20], [sflag:$0x3] =	stream.indirect_vreg.gather [hbm4b:s0+s4], $0x80, v3, vm0, $0xb8;
	[tilespmem:$0x1CC80] =	vst v63  }
0x682: {  	v3 =	vld [tilespmem:$0x8C0];
	_ =	sdelay $0x4  }
0x683: {  	v60 =	vshll.u32 v3, $0x1  }
0x684: {  	v3 =	vand.u32 $0x7, v3;
	v4 =	vand.u32 $0xFFFFFFF0, v60  }
0x685: {  	v3 =	vor.u32 v3, v4  }
0x686: {  	v4 =	vperm.xlane v3, v0;
	_ =	sdelay $0x1  }
0x687: {  	v3 =	vperm.xlane v3, v2;
	v4 =	vadd.s32 v1, v4;
	_ =	sdelay $0x1  }
0x688: {  	v3 =	vadd.s32 v1, v3;
	_ =	sdelay $0x1  }
0x689: {  	s14 =	simm.s32 $0x14C00  }
0x68a: {  	[tilespmem:s14], [sflag:$0x3] =	stream.indirect_vreg.gather [hbm4b:s0+s4], $0x80, v4, vm0, $0xb8;
	[tilespmem:$0x1CC80] =	vst v63  }
0x68b: {  	s20 =	simm.s32 $0x15400  }
0x68c: {  	[tilespmem:s20], [sflag:$0x3] =	stream.indirect_vreg.gather [hbm4b:s0+s4], $0x80, v3, vm0, $0xb8;
	[tilespmem:$0x1CC80] =	vst v63  }
0x68d: {  	v3 =	vld [tilespmem:$0x8D0];
	_ =	sdelay $0x4  }
0x68e: {  	v61 =	vshll.u32 v3, $0x1  }
0x68f: {  	v3 =	vand.u32 $0x7, v3;
	v4 =	vand.u32 $0xFFFFFFF0, v61  }
0x690: {  	v3 =	vor.u32 v3, v4  }
0x691: {  	v4 =	vperm.xlane v3, v0;
	_ =	sdelay $0x1  }
0x692: {  	v3 =	vperm.xlane v3, v2;
	v4 =	vadd.s32 v1, v4;
	_ =	sdelay $0x1  }
0x693: {  	v3 =	vadd.s32 v1, v3;
	_ =	sdelay $0x1  }
0x694: {  	s29 =	simm.s32 $0x15C00  }
0x695: {  	[tilespmem:s29], [sflag:$0x3] =	stream.indirect_vreg.gather [hbm4b:s0+s4], $0x80, v4, vm0, $0xb8;
	[tilespmem:$0x1CC80] =	vst v63  }
0x696: {  	s24 =	simm.s32 $0x16400  }
0x697: {  	[tilespmem:s24], [sflag:$0x3] =	stream.indirect_vreg.gather [hbm4b:s0+s4], $0x80, v3, vm0, $0xb8;
	[tilespmem:$0x1CC80] =	vst v63  }
0x698: {  	v3 =	vld [tilespmem:$0x8E0];
	_ =	sdelay $0x4  }
0x699: {  	v62 =	vshll.u32 v3, $0x1  }
0x69a: {  	v3 =	vand.u32 $0x7, v3;
	v4 =	vand.u32 $0xFFFFFFF0, v62  }
0x69b: {  	v3 =	vor.u32 v3, v4  }
0x69c: {  	v4 =	vperm.xlane v3, v0;
	_ =	sdelay $0x1  }
0x69d: {  	v3 =	vperm.xlane v3, v2;
	v4 =	vadd.s32 v1, v4;
	_ =	sdelay $0x1  }
0x69e: {  	v3 =	vadd.s32 v1, v3;
	_ =	sdelay $0x1  }
0x69f: {  	s26 =	simm.s32 $0x16C00  }
0x6a0: {  	[tilespmem:s26], [sflag:$0x3] =	stream.indirect_vreg.gather [hbm4b:s0+s4], $0x80, v4, vm0, $0xb8;
	[tilespmem:$0x1CC80] =	vst v63  }
0x6a1: {  	s24 =	simm.s32 $0x17400  }
0x6a2: {  	[tilespmem:s24], [sflag:$0x3] =	stream.indirect_vreg.gather [hbm4b:s0+s4], $0x80, v3, vm0, $0xb8;
	[tilespmem:$0x1CC80] =	vst v63  }
0x6a3: {  	v3 =	vld [tilespmem:$0x8F0];
	_ =	sdelay $0x4  }
0x6a4: {  	v63 =	vshll.u32 v3, $0x1  }
0x6a5: {  	v3 =	vand.u32 $0x7, v3;
	v4 =	vand.u32 $0xFFFFFFF0, v63  }
0x6a6: {  	v3 =	vor.u32 v3, v4  }
0x6a7: {  	v4 =	vperm.xlane v3, v0;
	_ =	sdelay $0x1  }
0x6a8: {  	v3 =	vperm.xlane v3, v2;
	v4 =	vadd.s32 v1, v4;
	_ =	sdelay $0x1  }
0x6a9: {  	v3 =	vadd.s32 v1, v3;
	_ =	sdelay $0x1  }
0x6aa: {  	s28 =	simm.s32 $0x17C00  }
0x6ab: {  	[tilespmem:s28], [sflag:$0x3] =	stream.indirect_vreg.gather [hbm4b:s0+s4], $0x80, v4, vm0, $0xb8;
	[tilespmem:$0x1CC80] =	vst v63  }
0x6ac: {  	s26 =	simm.s32 $0x18400  }
0x6ad: {  	[tilespmem:s26], [sflag:$0x3] =	stream.indirect_vreg.gather [hbm4b:s0+s4], $0x80, v3, vm0, $0xb8;
	[tilespmem:$0x1CC80] =	vst v63  }
0x6ae: {  	_ =	swait.ge [sflag:s6], $0x8000  }
0x6af: {  	[sflag:s6] =	ssyncset.done $0x0  }
0x6b0: {  	s28 =	rddreg [dreg:$0x17];
	[sflag:s6] =	ssyncadd.s32 $0xFFFF8000  }
0x6b1: {  	[hbm4b:s28+s4] =	stream.linear.scatter [tilespmem:s25], [sflag:$0x4], $0x8000, $0x38;
	[tilespmem:$0x1CC80] =	vst v63  }
0x6b2: {  	_ =	swait.ge [sflag:s5], $0x8000  }
0x6b3: {  	[sflag:s5] =	ssyncset.done $0x0  }
0x6b4: {  	[sflag:s5] =	ssyncadd.s32 $0xFFFF8000  }
0x6b5: {  	v3 =	vld [tilespmem:$0x900];
	_ =	sdelay $0x4  }
0x6b6: {  	v8 =	vshll.u32 v3, $0x1  }
0x6b7: {  	v3 =	vand.u32 $0x7, v3;
	v4 =	vand.u32 $0xFFFFFFF0, v8  }
0x6b8: {  	v3 =	vor.u32 v3, v4  }
0x6b9: {  	v4 =	vperm.xlane v3, v0;
	_ =	sdelay $0x1  }
0x6ba: {  	v3 =	vperm.xlane v3, v2;
	v4 =	vadd.s32 v1, v4;
	_ =	sdelay $0x1  }
0x6bb: {  	v3 =	vadd.s32 v1, v3;
	_ =	sdelay $0x2  }
0x6bc: {  	[tilespmem:s25], [sflag:$0x1] =	stream.indirect_vreg.gather [hbm4b:s0+s4], $0x80, v4, vm0, $0xb8;
	[tilespmem:$0x1CC80] =	vst v63  }
0x6bd: {  	s29 =	simm.s32 $0x1400  }
0x6be: {  	[tilespmem:s29], [sflag:$0x1] =	stream.indirect_vreg.gather [hbm4b:s0+s4], $0x80, v3, vm0, $0xb8;
	[tilespmem:$0x1CC80] =	vst v63  }
0x6bf: {  	v3 =	vld [tilespmem:$0x910];
	_ =	sdelay $0x4  }
0x6c0: {  	v9 =	vshll.u32 v3, $0x1  }
0x6c1: {  	v3 =	vand.u32 $0x7, v3;
	v4 =	vand.u32 $0xFFFFFFF0, v9  }
0x6c2: {  	v3 =	vor.u32 v3, v4  }
0x6c3: {  	v4 =	vperm.xlane v3, v0;
	_ =	sdelay $0x1  }
0x6c4: {  	v3 =	vperm.xlane v3, v2;
	v4 =	vadd.s32 v1, v4;
	_ =	sdelay $0x1  }
0x6c5: {  	v3 =	vadd.s32 v1, v3;
	_ =	sdelay $0x1  }
0x6c6: {  	s7 =	simm.s32 $0x1C00  }
0x6c7: {  	[tilespmem:s7], [sflag:$0x1] =	stream.indirect_vreg.gather [hbm4b:s0+s4], $0x80, v4, vm0, $0xb8;
	[tilespmem:$0x1CC80] =	vst v63  }
0x6c8: {  	s14 =	simm.s32 $0x2400  }
0x6c9: {  	[tilespmem:s14], [sflag:$0x1] =	stream.indirect_vreg.gather [hbm4b:s0+s4], $0x80, v3, vm0, $0xb8;
	[tilespmem:$0x1CC80] =	vst v63  }
0x6ca: {  	v3 =	vld [tilespmem:$0x920];
	_ =	sdelay $0x4  }
0x6cb: {  	v10 =	vshll.u32 v3, $0x1  }
0x6cc: {  	v3 =	vand.u32 $0x7, v3;
	v4 =	vand.u32 $0xFFFFFFF0, v10  }
0x6cd: {  	v3 =	vor.u32 v3, v4  }
0x6ce: {  	v4 =	vperm.xlane v3, v0;
	_ =	sdelay $0x1  }
0x6cf: {  	v3 =	vperm.xlane v3, v2;
	v4 =	vadd.s32 v1, v4;
	_ =	sdelay $0x1  }
0x6d0: {  	v3 =	vadd.s32 v1, v3;
	_ =	sdelay $0x1  }
0x6d1: {  	s9 =	simm.s32 $0x2C00  }
0x6d2: {  	[tilespmem:s9], [sflag:$0x1] =	stream.indirect_vreg.gather [hbm4b:s0+s4], $0x80, v4, vm0, $0xb8;
	[tilespmem:$0x1CC80] =	vst v63  }
0x6d3: {  	s20 =	simm.s32 $0x3400  }
0x6d4: {  	[tilespmem:s20], [sflag:$0x1] =	stream.indirect_vreg.gather [hbm4b:s0+s4], $0x80, v3, vm0, $0xb8;
	[tilespmem:$0x1CC80] =	vst v63  }
0x6d5: {  	v3 =	vld [tilespmem:$0x930];
	_ =	sdelay $0x4  }
0x6d6: {  	v11 =	vshll.u32 v3, $0x1  }
0x6d7: {  	v3 =	vand.u32 $0x7, v3;
	v4 =	vand.u32 $0xFFFFFFF0, v11  }
0x6d8: {  	v3 =	vor.u32 v3, v4  }
0x6d9: {  	v4 =	vperm.xlane v3, v0;
	_ =	sdelay $0x1  }
0x6da: {  	v3 =	vperm.xlane v3, v2;
	v4 =	vadd.s32 v1, v4;
	_ =	sdelay $0x1  }
0x6db: {  	v3 =	vadd.s32 v1, v3;
	_ =	sdelay $0x1  }
0x6dc: {  	s31 =	simm.s32 $0x3C00  }
0x6dd: {  	[tilespmem:s31], [sflag:$0x1] =	stream.indirect_vreg.gather [hbm4b:s0+s4], $0x80, v4, vm0, $0xb8;
	[tilespmem:$0x1CC80] =	vst v63  }
0x6de: {  	s24 =	simm.s32 $0x4400  }
0x6df: {  	[tilespmem:s24], [sflag:$0x1] =	stream.indirect_vreg.gather [hbm4b:s0+s4], $0x80, v3, vm0, $0xb8;
	[tilespmem:$0x1CC80] =	vst v63  }
0x6e0: {  	v3 =	vld [tilespmem:$0x940];
	_ =	sdelay $0x4  }
0x6e1: {  	v12 =	vshll.u32 v3, $0x1  }
0x6e2: {  	v3 =	vand.u32 $0x7, v3;
	v4 =	vand.u32 $0xFFFFFFF0, v12  }
0x6e3: {  	v3 =	vor.u32 v3, v4  }
0x6e4: {  	v4 =	vperm.xlane v3, v0;
	_ =	sdelay $0x1  }
0x6e5: {  	v3 =	vperm.xlane v3, v2;
	v4 =	vadd.s32 v1, v4;
	_ =	sdelay $0x1  }
0x6e6: {  	v3 =	vadd.s32 v1, v3;
	_ =	sdelay $0x1  }
0x6e7: {  	s26 =	simm.s32 $0x4C00  }
0x6e8: {  	[tilespmem:s26], [sflag:$0x1] =	stream.indirect_vreg.gather [hbm4b:s0+s4], $0x80, v4, vm0, $0xb8;
	[tilespmem:$0x1CC80] =	vst v63  }
0x6e9: {  	s28 =	simm.s32 $0x5400  }
0x6ea: {  	[tilespmem:s28], [sflag:$0x1] =	stream.indirect_vreg.gather [hbm4b:s0+s4], $0x80, v3, vm0, $0xb8;
	[tilespmem:$0x1CC80] =	vst v63  }
0x6eb: {  	v3 =	vld [tilespmem:$0x950];
	_ =	sdelay $0x4  }
0x6ec: {  	v13 =	vshll.u32 v3, $0x1  }
0x6ed: {  	v3 =	vand.u32 $0x7, v3;
	v4 =	vand.u32 $0xFFFFFFF0, v13  }
0x6ee: {  	v3 =	vor.u32 v3, v4  }
0x6ef: {  	v4 =	vperm.xlane v3, v0;
	_ =	sdelay $0x1  }
0x6f0: {  	v3 =	vperm.xlane v3, v2;
	v4 =	vadd.s32 v1, v4;
	_ =	sdelay $0x1  }
0x6f1: {  	v3 =	vadd.s32 v1, v3;
	_ =	sdelay $0x1  }
0x6f2: {  	s2 =	simm.s32 $0x5C00  }
0x6f3: {  	[tilespmem:s2], [sflag:$0x1] =	stream.indirect_vreg.gather [hbm4b:s0+s4], $0x80, v4, vm0, $0xb8;
	[tilespmem:$0x1CC80] =	vst v63  }
0x6f4: {  	s29 =	simm.s32 $0x6400  }
0x6f5: {  	[tilespmem:s29], [sflag:$0x1] =	stream.indirect_vreg.gather [hbm4b:s0+s4], $0x80, v3, vm0, $0xb8;
	[tilespmem:$0x1CC80] =	vst v63  }
0x6f6: {  	v3 =	vld [tilespmem:$0x960];
	_ =	sdelay $0x4  }
0x6f7: {  	v14 =	vshll.u32 v3, $0x1  }
0x6f8: {  	v3 =	vand.u32 $0x7, v3;
	v4 =	vand.u32 $0xFFFFFFF0, v14  }
0x6f9: {  	v3 =	vor.u32 v3, v4  }
0x6fa: {  	v4 =	vperm.xlane v3, v0;
	_ =	sdelay $0x1  }
0x6fb: {  	v3 =	vperm.xlane v3, v2;
	v4 =	vadd.s32 v1, v4;
	_ =	sdelay $0x1  }
0x6fc: {  	v3 =	vadd.s32 v1, v3;
	_ =	sdelay $0x1  }
0x6fd: {  	s15 =	simm.s32 $0x6C00  }
0x6fe: {  	[tilespmem:s15], [sflag:$0x1] =	stream.indirect_vreg.gather [hbm4b:s0+s4], $0x80, v4, vm0, $0xb8;
	[tilespmem:$0x1CC80] =	vst v63  }
0x6ff: {  	s20 =	simm.s32 $0x7400  }
0x700: {  	[tilespmem:s20], [sflag:$0x1] =	stream.indirect_vreg.gather [hbm4b:s0+s4], $0x80, v3, vm0, $0xb8;
	[tilespmem:$0x1CC80] =	vst v63  }
0x701: {  	v3 =	vld [tilespmem:$0x970];
	_ =	sdelay $0x4  }
0x702: {  	v15 =	vshll.u32 v3, $0x1  }
0x703: {  	v3 =	vand.u32 $0x7, v3;
	v4 =	vand.u32 $0xFFFFFFF0, v15  }
0x704: {  	v3 =	vor.u32 v3, v4  }
0x705: {  	v4 =	vperm.xlane v3, v0;
	_ =	sdelay $0x1  }
0x706: {  	v3 =	vperm.xlane v3, v2;
	v4 =	vadd.s32 v1, v4;
	_ =	sdelay $0x1  }
0x707: {  	v3 =	vadd.s32 v1, v3;
	_ =	sdelay $0x1  }
0x708: {  	s26 =	simm.s32 $0x7C00  }
0x709: {  	[tilespmem:s26], [sflag:$0x1] =	stream.indirect_vreg.gather [hbm4b:s0+s4], $0x80, v4, vm0, $0xb8;
	[tilespmem:$0x1CC80] =	vst v63  }
0x70a: {  	s28 =	simm.s32 $0x8400  }
0x70b: {  	[tilespmem:s28], [sflag:$0x1] =	stream.indirect_vreg.gather [hbm4b:s0+s4], $0x80, v3, vm0, $0xb8;
	[tilespmem:$0x1CC80] =	vst v63  }
0x70c: {  	_ =	swait.ge [sflag:s10], $0x8000  }
0x70d: {  	[sflag:s10] =	ssyncset.done $0x0  }
0x70e: {  	s29 =	rddreg [dreg:$0x18];
	[sflag:s10] =	ssyncadd.s32 $0xFFFF8000  }
0x70f: {  	[hbm4b:s29+s4] =	stream.linear.scatter [tilespmem:s22], [sflag:$0x5], $0x8000, $0x38;
	[tilespmem:$0x1CC80] =	vst v63  }
0x710: {  	_ =	swait.ge [sflag:s11], $0x8000  }
0x711: {  	[sflag:s11] =	ssyncset.done $0x0  }
0x712: {  	[sflag:s11] =	ssyncadd.s32 $0xFFFF8000  }
0x713: {  	v3 =	vld [tilespmem:$0x980];
	_ =	sdelay $0x4  }
0x714: {  	v16 =	vshll.u32 v3, $0x1  }
0x715: {  	v3 =	vand.u32 $0x7, v3;
	v4 =	vand.u32 $0xFFFFFFF0, v16  }
0x716: {  	v3 =	vor.u32 v3, v4  }
0x717: {  	v4 =	vperm.xlane v3, v0;
	_ =	sdelay $0x1  }
0x718: {  	v3 =	vperm.xlane v3, v2;
	v4 =	vadd.s32 v1, v4;
	_ =	sdelay $0x1  }
0x719: {  	v3 =	vadd.s32 v1, v3;
	_ =	sdelay $0x2  }
0x71a: {  	[tilespmem:s22], [sflag:$0x2] =	stream.indirect_vreg.gather [hbm4b:s0+s4], $0x80, v4, vm0, $0xb8;
	[tilespmem:$0x1CC80] =	vst v63  }
0x71b: {  	s26 =	simm.s32 $0x9400  }
0x71c: {  	[tilespmem:s26], [sflag:$0x2] =	stream.indirect_vreg.gather [hbm4b:s0+s4], $0x80, v3, vm0, $0xb8;
	[tilespmem:$0x1CC80] =	vst v63  }
0x71d: {  	v3 =	vld [tilespmem:$0x990];
	_ =	sdelay $0x4  }
0x71e: {  	v17 =	vshll.u32 v3, $0x1  }
0x71f: {  	v3 =	vand.u32 $0x7, v3;
	v4 =	vand.u32 $0xFFFFFFF0, v17  }
0x720: {  	v3 =	vor.u32 v3, v4  }
0x721: {  	v4 =	vperm.xlane v3, v0;
	_ =	sdelay $0x1  }
0x722: {  	v3 =	vperm.xlane v3, v2;
	v4 =	vadd.s32 v1, v4;
	_ =	sdelay $0x1  }
0x723: {  	v3 =	vadd.s32 v1, v3;
	_ =	sdelay $0x1  }
0x724: {  	s3 =	simm.s32 $0x9C00  }
0x725: {  	[tilespmem:s3], [sflag:$0x2] =	stream.indirect_vreg.gather [hbm4b:s0+s4], $0x80, v4, vm0, $0xb8;
	[tilespmem:$0x1CC80] =	vst v63  }
0x726: {  	s28 =	simm.s32 $0xA400  }
0x727: {  	[tilespmem:s28], [sflag:$0x2] =	stream.indirect_vreg.gather [hbm4b:s0+s4], $0x80, v3, vm0, $0xb8;
	[tilespmem:$0x1CC80] =	vst v63  }
0x728: {  	v3 =	vld [tilespmem:$0x9A0];
	_ =	sdelay $0x4  }
0x729: {  	v18 =	vshll.u32 v3, $0x1  }
0x72a: {  	v3 =	vand.u32 $0x7, v3;
	v4 =	vand.u32 $0xFFFFFFF0, v18  }
0x72b: {  	v3 =	vor.u32 v3, v4  }
0x72c: {  	v4 =	vperm.xlane v3, v0;
	_ =	sdelay $0x1  }
0x72d: {  	v3 =	vperm.xlane v3, v2;
	v4 =	vadd.s32 v1, v4;
	_ =	sdelay $0x1  }
0x72e: {  	v3 =	vadd.s32 v1, v3;
	_ =	sdelay $0x1  }
0x72f: {  	s16 =	simm.s32 $0xAC00  }
0x730: {  	[tilespmem:s16], [sflag:$0x2] =	stream.indirect_vreg.gather [hbm4b:s0+s4], $0x80, v4, vm0, $0xb8;
	[tilespmem:$0x1CC80] =	vst v63  }
0x731: {  	s29 =	simm.s32 $0xB400  }
0x732: {  	[tilespmem:s29], [sflag:$0x2] =	stream.indirect_vreg.gather [hbm4b:s0+s4], $0x80, v3, vm0, $0xb8;
	[tilespmem:$0x1CC80] =	vst v63  }
0x733: {  	v3 =	vld [tilespmem:$0x9B0];
	_ =	sdelay $0x4  }
0x734: {  	v19 =	vshll.u32 v3, $0x1  }
0x735: {  	v3 =	vand.u32 $0x7, v3;
	v4 =	vand.u32 $0xFFFFFFF0, v19  }
0x736: {  	v3 =	vor.u32 v3, v4  }
0x737: {  	v4 =	vperm.xlane v3, v0;
	_ =	sdelay $0x1  }
0x738: {  	v3 =	vperm.xlane v3, v2;
	v4 =	vadd.s32 v1, v4;
	_ =	sdelay $0x1  }
0x739: {  	v3 =	vadd.s32 v1, v3;
	_ =	sdelay $0x1  }
0x73a: {  	s8 =	simm.s32 $0xBC00  }
0x73b: {  	[tilespmem:s8], [sflag:$0x2] =	stream.indirect_vreg.gather [hbm4b:s0+s4], $0x80, v4, vm0, $0xb8;
	[tilespmem:$0x1CC80] =	vst v63  }
0x73c: {  	s26 =	simm.s32 $0xC400  }
0x73d: {  	[tilespmem:s26], [sflag:$0x2] =	stream.indirect_vreg.gather [hbm4b:s0+s4], $0x80, v3, vm0, $0xb8;
	[tilespmem:$0x1CC80] =	vst v63  }
0x73e: {  	v3 =	vld [tilespmem:$0x9C0];
	_ =	sdelay $0x4  }
0x73f: {  	v20 =	vshll.u32 v3, $0x1  }
0x740: {  	v3 =	vand.u32 $0x7, v3;
	v4 =	vand.u32 $0xFFFFFFF0, v20  }
0x741: {  	v3 =	vor.u32 v3, v4  }
0x742: {  	v4 =	vperm.xlane v3, v0;
	_ =	sdelay $0x1  }
0x743: {  	v3 =	vperm.xlane v3, v2;
	v4 =	vadd.s32 v1, v4;
	_ =	sdelay $0x1  }
0x744: {  	v3 =	vadd.s32 v1, v3;
	_ =	sdelay $0x1  }
0x745: {  	s17 =	simm.s32 $0xCC00  }
0x746: {  	[tilespmem:s17], [sflag:$0x2] =	stream.indirect_vreg.gather [hbm4b:s0+s4], $0x80, v4, vm0, $0xb8;
	[tilespmem:$0x1CC80] =	vst v63  }
0x747: {  	s28 =	simm.s32 $0xD400  }
0x748: {  	[tilespmem:s28], [sflag:$0x2] =	stream.indirect_vreg.gather [hbm4b:s0+s4], $0x80, v3, vm0, $0xb8;
	[tilespmem:$0x1CC80] =	vst v63  }
0x749: {  	v3 =	vld [tilespmem:$0x9D0];
	_ =	sdelay $0x4  }
0x74a: {  	v21 =	vshll.u32 v3, $0x1  }
0x74b: {  	v3 =	vand.u32 $0x7, v3;
	v4 =	vand.u32 $0xFFFFFFF0, v21  }
0x74c: {  	v3 =	vor.u32 v3, v4  }
0x74d: {  	v4 =	vperm.xlane v3, v0;
	_ =	sdelay $0x1  }
0x74e: {  	v3 =	vperm.xlane v3, v2;
	v4 =	vadd.s32 v1, v4;
	_ =	sdelay $0x1  }
0x74f: {  	v3 =	vadd.s32 v1, v3;
	_ =	sdelay $0x1  }
0x750: {  	s18 =	simm.s32 $0xDC00  }
0x751: {  	[tilespmem:s18], [sflag:$0x2] =	stream.indirect_vreg.gather [hbm4b:s0+s4], $0x80, v4, vm0, $0xb8;
	[tilespmem:$0x1CC80] =	vst v63  }
0x752: {  	s29 =	simm.s32 $0xE400  }
0x753: {  	[tilespmem:s29], [sflag:$0x2] =	stream.indirect_vreg.gather [hbm4b:s0+s4], $0x80, v3, vm0, $0xb8;
	[tilespmem:$0x1CC80] =	vst v63  }
0x754: {  	v3 =	vld [tilespmem:$0x9E0];
	_ =	sdelay $0x4  }
0x755: {  	v22 =	vshll.u32 v3, $0x1  }
0x756: {  	v3 =	vand.u32 $0x7, v3;
	v4 =	vand.u32 $0xFFFFFFF0, v22  }
0x757: {  	v3 =	vor.u32 v3, v4  }
0x758: {  	v4 =	vperm.xlane v3, v0;
	_ =	sdelay $0x1  }
0x759: {  	v3 =	vperm.xlane v3, v2;
	v4 =	vadd.s32 v1, v4;
	_ =	sdelay $0x1  }
0x75a: {  	v3 =	vadd.s32 v1, v3;
	_ =	sdelay $0x1  }
0x75b: {  	s19 =	simm.s32 $0xEC00  }
0x75c: {  	[tilespmem:s19], [sflag:$0x2] =	stream.indirect_vreg.gather [hbm4b:s0+s4], $0x80, v4, vm0, $0xb8;
	[tilespmem:$0x1CC80] =	vst v63  }
0x75d: {  	s26 =	simm.s32 $0xF400  }
0x75e: {  	[tilespmem:s26], [sflag:$0x2] =	stream.indirect_vreg.gather [hbm4b:s0+s4], $0x80, v3, vm0, $0xb8;
	[tilespmem:$0x1CC80] =	vst v63  }
0x75f: {  	v3 =	vld [tilespmem:$0x9F0];
	_ =	sdelay $0x4  }
0x760: {  	v23 =	vshll.u32 v3, $0x1  }
0x761: {  	v3 =	vand.u32 $0x7, v3;
	v4 =	vand.u32 $0xFFFFFFF0, v23  }
0x762: {  	v3 =	vor.u32 v3, v4  }
0x763: {  	v4 =	vperm.xlane v3, v0;
	_ =	sdelay $0x1  }
0x764: {  	v3 =	vperm.xlane v3, v2;
	v4 =	vadd.s32 v1, v4;
	_ =	sdelay $0x1  }
0x765: {  	v3 =	vadd.s32 v1, v3;
	_ =	sdelay $0x1  }
0x766: {  	s23 =	simm.s32 $0xFC00  }
0x767: {  	[tilespmem:s23], [sflag:$0x2] =	stream.indirect_vreg.gather [hbm4b:s0+s4], $0x80, v4, vm0, $0xb8;
	[tilespmem:$0x1CC80] =	vst v63  }
0x768: {  	s28 =	simm.s32 $0x10400  }
0x769: {  	[tilespmem:s28], [sflag:$0x2] =	stream.indirect_vreg.gather [hbm4b:s0+s4], $0x80, v3, vm0, $0xb8;
	[tilespmem:$0x1CC80] =	vst v63  }
0x76a: {  	_ =	swait.ge [sflag:s12], $0x8000  }
0x76b: {  	[sflag:s12] =	ssyncset.done $0x0  }
0x76c: {  	s29 =	rddreg [dreg:$0x19];
	[sflag:s12] =	ssyncadd.s32 $0xFFFF8000  }
0x76d: {  	[hbm4b:s29+s4] =	stream.linear.scatter [tilespmem:s21], [sflag:$0x6], $0x8000, $0x38;
	[tilespmem:$0x1CC80] =	vst v63  }
0x76e: {  	_ =	swait.ge [sflag:s13], $0x8000  }
0x76f: {  	[sflag:s13] =	ssyncset.done $0x0  }
0x770: {  	[sflag:s13] =	ssyncadd.s32 $0xFFFF8000  }
0x771: {  	v3 =	vld [tilespmem:$0xA00];
	_ =	sdelay $0x4  }
0x772: {  	v24 =	vshll.u32 v3, $0x1  }
0x773: {  	v3 =	vand.u32 $0x7, v3;
	v4 =	vand.u32 $0xFFFFFFF0, v24  }
0x774: {  	v3 =	vor.u32 v3, v4  }
0x775: {  	v4 =	vperm.xlane v3, v0;
	_ =	sdelay $0x1  }
0x776: {  	v3 =	vperm.xlane v3, v2;
	v4 =	vadd.s32 v1, v4;
	_ =	sdelay $0x1  }
0x777: {  	v3 =	vadd.s32 v1, v3;
	_ =	sdelay $0x2  }
0x778: {  	[tilespmem:s21], [sflag:$0x3] =	stream.indirect_vreg.gather [hbm4b:s0+s4], $0x80, v4, vm0, $0xb8;
	[tilespmem:$0x1CC80] =	vst v63  }
0x779: {  	s26 =	simm.s32 $0x11400  }
0x77a: {  	[tilespmem:s26], [sflag:$0x3] =	stream.indirect_vreg.gather [hbm4b:s0+s4], $0x80, v3, vm0, $0xb8;
	[tilespmem:$0x1CC80] =	vst v63  }
0x77b: {  	v3 =	vld [tilespmem:$0xA10];
	_ =	sdelay $0x4  }
0x77c: {  	v25 =	vshll.u32 v3, $0x1  }
0x77d: {  	v3 =	vand.u32 $0x7, v3;
	v4 =	vand.u32 $0xFFFFFFF0, v25  }
0x77e: {  	v3 =	vor.u32 v3, v4  }
0x77f: {  	v4 =	vperm.xlane v3, v0;
	_ =	sdelay $0x1  }
0x780: {  	v3 =	vperm.xlane v3, v2;
	v4 =	vadd.s32 v1, v4;
	_ =	sdelay $0x1  }
0x781: {  	v3 =	vadd.s32 v1, v3;
	_ =	sdelay $0x1  }
0x782: {  	s28 =	simm.s32 $0x11C00  }
0x783: {  	[tilespmem:s28], [sflag:$0x3] =	stream.indirect_vreg.gather [hbm4b:s0+s4], $0x80, v4, vm0, $0xb8;
	[tilespmem:$0x1CC80] =	vst v63  }
0x784: {  	s29 =	simm.s32 $0x12400  }
0x785: {  	[tilespmem:s29], [sflag:$0x3] =	stream.indirect_vreg.gather [hbm4b:s0+s4], $0x80, v3, vm0, $0xb8;
	[tilespmem:$0x1CC80] =	vst v63  }
0x786: {  	v3 =	vld [tilespmem:$0xA20];
	_ =	sdelay $0x4  }
0x787: {  	v26 =	vshll.u32 v3, $0x1  }
0x788: {  	v3 =	vand.u32 $0x7, v3;
	v4 =	vand.u32 $0xFFFFFFF0, v26  }
0x789: {  	v3 =	vor.u32 v3, v4  }
0x78a: {  	v4 =	vperm.xlane v3, v0;
	_ =	sdelay $0x1  }
0x78b: {  	v3 =	vperm.xlane v3, v2;
	v4 =	vadd.s32 v1, v4;
	_ =	sdelay $0x1  }
0x78c: {  	v3 =	vadd.s32 v1, v3;
	_ =	sdelay $0x1  }
0x78d: {  	s30 =	simm.s32 $0x12C00  }
0x78e: {  	[tilespmem:s30], [sflag:$0x3] =	stream.indirect_vreg.gather [hbm4b:s0+s4], $0x80, v4, vm0, $0xb8;
	[tilespmem:$0x1CC80] =	vst v63  }
0x78f: {  	s30 =	simm.s32 $0x13400  }
0x790: {  	[tilespmem:s30], [sflag:$0x3] =	stream.indirect_vreg.gather [hbm4b:s0+s4], $0x80, v3, vm0, $0xb8;
	[tilespmem:$0x1CC80] =	vst v63  }
0x791: {  	v3 =	vld [tilespmem:$0xA30];
	_ =	sdelay $0x4  }
0x792: {  	v27 =	vshll.u32 v3, $0x1  }
0x793: {  	v3 =	vand.u32 $0x7, v3;
	v4 =	vand.u32 $0xFFFFFFF0, v27  }
0x794: {  	v3 =	vor.u32 v3, v4  }
0x795: {  	v4 =	vperm.xlane v3, v0;
	_ =	sdelay $0x1  }
0x796: {  	v3 =	vperm.xlane v3, v2;
	v4 =	vadd.s32 v1, v4;
	_ =	sdelay $0x1  }
0x797: {  	v3 =	vadd.s32 v1, v3;
	_ =	sdelay $0x1  }
0x798: {  	s29 =	simm.s32 $0x13C00  }
0x799: {  	[tilespmem:s29], [sflag:$0x3] =	stream.indirect_vreg.gather [hbm4b:s0+s4], $0x80, v4, vm0, $0xb8;
	[tilespmem:$0x1CC80] =	vst v63  }
0x79a: {  	s30 =	simm.s32 $0x14400  }
0x79b: {  	[tilespmem:s30], [sflag:$0x3] =	stream.indirect_vreg.gather [hbm4b:s0+s4], $0x80, v3, vm0, $0xb8;
	[tilespmem:$0x1CC80] =	vst v63  }
0x79c: {  	v3 =	vld [tilespmem:$0xA40];
	_ =	sdelay $0x4  }
0x79d: {  	v28 =	vshll.u32 v3, $0x1  }
0x79e: {  	v3 =	vand.u32 $0x7, v3;
	v4 =	vand.u32 $0xFFFFFFF0, v28  }
0x79f: {  	v3 =	vor.u32 v3, v4  }
0x7a0: {  	v4 =	vperm.xlane v3, v0;
	_ =	sdelay $0x1  }
0x7a1: {  	v3 =	vperm.xlane v3, v2;
	v4 =	vadd.s32 v1, v4;
	_ =	sdelay $0x1  }
0x7a2: {  	v3 =	vadd.s32 v1, v3;
	_ =	sdelay $0x1  }
0x7a3: {  	s30 =	simm.s32 $0x14C00  }
0x7a4: {  	[tilespmem:s30], [sflag:$0x3] =	stream.indirect_vreg.gather [hbm4b:s0+s4], $0x80, v4, vm0, $0xb8;
	[tilespmem:$0x1CC80] =	vst v63  }
0x7a5: {  	s14 =	simm.s32 $0x15400  }
0x7a6: {  	[tilespmem:s14], [sflag:$0x3] =	stream.indirect_vreg.gather [hbm4b:s0+s4], $0x80, v3, vm0, $0xb8;
	[tilespmem:$0x1CC80] =	vst v63  }
0x7a7: {  	v3 =	vld [tilespmem:$0xA50];
	_ =	sdelay $0x4  }
0x7a8: {  	v29 =	vshll.u32 v3, $0x1  }
0x7a9: {  	v3 =	vand.u32 $0x7, v3;
	v4 =	vand.u32 $0xFFFFFFF0, v29  }
0x7aa: {  	v3 =	vor.u32 v3, v4  }
0x7ab: {  	v4 =	vperm.xlane v3, v0;
	_ =	sdelay $0x1  }
0x7ac: {  	v3 =	vperm.xlane v3, v2;
	v4 =	vadd.s32 v1, v4;
	_ =	sdelay $0x1  }
0x7ad: {  	v3 =	vadd.s32 v1, v3;
	_ =	sdelay $0x1  }
0x7ae: {  	s14 =	simm.s32 $0x15C00  }
0x7af: {  	[tilespmem:s14], [sflag:$0x3] =	stream.indirect_vreg.gather [hbm4b:s0+s4], $0x80, v4, vm0, $0xb8;
	[tilespmem:$0x1CC80] =	vst v63  }
0x7b0: {  	s14 =	simm.s32 $0x16400  }
0x7b1: {  	[tilespmem:s14], [sflag:$0x3] =	stream.indirect_vreg.gather [hbm4b:s0+s4], $0x80, v3, vm0, $0xb8;
	[tilespmem:$0x1CC80] =	vst v63  }
0x7b2: {  	v3 =	vld [tilespmem:$0xA60];
	_ =	sdelay $0x4  }
0x7b3: {  	v30 =	vshll.u32 v3, $0x1  }
0x7b4: {  	v3 =	vand.u32 $0x7, v3;
	v4 =	vand.u32 $0xFFFFFFF0, v30  }
0x7b5: {  	v3 =	vor.u32 v3, v4  }
0x7b6: {  	v4 =	vperm.xlane v3, v0;
	_ =	sdelay $0x1  }
0x7b7: {  	v3 =	vperm.xlane v3, v2;
	v4 =	vadd.s32 v1, v4;
	_ =	sdelay $0x1  }
0x7b8: {  	v3 =	vadd.s32 v1, v3;
	_ =	sdelay $0x1  }
0x7b9: {  	s14 =	simm.s32 $0x16C00  }
0x7ba: {  	[tilespmem:s14], [sflag:$0x3] =	stream.indirect_vreg.gather [hbm4b:s0+s4], $0x80, v4, vm0, $0xb8;
	[tilespmem:$0x1CC80] =	vst v63  }
0x7bb: {  	s14 =	simm.s32 $0x17400  }
0x7bc: {  	[tilespmem:s14], [sflag:$0x3] =	stream.indirect_vreg.gather [hbm4b:s0+s4], $0x80, v3, vm0, $0xb8;
	[tilespmem:$0x1CC80] =	vst v63  }
0x7bd: {  	v3 =	vld [tilespmem:$0xA70];
	_ =	sdelay $0x4  }
0x7be: {  	v31 =	vshll.u32 v3, $0x1  }
0x7bf: {  	v3 =	vand.u32 $0x7, v3;
	v4 =	vand.u32 $0xFFFFFFF0, v31  }
0x7c0: {  	v3 =	vor.u32 v3, v4  }
0x7c1: {  	v4 =	vperm.xlane v3, v0;
	_ =	sdelay $0x1  }
0x7c2: {  	v3 =	vperm.xlane v3, v2;
	v4 =	vadd.s32 v1, v4;
	_ =	sdelay $0x1  }
0x7c3: {  	v3 =	vadd.s32 v1, v3;
	_ =	sdelay $0x1  }
0x7c4: {  	s14 =	simm.s32 $0x17C00  }
0x7c5: {  	[tilespmem:s14], [sflag:$0x3] =	stream.indirect_vreg.gather [hbm4b:s0+s4], $0x80, v4, vm0, $0xb8;
	[tilespmem:$0x1CC80] =	vst v63  }
0x7c6: {  	s14 =	simm.s32 $0x18400  }
0x7c7: {  	[tilespmem:s14], [sflag:$0x3] =	stream.indirect_vreg.gather [hbm4b:s0+s4], $0x80, v3, vm0, $0xb8;
	[tilespmem:$0x1CC80] =	vst v63  }
0x7c8: {  	_ =	swait.ge [sflag:s6], $0x8000  }
0x7c9: {  	[sflag:s6] =	ssyncset.done $0x0  }
0x7ca: {  	s14 =	rddreg [dreg:$0x1a];
	[sflag:s6] =	ssyncadd.s32 $0xFFFF8000  }
0x7cb: {  	[hbm4b:s14+s4] =	stream.linear.scatter [tilespmem:s25], [sflag:$0x4], $0x8000, $0x38;
	[tilespmem:$0x1CC80] =	vst v63  }
0x7cc: {  	_ =	swait.ge [sflag:s5], $0x8000  }
0x7cd: {  	[sflag:s5] =	ssyncset.done $0x0  }
0x7ce: {  	[sflag:s5] =	ssyncadd.s32 $0xFFFF8000  }
0x7cf: {  	v3 =	vld [tilespmem:$0xA80];
	_ =	sdelay $0x4  }
0x7d0: {  	v32 =	vshll.u32 v3, $0x1  }
0x7d1: {  	v3 =	vand.u32 $0x7, v3;
	v4 =	vand.u32 $0xFFFFFFF0, v32  }
0x7d2: {  	v3 =	vor.u32 v3, v4  }
0x7d3: {  	v4 =	vperm.xlane v3, v0;
	_ =	sdelay $0x1  }
0x7d4: {  	v3 =	vperm.xlane v3, v2;
	v4 =	vadd.s32 v1, v4;
	_ =	sdelay $0x1  }
0x7d5: {  	v3 =	vadd.s32 v1, v3;
	_ =	sdelay $0x2  }
0x7d6: {  	[tilespmem:s25], [sflag:$0x1] =	stream.indirect_vreg.gather [hbm4b:s0+s4], $0x80, v4, vm0, $0xb8;
	[tilespmem:$0x1CC80] =	vst v63  }
0x7d7: {  	s14 =	simm.s32 $0x1400  }
0x7d8: {  	[tilespmem:s14], [sflag:$0x1] =	stream.indirect_vreg.gather [hbm4b:s0+s4], $0x80, v3, vm0, $0xb8;
	[tilespmem:$0x1CC80] =	vst v63  }
0x7d9: {  	v3 =	vld [tilespmem:$0xA90];
	_ =	sdelay $0x4  }
0x7da: {  	v33 =	vshll.u32 v3, $0x1  }
0x7db: {  	v3 =	vand.u32 $0x7, v3;
	v4 =	vand.u32 $0xFFFFFFF0, v33  }
0x7dc: {  	v3 =	vor.u32 v3, v4  }
0x7dd: {  	v4 =	vperm.xlane v3, v0;
	_ =	sdelay $0x1  }
0x7de: {  	v3 =	vperm.xlane v3, v2;
	v4 =	vadd.s32 v1, v4;
	_ =	sdelay $0x1  }
0x7df: {  	v3 =	vadd.s32 v1, v3;
	_ =	sdelay $0x1  }
0x7e0: {  	s1 =	simm.s32 $0x1C00  }
0x7e1: {  	[tilespmem:s1], [sflag:$0x1] =	stream.indirect_vreg.gather [hbm4b:s0+s4], $0x80, v4, vm0, $0xb8;
	[tilespmem:$0x1CC80] =	vst v63  }
0x7e2: {  	s14 =	simm.s32 $0x2400  }
0x7e3: {  	[tilespmem:s14], [sflag:$0x1] =	stream.indirect_vreg.gather [hbm4b:s0+s4], $0x80, v3, vm0, $0xb8;
	[tilespmem:$0x1CC80] =	vst v63  }
0x7e4: {  	v3 =	vld [tilespmem:$0xAA0];
	_ =	sdelay $0x4  }
0x7e5: {  	v34 =	vshll.u32 v3, $0x1  }
0x7e6: {  	v3 =	vand.u32 $0x7, v3;
	v4 =	vand.u32 $0xFFFFFFF0, v34  }
0x7e7: {  	v3 =	vor.u32 v3, v4  }
0x7e8: {  	v4 =	vperm.xlane v3, v0;
	_ =	sdelay $0x1  }
0x7e9: {  	v3 =	vperm.xlane v3, v2;
	v4 =	vadd.s32 v1, v4;
	_ =	sdelay $0x1  }
0x7ea: {  	v3 =	vadd.s32 v1, v3;
	_ =	sdelay $0x1  }
0x7eb: {  	s7 =	simm.s32 $0x2C00  }
0x7ec: {  	[tilespmem:s7], [sflag:$0x1] =	stream.indirect_vreg.gather [hbm4b:s0+s4], $0x80, v4, vm0, $0xb8;
	[tilespmem:$0x1CC80] =	vst v63  }
0x7ed: {  	s7 =	simm.s32 $0x3400  }
0x7ee: {  	[tilespmem:s7], [sflag:$0x1] =	stream.indirect_vreg.gather [hbm4b:s0+s4], $0x80, v3, vm0, $0xb8;
	[tilespmem:$0x1CC80] =	vst v63  }
0x7ef: {  	v3 =	vld [tilespmem:$0xAB0];
	_ =	sdelay $0x4  }
0x7f0: {  	v35 =	vshll.u32 v3, $0x1  }
0x7f1: {  	v3 =	vand.u32 $0x7, v3;
	v4 =	vand.u32 $0xFFFFFFF0, v35  }
0x7f2: {  	v3 =	vor.u32 v3, v4  }
0x7f3: {  	v4 =	vperm.xlane v3, v0;
	_ =	sdelay $0x1  }
0x7f4: {  	v3 =	vperm.xlane v3, v2;
	v4 =	vadd.s32 v1, v4;
	_ =	sdelay $0x1  }
0x7f5: {  	v3 =	vadd.s32 v1, v3;
	_ =	sdelay $0x1  }
0x7f6: {  	s9 =	simm.s32 $0x3C00  }
0x7f7: {  	[tilespmem:s9], [sflag:$0x1] =	stream.indirect_vreg.gather [hbm4b:s0+s4], $0x80, v4, vm0, $0xb8;
	[tilespmem:$0x1CC80] =	vst v63  }
0x7f8: {  	s24 =	simm.s32 $0x4400  }
0x7f9: {  	[tilespmem:s24], [sflag:$0x1] =	stream.indirect_vreg.gather [hbm4b:s0+s4], $0x80, v3, vm0, $0xb8;
	[tilespmem:$0x1CC80] =	vst v63  }
0x7fa: {  	v3 =	vld [tilespmem:$0xAC0];
	_ =	sdelay $0x4  }
0x7fb: {  	v36 =	vshll.u32 v3, $0x1  }
0x7fc: {  	v3 =	vand.u32 $0x7, v3;
	v4 =	vand.u32 $0xFFFFFFF0, v36  }
0x7fd: {  	v3 =	vor.u32 v3, v4  }
0x7fe: {  	v4 =	vperm.xlane v3, v0;
	_ =	sdelay $0x1  }
0x7ff: {  	v3 =	vperm.xlane v3, v2;
	v4 =	vadd.s32 v1, v4;
	_ =	sdelay $0x1  }
0x800: {  	v3 =	vadd.s32 v1, v3;
	_ =	sdelay $0x1  }
0x801: {  	s31 =	simm.s32 $0x4C00  }
0x802: {  	[tilespmem:s31], [sflag:$0x1] =	stream.indirect_vreg.gather [hbm4b:s0+s4], $0x80, v4, vm0, $0xb8;
	[tilespmem:$0x1CC80] =	vst v63  }
0x803: {  	s9 =	simm.s32 $0x5400  }
0x804: {  	[tilespmem:s9], [sflag:$0x1] =	stream.indirect_vreg.gather [hbm4b:s0+s4], $0x80, v3, vm0, $0xb8;
	[tilespmem:$0x1CC80] =	vst v63  }
0x805: {  	v3 =	vld [tilespmem:$0xAD0];
	_ =	sdelay $0x4  }
0x806: {  	v37 =	vshll.u32 v3, $0x1  }
0x807: {  	v3 =	vand.u32 $0x7, v3;
	v4 =	vand.u32 $0xFFFFFFF0, v37  }
0x808: {  	v3 =	vor.u32 v3, v4  }
0x809: {  	v4 =	vperm.xlane v3, v0;
	_ =	sdelay $0x1  }
0x80a: {  	v3 =	vperm.xlane v3, v2;
	v4 =	vadd.s32 v1, v4;
	_ =	sdelay $0x1  }
0x80b: {  	v3 =	vadd.s32 v1, v3;
	_ =	sdelay $0x1  }
0x80c: {  	s2 =	simm.s32 $0x5C00  }
0x80d: {  	[tilespmem:s2], [sflag:$0x1] =	stream.indirect_vreg.gather [hbm4b:s0+s4], $0x80, v4, vm0, $0xb8;
	[tilespmem:$0x1CC80] =	vst v63  }
0x80e: {  	s14 =	simm.s32 $0x6400  }
0x80f: {  	[tilespmem:s14], [sflag:$0x1] =	stream.indirect_vreg.gather [hbm4b:s0+s4], $0x80, v3, vm0, $0xb8;
	[tilespmem:$0x1CC80] =	vst v63  }
0x810: {  	v3 =	vld [tilespmem:$0xAE0];
	_ =	sdelay $0x4  }
0x811: {  	v38 =	vshll.u32 v3, $0x1  }
0x812: {  	v3 =	vand.u32 $0x7, v3;
	v4 =	vand.u32 $0xFFFFFFF0, v38  }
0x813: {  	v3 =	vor.u32 v3, v4  }
0x814: {  	v4 =	vperm.xlane v3, v0;
	_ =	sdelay $0x1  }
0x815: {  	v3 =	vperm.xlane v3, v2;
	v4 =	vadd.s32 v1, v4;
	_ =	sdelay $0x1  }
0x816: {  	v3 =	vadd.s32 v1, v3;
	_ =	sdelay $0x1  }
0x817: {  	s15 =	simm.s32 $0x6C00  }
0x818: {  	[tilespmem:s15], [sflag:$0x1] =	stream.indirect_vreg.gather [hbm4b:s0+s4], $0x80, v4, vm0, $0xb8;
	[tilespmem:$0x1CC80] =	vst v63  }
0x819: {  	s24 =	simm.s32 $0x7400  }
0x81a: {  	[tilespmem:s24], [sflag:$0x1] =	stream.indirect_vreg.gather [hbm4b:s0+s4], $0x80, v3, vm0, $0xb8;
	[tilespmem:$0x1CC80] =	vst v63  }
0x81b: {  	v3 =	vld [tilespmem:$0xAF0];
	_ =	sdelay $0x4  }
0x81c: {  	v39 =	vshll.u32 v3, $0x1  }
0x81d: {  	v3 =	vand.u32 $0x7, v3;
	v4 =	vand.u32 $0xFFFFFFF0, v39  }
0x81e: {  	v3 =	vor.u32 v3, v4  }
0x81f: {  	v4 =	vperm.xlane v3, v0;
	_ =	sdelay $0x1  }
0x820: {  	v3 =	vperm.xlane v3, v2;
	v4 =	vadd.s32 v1, v4;
	_ =	sdelay $0x1  }
0x821: {  	v3 =	vadd.s32 v1, v3;
	_ =	sdelay $0x1  }
0x822: {  	s20 =	simm.s32 $0x7C00  }
0x823: {  	[tilespmem:s20], [sflag:$0x1] =	stream.indirect_vreg.gather [hbm4b:s0+s4], $0x80, v4, vm0, $0xb8;
	[tilespmem:$0x1CC80] =	vst v63  }
0x824: {  	s31 =	simm.s32 $0x8400  }
0x825: {  	[tilespmem:s31], [sflag:$0x1] =	stream.indirect_vreg.gather [hbm4b:s0+s4], $0x80, v3, vm0, $0xb8;
	[tilespmem:$0x1CC80] =	vst v63  }
0x826: {  	_ =	swait.ge [sflag:s10], $0x8000  }
0x827: {  	[sflag:s10] =	ssyncset.done $0x0  }
0x828: {  	s1 =	rddreg [dreg:$0x1b];
	[sflag:s10] =	ssyncadd.s32 $0xFFFF8000  }
0x829: {  	[hbm4b:s1+s4] =	stream.linear.scatter [tilespmem:s22], [sflag:$0x5], $0x8000, $0x38;
	[tilespmem:$0x1CC80] =	vst v63  }
0x82a: {  	_ =	swait.ge [sflag:s11], $0x8000  }
0x82b: {  	[sflag:s11] =	ssyncset.done $0x0  }
0x82c: {  	[sflag:s11] =	ssyncadd.s32 $0xFFFF8000  }
0x82d: {  	v3 =	vld [tilespmem:$0xB00];
	_ =	sdelay $0x4  }
0x82e: {  	v40 =	vshll.u32 v3, $0x1  }
0x82f: {  	v3 =	vand.u32 $0x7, v3;
	v4 =	vand.u32 $0xFFFFFFF0, v40  }
0x830: {  	v3 =	vor.u32 v3, v4  }
0x831: {  	v4 =	vperm.xlane v3, v0;
	_ =	sdelay $0x1  }
0x832: {  	v3 =	vperm.xlane v3, v2;
	v4 =	vadd.s32 v1, v4;
	_ =	sdelay $0x1  }
0x833: {  	v3 =	vadd.s32 v1, v3;
	_ =	sdelay $0x2  }
0x834: {  	[tilespmem:s22], [sflag:$0x2] =	stream.indirect_vreg.gather [hbm4b:s0+s4], $0x80, v4, vm0, $0xb8;
	[tilespmem:$0x1CC80] =	vst v63  }
0x835: {  	s2 =	simm.s32 $0x9400  }
0x836: {  	[tilespmem:s2], [sflag:$0x2] =	stream.indirect_vreg.gather [hbm4b:s0+s4], $0x80, v3, vm0, $0xb8;
	[tilespmem:$0x1CC80] =	vst v63  }
0x837: {  	v3 =	vld [tilespmem:$0xB10];
	_ =	sdelay $0x4  }
0x838: {  	v41 =	vshll.u32 v3, $0x1  }
0x839: {  	v3 =	vand.u32 $0x7, v3;
	v4 =	vand.u32 $0xFFFFFFF0, v41  }
0x83a: {  	v3 =	vor.u32 v3, v4  }
0x83b: {  	v4 =	vperm.xlane v3, v0;
	_ =	sdelay $0x1  }
0x83c: {  	v3 =	vperm.xlane v3, v2;
	v4 =	vadd.s32 v1, v4;
	_ =	sdelay $0x1  }
0x83d: {  	v3 =	vadd.s32 v1, v3;
	_ =	sdelay $0x1  }
0x83e: {  	s3 =	simm.s32 $0x9C00  }
0x83f: {  	[tilespmem:s3], [sflag:$0x2] =	stream.indirect_vreg.gather [hbm4b:s0+s4], $0x80, v4, vm0, $0xb8;
	[tilespmem:$0x1CC80] =	vst v63  }
0x840: {  	s3 =	simm.s32 $0xA400  }
0x841: {  	[tilespmem:s3], [sflag:$0x2] =	stream.indirect_vreg.gather [hbm4b:s0+s4], $0x80, v3, vm0, $0xb8;
	[tilespmem:$0x1CC80] =	vst v63  }
0x842: {  	v3 =	vld [tilespmem:$0xB20];
	_ =	sdelay $0x4  }
0x843: {  	v42 =	vshll.u32 v3, $0x1  }
0x844: {  	v3 =	vand.u32 $0x7, v3;
	v4 =	vand.u32 $0xFFFFFFF0, v42  }
0x845: {  	v3 =	vor.u32 v3, v4  }
0x846: {  	v4 =	vperm.xlane v3, v0;
	_ =	sdelay $0x1  }
0x847: {  	v3 =	vperm.xlane v3, v2;
	v4 =	vadd.s32 v1, v4;
	_ =	sdelay $0x1  }
0x848: {  	v3 =	vadd.s32 v1, v3;
	_ =	sdelay $0x1  }
0x849: {  	s16 =	simm.s32 $0xAC00  }
0x84a: {  	[tilespmem:s16], [sflag:$0x2] =	stream.indirect_vreg.gather [hbm4b:s0+s4], $0x80, v4, vm0, $0xb8;
	[tilespmem:$0x1CC80] =	vst v63  }
0x84b: {  	s7 =	simm.s32 $0xB400  }
0x84c: {  	[tilespmem:s7], [sflag:$0x2] =	stream.indirect_vreg.gather [hbm4b:s0+s4], $0x80, v3, vm0, $0xb8;
	[tilespmem:$0x1CC80] =	vst v63  }
0x84d: {  	v3 =	vld [tilespmem:$0xB30];
	_ =	sdelay $0x4  }
0x84e: {  	v43 =	vshll.u32 v3, $0x1  }
0x84f: {  	v3 =	vand.u32 $0x7, v3;
	v4 =	vand.u32 $0xFFFFFFF0, v43  }
0x850: {  	v3 =	vor.u32 v3, v4  }
0x851: {  	v4 =	vperm.xlane v3, v0;
	_ =	sdelay $0x1  }
0x852: {  	v3 =	vperm.xlane v3, v2;
	v4 =	vadd.s32 v1, v4;
	_ =	sdelay $0x1  }
0x853: {  	v3 =	vadd.s32 v1, v3;
	_ =	sdelay $0x1  }
0x854: {  	s8 =	simm.s32 $0xBC00  }
0x855: {  	[tilespmem:s8], [sflag:$0x2] =	stream.indirect_vreg.gather [hbm4b:s0+s4], $0x80, v4, vm0, $0xb8;
	[tilespmem:$0x1CC80] =	vst v63  }
0x856: {  	s8 =	simm.s32 $0xC400  }
0x857: {  	[tilespmem:s8], [sflag:$0x2] =	stream.indirect_vreg.gather [hbm4b:s0+s4], $0x80, v3, vm0, $0xb8;
	[tilespmem:$0x1CC80] =	vst v63  }
0x858: {  	v3 =	vld [tilespmem:$0xB40];
	_ =	sdelay $0x4  }
0x859: {  	v44 =	vshll.u32 v3, $0x1  }
0x85a: {  	v3 =	vand.u32 $0x7, v3;
	v4 =	vand.u32 $0xFFFFFFF0, v44  }
0x85b: {  	v3 =	vor.u32 v3, v4  }
0x85c: {  	v4 =	vperm.xlane v3, v0;
	_ =	sdelay $0x1  }
0x85d: {  	v3 =	vperm.xlane v3, v2;
	v4 =	vadd.s32 v1, v4;
	_ =	sdelay $0x1  }
0x85e: {  	v3 =	vadd.s32 v1, v3;
	_ =	sdelay $0x1  }
0x85f: {  	s17 =	simm.s32 $0xCC00  }
0x860: {  	[tilespmem:s17], [sflag:$0x2] =	stream.indirect_vreg.gather [hbm4b:s0+s4], $0x80, v4, vm0, $0xb8;
	[tilespmem:$0x1CC80] =	vst v63  }
0x861: {  	s9 =	simm.s32 $0xD400  }
0x862: {  	[tilespmem:s9], [sflag:$0x2] =	stream.indirect_vreg.gather [hbm4b:s0+s4], $0x80, v3, vm0, $0xb8;
	[tilespmem:$0x1CC80] =	vst v63  }
0x863: {  	v3 =	vld [tilespmem:$0xB50];
	_ =	sdelay $0x4  }
0x864: {  	v45 =	vshll.u32 v3, $0x1  }
0x865: {  	v3 =	vand.u32 $0x7, v3;
	v4 =	vand.u32 $0xFFFFFFF0, v45  }
0x866: {  	v3 =	vor.u32 v3, v4  }
0x867: {  	v4 =	vperm.xlane v3, v0;
	_ =	sdelay $0x1  }
0x868: {  	v3 =	vperm.xlane v3, v2;
	v4 =	vadd.s32 v1, v4;
	_ =	sdelay $0x1  }
0x869: {  	v3 =	vadd.s32 v1, v3;
	_ =	sdelay $0x1  }
0x86a: {  	s18 =	simm.s32 $0xDC00  }
0x86b: {  	[tilespmem:s18], [sflag:$0x2] =	stream.indirect_vreg.gather [hbm4b:s0+s4], $0x80, v4, vm0, $0xb8;
	[tilespmem:$0x1CC80] =	vst v63  }
0x86c: {  	s14 =	simm.s32 $0xE400  }
0x86d: {  	[tilespmem:s14], [sflag:$0x2] =	stream.indirect_vreg.gather [hbm4b:s0+s4], $0x80, v3, vm0, $0xb8;
	[tilespmem:$0x1CC80] =	vst v63  }
0x86e: {  	v3 =	vld [tilespmem:$0xB60];
	_ =	sdelay $0x4  }
0x86f: {  	v46 =	vshll.u32 v3, $0x1  }
0x870: {  	v3 =	vand.u32 $0x7, v3;
	v4 =	vand.u32 $0xFFFFFFF0, v46  }
0x871: {  	v3 =	vor.u32 v3, v4  }
0x872: {  	v4 =	vperm.xlane v3, v0;
	_ =	sdelay $0x1  }
0x873: {  	v3 =	vperm.xlane v3, v2;
	v4 =	vadd.s32 v1, v4;
	_ =	sdelay $0x1  }
0x874: {  	v3 =	vadd.s32 v1, v3;
	_ =	sdelay $0x1  }
0x875: {  	s19 =	simm.s32 $0xEC00  }
0x876: {  	[tilespmem:s19], [sflag:$0x2] =	stream.indirect_vreg.gather [hbm4b:s0+s4], $0x80, v4, vm0, $0xb8;
	[tilespmem:$0x1CC80] =	vst v63  }
0x877: {  	s15 =	simm.s32 $0xF400  }
0x878: {  	[tilespmem:s15], [sflag:$0x2] =	stream.indirect_vreg.gather [hbm4b:s0+s4], $0x80, v3, vm0, $0xb8;
	[tilespmem:$0x1CC80] =	vst v63  }
0x879: {  	v3 =	vld [tilespmem:$0xB70];
	_ =	sdelay $0x4  }
0x87a: {  	v47 =	vshll.u32 v3, $0x1  }
0x87b: {  	v3 =	vand.u32 $0x7, v3;
	v4 =	vand.u32 $0xFFFFFFF0, v47  }
0x87c: {  	v3 =	vor.u32 v3, v4  }
0x87d: {  	v4 =	vperm.xlane v3, v0;
	_ =	sdelay $0x1  }
0x87e: {  	v3 =	vperm.xlane v3, v2;
	v4 =	vadd.s32 v1, v4;
	_ =	sdelay $0x1  }
0x87f: {  	v3 =	vadd.s32 v1, v3;
	_ =	sdelay $0x1  }
0x880: {  	s23 =	simm.s32 $0xFC00  }
0x881: {  	[tilespmem:s23], [sflag:$0x2] =	stream.indirect_vreg.gather [hbm4b:s0+s4], $0x80, v4, vm0, $0xb8;
	[tilespmem:$0x1CC80] =	vst v63  }
0x882: {  	s16 =	simm.s32 $0x10400  }
0x883: {  	[tilespmem:s16], [sflag:$0x2] =	stream.indirect_vreg.gather [hbm4b:s0+s4], $0x80, v3, vm0, $0xb8;
	[tilespmem:$0x1CC80] =	vst v63  }
0x884: {  	_ =	swait.ge [sflag:s12], $0x8000  }
0x885: {  	[sflag:s12] =	ssyncset.done $0x0  }
0x886: {  	s17 =	rddreg [dreg:$0x1c];
	[sflag:s12] =	ssyncadd.s32 $0xFFFF8000  }
0x887: {  	[hbm4b:s17+s4] =	stream.linear.scatter [tilespmem:s21], [sflag:$0x6], $0x8000, $0x38;
	[tilespmem:$0x1CC80] =	vst v63  }
0x888: {  	_ =	swait.ge [sflag:s13], $0x8000  }
0x889: {  	[sflag:s13] =	ssyncset.done $0x0  }
0x88a: {  	[sflag:s13] =	ssyncadd.s32 $0xFFFF8000  }
0x88b: {  	v3 =	vld [tilespmem:$0xB80];
	_ =	sdelay $0x4  }
0x88c: {  	v48 =	vshll.u32 v3, $0x1  }
0x88d: {  	v3 =	vand.u32 $0x7, v3;
	v4 =	vand.u32 $0xFFFFFFF0, v48  }
0x88e: {  	v3 =	vor.u32 v3, v4  }
0x88f: {  	v4 =	vperm.xlane v3, v0;
	_ =	sdelay $0x1  }
0x890: {  	v3 =	vperm.xlane v3, v2;
	v4 =	vadd.s32 v1, v4;
	_ =	sdelay $0x1  }
0x891: {  	v3 =	vadd.s32 v1, v3;
	_ =	sdelay $0x2  }
0x892: {  	[tilespmem:s21], [sflag:$0x3] =	stream.indirect_vreg.gather [hbm4b:s0+s4], $0x80, v4, vm0, $0xb8;
	[tilespmem:$0x1CC80] =	vst v63  }
0x893: {  	s18 =	simm.s32 $0x11400  }
0x894: {  	[tilespmem:s18], [sflag:$0x3] =	stream.indirect_vreg.gather [hbm4b:s0+s4], $0x80, v3, vm0, $0xb8;
	[tilespmem:$0x1CC80] =	vst v63  }
0x895: {  	v3 =	vld [tilespmem:$0xB90];
	_ =	sdelay $0x4  }
0x896: {  	v49 =	vshll.u32 v3, $0x1  }
0x897: {  	v3 =	vand.u32 $0x7, v3;
	v4 =	vand.u32 $0xFFFFFFF0, v49  }
0x898: {  	v3 =	vor.u32 v3, v4  }
0x899: {  	v4 =	vperm.xlane v3, v0;
	_ =	sdelay $0x1  }
0x89a: {  	v3 =	vperm.xlane v3, v2;
	v4 =	vadd.s32 v1, v4;
	_ =	sdelay $0x1  }
0x89b: {  	v3 =	vadd.s32 v1, v3;
	_ =	sdelay $0x1  }
0x89c: {  	s26 =	simm.s32 $0x11C00  }
0x89d: {  	[tilespmem:s26], [sflag:$0x3] =	stream.indirect_vreg.gather [hbm4b:s0+s4], $0x80, v4, vm0, $0xb8;
	[tilespmem:$0x1CC80] =	vst v63  }
0x89e: {  	s19 =	simm.s32 $0x12400  }
0x89f: {  	[tilespmem:s19], [sflag:$0x3] =	stream.indirect_vreg.gather [hbm4b:s0+s4], $0x80, v3, vm0, $0xb8;
	[tilespmem:$0x1CC80] =	vst v63  }
0x8a0: {  	v3 =	vld [tilespmem:$0xBA0];
	_ =	sdelay $0x4  }
0x8a1: {  	v50 =	vshll.u32 v3, $0x1  }
0x8a2: {  	v3 =	vand.u32 $0x7, v3;
	v4 =	vand.u32 $0xFFFFFFF0, v50  }
0x8a3: {  	v3 =	vor.u32 v3, v4  }
0x8a4: {  	v4 =	vperm.xlane v3, v0;
	_ =	sdelay $0x1  }
0x8a5: {  	v3 =	vperm.xlane v3, v2;
	v4 =	vadd.s32 v1, v4;
	_ =	sdelay $0x1  }
0x8a6: {  	v3 =	vadd.s32 v1, v3;
	_ =	sdelay $0x1  }
0x8a7: {  	s28 =	simm.s32 $0x12C00  }
0x8a8: {  	[tilespmem:s28], [sflag:$0x3] =	stream.indirect_vreg.gather [hbm4b:s0+s4], $0x80, v4, vm0, $0xb8;
	[tilespmem:$0x1CC80] =	vst v63  }
0x8a9: {  	s20 =	simm.s32 $0x13400  }
0x8aa: {  	[tilespmem:s20], [sflag:$0x3] =	stream.indirect_vreg.gather [hbm4b:s0+s4], $0x80, v3, vm0, $0xb8;
	[tilespmem:$0x1CC80] =	vst v63  }
0x8ab: {  	v3 =	vld [tilespmem:$0xBB0];
	_ =	sdelay $0x4  }
0x8ac: {  	v51 =	vshll.u32 v3, $0x1  }
0x8ad: {  	v3 =	vand.u32 $0x7, v3;
	v4 =	vand.u32 $0xFFFFFFF0, v51  }
0x8ae: {  	v3 =	vor.u32 v3, v4  }
0x8af: {  	v4 =	vperm.xlane v3, v0;
	_ =	sdelay $0x1  }
0x8b0: {  	v3 =	vperm.xlane v3, v2;
	v4 =	vadd.s32 v1, v4;
	_ =	sdelay $0x1  }
0x8b1: {  	v3 =	vadd.s32 v1, v3;
	_ =	sdelay $0x1  }
0x8b2: {  	s29 =	simm.s32 $0x13C00  }
0x8b3: {  	[tilespmem:s29], [sflag:$0x3] =	stream.indirect_vreg.gather [hbm4b:s0+s4], $0x80, v4, vm0, $0xb8;
	[tilespmem:$0x1CC80] =	vst v63  }
0x8b4: {  	s23 =	simm.s32 $0x14400  }
0x8b5: {  	[tilespmem:s23], [sflag:$0x3] =	stream.indirect_vreg.gather [hbm4b:s0+s4], $0x80, v3, vm0, $0xb8;
	[tilespmem:$0x1CC80] =	vst v63  }
0x8b6: {  	v3 =	vld [tilespmem:$0xBC0];
	_ =	sdelay $0x4  }
0x8b7: {  	v52 =	vshll.u32 v3, $0x1  }
0x8b8: {  	v3 =	vand.u32 $0x7, v3;
	v4 =	vand.u32 $0xFFFFFFF0, v52  }
0x8b9: {  	v3 =	vor.u32 v3, v4  }
0x8ba: {  	v4 =	vperm.xlane v3, v0;
	_ =	sdelay $0x1  }
0x8bb: {  	v3 =	vperm.xlane v3, v2;
	v4 =	vadd.s32 v1, v4;
	_ =	sdelay $0x1  }
0x8bc: {  	v3 =	vadd.s32 v1, v3;
	_ =	sdelay $0x1  }
0x8bd: {  	s30 =	simm.s32 $0x14C00  }
0x8be: {  	[tilespmem:s30], [sflag:$0x3] =	stream.indirect_vreg.gather [hbm4b:s0+s4], $0x80, v4, vm0, $0xb8;
	[tilespmem:$0x1CC80] =	vst v63  }
0x8bf: {  	s24 =	simm.s32 $0x15400  }
0x8c0: {  	[tilespmem:s24], [sflag:$0x3] =	stream.indirect_vreg.gather [hbm4b:s0+s4], $0x80, v3, vm0, $0xb8;
	[tilespmem:$0x1CC80] =	vst v63  }
0x8c1: {  	v3 =	vld [tilespmem:$0xBD0];
	_ =	sdelay $0x4  }
0x8c2: {  	v53 =	vshll.u32 v3, $0x1  }
0x8c3: {  	v3 =	vand.u32 $0x7, v3;
	v4 =	vand.u32 $0xFFFFFFF0, v53  }
0x8c4: {  	v3 =	vor.u32 v3, v4  }
0x8c5: {  	v4 =	vperm.xlane v3, v0;
	_ =	sdelay $0x1  }
0x8c6: {  	v3 =	vperm.xlane v3, v2;
	v4 =	vadd.s32 v1, v4;
	_ =	sdelay $0x1  }
0x8c7: {  	v3 =	vadd.s32 v1, v3;
	_ =	sdelay $0x1  }
0x8c8: {  	s26 =	simm.s32 $0x15C00  }
0x8c9: {  	[tilespmem:s26], [sflag:$0x3] =	stream.indirect_vreg.gather [hbm4b:s0+s4], $0x80, v4, vm0, $0xb8;
	[tilespmem:$0x1CC80] =	vst v63  }
0x8ca: {  	s28 =	simm.s32 $0x16400  }
0x8cb: {  	[tilespmem:s28], [sflag:$0x3] =	stream.indirect_vreg.gather [hbm4b:s0+s4], $0x80, v3, vm0, $0xb8;
	[tilespmem:$0x1CC80] =	vst v63  }
0x8cc: {  	v3 =	vld [tilespmem:$0xBE0];
	_ =	sdelay $0x4  }
0x8cd: {  	v54 =	vshll.u32 v3, $0x1  }
0x8ce: {  	v3 =	vand.u32 $0x7, v3;
	v4 =	vand.u32 $0xFFFFFFF0, v54  }
0x8cf: {  	v3 =	vor.u32 v3, v4  }
0x8d0: {  	v4 =	vperm.xlane v3, v0;
	_ =	sdelay $0x1  }
0x8d1: {  	v3 =	vperm.xlane v3, v2;
	v4 =	vadd.s32 v1, v4;
	_ =	sdelay $0x1  }
0x8d2: {  	v3 =	vadd.s32 v1, v3;
	_ =	sdelay $0x1  }
0x8d3: {  	s29 =	simm.s32 $0x16C00  }
0x8d4: {  	[tilespmem:s29], [sflag:$0x3] =	stream.indirect_vreg.gather [hbm4b:s0+s4], $0x80, v4, vm0, $0xb8;
	[tilespmem:$0x1CC80] =	vst v63  }
0x8d5: {  	s30 =	simm.s32 $0x17400  }
0x8d6: {  	[tilespmem:s30], [sflag:$0x3] =	stream.indirect_vreg.gather [hbm4b:s0+s4], $0x80, v3, vm0, $0xb8;
	[tilespmem:$0x1CC80] =	vst v63  }
0x8d7: {  	v3 =	vld [tilespmem:$0xBF0];
	_ =	sdelay $0x4  }
0x8d8: {  	v55 =	vshll.u32 v3, $0x1  }
0x8d9: {  	v3 =	vand.u32 $0x7, v3;
	v4 =	vand.u32 $0xFFFFFFF0, v55  }
0x8da: {  	v3 =	vor.u32 v3, v4  }
0x8db: {  	v4 =	vperm.xlane v3, v0;
	_ =	sdelay $0x1  }
0x8dc: {  	v3 =	vperm.xlane v3, v2;
	v4 =	vadd.s32 v1, v4;
	_ =	sdelay $0x1  }
0x8dd: {  	v3 =	vadd.s32 v1, v3;
	_ =	sdelay $0x1  }
0x8de: {  	s31 =	simm.s32 $0x17C00  }
0x8df: {  	[tilespmem:s31], [sflag:$0x3] =	stream.indirect_vreg.gather [hbm4b:s0+s4], $0x80, v4, vm0, $0xb8;
	[tilespmem:$0x1CC80] =	vst v63  }
0x8e0: {  	s2 =	simm.s32 $0x18400  }
0x8e1: {  	[tilespmem:s2], [sflag:$0x3] =	stream.indirect_vreg.gather [hbm4b:s0+s4], $0x80, v3, vm0, $0xb8;
	[tilespmem:$0x1CC80] =	vst v63  }
0x8e2: {  	_ =	swait.ge [sflag:s6], $0x8000  }
0x8e3: {  	[sflag:s6] =	ssyncset.done $0x0  }
0x8e4: {  	s3 =	rddreg [dreg:$0x1d];
	[sflag:s6] =	ssyncadd.s32 $0xFFFF8000  }
0x8e5: {  	[hbm4b:s3+s4] =	stream.linear.scatter [tilespmem:s25], [sflag:$0x4], $0x8000, $0x38;
	[tilespmem:$0x1CC80] =	vst v63  }
0x8e6: {  	_ =	swait.ge [sflag:s10], $0x8000  }
0x8e7: {  	[sflag:s10] =	ssyncset.done $0x0  }
0x8e8: {  	s7 =	rddreg [dreg:$0x1e];
	[sflag:s10] =	ssyncadd.s32 $0xFFFF8000  }
0x8e9: {  	[hbm4b:s7+s4] =	stream.linear.scatter [tilespmem:s22], [sflag:$0x5], $0x8000, $0x38;
	[tilespmem:$0x1CC80] =	vst v63  }
0x8ea: {  	_ =	swait.ge [sflag:s12], $0x8000  }
0x8eb: {  	[sflag:s12] =	ssyncset.done $0x0  }
0x8ec: {  	s8 =	rddreg [dreg:$0x1f];
	[sflag:s12] =	ssyncadd.s32 $0xFFFF8000  }
0x8ed: {  	[hbm4b:s8+s4] =	stream.linear.scatter [tilespmem:s21], [sflag:$0x6], $0x8000, $0x38;
	[tilespmem:$0x1CC80] =	vst v63  }
0x8ee: {  	_ =	swait.ge [sflag:s5], $0x8000  }
0x8ef: {  	[sflag:s5] =	ssyncset.done $0x0  }
0x8f0: {  	[sflag:s5] =	ssyncadd.s32 $0xFFFF8000  }
0x8f1: {  	_ =	swait.ge [sflag:s11], $0x8000  }
0x8f2: {  	[sflag:s11] =	ssyncset.done $0x0  }
0x8f3: {  	[sflag:s11] =	ssyncadd.s32 $0xFFFF8000  }
0x8f4: {  	_ =	swait.ge [sflag:s13], $0x8000  }
0x8f5: {  	[sflag:s13] =	ssyncset.done $0x0  }
0x8f6: {  	[sflag:s13] =	ssyncadd.s32 $0xFFFF8000  }
0x8f7: {  	v3 =	vld [tilespmem:$0x18C00];
	_ =	sdelay $0x4  }
0x8f8: {  	v56 =	vshll.u32 v3, $0x1  }
0x8f9: {  	v3 =	vand.u32 $0x7, v3;
	v4 =	vand.u32 $0xFFFFFFF0, v56  }
0x8fa: {  	v3 =	vor.u32 v3, v4  }
0x8fb: {  	v4 =	vperm.xlane v3, v0;
	_ =	sdelay $0x1  }
0x8fc: {  	v3 =	vperm.xlane v3, v2;
	v4 =	vadd.s32 v1, v4;
	_ =	sdelay $0x1  }
0x8fd: {  	v3 =	vadd.s32 v1, v3;
	_ =	sdelay $0x1  }
0x8fe: {  	s9 =	simm.s32 $0x18C80;
	s16 =	rddreg [dreg:$0x1]  }
0x8ff: {  	[tilespmem:s9], [sflag:$0x7] =	stream.indirect_vreg.gather [hbm4b:s16+s4], $0x80, v4, vm0, $0xb8;
	[tilespmem:$0x1CC80] =	vst v63  }
0x900: {  	s17 =	simm.s32 $0x19480  }
0x901: {  	[tilespmem:s17], [sflag:$0x7] =	stream.indirect_vreg.gather [hbm4b:s16+s4], $0x80, v3, vm0, $0xb8;
	[tilespmem:$0x1CC80] =	vst v63  }
0x902: {  	v3 =	vld [tilespmem:$0x18C10];
	_ =	sdelay $0x4  }
0x903: {  	v57 =	vshll.u32 v3, $0x1  }
0x904: {  	v3 =	vand.u32 $0x7, v3;
	v4 =	vand.u32 $0xFFFFFFF0, v57  }
0x905: {  	v3 =	vor.u32 v3, v4  }
0x906: {  	v4 =	vperm.xlane v3, v0;
	_ =	sdelay $0x1  }
0x907: {  	v3 =	vperm.xlane v3, v2;
	v4 =	vadd.s32 v1, v4;
	_ =	sdelay $0x1  }
0x908: {  	v3 =	vadd.s32 v1, v3;
	_ =	sdelay $0x1  }
0x909: {  	s18 =	simm.s32 $0x19C80  }
0x90a: {  	[tilespmem:s18], [sflag:$0x7] =	stream.indirect_vreg.gather [hbm4b:s16+s4], $0x80, v4, vm0, $0xb8;
	[tilespmem:$0x1CC80] =	vst v63  }
0x90b: {  	s19 =	simm.s32 $0x1A480  }
0x90c: {  	[tilespmem:s19], [sflag:$0x7] =	stream.indirect_vreg.gather [hbm4b:s16+s4], $0x80, v3, vm0, $0xb8;
	[tilespmem:$0x1CC80] =	vst v63  }
0x90d: {  	v3 =	vld [tilespmem:$0x18C20];
	_ =	sdelay $0x4  }
0x90e: {  	v58 =	vshll.u32 v3, $0x1  }
0x90f: {  	v3 =	vand.u32 $0x7, v3;
	v4 =	vand.u32 $0xFFFFFFF0, v58  }
0x910: {  	v3 =	vor.u32 v3, v4  }
0x911: {  	v4 =	vperm.xlane v3, v0;
	_ =	sdelay $0x1  }
0x912: {  	v3 =	vperm.xlane v3, v2;
	v4 =	vadd.s32 v1, v4;
	_ =	sdelay $0x1  }
0x913: {  	v3 =	vadd.s32 v1, v3;
	_ =	sdelay $0x1  }
0x914: {  	s20 =	simm.s32 $0x1AC80  }
0x915: {  	[tilespmem:s20], [sflag:$0x7] =	stream.indirect_vreg.gather [hbm4b:s16+s4], $0x80, v4, vm0, $0xb8;
	[tilespmem:$0x1CC80] =	vst v63  }
0x916: {  	s21 =	simm.s32 $0x1B480  }
0x917: {  	[tilespmem:s21], [sflag:$0x7] =	stream.indirect_vreg.gather [hbm4b:s16+s4], $0x80, v3, vm0, $0xb8;
	[tilespmem:$0x1CC80] =	vst v63  }
0x918: {  	v3 =	vld [tilespmem:$0x18C30];
	_ =	sdelay $0x4  }
0x919: {  	v59 =	vshll.u32 v3, $0x1  }
0x91a: {  	v3 =	vand.u32 $0x7, v3;
	v4 =	vand.u32 $0xFFFFFFF0, v59  }
0x91b: {  	v3 =	vor.u32 v3, v4  }
0x91c: {  	v4 =	vperm.xlane v3, v0;
	_ =	sdelay $0x1  }
0x91d: {  	v3 =	vperm.xlane v3, v2;
	v4 =	vadd.s32 v1, v4;
	_ =	sdelay $0x1  }
0x91e: {  	v3 =	vadd.s32 v1, v3;
	_ =	sdelay $0x1  }
0x91f: {  	s22 =	simm.s32 $0x1BC80  }
0x920: {  	[tilespmem:s22], [sflag:$0x7] =	stream.indirect_vreg.gather [hbm4b:s16+s4], $0x80, v4, vm0, $0xb8;
	[tilespmem:$0x1CC80] =	vst v63  }
0x921: {  	s23 =	simm.s32 $0x1C480;
	s24 =	simm.s32 $0x7  }
0x922: {  	[tilespmem:s23], [sflag:$0x7] =	stream.indirect_vreg.gather [hbm4b:s16+s4], $0x80, v3, vm0, $0xb8;
	[tilespmem:$0x1CC80] =	vst v63  }
0x923: {  	_ =	swait.ge [sflag:s24], $0x4000  }
0x924: {  	s26 =	sld [smem:$0x7FB]  }
0x925: {  	[sflag:s24] =	ssyncset.done $0x0  }
0x926: {  	s28 =	simm.s32 $0x8;
	[sflag:s24] =	ssyncadd.s32 $0xFFFFC000  }
0x927: {  	[hbm4b:s26+s4] =	stream.linear.scatter [tilespmem:s9], [sflag:$0x8], $0x4000, $0x38;
	[tilespmem:$0x1CC80] =	vst v63  }
0x928: {  	_ =	swait.ge [sflag:s28], $0x4000  }
0x929: {  	[sflag:s28] =	ssyncset.done $0x0  }
0x92a: {  	[sflag:s28] =	ssyncadd.s32 $0xFFFFC000  }
0x92b: {  	v3 =	vld [tilespmem:$0x18C40];
	_ =	sdelay $0x4  }
0x92c: {  	v60 =	vshll.u32 v3, $0x1  }
0x92d: {  	v3 =	vand.u32 $0x7, v3;
	v4 =	vand.u32 $0xFFFFFFF0, v60  }
0x92e: {  	v3 =	vor.u32 v3, v4  }
0x92f: {  	v4 =	vperm.xlane v3, v0;
	_ =	sdelay $0x1  }
0x930: {  	v3 =	vperm.xlane v3, v2;
	v4 =	vadd.s32 v1, v4;
	_ =	sdelay $0x1  }
0x931: {  	v3 =	vadd.s32 v1, v3;
	_ =	sdelay $0x2  }
0x932: {  	[tilespmem:s9], [sflag:$0x7] =	stream.indirect_vreg.gather [hbm4b:s16+s4], $0x80, v4, vm0, $0xb8;
	[tilespmem:$0x1CC80] =	vst v63  }
0x933: {  	_ = 	snop  }
0x934: {  	[tilespmem:s17], [sflag:$0x7] =	stream.indirect_vreg.gather [hbm4b:s16+s4], $0x80, v3, vm0, $0xb8;
	[tilespmem:$0x1CC80] =	vst v63  }
0x935: {  	v3 =	vld [tilespmem:$0x18C50];
	_ =	sdelay $0x4  }
0x936: {  	v61 =	vshll.u32 v3, $0x1  }
0x937: {  	v3 =	vand.u32 $0x7, v3;
	v4 =	vand.u32 $0xFFFFFFF0, v61  }
0x938: {  	v3 =	vor.u32 v3, v4  }
0x939: {  	v4 =	vperm.xlane v3, v0;
	_ =	sdelay $0x1  }
0x93a: {  	v3 =	vperm.xlane v3, v2;
	v4 =	vadd.s32 v1, v4;
	_ =	sdelay $0x1  }
0x93b: {  	v3 =	vadd.s32 v1, v3;
	_ =	sdelay $0x2  }
0x93c: {  	[tilespmem:s18], [sflag:$0x7] =	stream.indirect_vreg.gather [hbm4b:s16+s4], $0x80, v4, vm0, $0xb8;
	[tilespmem:$0x1CC80] =	vst v63  }
0x93d: {  	_ = 	snop  }
0x93e: {  	[tilespmem:s19], [sflag:$0x7] =	stream.indirect_vreg.gather [hbm4b:s16+s4], $0x80, v3, vm0, $0xb8;
	[tilespmem:$0x1CC80] =	vst v63  }
0x93f: {  	v3 =	vld [tilespmem:$0x18C60];
	_ =	sdelay $0x4  }
0x940: {  	v62 =	vshll.u32 v3, $0x1  }
0x941: {  	v3 =	vand.u32 $0x7, v3;
	v4 =	vand.u32 $0xFFFFFFF0, v62  }
0x942: {  	v3 =	vor.u32 v3, v4  }
0x943: {  	v4 =	vperm.xlane v3, v0;
	_ =	sdelay $0x1  }
0x944: {  	v3 =	vperm.xlane v3, v2;
	v4 =	vadd.s32 v1, v4;
	_ =	sdelay $0x1  }
0x945: {  	v3 =	vadd.s32 v1, v3;
	_ =	sdelay $0x2  }
0x946: {  	[tilespmem:s20], [sflag:$0x7] =	stream.indirect_vreg.gather [hbm4b:s16+s4], $0x80, v4, vm0, $0xb8;
	[tilespmem:$0x1CC80] =	vst v63  }
0x947: {  	_ = 	snop  }
0x948: {  	[tilespmem:s21], [sflag:$0x7] =	stream.indirect_vreg.gather [hbm4b:s16+s4], $0x80, v3, vm0, $0xb8;
	[tilespmem:$0x1CC80] =	vst v63  }
0x949: {  	v3 =	vld [tilespmem:$0x18C70];
	_ =	sdelay $0x4  }
0x94a: {  	v63 =	vshll.u32 v3, $0x1  }
0x94b: {  	v3 =	vand.u32 $0x7, v3;
	v4 =	vand.u32 $0xFFFFFFF0, v63  }
0x94c: {  	v3 =	vor.u32 v3, v4  }
0x94d: {  	v4 =	vperm.xlane v3, v0;
	_ =	sdelay $0x1  }
0x94e: {  	v3 =	vperm.xlane v3, v2;
	v4 =	vadd.s32 v1, v4;
	_ =	sdelay $0x1  }
0x94f: {  	v3 =	vadd.s32 v1, v3;
	_ =	sdelay $0x2  }
0x950: {  	[tilespmem:s22], [sflag:$0x7] =	stream.indirect_vreg.gather [hbm4b:s16+s4], $0x80, v4, vm0, $0xb8;
	[tilespmem:$0x1CC80] =	vst v63  }
0x951: {  	_ = 	snop  }
0x952: {  	[tilespmem:s23], [sflag:$0x7] =	stream.indirect_vreg.gather [hbm4b:s16+s4], $0x80, v3, vm0, $0xb8;
	[tilespmem:$0x1CC80] =	vst v63  }
0x953: {  	_ =	swait.ge [sflag:s24], $0x4000  }
0x954: {  	s31 =	sld [smem:$0x7F9];
	_ =	sdelay $0x1  }
0x955: {  	s30 =	sld [smem:$0x7FC]  }
0x956: {  	[sflag:s24] =	ssyncset.done $0x0;
	p0 =	sne.s32 s31, $0x1  }
.Ltmp0:
0x957: {  	s29 =	simm.s32 $0x8;
	[sflag:s24] =	ssyncadd.s32 $0xFFFFC000;
	(pc) =	sbr.rel @p0 .LBB2_1-.Ltmp0, $4  }
0x958: {  	[hbm4b:s30+s4] =	stream.linear.scatter [tilespmem:s9], [sflag:$0x8], $0x4000, $0x38;
	[tilespmem:$0x1CC80] =	vst v63  }
0x959: {  	_ =	swait.ge [sflag:s29], $0x4000  }
0x95a: {  	[sflag:s29] =	ssyncset.done $0x0  }
0x95b: {  	s2 =	sadd.s32 $0xFFFFFFFF, s31;
	[sflag:s29] =	ssyncadd.s32 $0xFFFFC000  }
0x95c: {  	_ =	sfence.sel $0x180000  }
0x95d: {  	[bflag:$0x0] =	sbarrier.arrive $0xFFFF  }
0x95e: {  	_ =	strace $0x90000047  }
0x95f: {  	s0 =	stileid.u32;
	[bflag:$0x2] =	sbarrier.arrive $0xFFFF  }
0x960: {  	p0 =	sne.s32 s0, $0x0;
	s0 =	rddreg [dreg:$0x6]  }
0x961: {  	s0 =	sadd.s32 @!p0 $0x100000, s0  }
0x962: {  	[sflag:s0] =	ssyncadd.tile.s32 @!p0 $0x1;
	_ =	shalt  }
.Lfunc_end2:
_tile_overlayer_lowered:
.L_overlay_start_2:
0x963: {  	(tag) =	ssettag $0x2  }
0x964: {  	s0 =	rddreg [dreg:$0x0];
	s2 =	stileid.u32  }
0x965: {  	s1 =	rddreg [dreg:$0x1];
	p0 =	sne.s32 s2, $0x0  }
0x966: {  	s3 =	rddreg [dreg:$0x2];
	[bflag:$0x3] =	sbarrier.arrive $0xFFFF;
	s2 =	simm.s32 @!p0 $0x1C08  }
0x967: {  	[timem:s3], [sflag:s2] =	dma.local @!p0 [hbm:s0], s1  }
0x968: {  	s0 =	simm.s32 @!p0 $0x8  }
0x969: {  	_ =	swait.ge @!p0 [sflag:s0], s1  }
0x96a: {  	s1 =	ssub.s32 @!p0 $0x0, s1;
	[sflag:s0] =	ssyncset.done @!p0 $0x0  }
0x96b: {  	[sflag:s0] =	ssyncadd.s32 @!p0 s1  }
0x96c: {  	[bflag:$0x3] =	sbarrier.arrive $0xFFFF  }
0x96d: {  	_ =	shalt  }

</sc_bundles>
